<compile_context>
chip_gen: v7x
topology: tpu7x:2x2x1
jax: 0.10.2.dev20260603
libtpu: 0.0.44.dev20260713+nightly
codegen_flags: <defaults>
</compile_context>

<pallas_src>
import functools

import jax
import jax.numpy as jnp
from jax import lax
from jax.experimental import pallas as pl
from jax.experimental.pallas import tpu as pltpu
from jax.experimental.pallas import tpu_sc as plsc

N = 100000
F = 128
S = 64
NC = 2
NS = 16
L = 16
CHUNK = 128
NFULL = N // CHUNK
REM = N - NFULL * CHUNK
FH = F // NC
KV = FH // L
GROUP = 4
GROWS = GROUP * CHUNK
NGROUPS = 12
NEXTRA = NFULL - NS * NGROUPS * GROUP

_mesh = plsc.VectorSubcoreMesh(
    core_axis_name="c", subcore_axis_name="s", num_cores=NC, num_subcores=NS)


@functools.partial(
    pl.kernel,
    out_type=jax.ShapeDtypeStruct((S, F), jnp.float32),
    mesh=_mesh,
    scratch_types=[
        pltpu.VMEM((GROWS, FH), jnp.float32),
        pltpu.VMEM((GROWS, FH), jnp.float32),
        pltpu.VMEM((GROWS,), jnp.int32),
        pltpu.VMEM((GROWS,), jnp.int32),
        pltpu.VMEM((CHUNK // 2,), jnp.int32),
        pltpu.VMEM((CHUNK // 2,), jnp.int32),
        pltpu.VMEM((CHUNK, FH), jnp.float32),
        pltpu.VMEM((CHUNK,), jnp.int32),
        pltpu.VMEM((REM, FH), jnp.float32),
        pltpu.VMEM((REM,), jnp.int32),
        pltpu.VMEM((S, FH), jnp.float32),
        pltpu.VMEM((S,), jnp.int32),
        pltpu.VMEM_SHARED((S, FH), jnp.float32),
        pltpu.SemaphoreType.DMA,
        pltpu.SemaphoreType.DMA,
        pltpu.SemaphoreType.DMA,
        pltpu.SemaphoreType.DMA,
    ],
    compiler_params=pltpu.CompilerParams(
        use_tc_tiling_on_sc=False, needs_layout_passes=False),
)
def _seg_sum(x_hbm, b_hbm, out_hbm, xb0, xb1, ib0, ib1, is0, is1, xbe, ibe,
             xbr, ibr, acc, iref, acc_sh, sem0, sem1, sem_m, sem_s):
    core = lax.axis_index("c")
    sub = lax.axis_index("s")
    col0 = core * FH
    c0 = sub * (NGROUPS * GROUP) + jnp.minimum(sub, NEXTRA)
    r0 = c0 * CHUNK

    offs = [lax.iota(jnp.int32, L) + k * L for k in range(KV)]

    def start_group(g, xb, ib, isb, sem):
        pltpu.async_copy(
            x_hbm.at[pl.ds(r0 + g * GROWS, GROWS), pl.ds(col0, FH)], xb, sem)
        pltpu.async_copy(b_hbm.at[pl.ds(r0 + g * GROWS, GROWS)], ib, sem)
        pltpu.async_copy(b_hbm.at[pl.ds(r0 + g * GROWS, CHUNK // 2)], isb, sem)

    def wait_group(xb, ib, isb, sem):
        pltpu.make_async_copy(
            x_hbm.at[pl.ds(0, GROWS), pl.ds(col0, FH)], xb, sem).wait()
        pltpu.make_async_copy(b_hbm.at[pl.ds(0, GROWS)], ib, sem).wait()
        pltpu.make_async_copy(b_hbm.at[pl.ds(0, CHUNK // 2)], isb, sem).wait()

    def init_state():
        z = jnp.zeros((L,), jnp.float32)
        return (jnp.zeros((L,), jnp.int32), z, z, z, z)

    def accum_unit(xb, ib, u, st):
        idxv = ib[pl.ds(u * L, L)]
        nb = jnp.sum((idxv != st[0]).astype(jnp.int32))

        def fast(st2):
            regs = list(st2[1:])
            row0 = u * L
            for k in range(KV):
                vs = [xb[row0 + r, pl.ds(k * L, L)] for r in range(L)]
                while len(vs) > 1:
                    vs = [vs[i] + vs[i + 1] for i in range(0, len(vs), 2)]
                regs[k] = regs[k] + vs[0]
            return (st2[0], *regs)

        def slow(st2):
            prev = st2[0]
            regs = list(st2[1:])
            for r in range(L):
                seg = idxv[jnp.full((L,), r, jnp.int32)]
                mask = seg != prev
                row = u * L + r
                for k in range(KV):
                    plsc.addupdate_scatter(acc, [prev, offs[k]], regs[k],
                                           mask=mask)
                    v = xb[row, pl.ds(k * L, L)]
                    regs[k] = jnp.where(mask, v, regs[k] + v)
                prev = seg
            return (prev, *regs)

        return lax.cond(nb == 0, fast, slow, st)

    def flush(st):
        for k in range(KV):
            plsc.addupdate_scatter(acc, [st[0], offs[k]], st[1 + k])

    start_group(0, xb0, ib0, is0, sem0)
    start_group(1, xb1, ib1, is1, sem1)

    zeros16 = jnp.zeros((L,), jnp.float32)

    def zrow(r, carry):
        for k in range(KV):
            acc[r, pl.ds(k * L, L)] = zeros16
        return carry

    lax.fori_loop(0, S, zrow, 0)

    @pl.when(sub == 0)
    def _():
        pltpu.sync_copy(acc, acc_sh)

    for k in range(S // L):
        iref[pl.ds(k * L, L)] = lax.iota(jnp.int32, L) + k * L

    plsc.subcore_barrier()

    def body(i, st):
        for b, (xb, ib, isb, sem) in enumerate(
                ((xb0, ib0, is0, sem0), (xb1, ib1, is1, sem1))):
            g = 2 * i + b
            wait_group(xb, ib, isb, sem)

            d_sc = pltpu.async_copy(
                xb.at[pl.ds(0, CHUNK // 2)], acc_sh.at[isb], sem_s, add=True)

            def units(u, st2):
                return accum_unit(xb, ib, u, st2)

            st = lax.fori_loop(CHUNK // 2 // L, GROWS // L, units, st)
            d_sc.wait()

            @pl.when(g + 2 < NGROUPS)
            def _():
                start_group(g + 2, xb, ib, isb, sem)

        return st

    st = lax.fori_loop(0, NGROUPS // 2, body, init_state())
    flush(st)

    @pl.when(sub < NEXTRA)
    def _():
        re = r0 + NGROUPS * GROWS
        pltpu.sync_copy(x_hbm.at[pl.ds(re, CHUNK), pl.ds(col0, FH)], xbe)
        pltpu.sync_copy(b_hbm.at[pl.ds(re, CHUNK)], ibe)

        def units(u, st2):
            return accum_unit(xbe, ibe, u, st2)

        flush(lax.fori_loop(0, CHUNK // L, units, init_state()))

    @pl.when(sub == NS - 1)
    def _():
        rr = NFULL * CHUNK
        pltpu.sync_copy(x_hbm.at[pl.ds(rr, REM), pl.ds(col0, FH)], xbr)
        pltpu.sync_copy(b_hbm.at[pl.ds(rr, REM)], ibr)

        def units(u, st2):
            return accum_unit(xbr, ibr, u, st2)

        flush(lax.fori_loop(0, REM // L, units, init_state()))

    plsc.subcore_barrier()

    pltpu.async_copy(acc, acc_sh.at[iref], sem_m, add=True).wait()

    plsc.subcore_barrier()

    @pl.when(sub == 0)
    def _():
        pltpu.sync_copy(acc_sh, out_hbm.at[pl.ds(0, S), pl.ds(col0, FH)])


def kernel(x, batch, batch_size):
    del batch_size
    return _seg_sum(x, batch.astype(jnp.int32))

# --- scband reference (transcript-rebuilt; emitter-appended) ---
"""Pipeline reference for scband-global-add-pool-59863254171689 (READ-ONLY COPY).

The authoritative reference and input builder live on the scoring server;
editing this copy changes nothing except your own understanding.
"""

import jax, jax.numpy as jnp
import numpy as np


def setup_inputs(seed: int = 0) -> dict:
    key = jax.random.key(seed)
    k1, k2 = jax.random.split(key)
    x = jax.random.normal(k1, (100000, 128), dtype=jnp.float32)
    batch = jnp.sort(jax.random.randint(k2, (100000,), 0, 64, dtype=jnp.int64))
    return {"x": x, "batch": batch, "batch_size": 64}


def reference(x, batch, batch_size):
    # GlobalAddPool: sum node features per graph (segment) -> [batch_size, F]
    out = jax.ops.segment_sum(x, batch, num_segments=64)
    zero = (jnp.asarray(batch_size) - jnp.asarray(batch_size)).astype(out.dtype)
    return out + zero

if __name__ == "__main__":
    import jax
    _d = setup_inputs()
    print(jax.jit(kernel)(*tuple(_d.values())))

</pallas_src>

<mosaic_0001>
#map = affine_map<(d0, d1) -> (0, 0)>
#map1 = affine_map<(d0, d1) -> (0)>
module attributes {stable_mosaic.version = 14 : i64} {
  func.func @_seg_sum(%arg0: i32, %arg1: i32, %arg2: memref<100000x128xf32, #tpu.memory_space<hbm>>, %arg3: memref<100000xi32, #tpu.memory_space<hbm>>, %arg4: memref<64x128xf32, #tpu.memory_space<hbm>>, %arg5: memref<512x64xf32, #tpu.memory_space<vmem>>, %arg6: memref<512x64xf32, #tpu.memory_space<vmem>>, %arg7: memref<512xi32, #tpu.memory_space<vmem>>, %arg8: memref<512xi32, #tpu.memory_space<vmem>>, %arg9: memref<64xi32, #tpu.memory_space<vmem>>, %arg10: memref<64xi32, #tpu.memory_space<vmem>>, %arg11: memref<128x64xf32, #tpu.memory_space<vmem>>, %arg12: memref<128xi32, #tpu.memory_space<vmem>>, %arg13: memref<32x64xf32, #tpu.memory_space<vmem>>, %arg14: memref<32xi32, #tpu.memory_space<vmem>>, %arg15: memref<64x64xf32, #tpu.memory_space<vmem>>, %arg16: memref<64xi32, #tpu.memory_space<vmem>>, %arg17: memref<64x64xf32, #tpu.memory_space<vmem_shared>>, %arg18: memref<!tpu.dma_semaphore, #tpu.memory_space<semaphore_mem>>, %arg19: memref<!tpu.dma_semaphore, #tpu.memory_space<semaphore_mem>>, %arg20: memref<!tpu.dma_semaphore, #tpu.memory_space<semaphore_mem>>, %arg21: memref<!tpu.dma_semaphore, #tpu.memory_space<semaphore_mem>>) attributes {dimension_semantics = [#tpu.dimension_semantics<core_parallel>, #tpu.dimension_semantics<subcore_parallel>], iteration_bounds = array<i64: 2, 16>, scalar_prefetch = 0 : i64, scratch_operands = 17 : i64, tpu.core_type = #tpu.core_type<sc_vector_subcore>, window_params = [{transform_indices = #map}, {transform_indices = #map1}, {transform_indices = #map}]} {
    %mul3A = arith.constant 64 : i32
    %mul3A_0 = arith.muli %arg0, %mul3A : i32
    %mul3A_1 = arith.constant 48 : i32
    %mul3A_2 = arith.muli %arg1, %mul3A_1 : i32
    %min3A = arith.constant 13 : i32
    %min3A_3 = arith.minsi %arg1, %min3A : i32
    %add3A = arith.addi %mul3A_2, %min3A_3 : i32
    %mul3A_4 = arith.constant 128 : i32
    %mul3A_5 = arith.muli %add3A, %mul3A_4 : i32
    %iota3A = tpu.iota {dimensions = array<i32: 0>} : vector<16xi32>
    %add3A_6 = arith.constant 0 : i32
    %add3A_7 = vector.broadcast %add3A_6 : i32 to vector<16xi32>
    %add3A_8 = arith.addi %iota3A, %add3A_7 : vector<16xi32>
    %iota3A_9 = tpu.iota {dimensions = array<i32: 0>} : vector<16xi32>
    %add3A_10 = arith.constant 16 : i32
    %add3A_11 = vector.broadcast %add3A_10 : i32 to vector<16xi32>
    %add3A_12 = arith.addi %iota3A_9, %add3A_11 : vector<16xi32>
    %iota3A_13 = tpu.iota {dimensions = array<i32: 0>} : vector<16xi32>
    %add3A_14 = arith.constant 32 : i32
    %add3A_15 = vector.broadcast %add3A_14 : i32 to vector<16xi32>
    %add3A_16 = arith.addi %iota3A_13, %add3A_15 : vector<16xi32>
    %iota3A_17 = tpu.iota {dimensions = array<i32: 0>} : vector<16xi32>
    %add3A_18 = arith.constant 48 : i32
    %add3A_19 = vector.broadcast %add3A_18 : i32 to vector<16xi32>
    %add3A_20 = arith.addi %iota3A_17, %add3A_19 : vector<16xi32>
    %add3A_21 = arith.constant 0 : i32
    %add3A_22 = arith.addi %mul3A_5, %add3A_21 : i32
    %dma_start3A = tpu.memref_slice %arg2[%add3A_22, %mul3A_0] : memref<100000x128xf32, #tpu.memory_space<hbm>> -> memref<512x64xf32, #tpu.memory_space<hbm>>
    %dma_start3A_23 = tpu.memref_slice %arg2[%add3A_22, %mul3A_0] : memref<100000x128xf32, #tpu.memory_space<hbm>> -> memref<512x64xf32, #tpu.memory_space<hbm>>
    tpu.enqueue_dma source(%dma_start3A_23 : memref<512x64xf32, #tpu.memory_space<hbm>>) target(%arg5 : memref<512x64xf32, #tpu.memory_space<vmem>>) target_semaphore(%arg18 : memref<!tpu.dma_semaphore, #tpu.memory_space<semaphore_mem>>)
    %add3A_24 = arith.constant 0 : i32
    %add3A_25 = arith.addi %mul3A_5, %add3A_24 : i32
    %dma_start3A_26 = tpu.memref_slice %arg3[%add3A_25] : memref<100000xi32, #tpu.memory_space<hbm>> -> memref<512xi32, #tpu.memory_space<hbm>>
    %dma_start3A_27 = tpu.memref_slice %arg3[%add3A_25] : memref<100000xi32, #tpu.memory_space<hbm>> -> memref<512xi32, #tpu.memory_space<hbm>>
    tpu.enqueue_dma source(%dma_start3A_27 : memref<512xi32, #tpu.memory_space<hbm>>) target(%arg7 : memref<512xi32, #tpu.memory_space<vmem>>) target_semaphore(%arg18 : memref<!tpu.dma_semaphore, #tpu.memory_space<semaphore_mem>>)
    %add3A_28 = arith.constant 0 : i32
    %add3A_29 = arith.addi %mul3A_5, %add3A_28 : i32
    %dma_start3A_30 = tpu.memref_slice %arg3[%add3A_29] : memref<100000xi32, #tpu.memory_space<hbm>> -> memref<64xi32, #tpu.memory_space<hbm>>
    %dma_start3A_31 = tpu.memref_slice %arg3[%add3A_29] : memref<100000xi32, #tpu.memory_space<hbm>> -> memref<64xi32, #tpu.memory_space<hbm>>
    tpu.enqueue_dma source(%dma_start3A_31 : memref<64xi32, #tpu.memory_space<hbm>>) target(%arg9 : memref<64xi32, #tpu.memory_space<vmem>>) target_semaphore(%arg18 : memref<!tpu.dma_semaphore, #tpu.memory_space<semaphore_mem>>)
    %add3A_32 = arith.constant 512 : i32
    %add3A_33 = arith.addi %mul3A_5, %add3A_32 : i32
    %dma_start3A_34 = tpu.memref_slice %arg2[%add3A_33, %mul3A_0] : memref<100000x128xf32, #tpu.memory_space<hbm>> -> memref<512x64xf32, #tpu.memory_space<hbm>>
    %dma_start3A_35 = tpu.memref_slice %arg2[%add3A_33, %mul3A_0] : memref<100000x128xf32, #tpu.memory_space<hbm>> -> memref<512x64xf32, #tpu.memory_space<hbm>>
    tpu.enqueue_dma source(%dma_start3A_35 : memref<512x64xf32, #tpu.memory_space<hbm>>) target(%arg6 : memref<512x64xf32, #tpu.memory_space<vmem>>) target_semaphore(%arg19 : memref<!tpu.dma_semaphore, #tpu.memory_space<semaphore_mem>>)
    %add3A_36 = arith.constant 512 : i32
    %add3A_37 = arith.addi %mul3A_5, %add3A_36 : i32
    %dma_start3A_38 = tpu.memref_slice %arg3[%add3A_37] : memref<100000xi32, #tpu.memory_space<hbm>> -> memref<512xi32, #tpu.memory_space<hbm>>
    %dma_start3A_39 = tpu.memref_slice %arg3[%add3A_37] : memref<100000xi32, #tpu.memory_space<hbm>> -> memref<512xi32, #tpu.memory_space<hbm>>
    tpu.enqueue_dma source(%dma_start3A_39 : memref<512xi32, #tpu.memory_space<hbm>>) target(%arg8 : memref<512xi32, #tpu.memory_space<vmem>>) target_semaphore(%arg19 : memref<!tpu.dma_semaphore, #tpu.memory_space<semaphore_mem>>)
    %add3A_40 = arith.constant 512 : i32
    %add3A_41 = arith.addi %mul3A_5, %add3A_40 : i32
    %dma_start3A_42 = tpu.memref_slice %arg3[%add3A_41] : memref<100000xi32, #tpu.memory_space<hbm>> -> memref<64xi32, #tpu.memory_space<hbm>>
    %dma_start3A_43 = tpu.memref_slice %arg3[%add3A_41] : memref<100000xi32, #tpu.memory_space<hbm>> -> memref<64xi32, #tpu.memory_space<hbm>>
    tpu.enqueue_dma source(%dma_start3A_43 : memref<64xi32, #tpu.memory_space<hbm>>) target(%arg10 : memref<64xi32, #tpu.memory_space<vmem>>) target_semaphore(%arg19 : memref<!tpu.dma_semaphore, #tpu.memory_space<semaphore_mem>>)
    %broadcast_in_dim3A = arith.constant 0.000000e+00 : f32
    %broadcast_in_dim3A_44 = vector.broadcast %broadcast_in_dim3A : f32 to vector<16xf32>
    %scan3A = arith.constant 0 : i32
    %scan3A_45 = arith.constant 0 : i32
    %scan3A_46 = arith.constant 64 : i32
    %scan3A_47 = arith.addi %scan3A_45, %scan3A_46 : i32
    %scan3A_48 = arith.constant 1 : i32
    scf.for %scan3A_106 = %scan3A_45 to %scan3A_47 step %scan3A_48  : i32 {
      %swap3A_107 = arith.index_cast %scan3A_106 : i32 to index
      %swap3A_108 = arith.constant 0 : index
      %swap3A_109 = tpu.vector_load %arg15[%swap3A_107, %swap3A_108] {strides = array<i32>} : memref<64x64xf32, #tpu.memory_space<vmem>>, vector<16xf32>,
      tpu.vector_store %arg15[%swap3A_107, %swap3A_108], %broadcast_in_dim3A_44 {strides = array<i32>} : memref<64x64xf32, #tpu.memory_space<vmem>>, vector<16xf32>,
      %swap3A_110 = arith.index_cast %scan3A_106 : i32 to index
      %swap3A_111 = arith.constant 16 : index
      %swap3A_112 = tpu.vector_load %arg15[%swap3A_110, %swap3A_111] {strides = array<i32>} : memref<64x64xf32, #tpu.memory_space<vmem>>, vector<16xf32>,
      tpu.vector_store %arg15[%swap3A_110, %swap3A_111], %broadcast_in_dim3A_44 {strides = array<i32>} : memref<64x64xf32, #tpu.memory_space<vmem>>, vector<16xf32>,
      %swap3A_113 = arith.index_cast %scan3A_106 : i32 to index
      %swap3A_114 = arith.constant 32 : index
      %swap3A_115 = tpu.vector_load %arg15[%swap3A_113, %swap3A_114] {strides = array<i32>} : memref<64x64xf32, #tpu.memory_space<vmem>>, vector<16xf32>,
      tpu.vector_store %arg15[%swap3A_113, %swap3A_114], %broadcast_in_dim3A_44 {strides = array<i32>} : memref<64x64xf32, #tpu.memory_space<vmem>>, vector<16xf32>,
      %swap3A_116 = arith.index_cast %scan3A_106 : i32 to index
      %swap3A_117 = arith.constant 48 : index
      %swap3A_118 = tpu.vector_load %arg15[%swap3A_116, %swap3A_117] {strides = array<i32>} : memref<64x64xf32, #tpu.memory_space<vmem>>, vector<16xf32>,
      tpu.vector_store %arg15[%swap3A_116, %swap3A_117], %broadcast_in_dim3A_44 {strides = array<i32>} : memref<64x64xf32, #tpu.memory_space<vmem>>, vector<16xf32>,
    }
    %scan3A_49 = arith.constant 64 : i32
    %eq3A = arith.constant 0 : i32
    %eq3A_50 = arith.cmpi eq, %arg1, %eq3A : i32
    %convert_element_type3A = arith.extui %eq3A_50 : i1 to i32
    %cond3A = arith.constant 0 : i32
    %cond3A_51 = arith.cmpi ne, %convert_element_type3A, %cond3A : i32
    scf.if %cond3A_51 {
      "tpu.region"() ({
        %run_scoped3A = tpu.sem_alloc : memref<!tpu.dma_semaphore, #tpu.memory_space<semaphore_mem>>
        tpu.enqueue_dma source(%arg15 : memref<64x64xf32, #tpu.memory_space<vmem>>) target(%arg17 : memref<64x64xf32, #tpu.memory_space<vmem_shared>>) target_semaphore(%run_scoped3A : memref<!tpu.dma_semaphore, #tpu.memory_space<semaphore_mem>>)
        tpu.wait_dma2 semaphore(%run_scoped3A : memref<!tpu.dma_semaphore, #tpu.memory_space<semaphore_mem>>) src(%arg15 : memref<64x64xf32, #tpu.memory_space<vmem>>) dst(%arg17 : memref<64x64xf32, #tpu.memory_space<vmem_shared>>)
        tpu.yield
      }) : () -> ()
    } else {
    }
    %iota3A_52 = tpu.iota {dimensions = array<i32: 0>} : vector<16xi32>
    %add3A_53 = arith.constant 0 : i32
    %add3A_54 = vector.broadcast %add3A_53 : i32 to vector<16xi32>
    %add3A_55 = arith.addi %iota3A_52, %add3A_54 : vector<16xi32>
    %swap3A = arith.constant 0 : index
    %swap3A_56 = tpu.vector_load %arg16[%swap3A] {strides = array<i32>} : memref<64xi32, #tpu.memory_space<vmem>>, vector<16xi32>,
    tpu.vector_store %arg16[%swap3A], %add3A_55 {strides = array<i32>} : memref<64xi32, #tpu.memory_space<vmem>>, vector<16xi32>,
    %iota3A_57 = tpu.iota {dimensions = array<i32: 0>} : vector<16xi32>
    %add3A_58 = arith.constant 16 : i32
    %add3A_59 = vector.broadcast %add3A_58 : i32 to vector<16xi32>
    %add3A_60 = arith.addi %iota3A_57, %add3A_59 : vector<16xi32>
    %swap3A_61 = arith.constant 16 : index
    %swap3A_62 = tpu.vector_load %arg16[%swap3A_61] {strides = array<i32>} : memref<64xi32, #tpu.memory_space<vmem>>, vector<16xi32>,
    tpu.vector_store %arg16[%swap3A_61], %add3A_60 {strides = array<i32>} : memref<64xi32, #tpu.memory_space<vmem>>, vector<16xi32>,
    %iota3A_63 = tpu.iota {dimensions = array<i32: 0>} : vector<16xi32>
    %add3A_64 = arith.constant 32 : i32
    %add3A_65 = vector.broadcast %add3A_64 : i32 to vector<16xi32>
    %add3A_66 = arith.addi %iota3A_63, %add3A_65 : vector<16xi32>
    %swap3A_67 = arith.constant 32 : index
    %swap3A_68 = tpu.vector_load %arg16[%swap3A_67] {strides = array<i32>} : memref<64xi32, #tpu.memory_space<vmem>>, vector<16xi32>,
    tpu.vector_store %arg16[%swap3A_67], %add3A_66 {strides = array<i32>} : memref<64xi32, #tpu.memory_space<vmem>>, vector<16xi32>,
    %iota3A_69 = tpu.iota {dimensions = array<i32: 0>} : vector<16xi32>
    %add3A_70 = arith.constant 48 : i32
    %add3A_71 = vector.broadcast %add3A_70 : i32 to vector<16xi32>
    %add3A_72 = arith.addi %iota3A_69, %add3A_71 : vector<16xi32>
    %swap3A_73 = arith.constant 48 : index
    %swap3A_74 = tpu.vector_load %arg16[%swap3A_73] {strides = array<i32>} : memref<64xi32, #tpu.memory_space<vmem>>, vector<16xi32>,
    tpu.vector_store %arg16[%swap3A_73], %add3A_72 {strides = array<i32>} : memref<64xi32, #tpu.memory_space<vmem>>, vector<16xi32>,
    %barrier3A = arith.constant 0 : index
    tpu.barrier barrier_id(%barrier3A)
    %broadcast_in_dim3A_75 = arith.constant 0.000000e+00 : f32
    %broadcast_in_dim3A_76 = vector.broadcast %broadcast_in_dim3A_75 : f32 to vector<16xf32>
    %broadcast_in_dim3A_77 = arith.constant 0 : i32
    %broadcast_in_dim3A_78 = vector.broadcast %broadcast_in_dim3A_77 : i32 to vector<16xi32>
    %scan3A_79 = arith.constant 0 : i32
    %scan3A_80 = arith.constant 6 : i32
    %scan3A_81 = arith.addi %scan3A_79, %scan3A_80 : i32
    %scan3A_82 = arith.constant 1 : i32
    %scan3A_83:5 = scf.for %scan3A_106 = %scan3A_79 to %scan3A_81 step %scan3A_82 iter_args(%scan3A_107 = %broadcast_in_dim3A_78, %scan3A_108 = %broadcast_in_dim3A_76, %scan3A_109 = %broadcast_in_dim3A_76, %scan3A_110 = %broadcast_in_dim3A_76, %scan3A_111 = %broadcast_in_dim3A_76) -> (vector<16xi32>, vector<16xf32>, vector<16xf32>, vector<16xf32>, vector<16xf32>)  : i32 {
      %mul3A_112 = arith.constant 2 : i32
      %mul3A_113 = arith.muli %mul3A_112, %scan3A_106 : i32
      %add3A_114 = arith.constant 0 : i32
      %add3A_115 = arith.addi %mul3A_113, %add3A_114 : i32
      %dma_wait3A_116 = arith.constant 0 : i32
      %dma_wait3A_117 = tpu.memref_slice %arg2[%dma_wait3A_116, %mul3A_0] : memref<100000x128xf32, #tpu.memory_space<hbm>> -> memref<512x64xf32, #tpu.memory_space<hbm>>
      %dma_wait3A_118 = arith.constant 0 : i32
      %dma_wait3A_119 = tpu.memref_slice %arg2[%dma_wait3A_118, %mul3A_0] : memref<100000x128xf32, #tpu.memory_space<hbm>> -> memref<512x64xf32, #tpu.memory_space<hbm>>
      tpu.wait_dma2 semaphore(%arg18 : memref<!tpu.dma_semaphore, #tpu.memory_space<semaphore_mem>>) src(%dma_wait3A_119 : memref<512x64xf32, #tpu.memory_space<hbm>>) dst(%arg5 : memref<512x64xf32, #tpu.memory_space<vmem>>)
      %dma_wait3A_120 = arith.constant 0 : i32
      %dma_wait3A_121 = tpu.memref_slice %arg3[%dma_wait3A_120] : memref<100000xi32, #tpu.memory_space<hbm>> -> memref<512xi32, #tpu.memory_space<hbm>>
      %dma_wait3A_122 = arith.constant 0 : i32
      %dma_wait3A_123 = tpu.memref_slice %arg3[%dma_wait3A_122] : memref<100000xi32, #tpu.memory_space<hbm>> -> memref<512xi32, #tpu.memory_space<hbm>>
      tpu.wait_dma2 semaphore(%arg18 : memref<!tpu.dma_semaphore, #tpu.memory_space<semaphore_mem>>) src(%dma_wait3A_123 : memref<512xi32, #tpu.memory_space<hbm>>) dst(%arg7 : memref<512xi32, #tpu.memory_space<vmem>>)
      %dma_wait3A_124 = arith.constant 0 : i32
      %dma_wait3A_125 = tpu.memref_slice %arg3[%dma_wait3A_124] : memref<100000xi32, #tpu.memory_space<hbm>> -> memref<64xi32, #tpu.memory_space<hbm>>
      %dma_wait3A_126 = arith.constant 0 : i32
      %dma_wait3A_127 = tpu.memref_slice %arg3[%dma_wait3A_126] : memref<100000xi32, #tpu.memory_space<hbm>> -> memref<64xi32, #tpu.memory_space<hbm>>
      tpu.wait_dma2 semaphore(%arg18 : memref<!tpu.dma_semaphore, #tpu.memory_space<semaphore_mem>>) src(%dma_wait3A_127 : memref<64xi32, #tpu.memory_space<hbm>>) dst(%arg9 : memref<64xi32, #tpu.memory_space<vmem>>)
      %dma_start3A_128 = arith.constant 0 : i32
      %dma_start3A_129 = arith.constant 0 : i32
      %dma_start3A_130 = tpu.memref_slice %arg5[%dma_start3A_128, %dma_start3A_129] : memref<512x64xf32, #tpu.memory_space<vmem>> -> memref<64x64xf32, #tpu.memory_space<vmem>>
      %dma_start3A_131 = arith.constant 0 : i32
      %dma_start3A_132 = arith.constant 0 : i32
      %dma_start3A_133 = tpu.memref_slice %arg17[%dma_start3A_131, %dma_start3A_132] : memref<64x64xf32, #tpu.memory_space<vmem_shared>> -> memref<64x64xf32, #tpu.memory_space<vmem_shared>>
      tpu.enqueue_indirect_dma source(%dma_start3A_130 : memref<64x64xf32, #tpu.memory_space<vmem>>) target(%dma_start3A_133 : memref<64x64xf32, #tpu.memory_space<vmem_shared>>) offsets(%arg9 : memref<64xi32, #tpu.memory_space<vmem>>) semaphore(%arg21 : memref<!tpu.dma_semaphore, #tpu.memory_space<semaphore_mem>>) {add = true}
      %scan3A_134 = arith.constant 4 : i32
      %scan3A_135 = arith.constant 28 : i32
      %scan3A_136 = arith.addi %scan3A_134, %scan3A_135 : i32
      %scan3A_137 = arith.constant 1 : i32
      %scan3A_138:5 = scf.for %scan3A_194 = %scan3A_134 to %scan3A_136 step %scan3A_137 iter_args(%scan3A_195 = %scan3A_107, %scan3A_196 = %scan3A_108, %scan3A_197 = %scan3A_109, %scan3A_198 = %scan3A_110, %scan3A_199 = %scan3A_111) -> (vector<16xi32>, vector<16xf32>, vector<16xf32>, vector<16xf32>, vector<16xf32>)  : i32 {
        %mul3A_200 = arith.constant 16 : i32
        %mul3A_201 = arith.muli %scan3A_194, %mul3A_200 : i32
        %get3A = arith.index_cast %mul3A_201 : i32 to index
        %get3A_202 = tpu.vector_load %arg7[%get3A] {strides = array<i32>} : memref<512xi32, #tpu.memory_space<vmem>>, vector<16xi32>,
        %ne3A = arith.cmpi ne, %get3A_202, %scan3A_195 : vector<16xi32>
        %convert_element_type3A_203 = arith.extui %ne3A : vector<16xi1> to vector<16xi32>
        %reduce_sum3A = arith.constant true
        %reduce_sum3A_204 = vector.broadcast %reduce_sum3A : i1 to vector<16xi1>
        %reduce_sum3A_205 = tpu.scan <sum>, %convert_element_type3A_203 masked %reduce_sum3A_204 : vector<16xi32>, vector<16xi1> -> vector<16xi32>
        %reduce_sum3A_206 = vector.extract %reduce_sum3A_205[15] : i32 from vector<16xi32>
        %eq3A_207 = arith.constant 0 : i32
        %eq3A_208 = arith.cmpi eq, %reduce_sum3A_206, %eq3A_207 : i32
        %convert_element_type3A_209 = arith.extui %eq3A_208 : i1 to i32
        %cond3A_210 = arith.constant 0 : i32
        %cond3A_211 = arith.cmpi ne, %convert_element_type3A_209, %cond3A_210 : i32
        %cond3A_212:5 = scf.if %cond3A_211 -> (vector<16xi32>, vector<16xf32>, vector<16xf32>, vector<16xf32>, vector<16xf32>) {
          %mul3A_213 = arith.constant 16 : i32
          %mul3A_214 = arith.muli %scan3A_194, %mul3A_213 : i32
          %add3A_215 = arith.constant 0 : i32
          %add3A_216 = arith.addi %mul3A_214, %add3A_215 : i32
          %get3A_217 = arith.index_cast %add3A_216 : i32 to index
          %get3A_218 = arith.constant 0 : index
          %get3A_219 = tpu.vector_load %arg5[%get3A_217, %get3A_218] {strides = array<i32>} : memref<512x64xf32, #tpu.memory_space<vmem>>, vector<16xf32>,
          %add3A_220 = arith.constant 1 : i32
          %add3A_221 = arith.addi %mul3A_214, %add3A_220 : i32
          %get3A_222 = arith.index_cast %add3A_221 : i32 to index
          %get3A_223 = arith.constant 0 : index
          %get3A_224 = tpu.vector_load %arg5[%get3A_222, %get3A_223] {strides = array<i32>} : memref<512x64xf32, #tpu.memory_space<vmem>>, vector<16xf32>,
          %add3A_225 = arith.constant 2 : i32
          %add3A_226 = arith.addi %mul3A_214, %add3A_225 : i32
          %get3A_227 = arith.index_cast %add3A_226 : i32 to index
          %get3A_228 = arith.constant 0 : index
          %get3A_229 = tpu.vector_load %arg5[%get3A_227, %get3A_228] {strides = array<i32>} : memref<512x64xf32, #tpu.memory_space<vmem>>, vector<16xf32>,
          %add3A_230 = arith.constant 3 : i32
          %add3A_231 = arith.addi %mul3A_214, %add3A_230 : i32
          %get3A_232 = arith.index_cast %add3A_231 : i32 to index
          %get3A_233 = arith.constant 0 : index
          %get3A_234 = tpu.vector_load %arg5[%get3A_232, %get3A_233] {strides = array<i32>} : memref<512x64xf32, #tpu.memory_space<vmem>>, vector<16xf32>,
          %add3A_235 = arith.constant 4 : i32
          %add3A_236 = arith.addi %mul3A_214, %add3A_235 : i32
          %get3A_237 = arith.index_cast %add3A_236 : i32 to index
          %get3A_238 = arith.constant 0 : index
          %get3A_239 = tpu.vector_load %arg5[%get3A_237, %get3A_238] {strides = array<i32>} : memref<512x64xf32, #tpu.memory_space<vmem>>, vector<16xf32>,
          %add3A_240 = arith.constant 5 : i32
          %add3A_241 = arith.addi %mul3A_214, %add3A_240 : i32
          %get3A_242 = arith.index_cast %add3A_241 : i32 to index
          %get3A_243 = arith.constant 0 : index
          %get3A_244 = tpu.vector_load %arg5[%get3A_242, %get3A_243] {strides = array<i32>} : memref<512x64xf32, #tpu.memory_space<vmem>>, vector<16xf32>,
          %add3A_245 = arith.constant 6 : i32
          %add3A_246 = arith.addi %mul3A_214, %add3A_245 : i32
          %get3A_247 = arith.index_cast %add3A_246 : i32 to index
          %get3A_248 = arith.constant 0 : index
          %get3A_249 = tpu.vector_load %arg5[%get3A_247, %get3A_248] {strides = array<i32>} : memref<512x64xf32, #tpu.memory_space<vmem>>, vector<16xf32>,
          %add3A_250 = arith.constant 7 : i32
          %add3A_251 = arith.addi %mul3A_214, %add3A_250 : i32
          %get3A_252 = arith.index_cast %add3A_251 : i32 to index
          %get3A_253 = arith.constant 0 : index
          %get3A_254 = tpu.vector_load %arg5[%get3A_252, %get3A_253] {strides = array<i32>} : memref<512x64xf32, #tpu.memory_space<vmem>>, vector<16xf32>,
          %add3A_255 = arith.constant 8 : i32
          %add3A_256 = arith.addi %mul3A_214, %add3A_255 : i32
          %get3A_257 = arith.index_cast %add3A_256 : i32 to index
          %get3A_258 = arith.constant 0 : index
          %get3A_259 = tpu.vector_load %arg5[%get3A_257, %get3A_258] {strides = array<i32>} : memref<512x64xf32, #tpu.memory_space<vmem>>, vector<16xf32>,
          %add3A_260 = arith.constant 9 : i32
          %add3A_261 = arith.addi %mul3A_214, %add3A_260 : i32
          %get3A_262 = arith.index_cast %add3A_261 : i32 to index
          %get3A_263 = arith.constant 0 : index
          %get3A_264 = tpu.vector_load %arg5[%get3A_262, %get3A_263] {strides = array<i32>} : memref<512x64xf32, #tpu.memory_space<vmem>>, vector<16xf32>,
          %add3A_265 = arith.constant 10 : i32
          %add3A_266 = arith.addi %mul3A_214, %add3A_265 : i32
          %get3A_267 = arith.index_cast %add3A_266 : i32 to index
          %get3A_268 = arith.constant 0 : index
          %get3A_269 = tpu.vector_load %arg5[%get3A_267, %get3A_268] {strides = array<i32>} : memref<512x64xf32, #tpu.memory_space<vmem>>, vector<16xf32>,
          %add3A_270 = arith.constant 11 : i32
          %add3A_271 = arith.addi %mul3A_214, %add3A_270 : i32
          %get3A_272 = arith.index_cast %add3A_271 : i32 to index
          %get3A_273 = arith.constant 0 : index
          %get3A_274 = tpu.vector_load %arg5[%get3A_272, %get3A_273] {strides = array<i32>} : memref<512x64xf32, #tpu.memory_space<vmem>>, vector<16xf32>,
          %add3A_275 = arith.constant 12 : i32
          %add3A_276 = arith.addi %mul3A_214, %add3A_275 : i32
          %get3A_277 = arith.index_cast %add3A_276 : i32 to index
          %get3A_278 = arith.constant 0 : index
          %get3A_279 = tpu.vector_load %arg5[%get3A_277, %get3A_278] {strides = array<i32>} : memref<512x64xf32, #tpu.memory_space<vmem>>, vector<16xf32>,
          %add3A_280 = arith.constant 13 : i32
          %add3A_281 = arith.addi %mul3A_214, %add3A_280 : i32
          %get3A_282 = arith.index_cast %add3A_281 : i32 to index
          %get3A_283 = arith.constant 0 : index
          %get3A_284 = tpu.vector_load %arg5[%get3A_282, %get3A_283] {strides = array<i32>} : memref<512x64xf32, #tpu.memory_space<vmem>>, vector<16xf32>,
          %add3A_285 = arith.constant 14 : i32
          %add3A_286 = arith.addi %mul3A_214, %add3A_285 : i32
          %get3A_287 = arith.index_cast %add3A_286 : i32 to index
          %get3A_288 = arith.constant 0 : index
          %get3A_289 = tpu.vector_load %arg5[%get3A_287, %get3A_288] {strides = array<i32>} : memref<512x64xf32, #tpu.memory_space<vmem>>, vector<16xf32>,
          %add3A_290 = arith.constant 15 : i32
          %add3A_291 = arith.addi %mul3A_214, %add3A_290 : i32
          %get3A_292 = arith.index_cast %add3A_291 : i32 to index
          %get3A_293 = arith.constant 0 : index
          %get3A_294 = tpu.vector_load %arg5[%get3A_292, %get3A_293] {strides = array<i32>} : memref<512x64xf32, #tpu.memory_space<vmem>>, vector<16xf32>,
          %add3A_295 = arith.addf %get3A_219, %get3A_224 : vector<16xf32>
          %add3A_296 = arith.addf %get3A_229, %get3A_234 : vector<16xf32>
          %add3A_297 = arith.addf %get3A_239, %get3A_244 : vector<16xf32>
          %add3A_298 = arith.addf %get3A_249, %get3A_254 : vector<16xf32>
          %add3A_299 = arith.addf %get3A_259, %get3A_264 : vector<16xf32>
          %add3A_300 = arith.addf %get3A_269, %get3A_274 : vector<16xf32>
          %add3A_301 = arith.addf %get3A_279, %get3A_284 : vector<16xf32>
          %add3A_302 = arith.addf %get3A_289, %get3A_294 : vector<16xf32>
          %add3A_303 = arith.addf %add3A_295, %add3A_296 : vector<16xf32>
          %add3A_304 = arith.addf %add3A_297, %add3A_298 : vector<16xf32>
          %add3A_305 = arith.addf %add3A_299, %add3A_300 : vector<16xf32>
          %add3A_306 = arith.addf %add3A_301, %add3A_302 : vector<16xf32>
          %add3A_307 = arith.addf %add3A_303, %add3A_304 : vector<16xf32>
          %add3A_308 = arith.addf %add3A_305, %add3A_306 : vector<16xf32>
          %add3A_309 = arith.addf %add3A_307, %add3A_308 : vector<16xf32>
          %add3A_310 = arith.addf %scan3A_196, %add3A_309 : vector<16xf32>
          %add3A_311 = arith.constant 0 : i32
          %add3A_312 = arith.addi %mul3A_214, %add3A_311 : i32
          %get3A_313 = arith.index_cast %add3A_312 : i32 to index
          %get3A_314 = arith.constant 16 : index
          %get3A_315 = tpu.vector_load %arg5[%get3A_313, %get3A_314] {strides = array<i32>} : memref<512x64xf32, #tpu.memory_space<vmem>>, vector<16xf32>,
          %add3A_316 = arith.constant 1 : i32
          %add3A_317 = arith.addi %mul3A_214, %add3A_316 : i32
          %get3A_318 = arith.index_cast %add3A_317 : i32 to index
          %get3A_319 = arith.constant 16 : index
          %get3A_320 = tpu.vector_load %arg5[%get3A_318, %get3A_319] {strides = array<i32>} : memref<512x64xf32, #tpu.memory_space<vmem>>, vector<16xf32>,
          %add3A_321 = arith.constant 2 : i32
          %add3A_322 = arith.addi %mul3A_214, %add3A_321 : i32
          %get3A_323 = arith.index_cast %add3A_322 : i32 to index
          %get3A_324 = arith.constant 16 : index
          %get3A_325 = tpu.vector_load %arg5[%get3A_323, %get3A_324] {strides = array<i32>} : memref<512x64xf32, #tpu.memory_space<vmem>>, vector<16xf32>,
          %add3A_326 = arith.constant 3 : i32
          %add3A_327 = arith.addi %mul3A_214, %add3A_326 : i32
          %get3A_328 = arith.index_cast %add3A_327 : i32 to index
          %get3A_329 = arith.constant 16 : index
          %get3A_330 = tpu.vector_load %arg5[%get3A_328, %get3A_329] {strides = array<i32>} : memref<512x64xf32, #tpu.memory_space<vmem>>, vector<16xf32>,
          %add3A_331 = arith.constant 4 : i32
          %add3A_332 = arith.addi %mul3A_214, %add3A_331 : i32
          %get3A_333 = arith.index_cast %add3A_332 : i32 to index
          %get3A_334 = arith.constant 16 : index
          %get3A_335 = tpu.vector_load %arg5[%get3A_333, %get3A_334] {strides = array<i32>} : memref<512x64xf32, #tpu.memory_space<vmem>>, vector<16xf32>,
          %add3A_336 = arith.constant 5 : i32
          %add3A_337 = arith.addi %mul3A_214, %add3A_336 : i32
          %get3A_338 = arith.index_cast %add3A_337 : i32 to index
          %get3A_339 = arith.constant 16 : index
          %get3A_340 = tpu.vector_load %arg5[%get3A_338, %get3A_339] {strides = array<i32>} : memref<512x64xf32, #tpu.memory_space<vmem>>, vector<16xf32>,
          %add3A_341 = arith.constant 6 : i32
          %add3A_342 = arith.addi %mul3A_214, %add3A_341 : i32
          %get3A_343 = arith.index_cast %add3A_342 : i32 to index
          %get3A_344 = arith.constant 16 : index
          %get3A_345 = tpu.vector_load %arg5[%get3A_343, %get3A_344] {strides = array<i32>} : memref<512x64xf32, #tpu.memory_space<vmem>>, vector<16xf32>,
          %add3A_346 = arith.constant 7 : i32
          %add3A_347 = arith.addi %mul3A_214, %add3A_346 : i32
          %get3A_348 = arith.index_cast %add3A_347 : i32 to index
          %get3A_349 = arith.constant 16 : index
          %get3A_350 = tpu.vector_load %arg5[%get3A_348, %get3A_349] {strides = array<i32>} : memref<512x64xf32, #tpu.memory_space<vmem>>, vector<16xf32>,
          %add3A_351 = arith.constant 8 : i32
          %add3A_352 = arith.addi %mul3A_214, %add3A_351 : i32
          %get3A_353 = arith.index_cast %add3A_352 : i32 to index
          %get3A_354 = arith.constant 16 : index
          %get3A_355 = tpu.vector_load %arg5[%get3A_353, %get3A_354] {strides = array<i32>} : memref<512x64xf32, #tpu.memory_space<vmem>>, vector<16xf32>,
          %add3A_356 = arith.constant 9 : i32
          %add3A_357 = arith.addi %mul3A_214, %add3A_356 : i32
          %get3A_358 = arith.index_cast %add3A_357 : i32 to index
          %get3A_359 = arith.constant 16 : index
          %get3A_360 = tpu.vector_load %arg5[%get3A_358, %get3A_359] {strides = array<i32>} : memref<512x64xf32, #tpu.memory_space<vmem>>, vector<16xf32>,
          %add3A_361 = arith.constant 10 : i32
          %add3A_362 = arith.addi %mul3A_214, %add3A_361 : i32
          %get3A_363 = arith.index_cast %add3A_362 : i32 to index
          %get3A_364 = arith.constant 16 : index
          %get3A_365 = tpu.vector_load %arg5[%get3A_363, %get3A_364] {strides = array<i32>} : memref<512x64xf32, #tpu.memory_space<vmem>>, vector<16xf32>,
          %add3A_366 = arith.constant 11 : i32
          %add3A_367 = arith.addi %mul3A_214, %add3A_366 : i32
          %get3A_368 = arith.index_cast %add3A_367 : i32 to index
          %get3A_369 = arith.constant 16 : index
          %get3A_370 = tpu.vector_load %arg5[%get3A_368, %get3A_369] {strides = array<i32>} : memref<512x64xf32, #tpu.memory_space<vmem>>, vector<16xf32>,
          %add3A_371 = arith.constant 12 : i32
          %add3A_372 = arith.addi %mul3A_214, %add3A_371 : i32
          %get3A_373 = arith.index_cast %add3A_372 : i32 to index
          %get3A_374 = arith.constant 16 : index
          %get3A_375 = tpu.vector_load %arg5[%get3A_373, %get3A_374] {strides = array<i32>} : memref<512x64xf32, #tpu.memory_space<vmem>>, vector<16xf32>,
          %add3A_376 = arith.constant 13 : i32
          %add3A_377 = arith.addi %mul3A_214, %add3A_376 : i32
          %get3A_378 = arith.index_cast %add3A_377 : i32 to index
          %get3A_379 = arith.constant 16 : index
          %get3A_380 = tpu.vector_load %arg5[%get3A_378, %get3A_379] {strides = array<i32>} : memref<512x64xf32, #tpu.memory_space<vmem>>, vector<16xf32>,
          %add3A_381 = arith.constant 14 : i32
          %add3A_382 = arith.addi %mul3A_214, %add3A_381 : i32
          %get3A_383 = arith.index_cast %add3A_382 : i32 to index
          %get3A_384 = arith.constant 16 : index
          %get3A_385 = tpu.vector_load %arg5[%get3A_383, %get3A_384] {strides = array<i32>} : memref<512x64xf32, #tpu.memory_space<vmem>>, vector<16xf32>,
          %add3A_386 = arith.constant 15 : i32
          %add3A_387 = arith.addi %mul3A_214, %add3A_386 : i32
          %get3A_388 = arith.index_cast %add3A_387 : i32 to index
          %get3A_389 = arith.constant 16 : index
          %get3A_390 = tpu.vector_load %arg5[%get3A_388, %get3A_389] {strides = array<i32>} : memref<512x64xf32, #tpu.memory_space<vmem>>, vector<16xf32>,
          %add3A_391 = arith.addf %get3A_315, %get3A_320 : vector<16xf32>
          %add3A_392 = arith.addf %get3A_325, %get3A_330 : vector<16xf32>
          %add3A_393 = arith.addf %get3A_335, %get3A_340 : vector<16xf32>
          %add3A_394 = arith.addf %get3A_345, %get3A_350 : vector<16xf32>
          %add3A_395 = arith.addf %get3A_355, %get3A_360 : vector<16xf32>
          %add3A_396 = arith.addf %get3A_365, %get3A_370 : vector<16xf32>
          %add3A_397 = arith.addf %get3A_375, %get3A_380 : vector<16xf32>
          %add3A_398 = arith.addf %get3A_385, %get3A_390 : vector<16xf32>
          %add3A_399 = arith.addf %add3A_391, %add3A_392 : vector<16xf32>
          %add3A_400 = arith.addf %add3A_393, %add3A_394 : vector<16xf32>
          %add3A_401 = arith.addf %add3A_395, %add3A_396 : vector<16xf32>
          %add3A_402 = arith.addf %add3A_397, %add3A_398 : vector<16xf32>
          %add3A_403 = arith.addf %add3A_399, %add3A_400 : vector<16xf32>
          %add3A_404 = arith.addf %add3A_401, %add3A_402 : vector<16xf32>
          %add3A_405 = arith.addf %add3A_403, %add3A_404 : vector<16xf32>
          %add3A_406 = arith.addf %scan3A_197, %add3A_405 : vector<16xf32>
          %add3A_407 = arith.constant 0 : i32
          %add3A_408 = arith.addi %mul3A_214, %add3A_407 : i32
          %get3A_409 = arith.index_cast %add3A_408 : i32 to index
          %get3A_410 = arith.constant 32 : index
          %get3A_411 = tpu.vector_load %arg5[%get3A_409, %get3A_410] {strides = array<i32>} : memref<512x64xf32, #tpu.memory_space<vmem>>, vector<16xf32>,
          %add3A_412 = arith.constant 1 : i32
          %add3A_413 = arith.addi %mul3A_214, %add3A_412 : i32
          %get3A_414 = arith.index_cast %add3A_413 : i32 to index
          %get3A_415 = arith.constant 32 : index
          %get3A_416 = tpu.vector_load %arg5[%get3A_414, %get3A_415] {strides = array<i32>} : memref<512x64xf32, #tpu.memory_space<vmem>>, vector<16xf32>,
          %add3A_417 = arith.constant 2 : i32
          %add3A_418 = arith.addi %mul3A_214, %add3A_417 : i32
          %get3A_419 = arith.index_cast %add3A_418 : i32 to index
          %get3A_420 = arith.constant 32 : index
          %get3A_421 = tpu.vector_load %arg5[%get3A_419, %get3A_420] {strides = array<i32>} : memref<512x64xf32, #tpu.memory_space<vmem>>, vector<16xf32>,
          %add3A_422 = arith.constant 3 : i32
          %add3A_423 = arith.addi %mul3A_214, %add3A_422 : i32
          %get3A_424 = arith.index_cast %add3A_423 : i32 to index
          %get3A_425 = arith.constant 32 : index
          %get3A_426 = tpu.vector_load %arg5[%get3A_424, %get3A_425] {strides = array<i32>} : memref<512x64xf32, #tpu.memory_space<vmem>>, vector<16xf32>,
          %add3A_427 = arith.constant 4 : i32
          %add3A_428 = arith.addi %mul3A_214, %add3A_427 : i32
          %get3A_429 = arith.index_cast %add3A_428 : i32 to index
          %get3A_430 = arith.constant 32 : index
          %get3A_431 = tpu.vector_load %arg5[%get3A_429, %get3A_430] {strides = array<i32>} : memref<512x64xf32, #tpu.memory_space<vmem>>, vector<16xf32>,
          %add3A_432 = arith.constant 5 : i32
          %add3A_433 = arith.addi %mul3A_214, %add3A_432 : i32
          %get3A_434 = arith.index_cast %add3A_433 : i32 to index
          %get3A_435 = arith.constant 32 : index
          %get3A_436 = tpu.vector_load %arg5[%get3A_434, %get3A_435] {strides = array<i32>} : memref<512x64xf32, #tpu.memory_space<vmem>>, vector<16xf32>,
          %add3A_437 = arith.constant 6 : i32
          %add3A_438 = arith.addi %mul3A_214, %add3A_437 : i32
          %get3A_439 = arith.index_cast %add3A_438 : i32 to index
          %get3A_440 = arith.constant 32 : index
          %get3A_441 = tpu.vector_load %arg5[%get3A_439, %get3A_440] {strides = array<i32>} : memref<512x64xf32, #tpu.memory_space<vmem>>, vector<16xf32>,
          %add3A_442 = arith.constant 7 : i32
          %add3A_443 = arith.addi %mul3A_214, %add3A_442 : i32
          %get3A_444 = arith.index_cast %add3A_443 : i32 to index
          %get3A_445 = arith.constant 32 : index
          %get3A_446 = tpu.vector_load %arg5[%get3A_444, %get3A_445] {strides = array<i32>} : memref<512x64xf32, #tpu.memory_space<vmem>>, vector<16xf32>,
          %add3A_447 = arith.constant 8 : i32
          %add3A_448 = arith.addi %mul3A_214, %add3A_447 : i32
          %get3A_449 = arith.index_cast %add3A_448 : i32 to index
          %get3A_450 = arith.constant 32 : index
          %get3A_451 = tpu.vector_load %arg5[%get3A_449, %get3A_450] {strides = array<i32>} : memref<512x64xf32, #tpu.memory_space<vmem>>, vector<16xf32>,
          %add3A_452 = arith.constant 9 : i32
          %add3A_453 = arith.addi %mul3A_214, %add3A_452 : i32
          %get3A_454 = arith.index_cast %add3A_453 : i32 to index
          %get3A_455 = arith.constant 32 : index
          %get3A_456 = tpu.vector_load %arg5[%get3A_454, %get3A_455] {strides = array<i32>} : memref<512x64xf32, #tpu.memory_space<vmem>>, vector<16xf32>,
          %add3A_457 = arith.constant 10 : i32
          %add3A_458 = arith.addi %mul3A_214, %add3A_457 : i32
          %get3A_459 = arith.index_cast %add3A_458 : i32 to index
          %get3A_460 = arith.constant 32 : index
          %get3A_461 = tpu.vector_load %arg5[%get3A_459, %get3A_460] {strides = array<i32>} : memref<512x64xf32, #tpu.memory_space<vmem>>, vector<16xf32>,
          %add3A_462 = arith.constant 11 : i32
          %add3A_463 = arith.addi %mul3A_214, %add3A_462 : i32
          %get3A_464 = arith.index_cast %add3A_463 : i32 to index
          %get3A_465 = arith.constant 32 : index
          %get3A_466 = tpu.vector_load %arg5[%get3A_464, %get3A_465] {strides = array<i32>} : memref<512x64xf32, #tpu.memory_space<vmem>>, vector<16xf32>,
          %add3A_467 = arith.constant 12 : i32
          %add3A_468 = arith.addi %mul3A_214, %add3A_467 : i32
          %get3A_469 = arith.index_cast %add3A_468 : i32 to index
          %get3A_470 = arith.constant 32 : index
          %get3A_471 = tpu.vector_load %arg5[%get3A_469, %get3A_470] {strides = array<i32>} : memref<512x64xf32, #tpu.memory_space<vmem>>, vector<16xf32>,
          %add3A_472 = arith.constant 13 : i32
          %add3A_473 = arith.addi %mul3A_214, %add3A_472 : i32
          %get3A_474 = arith.index_cast %add3A_473 : i32 to index
          %get3A_475 = arith.constant 32 : index
          %get3A_476 = tpu.vector_load %arg5[%get3A_474, %get3A_475] {strides = array<i32>} : memref<512x64xf32, #tpu.memory_space<vmem>>, vector<16xf32>,
          %add3A_477 = arith.constant 14 : i32
          %add3A_478 = arith.addi %mul3A_214, %add3A_477 : i32
          %get3A_479 = arith.index_cast %add3A_478 : i32 to index
          %get3A_480 = arith.constant 32 : index
          %get3A_481 = tpu.vector_load %arg5[%get3A_479, %get3A_480] {strides = array<i32>} : memref<512x64xf32, #tpu.memory_space<vmem>>, vector<16xf32>,
          %add3A_482 = arith.constant 15 : i32
          %add3A_483 = arith.addi %mul3A_214, %add3A_482 : i32
          %get3A_484 = arith.index_cast %add3A_483 : i32 to index
          %get3A_485 = arith.constant 32 : index
          %get3A_486 = tpu.vector_load %arg5[%get3A_484, %get3A_485] {strides = array<i32>} : memref<512x64xf32, #tpu.memory_space<vmem>>, vector<16xf32>,
          %add3A_487 = arith.addf %get3A_411, %get3A_416 : vector<16xf32>
          %add3A_488 = arith.addf %get3A_421, %get3A_426 : vector<16xf32>
          %add3A_489 = arith.addf %get3A_431, %get3A_436 : vector<16xf32>
          %add3A_490 = arith.addf %get3A_441, %get3A_446 : vector<16xf32>
          %add3A_491 = arith.addf %get3A_451, %get3A_456 : vector<16xf32>
          %add3A_492 = arith.addf %get3A_461, %get3A_466 : vector<16xf32>
          %add3A_493 = arith.addf %get3A_471, %get3A_476 : vector<16xf32>
          %add3A_494 = arith.addf %get3A_481, %get3A_486 : vector<16xf32>
          %add3A_495 = arith.addf %add3A_487, %add3A_488 : vector<16xf32>
          %add3A_496 = arith.addf %add3A_489, %add3A_490 : vector<16xf32>
          %add3A_497 = arith.addf %add3A_491, %add3A_492 : vector<16xf32>
          %add3A_498 = arith.addf %add3A_493, %add3A_494 : vector<16xf32>
          %add3A_499 = arith.addf %add3A_495, %add3A_496 : vector<16xf32>
          %add3A_500 = arith.addf %add3A_497, %add3A_498 : vector<16xf32>
          %add3A_501 = arith.addf %add3A_499, %add3A_500 : vector<16xf32>
          %add3A_502 = arith.addf %scan3A_198, %add3A_501 : vector<16xf32>
          %add3A_503 = arith.constant 0 : i32
          %add3A_504 = arith.addi %mul3A_214, %add3A_503 : i32
          %get3A_505 = arith.index_cast %add3A_504 : i32 to index
          %get3A_506 = arith.constant 48 : index
          %get3A_507 = tpu.vector_load %arg5[%get3A_505, %get3A_506] {strides = array<i32>} : memref<512x64xf32, #tpu.memory_space<vmem>>, vector<16xf32>,
          %add3A_508 = arith.constant 1 : i32
          %add3A_509 = arith.addi %mul3A_214, %add3A_508 : i32
          %get3A_510 = arith.index_cast %add3A_509 : i32 to index
          %get3A_511 = arith.constant 48 : index
          %get3A_512 = tpu.vector_load %arg5[%get3A_510, %get3A_511] {strides = array<i32>} : memref<512x64xf32, #tpu.memory_space<vmem>>, vector<16xf32>,
          %add3A_513 = arith.constant 2 : i32
          %add3A_514 = arith.addi %mul3A_214, %add3A_513 : i32
          %get3A_515 = arith.index_cast %add3A_514 : i32 to index
          %get3A_516 = arith.constant 48 : index
          %get3A_517 = tpu.vector_load %arg5[%get3A_515, %get3A_516] {strides = array<i32>} : memref<512x64xf32, #tpu.memory_space<vmem>>, vector<16xf32>,
          %add3A_518 = arith.constant 3 : i32
          %add3A_519 = arith.addi %mul3A_214, %add3A_518 : i32
          %get3A_520 = arith.index_cast %add3A_519 : i32 to index
          %get3A_521 = arith.constant 48 : index
          %get3A_522 = tpu.vector_load %arg5[%get3A_520, %get3A_521] {strides = array<i32>} : memref<512x64xf32, #tpu.memory_space<vmem>>, vector<16xf32>,
          %add3A_523 = arith.constant 4 : i32
          %add3A_524 = arith.addi %mul3A_214, %add3A_523 : i32
          %get3A_525 = arith.index_cast %add3A_524 : i32 to index
          %get3A_526 = arith.constant 48 : index
          %get3A_527 = tpu.vector_load %arg5[%get3A_525, %get3A_526] {strides = array<i32>} : memref<512x64xf32, #tpu.memory_space<vmem>>, vector<16xf32>,
          %add3A_528 = arith.constant 5 : i32
          %add3A_529 = arith.addi %mul3A_214, %add3A_528 : i32
          %get3A_530 = arith.index_cast %add3A_529 : i32 to index
          %get3A_531 = arith.constant 48 : index
          %get3A_532 = tpu.vector_load %arg5[%get3A_530, %get3A_531] {strides = array<i32>} : memref<512x64xf32, #tpu.memory_space<vmem>>, vector<16xf32>,
          %add3A_533 = arith.constant 6 : i32
          %add3A_534 = arith.addi %mul3A_214, %add3A_533 : i32
          %get3A_535 = arith.index_cast %add3A_534 : i32 to index
          %get3A_536 = arith.constant 48 : index
          %get3A_537 = tpu.vector_load %arg5[%get3A_535, %get3A_536] {strides = array<i32>} : memref<512x64xf32, #tpu.memory_space<vmem>>, vector<16xf32>,
          %add3A_538 = arith.constant 7 : i32
          %add3A_539 = arith.addi %mul3A_214, %add3A_538 : i32
          %get3A_540 = arith.index_cast %add3A_539 : i32 to index
          %get3A_541 = arith.constant 48 : index
          %get3A_542 = tpu.vector_load %arg5[%get3A_540, %get3A_541] {strides = array<i32>} : memref<512x64xf32, #tpu.memory_space<vmem>>, vector<16xf32>,
          %add3A_543 = arith.constant 8 : i32
          %add3A_544 = arith.addi %mul3A_214, %add3A_543 : i32
          %get3A_545 = arith.index_cast %add3A_544 : i32 to index
          %get3A_546 = arith.constant 48 : index
          %get3A_547 = tpu.vector_load %arg5[%get3A_545, %get3A_546] {strides = array<i32>} : memref<512x64xf32, #tpu.memory_space<vmem>>, vector<16xf32>,
          %add3A_548 = arith.constant 9 : i32
          %add3A_549 = arith.addi %mul3A_214, %add3A_548 : i32
          %get3A_550 = arith.index_cast %add3A_549 : i32 to index
          %get3A_551 = arith.constant 48 : index
          %get3A_552 = tpu.vector_load %arg5[%get3A_550, %get3A_551] {strides = array<i32>} : memref<512x64xf32, #tpu.memory_space<vmem>>, vector<16xf32>,
          %add3A_553 = arith.constant 10 : i32
          %add3A_554 = arith.addi %mul3A_214, %add3A_553 : i32
          %get3A_555 = arith.index_cast %add3A_554 : i32 to index
          %get3A_556 = arith.constant 48 : index
          %get3A_557 = tpu.vector_load %arg5[%get3A_555, %get3A_556] {strides = array<i32>} : memref<512x64xf32, #tpu.memory_space<vmem>>, vector<16xf32>,
          %add3A_558 = arith.constant 11 : i32
          %add3A_559 = arith.addi %mul3A_214, %add3A_558 : i32
          %get3A_560 = arith.index_cast %add3A_559 : i32 to index
          %get3A_561 = arith.constant 48 : index
          %get3A_562 = tpu.vector_load %arg5[%get3A_560, %get3A_561] {strides = array<i32>} : memref<512x64xf32, #tpu.memory_space<vmem>>, vector<16xf32>,
          %add3A_563 = arith.constant 12 : i32
          %add3A_564 = arith.addi %mul3A_214, %add3A_563 : i32
          %get3A_565 = arith.index_cast %add3A_564 : i32 to index
          %get3A_566 = arith.constant 48 : index
          %get3A_567 = tpu.vector_load %arg5[%get3A_565, %get3A_566] {strides = array<i32>} : memref<512x64xf32, #tpu.memory_space<vmem>>, vector<16xf32>,
          %add3A_568 = arith.constant 13 : i32
          %add3A_569 = arith.addi %mul3A_214, %add3A_568 : i32
          %get3A_570 = arith.index_cast %add3A_569 : i32 to index
          %get3A_571 = arith.constant 48 : index
          %get3A_572 = tpu.vector_load %arg5[%get3A_570, %get3A_571] {strides = array<i32>} : memref<512x64xf32, #tpu.memory_space<vmem>>, vector<16xf32>,
          %add3A_573 = arith.constant 14 : i32
          %add3A_574 = arith.addi %mul3A_214, %add3A_573 : i32
          %get3A_575 = arith.index_cast %add3A_574 : i32 to index
          %get3A_576 = arith.constant 48 : index
          %get3A_577 = tpu.vector_load %arg5[%get3A_575, %get3A_576] {strides = array<i32>} : memref<512x64xf32, #tpu.memory_space<vmem>>, vector<16xf32>,
          %add3A_578 = arith.constant 15 : i32
          %add3A_579 = arith.addi %mul3A_214, %add3A_578 : i32
          %get3A_580 = arith.index_cast %add3A_579 : i32 to index
          %get3A_581 = arith.constant 48 : index
          %get3A_582 = tpu.vector_load %arg5[%get3A_580, %get3A_581] {strides = array<i32>} : memref<512x64xf32, #tpu.memory_space<vmem>>, vector<16xf32>,
          %add3A_583 = arith.addf %get3A_507, %get3A_512 : vector<16xf32>
          %add3A_584 = arith.addf %get3A_517, %get3A_522 : vector<16xf32>
          %add3A_585 = arith.addf %get3A_527, %get3A_532 : vector<16xf32>
          %add3A_586 = arith.addf %get3A_537, %get3A_542 : vector<16xf32>
          %add3A_587 = arith.addf %get3A_547, %get3A_552 : vector<16xf32>
          %add3A_588 = arith.addf %get3A_557, %get3A_562 : vector<16xf32>
          %add3A_589 = arith.addf %get3A_567, %get3A_572 : vector<16xf32>
          %add3A_590 = arith.addf %get3A_577, %get3A_582 : vector<16xf32>
          %add3A_591 = arith.addf %add3A_583, %add3A_584 : vector<16xf32>
          %add3A_592 = arith.addf %add3A_585, %add3A_586 : vector<16xf32>
          %add3A_593 = arith.addf %add3A_587, %add3A_588 : vector<16xf32>
          %add3A_594 = arith.addf %add3A_589, %add3A_590 : vector<16xf32>
          %add3A_595 = arith.addf %add3A_591, %add3A_592 : vector<16xf32>
          %add3A_596 = arith.addf %add3A_593, %add3A_594 : vector<16xf32>
          %add3A_597 = arith.addf %add3A_595, %add3A_596 : vector<16xf32>
          %add3A_598 = arith.addf %scan3A_199, %add3A_597 : vector<16xf32>
          scf.yield %scan3A_195, %add3A_310, %add3A_406, %add3A_502, %add3A_598 : vector<16xi32>, vector<16xf32>, vector<16xf32>, vector<16xf32>, vector<16xf32>
        } else {
          %broadcast_in_dim3A_213 = arith.constant 0 : i32
          %broadcast_in_dim3A_214 = vector.broadcast %broadcast_in_dim3A_213 : i32 to vector<16xi32>
          %lt3A_215 = arith.constant 0 : i32
          %lt3A_216 = vector.broadcast %lt3A_215 : i32 to vector<16xi32>
          %lt3A_217 = arith.cmpi slt, %broadcast_in_dim3A_214, %lt3A_216 : vector<16xi32>
          %add3A_218 = arith.constant 16 : i32
          %add3A_219 = vector.broadcast %add3A_218 : i32 to vector<16xi32>
          %add3A_220 = arith.addi %broadcast_in_dim3A_214, %add3A_219 : vector<16xi32>
          %select_n3A = arith.select %lt3A_217, %add3A_220, %broadcast_in_dim3A_214 : vector<16xi1>, vector<16xi32>
          %broadcast_in_dim3A_221 = vector.shape_cast %select_n3A : vector<16xi32> to vector<16x1xi32>
          %gather3A = vector.shape_cast %broadcast_in_dim3A_221 : vector<16x1xi32> to vector<16xi32>
          %gather3A_222 = tpu.dynamic_gather %get3A_202[%gather3A] in [0] : vector<16xi32>, vector<16xi32> -> vector<16xi32>
          %ne3A_223 = arith.cmpi ne, %gather3A_222, %scan3A_195 : vector<16xi32>
          %mul3A_224 = arith.constant 16 : i32
          %mul3A_225 = arith.muli %scan3A_194, %mul3A_224 : i32
          %add3A_226 = arith.constant 0 : i32
          %add3A_227 = arith.addi %mul3A_225, %add3A_226 : i32
          tpu.vector_store_idx %arg15[%scan3A_195, %add3A_8], %scan3A_196 masked %ne3A_223 {add = true} : memref<64x64xf32, #tpu.memory_space<vmem>>[vector<16xi32>, vector<16xi32>], vector<16xf32>, vector<16xi1>
          %get3A_228 = arith.index_cast %add3A_227 : i32 to index
          %get3A_229 = arith.constant 0 : index
          %get3A_230 = tpu.vector_load %arg5[%get3A_228, %get3A_229] {strides = array<i32>} : memref<512x64xf32, #tpu.memory_space<vmem>>, vector<16xf32>,
          %add3A_231 = arith.addf %scan3A_196, %get3A_230 : vector<16xf32>
          %select_n3A_232 = arith.select %ne3A_223, %get3A_230, %add3A_231 : vector<16xi1>, vector<16xf32>
          tpu.vector_store_idx %arg15[%scan3A_195, %add3A_12], %scan3A_197 masked %ne3A_223 {add = true} : memref<64x64xf32, #tpu.memory_space<vmem>>[vector<16xi32>, vector<16xi32>], vector<16xf32>, vector<16xi1>
          %get3A_233 = arith.index_cast %add3A_227 : i32 to index
          %get3A_234 = arith.constant 16 : index
          %get3A_235 = tpu.vector_load %arg5[%get3A_233, %get3A_234] {strides = array<i32>} : memref<512x64xf32, #tpu.memory_space<vmem>>, vector<16xf32>,
          %add3A_236 = arith.addf %scan3A_197, %get3A_235 : vector<16xf32>
          %select_n3A_237 = arith.select %ne3A_223, %get3A_235, %add3A_236 : vector<16xi1>, vector<16xf32>
          tpu.vector_store_idx %arg15[%scan3A_195, %add3A_16], %scan3A_198 masked %ne3A_223 {add = true} : memref<64x64xf32, #tpu.memory_space<vmem>>[vector<16xi32>, vector<16xi32>], vector<16xf32>, vector<16xi1>
          %get3A_238 = arith.index_cast %add3A_227 : i32 to index
          %get3A_239 = arith.constant 32 : index
          %get3A_240 = tpu.vector_load %arg5[%get3A_238, %get3A_239] {strides = array<i32>} : memref<512x64xf32, #tpu.memory_space<vmem>>, vector<16xf32>,
          %add3A_241 = arith.addf %scan3A_198, %get3A_240 : vector<16xf32>
          %select_n3A_242 = arith.select %ne3A_223, %get3A_240, %add3A_241 : vector<16xi1>, vector<16xf32>
          tpu.vector_store_idx %arg15[%scan3A_195, %add3A_20], %scan3A_199 masked %ne3A_223 {add = true} : memref<64x64xf32, #tpu.memory_space<vmem>>[vector<16xi32>, vector<16xi32>], vector<16xf32>, vector<16xi1>
          %get3A_243 = arith.index_cast %add3A_227 : i32 to index
          %get3A_244 = arith.constant 48 : index
          %get3A_245 = tpu.vector_load %arg5[%get3A_243, %get3A_244] {strides = array<i32>} : memref<512x64xf32, #tpu.memory_space<vmem>>, vector<16xf32>,
          %add3A_246 = arith.addf %scan3A_199, %get3A_245 : vector<16xf32>
          %select_n3A_247 = arith.select %ne3A_223, %get3A_245, %add3A_246 : vector<16xi1>, vector<16xf32>
          %broadcast_in_dim3A_248 = arith.constant 1 : i32
          %broadcast_in_dim3A_249 = vector.broadcast %broadcast_in_dim3A_248 : i32 to vector<16xi32>
          %lt3A_250 = arith.constant 0 : i32
          %lt3A_251 = vector.broadcast %lt3A_250 : i32 to vector<16xi32>
          %lt3A_252 = arith.cmpi slt, %broadcast_in_dim3A_249, %lt3A_251 : vector<16xi32>
          %add3A_253 = arith.constant 16 : i32
          %add3A_254 = vector.broadcast %add3A_253 : i32 to vector<16xi32>
          %add3A_255 = arith.addi %broadcast_in_dim3A_249, %add3A_254 : vector<16xi32>
          %select_n3A_256 = arith.select %lt3A_252, %add3A_255, %broadcast_in_dim3A_249 : vector<16xi1>, vector<16xi32>
          %broadcast_in_dim3A_257 = vector.shape_cast %select_n3A_256 : vector<16xi32> to vector<16x1xi32>
          %gather3A_258 = vector.shape_cast %broadcast_in_dim3A_257 : vector<16x1xi32> to vector<16xi32>
          %gather3A_259 = tpu.dynamic_gather %get3A_202[%gather3A_258] in [0] : vector<16xi32>, vector<16xi32> -> vector<16xi32>
          %ne3A_260 = arith.cmpi ne, %gather3A_259, %gather3A_222 : vector<16xi32>
          %mul3A_261 = arith.constant 16 : i32
          %mul3A_262 = arith.muli %scan3A_194, %mul3A_261 : i32
          %add3A_263 = arith.constant 1 : i32
          %add3A_264 = arith.addi %mul3A_262, %add3A_263 : i32
          tpu.vector_store_idx %arg15[%gather3A_222, %add3A_8], %select_n3A_232 masked %ne3A_260 {add = true} : memref<64x64xf32, #tpu.memory_space<vmem>>[vector<16xi32>, vector<16xi32>], vector<16xf32>, vector<16xi1>
          %get3A_265 = arith.index_cast %add3A_264 : i32 to index
          %get3A_266 = arith.constant 0 : index
          %get3A_267 = tpu.vector_load %arg5[%get3A_265, %get3A_266] {strides = array<i32>} : memref<512x64xf32, #tpu.memory_space<vmem>>, vector<16xf32>,
          %add3A_268 = arith.addf %select_n3A_232, %get3A_267 : vector<16xf32>
          %select_n3A_269 = arith.select %ne3A_260, %get3A_267, %add3A_268 : vector<16xi1>, vector<16xf32>
          tpu.vector_store_idx %arg15[%gather3A_222, %add3A_12], %select_n3A_237 masked %ne3A_260 {add = true} : memref<64x64xf32, #tpu.memory_space<vmem>>[vector<16xi32>, vector<16xi32>], vector<16xf32>, vector<16xi1>
          %get3A_270 = arith.index_cast %add3A_264 : i32 to index
          %get3A_271 = arith.constant 16 : index
          %get3A_272 = tpu.vector_load %arg5[%get3A_270, %get3A_271] {strides = array<i32>} : memref<512x64xf32, #tpu.memory_space<vmem>>, vector<16xf32>,
          %add3A_273 = arith.addf %select_n3A_237, %get3A_272 : vector<16xf32>
          %select_n3A_274 = arith.select %ne3A_260, %get3A_272, %add3A_273 : vector<16xi1>, vector<16xf32>
          tpu.vector_store_idx %arg15[%gather3A_222, %add3A_16], %select_n3A_242 masked %ne3A_260 {add = true} : memref<64x64xf32, #tpu.memory_space<vmem>>[vector<16xi32>, vector<16xi32>], vector<16xf32>, vector<16xi1>
          %get3A_275 = arith.index_cast %add3A_264 : i32 to index
          %get3A_276 = arith.constant 32 : index
          %get3A_277 = tpu.vector_load %arg5[%get3A_275, %get3A_276] {strides = array<i32>} : memref<512x64xf32, #tpu.memory_space<vmem>>, vector<16xf32>,
          %add3A_278 = arith.addf %select_n3A_242, %get3A_277 : vector<16xf32>
          %select_n3A_279 = arith.select %ne3A_260, %get3A_277, %add3A_278 : vector<16xi1>, vector<16xf32>
          tpu.vector_store_idx %arg15[%gather3A_222, %add3A_20], %select_n3A_247 masked %ne3A_260 {add = true} : memref<64x64xf32, #tpu.memory_space<vmem>>[vector<16xi32>, vector<16xi32>], vector<16xf32>, vector<16xi1>
          %get3A_280 = arith.index_cast %add3A_264 : i32 to index
          %get3A_281 = arith.constant 48 : index
          %get3A_282 = tpu.vector_load %arg5[%get3A_280, %get3A_281] {strides = array<i32>} : memref<512x64xf32, #tpu.memory_space<vmem>>, vector<16xf32>,
          %add3A_283 = arith.addf %select_n3A_247, %get3A_282 : vector<16xf32>
          %select_n3A_284 = arith.select %ne3A_260, %get3A_282, %add3A_283 : vector<16xi1>, vector<16xf32>
          %broadcast_in_dim3A_285 = arith.constant 2 : i32
          %broadcast_in_dim3A_286 = vector.broadcast %broadcast_in_dim3A_285 : i32 to vector<16xi32>
          %lt3A_287 = arith.constant 0 : i32
          %lt3A_288 = vector.broadcast %lt3A_287 : i32 to vector<16xi32>
          %lt3A_289 = arith.cmpi slt, %broadcast_in_dim3A_286, %lt3A_288 : vector<16xi32>
          %add3A_290 = arith.constant 16 : i32
          %add3A_291 = vector.broadcast %add3A_290 : i32 to vector<16xi32>
          %add3A_292 = arith.addi %broadcast_in_dim3A_286, %add3A_291 : vector<16xi32>
          %select_n3A_293 = arith.select %lt3A_289, %add3A_292, %broadcast_in_dim3A_286 : vector<16xi1>, vector<16xi32>
          %broadcast_in_dim3A_294 = vector.shape_cast %select_n3A_293 : vector<16xi32> to vector<16x1xi32>
          %gather3A_295 = vector.shape_cast %broadcast_in_dim3A_294 : vector<16x1xi32> to vector<16xi32>
          %gather3A_296 = tpu.dynamic_gather %get3A_202[%gather3A_295] in [0] : vector<16xi32>, vector<16xi32> -> vector<16xi32>
          %ne3A_297 = arith.cmpi ne, %gather3A_296, %gather3A_259 : vector<16xi32>
          %mul3A_298 = arith.constant 16 : i32
          %mul3A_299 = arith.muli %scan3A_194, %mul3A_298 : i32
          %add3A_300 = arith.constant 2 : i32
          %add3A_301 = arith.addi %mul3A_299, %add3A_300 : i32
          tpu.vector_store_idx %arg15[%gather3A_259, %add3A_8], %select_n3A_269 masked %ne3A_297 {add = true} : memref<64x64xf32, #tpu.memory_space<vmem>>[vector<16xi32>, vector<16xi32>], vector<16xf32>, vector<16xi1>
          %get3A_302 = arith.index_cast %add3A_301 : i32 to index
          %get3A_303 = arith.constant 0 : index
          %get3A_304 = tpu.vector_load %arg5[%get3A_302, %get3A_303] {strides = array<i32>} : memref<512x64xf32, #tpu.memory_space<vmem>>, vector<16xf32>,
          %add3A_305 = arith.addf %select_n3A_269, %get3A_304 : vector<16xf32>
          %select_n3A_306 = arith.select %ne3A_297, %get3A_304, %add3A_305 : vector<16xi1>, vector<16xf32>
          tpu.vector_store_idx %arg15[%gather3A_259, %add3A_12], %select_n3A_274 masked %ne3A_297 {add = true} : memref<64x64xf32, #tpu.memory_space<vmem>>[vector<16xi32>, vector<16xi32>], vector<16xf32>, vector<16xi1>
          %get3A_307 = arith.index_cast %add3A_301 : i32 to index
          %get3A_308 = arith.constant 16 : index
          %get3A_309 = tpu.vector_load %arg5[%get3A_307, %get3A_308] {strides = array<i32>} : memref<512x64xf32, #tpu.memory_space<vmem>>, vector<16xf32>,
          %add3A_310 = arith.addf %select_n3A_274, %get3A_309 : vector<16xf32>
          %select_n3A_311 = arith.select %ne3A_297, %get3A_309, %add3A_310 : vector<16xi1>, vector<16xf32>
          tpu.vector_store_idx %arg15[%gather3A_259, %add3A_16], %select_n3A_279 masked %ne3A_297 {add = true} : memref<64x64xf32, #tpu.memory_space<vmem>>[vector<16xi32>, vector<16xi32>], vector<16xf32>, vector<16xi1>
          %get3A_312 = arith.index_cast %add3A_301 : i32 to index
          %get3A_313 = arith.constant 32 : index
          %get3A_314 = tpu.vector_load %arg5[%get3A_312, %get3A_313] {strides = array<i32>} : memref<512x64xf32, #tpu.memory_space<vmem>>, vector<16xf32>,
          %add3A_315 = arith.addf %select_n3A_279, %get3A_314 : vector<16xf32>
          %select_n3A_316 = arith.select %ne3A_297, %get3A_314, %add3A_315 : vector<16xi1>, vector<16xf32>
          tpu.vector_store_idx %arg15[%gather3A_259, %add3A_20], %select_n3A_284 masked %ne3A_297 {add = true} : memref<64x64xf32, #tpu.memory_space<vmem>>[vector<16xi32>, vector<16xi32>], vector<16xf32>, vector<16xi1>
          %get3A_317 = arith.index_cast %add3A_301 : i32 to index
          %get3A_318 = arith.constant 48 : index
          %get3A_319 = tpu.vector_load %arg5[%get3A_317, %get3A_318] {strides = array<i32>} : memref<512x64xf32, #tpu.memory_space<vmem>>, vector<16xf32>,
          %add3A_320 = arith.addf %select_n3A_284, %get3A_319 : vector<16xf32>
          %select_n3A_321 = arith.select %ne3A_297, %get3A_319, %add3A_320 : vector<16xi1>, vector<16xf32>
          %broadcast_in_dim3A_322 = arith.constant 3 : i32
          %broadcast_in_dim3A_323 = vector.broadcast %broadcast_in_dim3A_322 : i32 to vector<16xi32>
          %lt3A_324 = arith.constant 0 : i32
          %lt3A_325 = vector.broadcast %lt3A_324 : i32 to vector<16xi32>
          %lt3A_326 = arith.cmpi slt, %broadcast_in_dim3A_323, %lt3A_325 : vector<16xi32>
          %add3A_327 = arith.constant 16 : i32
          %add3A_328 = vector.broadcast %add3A_327 : i32 to vector<16xi32>
          %add3A_329 = arith.addi %broadcast_in_dim3A_323, %add3A_328 : vector<16xi32>
          %select_n3A_330 = arith.select %lt3A_326, %add3A_329, %broadcast_in_dim3A_323 : vector<16xi1>, vector<16xi32>
          %broadcast_in_dim3A_331 = vector.shape_cast %select_n3A_330 : vector<16xi32> to vector<16x1xi32>
          %gather3A_332 = vector.shape_cast %broadcast_in_dim3A_331 : vector<16x1xi32> to vector<16xi32>
          %gather3A_333 = tpu.dynamic_gather %get3A_202[%gather3A_332] in [0] : vector<16xi32>, vector<16xi32> -> vector<16xi32>
          %ne3A_334 = arith.cmpi ne, %gather3A_333, %gather3A_296 : vector<16xi32>
          %mul3A_335 = arith.constant 16 : i32
          %mul3A_336 = arith.muli %scan3A_194, %mul3A_335 : i32
          %add3A_337 = arith.constant 3 : i32
          %add3A_338 = arith.addi %mul3A_336, %add3A_337 : i32
          tpu.vector_store_idx %arg15[%gather3A_296, %add3A_8], %select_n3A_306 masked %ne3A_334 {add = true} : memref<64x64xf32, #tpu.memory_space<vmem>>[vector<16xi32>, vector<16xi32>], vector<16xf32>, vector<16xi1>
          %get3A_339 = arith.index_cast %add3A_338 : i32 to index
          %get3A_340 = arith.constant 0 : index
          %get3A_341 = tpu.vector_load %arg5[%get3A_339, %get3A_340] {strides = array<i32>} : memref<512x64xf32, #tpu.memory_space<vmem>>, vector<16xf32>,
          %add3A_342 = arith.addf %select_n3A_306, %get3A_341 : vector<16xf32>
          %select_n3A_343 = arith.select %ne3A_334, %get3A_341, %add3A_342 : vector<16xi1>, vector<16xf32>
          tpu.vector_store_idx %arg15[%gather3A_296, %add3A_12], %select_n3A_311 masked %ne3A_334 {add = true} : memref<64x64xf32, #tpu.memory_space<vmem>>[vector<16xi32>, vector<16xi32>], vector<16xf32>, vector<16xi1>
          %get3A_344 = arith.index_cast %add3A_338 : i32 to index
          %get3A_345 = arith.constant 16 : index
          %get3A_346 = tpu.vector_load %arg5[%get3A_344, %get3A_345] {strides = array<i32>} : memref<512x64xf32, #tpu.memory_space<vmem>>, vector<16xf32>,
          %add3A_347 = arith.addf %select_n3A_311, %get3A_346 : vector<16xf32>
          %select_n3A_348 = arith.select %ne3A_334, %get3A_346, %add3A_347 : vector<16xi1>, vector<16xf32>
          tpu.vector_store_idx %arg15[%gather3A_296, %add3A_16], %select_n3A_316 masked %ne3A_334 {add = true} : memref<64x64xf32, #tpu.memory_space<vmem>>[vector<16xi32>, vector<16xi32>], vector<16xf32>, vector<16xi1>
          %get3A_349 = arith.index_cast %add3A_338 : i32 to index
          %get3A_350 = arith.constant 32 : index
          %get3A_351 = tpu.vector_load %arg5[%get3A_349, %get3A_350] {strides = array<i32>} : memref<512x64xf32, #tpu.memory_space<vmem>>, vector<16xf32>,
          %add3A_352 = arith.addf %select_n3A_316, %get3A_351 : vector<16xf32>
          %select_n3A_353 = arith.select %ne3A_334, %get3A_351, %add3A_352 : vector<16xi1>, vector<16xf32>
          tpu.vector_store_idx %arg15[%gather3A_296, %add3A_20], %select_n3A_321 masked %ne3A_334 {add = true} : memref<64x64xf32, #tpu.memory_space<vmem>>[vector<16xi32>, vector<16xi32>], vector<16xf32>, vector<16xi1>
          %get3A_354 = arith.index_cast %add3A_338 : i32 to index
          %get3A_355 = arith.constant 48 : index
          %get3A_356 = tpu.vector_load %arg5[%get3A_354, %get3A_355] {strides = array<i32>} : memref<512x64xf32, #tpu.memory_space<vmem>>, vector<16xf32>,
          %add3A_357 = arith.addf %select_n3A_321, %get3A_356 : vector<16xf32>
          %select_n3A_358 = arith.select %ne3A_334, %get3A_356, %add3A_357 : vector<16xi1>, vector<16xf32>
          %broadcast_in_dim3A_359 = arith.constant 4 : i32
          %broadcast_in_dim3A_360 = vector.broadcast %broadcast_in_dim3A_359 : i32 to vector<16xi32>
          %lt3A_361 = arith.constant 0 : i32
          %lt3A_362 = vector.broadcast %lt3A_361 : i32 to vector<16xi32>
          %lt3A_363 = arith.cmpi slt, %broadcast_in_dim3A_360, %lt3A_362 : vector<16xi32>
          %add3A_364 = arith.constant 16 : i32
          %add3A_365 = vector.broadcast %add3A_364 : i32 to vector<16xi32>
          %add3A_366 = arith.addi %broadcast_in_dim3A_360, %add3A_365 : vector<16xi32>
          %select_n3A_367 = arith.select %lt3A_363, %add3A_366, %broadcast_in_dim3A_360 : vector<16xi1>, vector<16xi32>
          %broadcast_in_dim3A_368 = vector.shape_cast %select_n3A_367 : vector<16xi32> to vector<16x1xi32>
          %gather3A_369 = vector.shape_cast %broadcast_in_dim3A_368 : vector<16x1xi32> to vector<16xi32>
          %gather3A_370 = tpu.dynamic_gather %get3A_202[%gather3A_369] in [0] : vector<16xi32>, vector<16xi32> -> vector<16xi32>
          %ne3A_371 = arith.cmpi ne, %gather3A_370, %gather3A_333 : vector<16xi32>
          %mul3A_372 = arith.constant 16 : i32
          %mul3A_373 = arith.muli %scan3A_194, %mul3A_372 : i32
          %add3A_374 = arith.constant 4 : i32
          %add3A_375 = arith.addi %mul3A_373, %add3A_374 : i32
          tpu.vector_store_idx %arg15[%gather3A_333, %add3A_8], %select_n3A_343 masked %ne3A_371 {add = true} : memref<64x64xf32, #tpu.memory_space<vmem>>[vector<16xi32>, vector<16xi32>], vector<16xf32>, vector<16xi1>
          %get3A_376 = arith.index_cast %add3A_375 : i32 to index
          %get3A_377 = arith.constant 0 : index
          %get3A_378 = tpu.vector_load %arg5[%get3A_376, %get3A_377] {strides = array<i32>} : memref<512x64xf32, #tpu.memory_space<vmem>>, vector<16xf32>,
          %add3A_379 = arith.addf %select_n3A_343, %get3A_378 : vector<16xf32>
          %select_n3A_380 = arith.select %ne3A_371, %get3A_378, %add3A_379 : vector<16xi1>, vector<16xf32>
          tpu.vector_store_idx %arg15[%gather3A_333, %add3A_12], %select_n3A_348 masked %ne3A_371 {add = true} : memref<64x64xf32, #tpu.memory_space<vmem>>[vector<16xi32>, vector<16xi32>], vector<16xf32>, vector<16xi1>
          %get3A_381 = arith.index_cast %add3A_375 : i32 to index
          %get3A_382 = arith.constant 16 : index
          %get3A_383 = tpu.vector_load %arg5[%get3A_381, %get3A_382] {strides = array<i32>} : memref<512x64xf32, #tpu.memory_space<vmem>>, vector<16xf32>,
          %add3A_384 = arith.addf %select_n3A_348, %get3A_383 : vector<16xf32>
          %select_n3A_385 = arith.select %ne3A_371, %get3A_383, %add3A_384 : vector<16xi1>, vector<16xf32>
          tpu.vector_store_idx %arg15[%gather3A_333, %add3A_16], %select_n3A_353 masked %ne3A_371 {add = true} : memref<64x64xf32, #tpu.memory_space<vmem>>[vector<16xi32>, vector<16xi32>], vector<16xf32>, vector<16xi1>
          %get3A_386 = arith.index_cast %add3A_375 : i32 to index
          %get3A_387 = arith.constant 32 : index
          %get3A_388 = tpu.vector_load %arg5[%get3A_386, %get3A_387] {strides = array<i32>} : memref<512x64xf32, #tpu.memory_space<vmem>>, vector<16xf32>,
          %add3A_389 = arith.addf %select_n3A_353, %get3A_388 : vector<16xf32>
          %select_n3A_390 = arith.select %ne3A_371, %get3A_388, %add3A_389 : vector<16xi1>, vector<16xf32>
          tpu.vector_store_idx %arg15[%gather3A_333, %add3A_20], %select_n3A_358 masked %ne3A_371 {add = true} : memref<64x64xf32, #tpu.memory_space<vmem>>[vector<16xi32>, vector<16xi32>], vector<16xf32>, vector<16xi1>
          %get3A_391 = arith.index_cast %add3A_375 : i32 to index
          %get3A_392 = arith.constant 48 : index
          %get3A_393 = tpu.vector_load %arg5[%get3A_391, %get3A_392] {strides = array<i32>} : memref<512x64xf32, #tpu.memory_space<vmem>>, vector<16xf32>,
          %add3A_394 = arith.addf %select_n3A_358, %get3A_393 : vector<16xf32>
          %select_n3A_395 = arith.select %ne3A_371, %get3A_393, %add3A_394 : vector<16xi1>, vector<16xf32>
          %broadcast_in_dim3A_396 = arith.constant 5 : i32
          %broadcast_in_dim3A_397 = vector.broadcast %broadcast_in_dim3A_396 : i32 to vector<16xi32>
          %lt3A_398 = arith.constant 0 : i32
          %lt3A_399 = vector.broadcast %lt3A_398 : i32 to vector<16xi32>
          %lt3A_400 = arith.cmpi slt, %broadcast_in_dim3A_397, %lt3A_399 : vector<16xi32>
          %add3A_401 = arith.constant 16 : i32
          %add3A_402 = vector.broadcast %add3A_401 : i32 to vector<16xi32>
          %add3A_403 = arith.addi %broadcast_in_dim3A_397, %add3A_402 : vector<16xi32>
          %select_n3A_404 = arith.select %lt3A_400, %add3A_403, %broadcast_in_dim3A_397 : vector<16xi1>, vector<16xi32>
          %broadcast_in_dim3A_405 = vector.shape_cast %select_n3A_404 : vector<16xi32> to vector<16x1xi32>
          %gather3A_406 = vector.shape_cast %broadcast_in_dim3A_405 : vector<16x1xi32> to vector<16xi32>
          %gather3A_407 = tpu.dynamic_gather %get3A_202[%gather3A_406] in [0] : vector<16xi32>, vector<16xi32> -> vector<16xi32>
          %ne3A_408 = arith.cmpi ne, %gather3A_407, %gather3A_370 : vector<16xi32>
          %mul3A_409 = arith.constant 16 : i32
          %mul3A_410 = arith.muli %scan3A_194, %mul3A_409 : i32
          %add3A_411 = arith.constant 5 : i32
          %add3A_412 = arith.addi %mul3A_410, %add3A_411 : i32
          tpu.vector_store_idx %arg15[%gather3A_370, %add3A_8], %select_n3A_380 masked %ne3A_408 {add = true} : memref<64x64xf32, #tpu.memory_space<vmem>>[vector<16xi32>, vector<16xi32>], vector<16xf32>, vector<16xi1>
          %get3A_413 = arith.index_cast %add3A_412 : i32 to index
          %get3A_414 = arith.constant 0 : index
          %get3A_415 = tpu.vector_load %arg5[%get3A_413, %get3A_414] {strides = array<i32>} : memref<512x64xf32, #tpu.memory_space<vmem>>, vector<16xf32>,
          %add3A_416 = arith.addf %select_n3A_380, %get3A_415 : vector<16xf32>
          %select_n3A_417 = arith.select %ne3A_408, %get3A_415, %add3A_416 : vector<16xi1>, vector<16xf32>
          tpu.vector_store_idx %arg15[%gather3A_370, %add3A_12], %select_n3A_385 masked %ne3A_408 {add = true} : memref<64x64xf32, #tpu.memory_space<vmem>>[vector<16xi32>, vector<16xi32>], vector<16xf32>, vector<16xi1>
          %get3A_418 = arith.index_cast %add3A_412 : i32 to index
          %get3A_419 = arith.constant 16 : index
          %get3A_420 = tpu.vector_load %arg5[%get3A_418, %get3A_419] {strides = array<i32>} : memref<512x64xf32, #tpu.memory_space<vmem>>, vector<16xf32>,
          %add3A_421 = arith.addf %select_n3A_385, %get3A_420 : vector<16xf32>
          %select_n3A_422 = arith.select %ne3A_408, %get3A_420, %add3A_421 : vector<16xi1>, vector<16xf32>
          tpu.vector_store_idx %arg15[%gather3A_370, %add3A_16], %select_n3A_390 masked %ne3A_408 {add = true} : memref<64x64xf32, #tpu.memory_space<vmem>>[vector<16xi32>, vector<16xi32>], vector<16xf32>, vector<16xi1>
          %get3A_423 = arith.index_cast %add3A_412 : i32 to index
          %get3A_424 = arith.constant 32 : index
          %get3A_425 = tpu.vector_load %arg5[%get3A_423, %get3A_424] {strides = array<i32>} : memref<512x64xf32, #tpu.memory_space<vmem>>, vector<16xf32>,
          %add3A_426 = arith.addf %select_n3A_390, %get3A_425 : vector<16xf32>
          %select_n3A_427 = arith.select %ne3A_408, %get3A_425, %add3A_426 : vector<16xi1>, vector<16xf32>
          tpu.vector_store_idx %arg15[%gather3A_370, %add3A_20], %select_n3A_395 masked %ne3A_408 {add = true} : memref<64x64xf32, #tpu.memory_space<vmem>>[vector<16xi32>, vector<16xi32>], vector<16xf32>, vector<16xi1>
          %get3A_428 = arith.index_cast %add3A_412 : i32 to index
          %get3A_429 = arith.constant 48 : index
          %get3A_430 = tpu.vector_load %arg5[%get3A_428, %get3A_429] {strides = array<i32>} : memref<512x64xf32, #tpu.memory_space<vmem>>, vector<16xf32>,
          %add3A_431 = arith.addf %select_n3A_395, %get3A_430 : vector<16xf32>
          %select_n3A_432 = arith.select %ne3A_408, %get3A_430, %add3A_431 : vector<16xi1>, vector<16xf32>
          %broadcast_in_dim3A_433 = arith.constant 6 : i32
          %broadcast_in_dim3A_434 = vector.broadcast %broadcast_in_dim3A_433 : i32 to vector<16xi32>
          %lt3A_435 = arith.constant 0 : i32
          %lt3A_436 = vector.broadcast %lt3A_435 : i32 to vector<16xi32>
          %lt3A_437 = arith.cmpi slt, %broadcast_in_dim3A_434, %lt3A_436 : vector<16xi32>
          %add3A_438 = arith.constant 16 : i32
          %add3A_439 = vector.broadcast %add3A_438 : i32 to vector<16xi32>
          %add3A_440 = arith.addi %broadcast_in_dim3A_434, %add3A_439 : vector<16xi32>
          %select_n3A_441 = arith.select %lt3A_437, %add3A_440, %broadcast_in_dim3A_434 : vector<16xi1>, vector<16xi32>
          %broadcast_in_dim3A_442 = vector.shape_cast %select_n3A_441 : vector<16xi32> to vector<16x1xi32>
          %gather3A_443 = vector.shape_cast %broadcast_in_dim3A_442 : vector<16x1xi32> to vector<16xi32>
          %gather3A_444 = tpu.dynamic_gather %get3A_202[%gather3A_443] in [0] : vector<16xi32>, vector<16xi32> -> vector<16xi32>
          %ne3A_445 = arith.cmpi ne, %gather3A_444, %gather3A_407 : vector<16xi32>
          %mul3A_446 = arith.constant 16 : i32
          %mul3A_447 = arith.muli %scan3A_194, %mul3A_446 : i32
          %add3A_448 = arith.constant 6 : i32
          %add3A_449 = arith.addi %mul3A_447, %add3A_448 : i32
          tpu.vector_store_idx %arg15[%gather3A_407, %add3A_8], %select_n3A_417 masked %ne3A_445 {add = true} : memref<64x64xf32, #tpu.memory_space<vmem>>[vector<16xi32>, vector<16xi32>], vector<16xf32>, vector<16xi1>
          %get3A_450 = arith.index_cast %add3A_449 : i32 to index
          %get3A_451 = arith.constant 0 : index
          %get3A_452 = tpu.vector_load %arg5[%get3A_450, %get3A_451] {strides = array<i32>} : memref<512x64xf32, #tpu.memory_space<vmem>>, vector<16xf32>,
          %add3A_453 = arith.addf %select_n3A_417, %get3A_452 : vector<16xf32>
          %select_n3A_454 = arith.select %ne3A_445, %get3A_452, %add3A_453 : vector<16xi1>, vector<16xf32>
          tpu.vector_store_idx %arg15[%gather3A_407, %add3A_12], %select_n3A_422 masked %ne3A_445 {add = true} : memref<64x64xf32, #tpu.memory_space<vmem>>[vector<16xi32>, vector<16xi32>], vector<16xf32>, vector<16xi1>
          %get3A_455 = arith.index_cast %add3A_449 : i32 to index
          %get3A_456 = arith.constant 16 : index
          %get3A_457 = tpu.vector_load %arg5[%get3A_455, %get3A_456] {strides = array<i32>} : memref<512x64xf32, #tpu.memory_space<vmem>>, vector<16xf32>,
          %add3A_458 = arith.addf %select_n3A_422, %get3A_457 : vector<16xf32>
          %select_n3A_459 = arith.select %ne3A_445, %get3A_457, %add3A_458 : vector<16xi1>, vector<16xf32>
          tpu.vector_store_idx %arg15[%gather3A_407, %add3A_16], %select_n3A_427 masked %ne3A_445 {add = true} : memref<64x64xf32, #tpu.memory_space<vmem>>[vector<16xi32>, vector<16xi32>], vector<16xf32>, vector<16xi1>
          %get3A_460 = arith.index_cast %add3A_449 : i32 to index
          %get3A_461 = arith.constant 32 : index
          %get3A_462 = tpu.vector_load %arg5[%get3A_460, %get3A_461] {strides = array<i32>} : memref<512x64xf32, #tpu.memory_space<vmem>>, vector<16xf32>,
          %add3A_463 = arith.addf %select_n3A_427, %get3A_462 : vector<16xf32>
          %select_n3A_464 = arith.select %ne3A_445, %get3A_462, %add3A_463 : vector<16xi1>, vector<16xf32>
          tpu.vector_store_idx %arg15[%gather3A_407, %add3A_20], %select_n3A_432 masked %ne3A_445 {add = true} : memref<64x64xf32, #tpu.memory_space<vmem>>[vector<16xi32>, vector<16xi32>], vector<16xf32>, vector<16xi1>
          %get3A_465 = arith.index_cast %add3A_449 : i32 to index
          %get3A_466 = arith.constant 48 : index
          %get3A_467 = tpu.vector_load %arg5[%get3A_465, %get3A_466] {strides = array<i32>} : memref<512x64xf32, #tpu.memory_space<vmem>>, vector<16xf32>,
          %add3A_468 = arith.addf %select_n3A_432, %get3A_467 : vector<16xf32>
          %select_n3A_469 = arith.select %ne3A_445, %get3A_467, %add3A_468 : vector<16xi1>, vector<16xf32>
          %broadcast_in_dim3A_470 = arith.constant 7 : i32
          %broadcast_in_dim3A_471 = vector.broadcast %broadcast_in_dim3A_470 : i32 to vector<16xi32>
          %lt3A_472 = arith.constant 0 : i32
          %lt3A_473 = vector.broadcast %lt3A_472 : i32 to vector<16xi32>
          %lt3A_474 = arith.cmpi slt, %broadcast_in_dim3A_471, %lt3A_473 : vector<16xi32>
          %add3A_475 = arith.constant 16 : i32
          %add3A_476 = vector.broadcast %add3A_475 : i32 to vector<16xi32>
          %add3A_477 = arith.addi %broadcast_in_dim3A_471, %add3A_476 : vector<16xi32>
          %select_n3A_478 = arith.select %lt3A_474, %add3A_477, %broadcast_in_dim3A_471 : vector<16xi1>, vector<16xi32>
          %broadcast_in_dim3A_479 = vector.shape_cast %select_n3A_478 : vector<16xi32> to vector<16x1xi32>
          %gather3A_480 = vector.shape_cast %broadcast_in_dim3A_479 : vector<16x1xi32> to vector<16xi32>
          %gather3A_481 = tpu.dynamic_gather %get3A_202[%gather3A_480] in [0] : vector<16xi32>, vector<16xi32> -> vector<16xi32>
          %ne3A_482 = arith.cmpi ne, %gather3A_481, %gather3A_444 : vector<16xi32>
          %mul3A_483 = arith.constant 16 : i32
          %mul3A_484 = arith.muli %scan3A_194, %mul3A_483 : i32
          %add3A_485 = arith.constant 7 : i32
          %add3A_486 = arith.addi %mul3A_484, %add3A_485 : i32
          tpu.vector_store_idx %arg15[%gather3A_444, %add3A_8], %select_n3A_454 masked %ne3A_482 {add = true} : memref<64x64xf32, #tpu.memory_space<vmem>>[vector<16xi32>, vector<16xi32>], vector<16xf32>, vector<16xi1>
          %get3A_487 = arith.index_cast %add3A_486 : i32 to index
          %get3A_488 = arith.constant 0 : index
          %get3A_489 = tpu.vector_load %arg5[%get3A_487, %get3A_488] {strides = array<i32>} : memref<512x64xf32, #tpu.memory_space<vmem>>, vector<16xf32>,
          %add3A_490 = arith.addf %select_n3A_454, %get3A_489 : vector<16xf32>
          %select_n3A_491 = arith.select %ne3A_482, %get3A_489, %add3A_490 : vector<16xi1>, vector<16xf32>
          tpu.vector_store_idx %arg15[%gather3A_444, %add3A_12], %select_n3A_459 masked %ne3A_482 {add = true} : memref<64x64xf32, #tpu.memory_space<vmem>>[vector<16xi32>, vector<16xi32>], vector<16xf32>, vector<16xi1>
          %get3A_492 = arith.index_cast %add3A_486 : i32 to index
          %get3A_493 = arith.constant 16 : index
          %get3A_494 = tpu.vector_load %arg5[%get3A_492, %get3A_493] {strides = array<i32>} : memref<512x64xf32, #tpu.memory_space<vmem>>, vector<16xf32>,
          %add3A_495 = arith.addf %select_n3A_459, %get3A_494 : vector<16xf32>
          %select_n3A_496 = arith.select %ne3A_482, %get3A_494, %add3A_495 : vector<16xi1>, vector<16xf32>
          tpu.vector_store_idx %arg15[%gather3A_444, %add3A_16], %select_n3A_464 masked %ne3A_482 {add = true} : memref<64x64xf32, #tpu.memory_space<vmem>>[vector<16xi32>, vector<16xi32>], vector<16xf32>, vector<16xi1>
          %get3A_497 = arith.index_cast %add3A_486 : i32 to index
          %get3A_498 = arith.constant 32 : index
          %get3A_499 = tpu.vector_load %arg5[%get3A_497, %get3A_498] {strides = array<i32>} : memref<512x64xf32, #tpu.memory_space<vmem>>, vector<16xf32>,
          %add3A_500 = arith.addf %select_n3A_464, %get3A_499 : vector<16xf32>
          %select_n3A_501 = arith.select %ne3A_482, %get3A_499, %add3A_500 : vector<16xi1>, vector<16xf32>
          tpu.vector_store_idx %arg15[%gather3A_444, %add3A_20], %select_n3A_469 masked %ne3A_482 {add = true} : memref<64x64xf32, #tpu.memory_space<vmem>>[vector<16xi32>, vector<16xi32>], vector<16xf32>, vector<16xi1>
          %get3A_502 = arith.index_cast %add3A_486 : i32 to index
          %get3A_503 = arith.constant 48 : index
          %get3A_504 = tpu.vector_load %arg5[%get3A_502, %get3A_503] {strides = array<i32>} : memref<512x64xf32, #tpu.memory_space<vmem>>, vector<16xf32>,
          %add3A_505 = arith.addf %select_n3A_469, %get3A_504 : vector<16xf32>
          %select_n3A_506 = arith.select %ne3A_482, %get3A_504, %add3A_505 : vector<16xi1>, vector<16xf32>
          %broadcast_in_dim3A_507 = arith.constant 8 : i32
          %broadcast_in_dim3A_508 = vector.broadcast %broadcast_in_dim3A_507 : i32 to vector<16xi32>
          %lt3A_509 = arith.constant 0 : i32
          %lt3A_510 = vector.broadcast %lt3A_509 : i32 to vector<16xi32>
          %lt3A_511 = arith.cmpi slt, %broadcast_in_dim3A_508, %lt3A_510 : vector<16xi32>
          %add3A_512 = arith.constant 16 : i32
          %add3A_513 = vector.broadcast %add3A_512 : i32 to vector<16xi32>
          %add3A_514 = arith.addi %broadcast_in_dim3A_508, %add3A_513 : vector<16xi32>
          %select_n3A_515 = arith.select %lt3A_511, %add3A_514, %broadcast_in_dim3A_508 : vector<16xi1>, vector<16xi32>
          %broadcast_in_dim3A_516 = vector.shape_cast %select_n3A_515 : vector<16xi32> to vector<16x1xi32>
          %gather3A_517 = vector.shape_cast %broadcast_in_dim3A_516 : vector<16x1xi32> to vector<16xi32>
          %gather3A_518 = tpu.dynamic_gather %get3A_202[%gather3A_517] in [0] : vector<16xi32>, vector<16xi32> -> vector<16xi32>
          %ne3A_519 = arith.cmpi ne, %gather3A_518, %gather3A_481 : vector<16xi32>
          %mul3A_520 = arith.constant 16 : i32
          %mul3A_521 = arith.muli %scan3A_194, %mul3A_520 : i32
          %add3A_522 = arith.constant 8 : i32
          %add3A_523 = arith.addi %mul3A_521, %add3A_522 : i32
          tpu.vector_store_idx %arg15[%gather3A_481, %add3A_8], %select_n3A_491 masked %ne3A_519 {add = true} : memref<64x64xf32, #tpu.memory_space<vmem>>[vector<16xi32>, vector<16xi32>], vector<16xf32>, vector<16xi1>
          %get3A_524 = arith.index_cast %add3A_523 : i32 to index
          %get3A_525 = arith.constant 0 : index
          %get3A_526 = tpu.vector_load %arg5[%get3A_524, %get3A_525] {strides = array<i32>} : memref<512x64xf32, #tpu.memory_space<vmem>>, vector<16xf32>,
          %add3A_527 = arith.addf %select_n3A_491, %get3A_526 : vector<16xf32>
          %select_n3A_528 = arith.select %ne3A_519, %get3A_526, %add3A_527 : vector<16xi1>, vector<16xf32>
          tpu.vector_store_idx %arg15[%gather3A_481, %add3A_12], %select_n3A_496 masked %ne3A_519 {add = true} : memref<64x64xf32, #tpu.memory_space<vmem>>[vector<16xi32>, vector<16xi32>], vector<16xf32>, vector<16xi1>
          %get3A_529 = arith.index_cast %add3A_523 : i32 to index
          %get3A_530 = arith.constant 16 : index
          %get3A_531 = tpu.vector_load %arg5[%get3A_529, %get3A_530] {strides = array<i32>} : memref<512x64xf32, #tpu.memory_space<vmem>>, vector<16xf32>,
          %add3A_532 = arith.addf %select_n3A_496, %get3A_531 : vector<16xf32>
          %select_n3A_533 = arith.select %ne3A_519, %get3A_531, %add3A_532 : vector<16xi1>, vector<16xf32>
          tpu.vector_store_idx %arg15[%gather3A_481, %add3A_16], %select_n3A_501 masked %ne3A_519 {add = true} : memref<64x64xf32, #tpu.memory_space<vmem>>[vector<16xi32>, vector<16xi32>], vector<16xf32>, vector<16xi1>
          %get3A_534 = arith.index_cast %add3A_523 : i32 to index
          %get3A_535 = arith.constant 32 : index
          %get3A_536 = tpu.vector_load %arg5[%get3A_534, %get3A_535] {strides = array<i32>} : memref<512x64xf32, #tpu.memory_space<vmem>>, vector<16xf32>,
          %add3A_537 = arith.addf %select_n3A_501, %get3A_536 : vector<16xf32>
          %select_n3A_538 = arith.select %ne3A_519, %get3A_536, %add3A_537 : vector<16xi1>, vector<16xf32>
          tpu.vector_store_idx %arg15[%gather3A_481, %add3A_20], %select_n3A_506 masked %ne3A_519 {add = true} : memref<64x64xf32, #tpu.memory_space<vmem>>[vector<16xi32>, vector<16xi32>], vector<16xf32>, vector<16xi1>
          %get3A_539 = arith.index_cast %add3A_523 : i32 to index
          %get3A_540 = arith.constant 48 : index
          %get3A_541 = tpu.vector_load %arg5[%get3A_539, %get3A_540] {strides = array<i32>} : memref<512x64xf32, #tpu.memory_space<vmem>>, vector<16xf32>,
          %add3A_542 = arith.addf %select_n3A_506, %get3A_541 : vector<16xf32>
          %select_n3A_543 = arith.select %ne3A_519, %get3A_541, %add3A_542 : vector<16xi1>, vector<16xf32>
          %broadcast_in_dim3A_544 = arith.constant 9 : i32
          %broadcast_in_dim3A_545 = vector.broadcast %broadcast_in_dim3A_544 : i32 to vector<16xi32>
          %lt3A_546 = arith.constant 0 : i32
          %lt3A_547 = vector.broadcast %lt3A_546 : i32 to vector<16xi32>
          %lt3A_548 = arith.cmpi slt, %broadcast_in_dim3A_545, %lt3A_547 : vector<16xi32>
          %add3A_549 = arith.constant 16 : i32
          %add3A_550 = vector.broadcast %add3A_549 : i32 to vector<16xi32>
          %add3A_551 = arith.addi %broadcast_in_dim3A_545, %add3A_550 : vector<16xi32>
          %select_n3A_552 = arith.select %lt3A_548, %add3A_551, %broadcast_in_dim3A_545 : vector<16xi1>, vector<16xi32>
          %broadcast_in_dim3A_553 = vector.shape_cast %select_n3A_552 : vector<16xi32> to vector<16x1xi32>
          %gather3A_554 = vector.shape_cast %broadcast_in_dim3A_553 : vector<16x1xi32> to vector<16xi32>
          %gather3A_555 = tpu.dynamic_gather %get3A_202[%gather3A_554] in [0] : vector<16xi32>, vector<16xi32> -> vector<16xi32>
          %ne3A_556 = arith.cmpi ne, %gather3A_555, %gather3A_518 : vector<16xi32>
          %mul3A_557 = arith.constant 16 : i32
          %mul3A_558 = arith.muli %scan3A_194, %mul3A_557 : i32
          %add3A_559 = arith.constant 9 : i32
          %add3A_560 = arith.addi %mul3A_558, %add3A_559 : i32
          tpu.vector_store_idx %arg15[%gather3A_518, %add3A_8], %select_n3A_528 masked %ne3A_556 {add = true} : memref<64x64xf32, #tpu.memory_space<vmem>>[vector<16xi32>, vector<16xi32>], vector<16xf32>, vector<16xi1>
          %get3A_561 = arith.index_cast %add3A_560 : i32 to index
          %get3A_562 = arith.constant 0 : index
          %get3A_563 = tpu.vector_load %arg5[%get3A_561, %get3A_562] {strides = array<i32>} : memref<512x64xf32, #tpu.memory_space<vmem>>, vector<16xf32>,
          %add3A_564 = arith.addf %select_n3A_528, %get3A_563 : vector<16xf32>
          %select_n3A_565 = arith.select %ne3A_556, %get3A_563, %add3A_564 : vector<16xi1>, vector<16xf32>
          tpu.vector_store_idx %arg15[%gather3A_518, %add3A_12], %select_n3A_533 masked %ne3A_556 {add = true} : memref<64x64xf32, #tpu.memory_space<vmem>>[vector<16xi32>, vector<16xi32>], vector<16xf32>, vector<16xi1>
          %get3A_566 = arith.index_cast %add3A_560 : i32 to index
          %get3A_567 = arith.constant 16 : index
          %get3A_568 = tpu.vector_load %arg5[%get3A_566, %get3A_567] {strides = array<i32>} : memref<512x64xf32, #tpu.memory_space<vmem>>, vector<16xf32>,
          %add3A_569 = arith.addf %select_n3A_533, %get3A_568 : vector<16xf32>
          %select_n3A_570 = arith.select %ne3A_556, %get3A_568, %add3A_569 : vector<16xi1>, vector<16xf32>
          tpu.vector_store_idx %arg15[%gather3A_518, %add3A_16], %select_n3A_538 masked %ne3A_556 {add = true} : memref<64x64xf32, #tpu.memory_space<vmem>>[vector<16xi32>, vector<16xi32>], vector<16xf32>, vector<16xi1>
          %get3A_571 = arith.index_cast %add3A_560 : i32 to index
          %get3A_572 = arith.constant 32 : index
          %get3A_573 = tpu.vector_load %arg5[%get3A_571, %get3A_572] {strides = array<i32>} : memref<512x64xf32, #tpu.memory_space<vmem>>, vector<16xf32>,
          %add3A_574 = arith.addf %select_n3A_538, %get3A_573 : vector<16xf32>
          %select_n3A_575 = arith.select %ne3A_556, %get3A_573, %add3A_574 : vector<16xi1>, vector<16xf32>
          tpu.vector_store_idx %arg15[%gather3A_518, %add3A_20], %select_n3A_543 masked %ne3A_556 {add = true} : memref<64x64xf32, #tpu.memory_space<vmem>>[vector<16xi32>, vector<16xi32>], vector<16xf32>, vector<16xi1>
          %get3A_576 = arith.index_cast %add3A_560 : i32 to index
          %get3A_577 = arith.constant 48 : index
          %get3A_578 = tpu.vector_load %arg5[%get3A_576, %get3A_577] {strides = array<i32>} : memref<512x64xf32, #tpu.memory_space<vmem>>, vector<16xf32>,
          %add3A_579 = arith.addf %select_n3A_543, %get3A_578 : vector<16xf32>
          %select_n3A_580 = arith.select %ne3A_556, %get3A_578, %add3A_579 : vector<16xi1>, vector<16xf32>
          %broadcast_in_dim3A_581 = arith.constant 10 : i32
          %broadcast_in_dim3A_582 = vector.broadcast %broadcast_in_dim3A_581 : i32 to vector<16xi32>
          %lt3A_583 = arith.constant 0 : i32
          %lt3A_584 = vector.broadcast %lt3A_583 : i32 to vector<16xi32>
          %lt3A_585 = arith.cmpi slt, %broadcast_in_dim3A_582, %lt3A_584 : vector<16xi32>
          %add3A_586 = arith.constant 16 : i32
          %add3A_587 = vector.broadcast %add3A_586 : i32 to vector<16xi32>
          %add3A_588 = arith.addi %broadcast_in_dim3A_582, %add3A_587 : vector<16xi32>
          %select_n3A_589 = arith.select %lt3A_585, %add3A_588, %broadcast_in_dim3A_582 : vector<16xi1>, vector<16xi32>
          %broadcast_in_dim3A_590 = vector.shape_cast %select_n3A_589 : vector<16xi32> to vector<16x1xi32>
          %gather3A_591 = vector.shape_cast %broadcast_in_dim3A_590 : vector<16x1xi32> to vector<16xi32>
          %gather3A_592 = tpu.dynamic_gather %get3A_202[%gather3A_591] in [0] : vector<16xi32>, vector<16xi32> -> vector<16xi32>
          %ne3A_593 = arith.cmpi ne, %gather3A_592, %gather3A_555 : vector<16xi32>
          %mul3A_594 = arith.constant 16 : i32
          %mul3A_595 = arith.muli %scan3A_194, %mul3A_594 : i32
          %add3A_596 = arith.constant 10 : i32
          %add3A_597 = arith.addi %mul3A_595, %add3A_596 : i32
          tpu.vector_store_idx %arg15[%gather3A_555, %add3A_8], %select_n3A_565 masked %ne3A_593 {add = true} : memref<64x64xf32, #tpu.memory_space<vmem>>[vector<16xi32>, vector<16xi32>], vector<16xf32>, vector<16xi1>
          %get3A_598 = arith.index_cast %add3A_597 : i32 to index
          %get3A_599 = arith.constant 0 : index
          %get3A_600 = tpu.vector_load %arg5[%get3A_598, %get3A_599] {strides = array<i32>} : memref<512x64xf32, #tpu.memory_space<vmem>>, vector<16xf32>,
          %add3A_601 = arith.addf %select_n3A_565, %get3A_600 : vector<16xf32>
          %select_n3A_602 = arith.select %ne3A_593, %get3A_600, %add3A_601 : vector<16xi1>, vector<16xf32>
          tpu.vector_store_idx %arg15[%gather3A_555, %add3A_12], %select_n3A_570 masked %ne3A_593 {add = true} : memref<64x64xf32, #tpu.memory_space<vmem>>[vector<16xi32>, vector<16xi32>], vector<16xf32>, vector<16xi1>
          %get3A_603 = arith.index_cast %add3A_597 : i32 to index
          %get3A_604 = arith.constant 16 : index
          %get3A_605 = tpu.vector_load %arg5[%get3A_603, %get3A_604] {strides = array<i32>} : memref<512x64xf32, #tpu.memory_space<vmem>>, vector<16xf32>,
          %add3A_606 = arith.addf %select_n3A_570, %get3A_605 : vector<16xf32>
          %select_n3A_607 = arith.select %ne3A_593, %get3A_605, %add3A_606 : vector<16xi1>, vector<16xf32>
          tpu.vector_store_idx %arg15[%gather3A_555, %add3A_16], %select_n3A_575 masked %ne3A_593 {add = true} : memref<64x64xf32, #tpu.memory_space<vmem>>[vector<16xi32>, vector<16xi32>], vector<16xf32>, vector<16xi1>
          %get3A_608 = arith.index_cast %add3A_597 : i32 to index
          %get3A_609 = arith.constant 32 : index
          %get3A_610 = tpu.vector_load %arg5[%get3A_608, %get3A_609] {strides = array<i32>} : memref<512x64xf32, #tpu.memory_space<vmem>>, vector<16xf32>,
          %add3A_611 = arith.addf %select_n3A_575, %get3A_610 : vector<16xf32>
          %select_n3A_612 = arith.select %ne3A_593, %get3A_610, %add3A_611 : vector<16xi1>, vector<16xf32>
          tpu.vector_store_idx %arg15[%gather3A_555, %add3A_20], %select_n3A_580 masked %ne3A_593 {add = true} : memref<64x64xf32, #tpu.memory_space<vmem>>[vector<16xi32>, vector<16xi32>], vector<16xf32>, vector<16xi1>
          %get3A_613 = arith.index_cast %add3A_597 : i32 to index
          %get3A_614 = arith.constant 48 : index
          %get3A_615 = tpu.vector_load %arg5[%get3A_613, %get3A_614] {strides = array<i32>} : memref<512x64xf32, #tpu.memory_space<vmem>>, vector<16xf32>,
          %add3A_616 = arith.addf %select_n3A_580, %get3A_615 : vector<16xf32>
          %select_n3A_617 = arith.select %ne3A_593, %get3A_615, %add3A_616 : vector<16xi1>, vector<16xf32>
          %broadcast_in_dim3A_618 = arith.constant 11 : i32
          %broadcast_in_dim3A_619 = vector.broadcast %broadcast_in_dim3A_618 : i32 to vector<16xi32>
          %lt3A_620 = arith.constant 0 : i32
          %lt3A_621 = vector.broadcast %lt3A_620 : i32 to vector<16xi32>
          %lt3A_622 = arith.cmpi slt, %broadcast_in_dim3A_619, %lt3A_621 : vector<16xi32>
          %add3A_623 = arith.constant 16 : i32
          %add3A_624 = vector.broadcast %add3A_623 : i32 to vector<16xi32>
          %add3A_625 = arith.addi %broadcast_in_dim3A_619, %add3A_624 : vector<16xi32>
          %select_n3A_626 = arith.select %lt3A_622, %add3A_625, %broadcast_in_dim3A_619 : vector<16xi1>, vector<16xi32>
          %broadcast_in_dim3A_627 = vector.shape_cast %select_n3A_626 : vector<16xi32> to vector<16x1xi32>
          %gather3A_628 = vector.shape_cast %broadcast_in_dim3A_627 : vector<16x1xi32> to vector<16xi32>
          %gather3A_629 = tpu.dynamic_gather %get3A_202[%gather3A_628] in [0] : vector<16xi32>, vector<16xi32> -> vector<16xi32>
          %ne3A_630 = arith.cmpi ne, %gather3A_629, %gather3A_592 : vector<16xi32>
          %mul3A_631 = arith.constant 16 : i32
          %mul3A_632 = arith.muli %scan3A_194, %mul3A_631 : i32
          %add3A_633 = arith.constant 11 : i32
          %add3A_634 = arith.addi %mul3A_632, %add3A_633 : i32
          tpu.vector_store_idx %arg15[%gather3A_592, %add3A_8], %select_n3A_602 masked %ne3A_630 {add = true} : memref<64x64xf32, #tpu.memory_space<vmem>>[vector<16xi32>, vector<16xi32>], vector<16xf32>, vector<16xi1>
          %get3A_635 = arith.index_cast %add3A_634 : i32 to index
          %get3A_636 = arith.constant 0 : index
          %get3A_637 = tpu.vector_load %arg5[%get3A_635, %get3A_636] {strides = array<i32>} : memref<512x64xf32, #tpu.memory_space<vmem>>, vector<16xf32>,
          %add3A_638 = arith.addf %select_n3A_602, %get3A_637 : vector<16xf32>
          %select_n3A_639 = arith.select %ne3A_630, %get3A_637, %add3A_638 : vector<16xi1>, vector<16xf32>
          tpu.vector_store_idx %arg15[%gather3A_592, %add3A_12], %select_n3A_607 masked %ne3A_630 {add = true} : memref<64x64xf32, #tpu.memory_space<vmem>>[vector<16xi32>, vector<16xi32>], vector<16xf32>, vector<16xi1>
          %get3A_640 = arith.index_cast %add3A_634 : i32 to index
          %get3A_641 = arith.constant 16 : index
          %get3A_642 = tpu.vector_load %arg5[%get3A_640, %get3A_641] {strides = array<i32>} : memref<512x64xf32, #tpu.memory_space<vmem>>, vector<16xf32>,
          %add3A_643 = arith.addf %select_n3A_607, %get3A_642 : vector<16xf32>
          %select_n3A_644 = arith.select %ne3A_630, %get3A_642, %add3A_643 : vector<16xi1>, vector<16xf32>
          tpu.vector_store_idx %arg15[%gather3A_592, %add3A_16], %select_n3A_612 masked %ne3A_630 {add = true} : memref<64x64xf32, #tpu.memory_space<vmem>>[vector<16xi32>, vector<16xi32>], vector<16xf32>, vector<16xi1>
          %get3A_645 = arith.index_cast %add3A_634 : i32 to index
          %get3A_646 = arith.constant 32 : index
          %get3A_647 = tpu.vector_load %arg5[%get3A_645, %get3A_646] {strides = array<i32>} : memref<512x64xf32, #tpu.memory_space<vmem>>, vector<16xf32>,
          %add3A_648 = arith.addf %select_n3A_612, %get3A_647 : vector<16xf32>
          %select_n3A_649 = arith.select %ne3A_630, %get3A_647, %add3A_648 : vector<16xi1>, vector<16xf32>
          tpu.vector_store_idx %arg15[%gather3A_592, %add3A_20], %select_n3A_617 masked %ne3A_630 {add = true} : memref<64x64xf32, #tpu.memory_space<vmem>>[vector<16xi32>, vector<16xi32>], vector<16xf32>, vector<16xi1>
          %get3A_650 = arith.index_cast %add3A_634 : i32 to index
          %get3A_651 = arith.constant 48 : index
          %get3A_652 = tpu.vector_load %arg5[%get3A_650, %get3A_651] {strides = array<i32>} : memref<512x64xf32, #tpu.memory_space<vmem>>, vector<16xf32>,
          %add3A_653 = arith.addf %select_n3A_617, %get3A_652 : vector<16xf32>
          %select_n3A_654 = arith.select %ne3A_630, %get3A_652, %add3A_653 : vector<16xi1>, vector<16xf32>
          %broadcast_in_dim3A_655 = arith.constant 12 : i32
          %broadcast_in_dim3A_656 = vector.broadcast %broadcast_in_dim3A_655 : i32 to vector<16xi32>
          %lt3A_657 = arith.constant 0 : i32
          %lt3A_658 = vector.broadcast %lt3A_657 : i32 to vector<16xi32>
          %lt3A_659 = arith.cmpi slt, %broadcast_in_dim3A_656, %lt3A_658 : vector<16xi32>
          %add3A_660 = arith.constant 16 : i32
          %add3A_661 = vector.broadcast %add3A_660 : i32 to vector<16xi32>
          %add3A_662 = arith.addi %broadcast_in_dim3A_656, %add3A_661 : vector<16xi32>
          %select_n3A_663 = arith.select %lt3A_659, %add3A_662, %broadcast_in_dim3A_656 : vector<16xi1>, vector<16xi32>
          %broadcast_in_dim3A_664 = vector.shape_cast %select_n3A_663 : vector<16xi32> to vector<16x1xi32>
          %gather3A_665 = vector.shape_cast %broadcast_in_dim3A_664 : vector<16x1xi32> to vector<16xi32>
          %gather3A_666 = tpu.dynamic_gather %get3A_202[%gather3A_665] in [0] : vector<16xi32>, vector<16xi32> -> vector<16xi32>
          %ne3A_667 = arith.cmpi ne, %gather3A_666, %gather3A_629 : vector<16xi32>
          %mul3A_668 = arith.constant 16 : i32
          %mul3A_669 = arith.muli %scan3A_194, %mul3A_668 : i32
          %add3A_670 = arith.constant 12 : i32
          %add3A_671 = arith.addi %mul3A_669, %add3A_670 : i32
          tpu.vector_store_idx %arg15[%gather3A_629, %add3A_8], %select_n3A_639 masked %ne3A_667 {add = true} : memref<64x64xf32, #tpu.memory_space<vmem>>[vector<16xi32>, vector<16xi32>], vector<16xf32>, vector<16xi1>
          %get3A_672 = arith.index_cast %add3A_671 : i32 to index
          %get3A_673 = arith.constant 0 : index
          %get3A_674 = tpu.vector_load %arg5[%get3A_672, %get3A_673] {strides = array<i32>} : memref<512x64xf32, #tpu.memory_space<vmem>>, vector<16xf32>,
          %add3A_675 = arith.addf %select_n3A_639, %get3A_674 : vector<16xf32>
          %select_n3A_676 = arith.select %ne3A_667, %get3A_674, %add3A_675 : vector<16xi1>, vector<16xf32>
          tpu.vector_store_idx %arg15[%gather3A_629, %add3A_12], %select_n3A_644 masked %ne3A_667 {add = true} : memref<64x64xf32, #tpu.memory_space<vmem>>[vector<16xi32>, vector<16xi32>], vector<16xf32>, vector<16xi1>
          %get3A_677 = arith.index_cast %add3A_671 : i32 to index
          %get3A_678 = arith.constant 16 : index
          %get3A_679 = tpu.vector_load %arg5[%get3A_677, %get3A_678] {strides = array<i32>} : memref<512x64xf32, #tpu.memory_space<vmem>>, vector<16xf32>,
          %add3A_680 = arith.addf %select_n3A_644, %get3A_679 : vector<16xf32>
          %select_n3A_681 = arith.select %ne3A_667, %get3A_679, %add3A_680 : vector<16xi1>, vector<16xf32>
          tpu.vector_store_idx %arg15[%gather3A_629, %add3A_16], %select_n3A_649 masked %ne3A_667 {add = true} : memref<64x64xf32, #tpu.memory_space<vmem>>[vector<16xi32>, vector<16xi32>], vector<16xf32>, vector<16xi1>
          %get3A_682 = arith.index_cast %add3A_671 : i32 to index
          %get3A_683 = arith.constant 32 : index
          %get3A_684 = tpu.vector_load %arg5[%get3A_682, %get3A_683] {strides = array<i32>} : memref<512x64xf32, #tpu.memory_space<vmem>>, vector<16xf32>,
          %add3A_685 = arith.addf %select_n3A_649, %get3A_684 : vector<16xf32>
          %select_n3A_686 = arith.select %ne3A_667, %get3A_684, %add3A_685 : vector<16xi1>, vector<16xf32>
          tpu.vector_store_idx %arg15[%gather3A_629, %add3A_20], %select_n3A_654 masked %ne3A_667 {add = true} : memref<64x64xf32, #tpu.memory_space<vmem>>[vector<16xi32>, vector<16xi32>], vector<16xf32>, vector<16xi1>
          %get3A_687 = arith.index_cast %add3A_671 : i32 to index
          %get3A_688 = arith.constant 48 : index
          %get3A_689 = tpu.vector_load %arg5[%get3A_687, %get3A_688] {strides = array<i32>} : memref<512x64xf32, #tpu.memory_space<vmem>>, vector<16xf32>,
          %add3A_690 = arith.addf %select_n3A_654, %get3A_689 : vector<16xf32>
          %select_n3A_691 = arith.select %ne3A_667, %get3A_689, %add3A_690 : vector<16xi1>, vector<16xf32>
          %broadcast_in_dim3A_692 = arith.constant 13 : i32
          %broadcast_in_dim3A_693 = vector.broadcast %broadcast_in_dim3A_692 : i32 to vector<16xi32>
          %lt3A_694 = arith.constant 0 : i32
          %lt3A_695 = vector.broadcast %lt3A_694 : i32 to vector<16xi32>
          %lt3A_696 = arith.cmpi slt, %broadcast_in_dim3A_693, %lt3A_695 : vector<16xi32>
          %add3A_697 = arith.constant 16 : i32
          %add3A_698 = vector.broadcast %add3A_697 : i32 to vector<16xi32>
          %add3A_699 = arith.addi %broadcast_in_dim3A_693, %add3A_698 : vector<16xi32>
          %select_n3A_700 = arith.select %lt3A_696, %add3A_699, %broadcast_in_dim3A_693 : vector<16xi1>, vector<16xi32>
          %broadcast_in_dim3A_701 = vector.shape_cast %select_n3A_700 : vector<16xi32> to vector<16x1xi32>
          %gather3A_702 = vector.shape_cast %broadcast_in_dim3A_701 : vector<16x1xi32> to vector<16xi32>
          %gather3A_703 = tpu.dynamic_gather %get3A_202[%gather3A_702] in [0] : vector<16xi32>, vector<16xi32> -> vector<16xi32>
          %ne3A_704 = arith.cmpi ne, %gather3A_703, %gather3A_666 : vector<16xi32>
          %mul3A_705 = arith.constant 16 : i32
          %mul3A_706 = arith.muli %scan3A_194, %mul3A_705 : i32
          %add3A_707 = arith.constant 13 : i32
          %add3A_708 = arith.addi %mul3A_706, %add3A_707 : i32
          tpu.vector_store_idx %arg15[%gather3A_666, %add3A_8], %select_n3A_676 masked %ne3A_704 {add = true} : memref<64x64xf32, #tpu.memory_space<vmem>>[vector<16xi32>, vector<16xi32>], vector<16xf32>, vector<16xi1>
          %get3A_709 = arith.index_cast %add3A_708 : i32 to index
          %get3A_710 = arith.constant 0 : index
          %get3A_711 = tpu.vector_load %arg5[%get3A_709, %get3A_710] {strides = array<i32>} : memref<512x64xf32, #tpu.memory_space<vmem>>, vector<16xf32>,
          %add3A_712 = arith.addf %select_n3A_676, %get3A_711 : vector<16xf32>
          %select_n3A_713 = arith.select %ne3A_704, %get3A_711, %add3A_712 : vector<16xi1>, vector<16xf32>
          tpu.vector_store_idx %arg15[%gather3A_666, %add3A_12], %select_n3A_681 masked %ne3A_704 {add = true} : memref<64x64xf32, #tpu.memory_space<vmem>>[vector<16xi32>, vector<16xi32>], vector<16xf32>, vector<16xi1>
          %get3A_714 = arith.index_cast %add3A_708 : i32 to index
          %get3A_715 = arith.constant 16 : index
          %get3A_716 = tpu.vector_load %arg5[%get3A_714, %get3A_715] {strides = array<i32>} : memref<512x64xf32, #tpu.memory_space<vmem>>, vector<16xf32>,
          %add3A_717 = arith.addf %select_n3A_681, %get3A_716 : vector<16xf32>
          %select_n3A_718 = arith.select %ne3A_704, %get3A_716, %add3A_717 : vector<16xi1>, vector<16xf32>
          tpu.vector_store_idx %arg15[%gather3A_666, %add3A_16], %select_n3A_686 masked %ne3A_704 {add = true} : memref<64x64xf32, #tpu.memory_space<vmem>>[vector<16xi32>, vector<16xi32>], vector<16xf32>, vector<16xi1>
          %get3A_719 = arith.index_cast %add3A_708 : i32 to index
          %get3A_720 = arith.constant 32 : index
          %get3A_721 = tpu.vector_load %arg5[%get3A_719, %get3A_720] {strides = array<i32>} : memref<512x64xf32, #tpu.memory_space<vmem>>, vector<16xf32>,
          %add3A_722 = arith.addf %select_n3A_686, %get3A_721 : vector<16xf32>
          %select_n3A_723 = arith.select %ne3A_704, %get3A_721, %add3A_722 : vector<16xi1>, vector<16xf32>
          tpu.vector_store_idx %arg15[%gather3A_666, %add3A_20], %select_n3A_691 masked %ne3A_704 {add = true} : memref<64x64xf32, #tpu.memory_space<vmem>>[vector<16xi32>, vector<16xi32>], vector<16xf32>, vector<16xi1>
          %get3A_724 = arith.index_cast %add3A_708 : i32 to index
          %get3A_725 = arith.constant 48 : index
          %get3A_726 = tpu.vector_load %arg5[%get3A_724, %get3A_725] {strides = array<i32>} : memref<512x64xf32, #tpu.memory_space<vmem>>, vector<16xf32>,
          %add3A_727 = arith.addf %select_n3A_691, %get3A_726 : vector<16xf32>
          %select_n3A_728 = arith.select %ne3A_704, %get3A_726, %add3A_727 : vector<16xi1>, vector<16xf32>
          %broadcast_in_dim3A_729 = arith.constant 14 : i32
          %broadcast_in_dim3A_730 = vector.broadcast %broadcast_in_dim3A_729 : i32 to vector<16xi32>
          %lt3A_731 = arith.constant 0 : i32
          %lt3A_732 = vector.broadcast %lt3A_731 : i32 to vector<16xi32>
          %lt3A_733 = arith.cmpi slt, %broadcast_in_dim3A_730, %lt3A_732 : vector<16xi32>
          %add3A_734 = arith.constant 16 : i32
          %add3A_735 = vector.broadcast %add3A_734 : i32 to vector<16xi32>
          %add3A_736 = arith.addi %broadcast_in_dim3A_730, %add3A_735 : vector<16xi32>
          %select_n3A_737 = arith.select %lt3A_733, %add3A_736, %broadcast_in_dim3A_730 : vector<16xi1>, vector<16xi32>
          %broadcast_in_dim3A_738 = vector.shape_cast %select_n3A_737 : vector<16xi32> to vector<16x1xi32>
          %gather3A_739 = vector.shape_cast %broadcast_in_dim3A_738 : vector<16x1xi32> to vector<16xi32>
          %gather3A_740 = tpu.dynamic_gather %get3A_202[%gather3A_739] in [0] : vector<16xi32>, vector<16xi32> -> vector<16xi32>
          %ne3A_741 = arith.cmpi ne, %gather3A_740, %gather3A_703 : vector<16xi32>
          %mul3A_742 = arith.constant 16 : i32
          %mul3A_743 = arith.muli %scan3A_194, %mul3A_742 : i32
          %add3A_744 = arith.constant 14 : i32
          %add3A_745 = arith.addi %mul3A_743, %add3A_744 : i32
          tpu.vector_store_idx %arg15[%gather3A_703, %add3A_8], %select_n3A_713 masked %ne3A_741 {add = true} : memref<64x64xf32, #tpu.memory_space<vmem>>[vector<16xi32>, vector<16xi32>], vector<16xf32>, vector<16xi1>
          %get3A_746 = arith.index_cast %add3A_745 : i32 to index
          %get3A_747 = arith.constant 0 : index
          %get3A_748 = tpu.vector_load %arg5[%get3A_746, %get3A_747] {strides = array<i32>} : memref<512x64xf32, #tpu.memory_space<vmem>>, vector<16xf32>,
          %add3A_749 = arith.addf %select_n3A_713, %get3A_748 : vector<16xf32>
          %select_n3A_750 = arith.select %ne3A_741, %get3A_748, %add3A_749 : vector<16xi1>, vector<16xf32>
          tpu.vector_store_idx %arg15[%gather3A_703, %add3A_12], %select_n3A_718 masked %ne3A_741 {add = true} : memref<64x64xf32, #tpu.memory_space<vmem>>[vector<16xi32>, vector<16xi32>], vector<16xf32>, vector<16xi1>
          %get3A_751 = arith.index_cast %add3A_745 : i32 to index
          %get3A_752 = arith.constant 16 : index
          %get3A_753 = tpu.vector_load %arg5[%get3A_751, %get3A_752] {strides = array<i32>} : memref<512x64xf32, #tpu.memory_space<vmem>>, vector<16xf32>,
          %add3A_754 = arith.addf %select_n3A_718, %get3A_753 : vector<16xf32>
          %select_n3A_755 = arith.select %ne3A_741, %get3A_753, %add3A_754 : vector<16xi1>, vector<16xf32>
          tpu.vector_store_idx %arg15[%gather3A_703, %add3A_16], %select_n3A_723 masked %ne3A_741 {add = true} : memref<64x64xf32, #tpu.memory_space<vmem>>[vector<16xi32>, vector<16xi32>], vector<16xf32>, vector<16xi1>
          %get3A_756 = arith.index_cast %add3A_745 : i32 to index
          %get3A_757 = arith.constant 32 : index
          %get3A_758 = tpu.vector_load %arg5[%get3A_756, %get3A_757] {strides = array<i32>} : memref<512x64xf32, #tpu.memory_space<vmem>>, vector<16xf32>,
          %add3A_759 = arith.addf %select_n3A_723, %get3A_758 : vector<16xf32>
          %select_n3A_760 = arith.select %ne3A_741, %get3A_758, %add3A_759 : vector<16xi1>, vector<16xf32>
          tpu.vector_store_idx %arg15[%gather3A_703, %add3A_20], %select_n3A_728 masked %ne3A_741 {add = true} : memref<64x64xf32, #tpu.memory_space<vmem>>[vector<16xi32>, vector<16xi32>], vector<16xf32>, vector<16xi1>
          %get3A_761 = arith.index_cast %add3A_745 : i32 to index
          %get3A_762 = arith.constant 48 : index
          %get3A_763 = tpu.vector_load %arg5[%get3A_761, %get3A_762] {strides = array<i32>} : memref<512x64xf32, #tpu.memory_space<vmem>>, vector<16xf32>,
          %add3A_764 = arith.addf %select_n3A_728, %get3A_763 : vector<16xf32>
          %select_n3A_765 = arith.select %ne3A_741, %get3A_763, %add3A_764 : vector<16xi1>, vector<16xf32>
          %broadcast_in_dim3A_766 = arith.constant 15 : i32
          %broadcast_in_dim3A_767 = vector.broadcast %broadcast_in_dim3A_766 : i32 to vector<16xi32>
          %lt3A_768 = arith.constant 0 : i32
          %lt3A_769 = vector.broadcast %lt3A_768 : i32 to vector<16xi32>
          %lt3A_770 = arith.cmpi slt, %broadcast_in_dim3A_767, %lt3A_769 : vector<16xi32>
          %add3A_771 = arith.constant 16 : i32
          %add3A_772 = vector.broadcast %add3A_771 : i32 to vector<16xi32>
          %add3A_773 = arith.addi %broadcast_in_dim3A_767, %add3A_772 : vector<16xi32>
          %select_n3A_774 = arith.select %lt3A_770, %add3A_773, %broadcast_in_dim3A_767 : vector<16xi1>, vector<16xi32>
          %broadcast_in_dim3A_775 = vector.shape_cast %select_n3A_774 : vector<16xi32> to vector<16x1xi32>
          %gather3A_776 = vector.shape_cast %broadcast_in_dim3A_775 : vector<16x1xi32> to vector<16xi32>
          %gather3A_777 = tpu.dynamic_gather %get3A_202[%gather3A_776] in [0] : vector<16xi32>, vector<16xi32> -> vector<16xi32>
          %ne3A_778 = arith.cmpi ne, %gather3A_777, %gather3A_740 : vector<16xi32>
          %mul3A_779 = arith.constant 16 : i32
          %mul3A_780 = arith.muli %scan3A_194, %mul3A_779 : i32
          %add3A_781 = arith.constant 15 : i32
          %add3A_782 = arith.addi %mul3A_780, %add3A_781 : i32
          tpu.vector_store_idx %arg15[%gather3A_740, %add3A_8], %select_n3A_750 masked %ne3A_778 {add = true} : memref<64x64xf32, #tpu.memory_space<vmem>>[vector<16xi32>, vector<16xi32>], vector<16xf32>, vector<16xi1>
          %get3A_783 = arith.index_cast %add3A_782 : i32 to index
          %get3A_784 = arith.constant 0 : index
          %get3A_785 = tpu.vector_load %arg5[%get3A_783, %get3A_784] {strides = array<i32>} : memref<512x64xf32, #tpu.memory_space<vmem>>, vector<16xf32>,
          %add3A_786 = arith.addf %select_n3A_750, %get3A_785 : vector<16xf32>
          %select_n3A_787 = arith.select %ne3A_778, %get3A_785, %add3A_786 : vector<16xi1>, vector<16xf32>
          tpu.vector_store_idx %arg15[%gather3A_740, %add3A_12], %select_n3A_755 masked %ne3A_778 {add = true} : memref<64x64xf32, #tpu.memory_space<vmem>>[vector<16xi32>, vector<16xi32>], vector<16xf32>, vector<16xi1>
          %get3A_788 = arith.index_cast %add3A_782 : i32 to index
          %get3A_789 = arith.constant 16 : index
          %get3A_790 = tpu.vector_load %arg5[%get3A_788, %get3A_789] {strides = array<i32>} : memref<512x64xf32, #tpu.memory_space<vmem>>, vector<16xf32>,
          %add3A_791 = arith.addf %select_n3A_755, %get3A_790 : vector<16xf32>
          %select_n3A_792 = arith.select %ne3A_778, %get3A_790, %add3A_791 : vector<16xi1>, vector<16xf32>
          tpu.vector_store_idx %arg15[%gather3A_740, %add3A_16], %select_n3A_760 masked %ne3A_778 {add = true} : memref<64x64xf32, #tpu.memory_space<vmem>>[vector<16xi32>, vector<16xi32>], vector<16xf32>, vector<16xi1>
          %get3A_793 = arith.index_cast %add3A_782 : i32 to index
          %get3A_794 = arith.constant 32 : index
          %get3A_795 = tpu.vector_load %arg5[%get3A_793, %get3A_794] {strides = array<i32>} : memref<512x64xf32, #tpu.memory_space<vmem>>, vector<16xf32>,
          %add3A_796 = arith.addf %select_n3A_760, %get3A_795 : vector<16xf32>
          %select_n3A_797 = arith.select %ne3A_778, %get3A_795, %add3A_796 : vector<16xi1>, vector<16xf32>
          tpu.vector_store_idx %arg15[%gather3A_740, %add3A_20], %select_n3A_765 masked %ne3A_778 {add = true} : memref<64x64xf32, #tpu.memory_space<vmem>>[vector<16xi32>, vector<16xi32>], vector<16xf32>, vector<16xi1>
          %get3A_798 = arith.index_cast %add3A_782 : i32 to index
          %get3A_799 = arith.constant 48 : index
          %get3A_800 = tpu.vector_load %arg5[%get3A_798, %get3A_799] {strides = array<i32>} : memref<512x64xf32, #tpu.memory_space<vmem>>, vector<16xf32>,
          %add3A_801 = arith.addf %select_n3A_765, %get3A_800 : vector<16xf32>
          %select_n3A_802 = arith.select %ne3A_778, %get3A_800, %add3A_801 : vector<16xi1>, vector<16xf32>
          scf.yield %gather3A_777, %select_n3A_787, %select_n3A_792, %select_n3A_797, %select_n3A_802 : vector<16xi32>, vector<16xf32>, vector<16xf32>, vector<16xf32>, vector<16xf32>
        }
        scf.yield %cond3A_212#0, %cond3A_212#1, %cond3A_212#2, %cond3A_212#3, %cond3A_212#4 : vector<16xi32>, vector<16xf32>, vector<16xf32>, vector<16xf32>, vector<16xf32>
      }
      %scan3A_139 = arith.constant 28 : i32
      %dma_wait3A_140 = arith.constant 0 : i32
      %dma_wait3A_141 = arith.constant 0 : i32
      %dma_wait3A_142 = tpu.memref_slice %arg5[%dma_wait3A_140, %dma_wait3A_141] : memref<512x64xf32, #tpu.memory_space<vmem>> -> memref<64x64xf32, #tpu.memory_space<vmem>>
      %dma_wait3A_143 = arith.constant 0 : i32
      %dma_wait3A_144 = arith.constant 0 : i32
      %dma_wait3A_145 = tpu.memref_slice %arg17[%dma_wait3A_143, %dma_wait3A_144] : memref<64x64xf32, #tpu.memory_space<vmem_shared>> -> memref<64x64xf32, #tpu.memory_space<vmem_shared>>
      tpu.wait_indirect_dma semaphore(%arg21 : memref<!tpu.dma_semaphore, #tpu.memory_space<semaphore_mem>>) src(%dma_wait3A_142 : memref<64x64xf32, #tpu.memory_space<vmem>>) dst(%dma_wait3A_145 : memref<64x64xf32, #tpu.memory_space<vmem_shared>>)
      %add3A_146 = arith.constant 2 : i32
      %add3A_147 = arith.addi %add3A_115, %add3A_146 : i32
      %lt3A_148 = arith.constant 12 : i32
      %lt3A_149 = arith.cmpi slt, %add3A_147, %lt3A_148 : i32
      %convert_element_type3A_150 = arith.extui %lt3A_149 : i1 to i32
      %cond3A_151 = arith.constant 0 : i32
      %cond3A_152 = arith.cmpi ne, %convert_element_type3A_150, %cond3A_151 : i32
      scf.if %cond3A_152 {
        %add3A_194 = arith.constant 2 : i32
        %add3A_195 = arith.addi %add3A_115, %add3A_194 : i32
        %mul3A_196 = arith.constant 512 : i32
        %mul3A_197 = arith.muli %add3A_195, %mul3A_196 : i32
        %add3A_198 = arith.addi %mul3A_5, %mul3A_197 : i32
        %dma_start3A_199 = tpu.memref_slice %arg2[%add3A_198, %mul3A_0] : memref<100000x128xf32, #tpu.memory_space<hbm>> -> memref<512x64xf32, #tpu.memory_space<hbm>>
        %dma_start3A_200 = tpu.memref_slice %arg2[%add3A_198, %mul3A_0] : memref<100000x128xf32, #tpu.memory_space<hbm>> -> memref<512x64xf32, #tpu.memory_space<hbm>>
        tpu.enqueue_dma source(%dma_start3A_200 : memref<512x64xf32, #tpu.memory_space<hbm>>) target(%arg5 : memref<512x64xf32, #tpu.memory_space<vmem>>) target_semaphore(%arg18 : memref<!tpu.dma_semaphore, #tpu.memory_space<semaphore_mem>>)
        %mul3A_201 = arith.constant 512 : i32
        %mul3A_202 = arith.muli %add3A_195, %mul3A_201 : i32
        %add3A_203 = arith.addi %mul3A_5, %mul3A_202 : i32
        %dma_start3A_204 = tpu.memref_slice %arg3[%add3A_203] : memref<100000xi32, #tpu.memory_space<hbm>> -> memref<512xi32, #tpu.memory_space<hbm>>
        %dma_start3A_205 = tpu.memref_slice %arg3[%add3A_203] : memref<100000xi32, #tpu.memory_space<hbm>> -> memref<512xi32, #tpu.memory_space<hbm>>
        tpu.enqueue_dma source(%dma_start3A_205 : memref<512xi32, #tpu.memory_space<hbm>>) target(%arg7 : memref<512xi32, #tpu.memory_space<vmem>>) target_semaphore(%arg18 : memref<!tpu.dma_semaphore, #tpu.memory_space<semaphore_mem>>)
        %mul3A_206 = arith.constant 512 : i32
        %mul3A_207 = arith.muli %add3A_195, %mul3A_206 : i32
        %add3A_208 = arith.addi %mul3A_5, %mul3A_207 : i32
        %dma_start3A_209 = tpu.memref_slice %arg3[%add3A_208] : memref<100000xi32, #tpu.memory_space<hbm>> -> memref<64xi32, #tpu.memory_space<hbm>>
        %dma_start3A_210 = tpu.memref_slice %arg3[%add3A_208] : memref<100000xi32, #tpu.memory_space<hbm>> -> memref<64xi32, #tpu.memory_space<hbm>>
        tpu.enqueue_dma source(%dma_start3A_210 : memref<64xi32, #tpu.memory_space<hbm>>) target(%arg9 : memref<64xi32, #tpu.memory_space<vmem>>) target_semaphore(%arg18 : memref<!tpu.dma_semaphore, #tpu.memory_space<semaphore_mem>>)
      } else {
      }
      %mul3A_153 = arith.constant 2 : i32
      %mul3A_154 = arith.muli %mul3A_153, %scan3A_106 : i32
      %add3A_155 = arith.constant 1 : i32
      %add3A_156 = arith.addi %mul3A_154, %add3A_155 : i32
      %dma_wait3A_157 = arith.constant 0 : i32
      %dma_wait3A_158 = tpu.memref_slice %arg2[%dma_wait3A_157, %mul3A_0] : memref<100000x128xf32, #tpu.memory_space<hbm>> -> memref<512x64xf32, #tpu.memory_space<hbm>>
      %dma_wait3A_159 = arith.constant 0 : i32
      %dma_wait3A_160 = tpu.memref_slice %arg2[%dma_wait3A_159, %mul3A_0] : memref<100000x128xf32, #tpu.memory_space<hbm>> -> memref<512x64xf32, #tpu.memory_space<hbm>>
      tpu.wait_dma2 semaphore(%arg19 : memref<!tpu.dma_semaphore, #tpu.memory_space<semaphore_mem>>) src(%dma_wait3A_160 : memref<512x64xf32, #tpu.memory_space<hbm>>) dst(%arg6 : memref<512x64xf32, #tpu.memory_space<vmem>>)
      %dma_wait3A_161 = arith.constant 0 : i32
      %dma_wait3A_162 = tpu.memref_slice %arg3[%dma_wait3A_161] : memref<100000xi32, #tpu.memory_space<hbm>> -> memref<512xi32, #tpu.memory_space<hbm>>
      %dma_wait3A_163 = arith.constant 0 : i32
      %dma_wait3A_164 = tpu.memref_slice %arg3[%dma_wait3A_163] : memref<100000xi32, #tpu.memory_space<hbm>> -> memref<512xi32, #tpu.memory_space<hbm>>
      tpu.wait_dma2 semaphore(%arg19 : memref<!tpu.dma_semaphore, #tpu.memory_space<semaphore_mem>>) src(%dma_wait3A_164 : memref<512xi32, #tpu.memory_space<hbm>>) dst(%arg8 : memref<512xi32, #tpu.memory_space<vmem>>)
      %dma_wait3A_165 = arith.constant 0 : i32
      %dma_wait3A_166 = tpu.memref_slice %arg3[%dma_wait3A_165] : memref<100000xi32, #tpu.memory_space<hbm>> -> memref<64xi32, #tpu.memory_space<hbm>>
      %dma_wait3A_167 = arith.constant 0 : i32
      %dma_wait3A_168 = tpu.memref_slice %arg3[%dma_wait3A_167] : memref<100000xi32, #tpu.memory_space<hbm>> -> memref<64xi32, #tpu.memory_space<hbm>>
      tpu.wait_dma2 semaphore(%arg19 : memref<!tpu.dma_semaphore, #tpu.memory_space<semaphore_mem>>) src(%dma_wait3A_168 : memref<64xi32, #tpu.memory_space<hbm>>) dst(%arg10 : memref<64xi32, #tpu.memory_space<vmem>>)
      %dma_start3A_169 = arith.constant 0 : i32
      %dma_start3A_170 = arith.constant 0 : i32
      %dma_start3A_171 = tpu.memref_slice %arg6[%dma_start3A_169, %dma_start3A_170] : memref<512x64xf32, #tpu.memory_space<vmem>> -> memref<64x64xf32, #tpu.memory_space<vmem>>
      %dma_start3A_172 = arith.constant 0 : i32
      %dma_start3A_173 = arith.constant 0 : i32
      %dma_start3A_174 = tpu.memref_slice %arg17[%dma_start3A_172, %dma_start3A_173] : memref<64x64xf32, #tpu.memory_space<vmem_shared>> -> memref<64x64xf32, #tpu.memory_space<vmem_shared>>
      tpu.enqueue_indirect_dma source(%dma_start3A_171 : memref<64x64xf32, #tpu.memory_space<vmem>>) target(%dma_start3A_174 : memref<64x64xf32, #tpu.memory_space<vmem_shared>>) offsets(%arg10 : memref<64xi32, #tpu.memory_space<vmem>>) semaphore(%arg21 : memref<!tpu.dma_semaphore, #tpu.memory_space<semaphore_mem>>) {add = true}
      %scan3A_175 = arith.constant 4 : i32
      %scan3A_176 = arith.constant 28 : i32
      %scan3A_177 = arith.addi %scan3A_175, %scan3A_176 : i32
      %scan3A_178 = arith.constant 1 : i32
      %scan3A_179:5 = scf.for %scan3A_194 = %scan3A_175 to %scan3A_177 step %scan3A_178 iter_args(%scan3A_195 = %scan3A_138#0, %scan3A_196 = %scan3A_138#1, %scan3A_197 = %scan3A_138#2, %scan3A_198 = %scan3A_138#3, %scan3A_199 = %scan3A_138#4) -> (vector<16xi32>, vector<16xf32>, vector<16xf32>, vector<16xf32>, vector<16xf32>)  : i32 {
        %mul3A_200 = arith.constant 16 : i32
        %mul3A_201 = arith.muli %scan3A_194, %mul3A_200 : i32
        %get3A = arith.index_cast %mul3A_201 : i32 to index
        %get3A_202 = tpu.vector_load %arg8[%get3A] {strides = array<i32>} : memref<512xi32, #tpu.memory_space<vmem>>, vector<16xi32>,
        %ne3A = arith.cmpi ne, %get3A_202, %scan3A_195 : vector<16xi32>
        %convert_element_type3A_203 = arith.extui %ne3A : vector<16xi1> to vector<16xi32>
        %reduce_sum3A = arith.constant true
        %reduce_sum3A_204 = vector.broadcast %reduce_sum3A : i1 to vector<16xi1>
        %reduce_sum3A_205 = tpu.scan <sum>, %convert_element_type3A_203 masked %reduce_sum3A_204 : vector<16xi32>, vector<16xi1> -> vector<16xi32>
        %reduce_sum3A_206 = vector.extract %reduce_sum3A_205[15] : i32 from vector<16xi32>
        %eq3A_207 = arith.constant 0 : i32
        %eq3A_208 = arith.cmpi eq, %reduce_sum3A_206, %eq3A_207 : i32
        %convert_element_type3A_209 = arith.extui %eq3A_208 : i1 to i32
        %cond3A_210 = arith.constant 0 : i32
        %cond3A_211 = arith.cmpi ne, %convert_element_type3A_209, %cond3A_210 : i32
        %cond3A_212:5 = scf.if %cond3A_211 -> (vector<16xi32>, vector<16xf32>, vector<16xf32>, vector<16xf32>, vector<16xf32>) {
          %mul3A_213 = arith.constant 16 : i32
          %mul3A_214 = arith.muli %scan3A_194, %mul3A_213 : i32
          %add3A_215 = arith.constant 0 : i32
          %add3A_216 = arith.addi %mul3A_214, %add3A_215 : i32
          %get3A_217 = arith.index_cast %add3A_216 : i32 to index
          %get3A_218 = arith.constant 0 : index
          %get3A_219 = tpu.vector_load %arg6[%get3A_217, %get3A_218] {strides = array<i32>} : memref<512x64xf32, #tpu.memory_space<vmem>>, vector<16xf32>,
          %add3A_220 = arith.constant 1 : i32
          %add3A_221 = arith.addi %mul3A_214, %add3A_220 : i32
          %get3A_222 = arith.index_cast %add3A_221 : i32 to index
          %get3A_223 = arith.constant 0 : index
          %get3A_224 = tpu.vector_load %arg6[%get3A_222, %get3A_223] {strides = array<i32>} : memref<512x64xf32, #tpu.memory_space<vmem>>, vector<16xf32>,
          %add3A_225 = arith.constant 2 : i32
          %add3A_226 = arith.addi %mul3A_214, %add3A_225 : i32
          %get3A_227 = arith.index_cast %add3A_226 : i32 to index
          %get3A_228 = arith.constant 0 : index
          %get3A_229 = tpu.vector_load %arg6[%get3A_227, %get3A_228] {strides = array<i32>} : memref<512x64xf32, #tpu.memory_space<vmem>>, vector<16xf32>,
          %add3A_230 = arith.constant 3 : i32
          %add3A_231 = arith.addi %mul3A_214, %add3A_230 : i32
          %get3A_232 = arith.index_cast %add3A_231 : i32 to index
          %get3A_233 = arith.constant 0 : index
          %get3A_234 = tpu.vector_load %arg6[%get3A_232, %get3A_233] {strides = array<i32>} : memref<512x64xf32, #tpu.memory_space<vmem>>, vector<16xf32>,
          %add3A_235 = arith.constant 4 : i32
          %add3A_236 = arith.addi %mul3A_214, %add3A_235 : i32
          %get3A_237 = arith.index_cast %add3A_236 : i32 to index
          %get3A_238 = arith.constant 0 : index
          %get3A_239 = tpu.vector_load %arg6[%get3A_237, %get3A_238] {strides = array<i32>} : memref<512x64xf32, #tpu.memory_space<vmem>>, vector<16xf32>,
          %add3A_240 = arith.constant 5 : i32
          %add3A_241 = arith.addi %mul3A_214, %add3A_240 : i32
          %get3A_242 = arith.index_cast %add3A_241 : i32 to index
          %get3A_243 = arith.constant 0 : index
          %get3A_244 = tpu.vector_load %arg6[%get3A_242, %get3A_243] {strides = array<i32>} : memref<512x64xf32, #tpu.memory_space<vmem>>, vector<16xf32>,
          %add3A_245 = arith.constant 6 : i32
          %add3A_246 = arith.addi %mul3A_214, %add3A_245 : i32
          %get3A_247 = arith.index_cast %add3A_246 : i32 to index
          %get3A_248 = arith.constant 0 : index
          %get3A_249 = tpu.vector_load %arg6[%get3A_247, %get3A_248] {strides = array<i32>} : memref<512x64xf32, #tpu.memory_space<vmem>>, vector<16xf32>,
          %add3A_250 = arith.constant 7 : i32
          %add3A_251 = arith.addi %mul3A_214, %add3A_250 : i32
          %get3A_252 = arith.index_cast %add3A_251 : i32 to index
          %get3A_253 = arith.constant 0 : index
          %get3A_254 = tpu.vector_load %arg6[%get3A_252, %get3A_253] {strides = array<i32>} : memref<512x64xf32, #tpu.memory_space<vmem>>, vector<16xf32>,
          %add3A_255 = arith.constant 8 : i32
          %add3A_256 = arith.addi %mul3A_214, %add3A_255 : i32
          %get3A_257 = arith.index_cast %add3A_256 : i32 to index
          %get3A_258 = arith.constant 0 : index
          %get3A_259 = tpu.vector_load %arg6[%get3A_257, %get3A_258] {strides = array<i32>} : memref<512x64xf32, #tpu.memory_space<vmem>>, vector<16xf32>,
          %add3A_260 = arith.constant 9 : i32
          %add3A_261 = arith.addi %mul3A_214, %add3A_260 : i32
          %get3A_262 = arith.index_cast %add3A_261 : i32 to index
          %get3A_263 = arith.constant 0 : index
          %get3A_264 = tpu.vector_load %arg6[%get3A_262, %get3A_263] {strides = array<i32>} : memref<512x64xf32, #tpu.memory_space<vmem>>, vector<16xf32>,
          %add3A_265 = arith.constant 10 : i32
          %add3A_266 = arith.addi %mul3A_214, %add3A_265 : i32
          %get3A_267 = arith.index_cast %add3A_266 : i32 to index
          %get3A_268 = arith.constant 0 : index
          %get3A_269 = tpu.vector_load %arg6[%get3A_267, %get3A_268] {strides = array<i32>} : memref<512x64xf32, #tpu.memory_space<vmem>>, vector<16xf32>,
          %add3A_270 = arith.constant 11 : i32
          %add3A_271 = arith.addi %mul3A_214, %add3A_270 : i32
          %get3A_272 = arith.index_cast %add3A_271 : i32 to index
          %get3A_273 = arith.constant 0 : index
          %get3A_274 = tpu.vector_load %arg6[%get3A_272, %get3A_273] {strides = array<i32>} : memref<512x64xf32, #tpu.memory_space<vmem>>, vector<16xf32>,
          %add3A_275 = arith.constant 12 : i32
          %add3A_276 = arith.addi %mul3A_214, %add3A_275 : i32
          %get3A_277 = arith.index_cast %add3A_276 : i32 to index
          %get3A_278 = arith.constant 0 : index
          %get3A_279 = tpu.vector_load %arg6[%get3A_277, %get3A_278] {strides = array<i32>} : memref<512x64xf32, #tpu.memory_space<vmem>>, vector<16xf32>,
          %add3A_280 = arith.constant 13 : i32
          %add3A_281 = arith.addi %mul3A_214, %add3A_280 : i32
          %get3A_282 = arith.index_cast %add3A_281 : i32 to index
          %get3A_283 = arith.constant 0 : index
          %get3A_284 = tpu.vector_load %arg6[%get3A_282, %get3A_283] {strides = array<i32>} : memref<512x64xf32, #tpu.memory_space<vmem>>, vector<16xf32>,
          %add3A_285 = arith.constant 14 : i32
          %add3A_286 = arith.addi %mul3A_214, %add3A_285 : i32
          %get3A_287 = arith.index_cast %add3A_286 : i32 to index
          %get3A_288 = arith.constant 0 : index
          %get3A_289 = tpu.vector_load %arg6[%get3A_287, %get3A_288] {strides = array<i32>} : memref<512x64xf32, #tpu.memory_space<vmem>>, vector<16xf32>,
          %add3A_290 = arith.constant 15 : i32
          %add3A_291 = arith.addi %mul3A_214, %add3A_290 : i32
          %get3A_292 = arith.index_cast %add3A_291 : i32 to index
          %get3A_293 = arith.constant 0 : index
          %get3A_294 = tpu.vector_load %arg6[%get3A_292, %get3A_293] {strides = array<i32>} : memref<512x64xf32, #tpu.memory_space<vmem>>, vector<16xf32>,
          %add3A_295 = arith.addf %get3A_219, %get3A_224 : vector<16xf32>
          %add3A_296 = arith.addf %get3A_229, %get3A_234 : vector<16xf32>
          %add3A_297 = arith.addf %get3A_239, %get3A_244 : vector<16xf32>
          %add3A_298 = arith.addf %get3A_249, %get3A_254 : vector<16xf32>
          %add3A_299 = arith.addf %get3A_259, %get3A_264 : vector<16xf32>
          %add3A_300 = arith.addf %get3A_269, %get3A_274 : vector<16xf32>
          %add3A_301 = arith.addf %get3A_279, %get3A_284 : vector<16xf32>
          %add3A_302 = arith.addf %get3A_289, %get3A_294 : vector<16xf32>
          %add3A_303 = arith.addf %add3A_295, %add3A_296 : vector<16xf32>
          %add3A_304 = arith.addf %add3A_297, %add3A_298 : vector<16xf32>
          %add3A_305 = arith.addf %add3A_299, %add3A_300 : vector<16xf32>
          %add3A_306 = arith.addf %add3A_301, %add3A_302 : vector<16xf32>
          %add3A_307 = arith.addf %add3A_303, %add3A_304 : vector<16xf32>
          %add3A_308 = arith.addf %add3A_305, %add3A_306 : vector<16xf32>
          %add3A_309 = arith.addf %add3A_307, %add3A_308 : vector<16xf32>
          %add3A_310 = arith.addf %scan3A_196, %add3A_309 : vector<16xf32>
          %add3A_311 = arith.constant 0 : i32
          %add3A_312 = arith.addi %mul3A_214, %add3A_311 : i32
          %get3A_313 = arith.index_cast %add3A_312 : i32 to index
          %get3A_314 = arith.constant 16 : index
          %get3A_315 = tpu.vector_load %arg6[%get3A_313, %get3A_314] {strides = array<i32>} : memref<512x64xf32, #tpu.memory_space<vmem>>, vector<16xf32>,
          %add3A_316 = arith.constant 1 : i32
          %add3A_317 = arith.addi %mul3A_214, %add3A_316 : i32
          %get3A_318 = arith.index_cast %add3A_317 : i32 to index
          %get3A_319 = arith.constant 16 : index
          %get3A_320 = tpu.vector_load %arg6[%get3A_318, %get3A_319] {strides = array<i32>} : memref<512x64xf32, #tpu.memory_space<vmem>>, vector<16xf32>,
          %add3A_321 = arith.constant 2 : i32
          %add3A_322 = arith.addi %mul3A_214, %add3A_321 : i32
          %get3A_323 = arith.index_cast %add3A_322 : i32 to index
          %get3A_324 = arith.constant 16 : index
          %get3A_325 = tpu.vector_load %arg6[%get3A_323, %get3A_324] {strides = array<i32>} : memref<512x64xf32, #tpu.memory_space<vmem>>, vector<16xf32>,
          %add3A_326 = arith.constant 3 : i32
          %add3A_327 = arith.addi %mul3A_214, %add3A_326 : i32
          %get3A_328 = arith.index_cast %add3A_327 : i32 to index
          %get3A_329 = arith.constant 16 : index
          %get3A_330 = tpu.vector_load %arg6[%get3A_328, %get3A_329] {strides = array<i32>} : memref<512x64xf32, #tpu.memory_space<vmem>>, vector<16xf32>,
          %add3A_331 = arith.constant 4 : i32
          %add3A_332 = arith.addi %mul3A_214, %add3A_331 : i32
          %get3A_333 = arith.index_cast %add3A_332 : i32 to index
          %get3A_334 = arith.constant 16 : index
          %get3A_335 = tpu.vector_load %arg6[%get3A_333, %get3A_334] {strides = array<i32>} : memref<512x64xf32, #tpu.memory_space<vmem>>, vector<16xf32>,
          %add3A_336 = arith.constant 5 : i32
          %add3A_337 = arith.addi %mul3A_214, %add3A_336 : i32
          %get3A_338 = arith.index_cast %add3A_337 : i32 to index
          %get3A_339 = arith.constant 16 : index
          %get3A_340 = tpu.vector_load %arg6[%get3A_338, %get3A_339] {strides = array<i32>} : memref<512x64xf32, #tpu.memory_space<vmem>>, vector<16xf32>,
          %add3A_341 = arith.constant 6 : i32
          %add3A_342 = arith.addi %mul3A_214, %add3A_341 : i32
          %get3A_343 = arith.index_cast %add3A_342 : i32 to index
          %get3A_344 = arith.constant 16 : index
          %get3A_345 = tpu.vector_load %arg6[%get3A_343, %get3A_344] {strides = array<i32>} : memref<512x64xf32, #tpu.memory_space<vmem>>, vector<16xf32>,
          %add3A_346 = arith.constant 7 : i32
          %add3A_347 = arith.addi %mul3A_214, %add3A_346 : i32
          %get3A_348 = arith.index_cast %add3A_347 : i32 to index
          %get3A_349 = arith.constant 16 : index
          %get3A_350 = tpu.vector_load %arg6[%get3A_348, %get3A_349] {strides = array<i32>} : memref<512x64xf32, #tpu.memory_space<vmem>>, vector<16xf32>,
          %add3A_351 = arith.constant 8 : i32
          %add3A_352 = arith.addi %mul3A_214, %add3A_351 : i32
          %get3A_353 = arith.index_cast %add3A_352 : i32 to index
          %get3A_354 = arith.constant 16 : index
          %get3A_355 = tpu.vector_load %arg6[%get3A_353, %get3A_354] {strides = array<i32>} : memref<512x64xf32, #tpu.memory_space<vmem>>, vector<16xf32>,
          %add3A_356 = arith.constant 9 : i32
          %add3A_357 = arith.addi %mul3A_214, %add3A_356 : i32
          %get3A_358 = arith.index_cast %add3A_357 : i32 to index
          %get3A_359 = arith.constant 16 : index
          %get3A_360 = tpu.vector_load %arg6[%get3A_358, %get3A_359] {strides = array<i32>} : memref<512x64xf32, #tpu.memory_space<vmem>>, vector<16xf32>,
          %add3A_361 = arith.constant 10 : i32
          %add3A_362 = arith.addi %mul3A_214, %add3A_361 : i32
          %get3A_363 = arith.index_cast %add3A_362 : i32 to index
          %get3A_364 = arith.constant 16 : index
          %get3A_365 = tpu.vector_load %arg6[%get3A_363, %get3A_364] {strides = array<i32>} : memref<512x64xf32, #tpu.memory_space<vmem>>, vector<16xf32>,
          %add3A_366 = arith.constant 11 : i32
          %add3A_367 = arith.addi %mul3A_214, %add3A_366 : i32
          %get3A_368 = arith.index_cast %add3A_367 : i32 to index
          %get3A_369 = arith.constant 16 : index
          %get3A_370 = tpu.vector_load %arg6[%get3A_368, %get3A_369] {strides = array<i32>} : memref<512x64xf32, #tpu.memory_space<vmem>>, vector<16xf32>,
          %add3A_371 = arith.constant 12 : i32
          %add3A_372 = arith.addi %mul3A_214, %add3A_371 : i32
          %get3A_373 = arith.index_cast %add3A_372 : i32 to index
          %get3A_374 = arith.constant 16 : index
          %get3A_375 = tpu.vector_load %arg6[%get3A_373, %get3A_374] {strides = array<i32>} : memref<512x64xf32, #tpu.memory_space<vmem>>, vector<16xf32>,
          %add3A_376 = arith.constant 13 : i32
          %add3A_377 = arith.addi %mul3A_214, %add3A_376 : i32
          %get3A_378 = arith.index_cast %add3A_377 : i32 to index
          %get3A_379 = arith.constant 16 : index
          %get3A_380 = tpu.vector_load %arg6[%get3A_378, %get3A_379] {strides = array<i32>} : memref<512x64xf32, #tpu.memory_space<vmem>>, vector<16xf32>,
          %add3A_381 = arith.constant 14 : i32
          %add3A_382 = arith.addi %mul3A_214, %add3A_381 : i32
          %get3A_383 = arith.index_cast %add3A_382 : i32 to index
          %get3A_384 = arith.constant 16 : index
          %get3A_385 = tpu.vector_load %arg6[%get3A_383, %get3A_384] {strides = array<i32>} : memref<512x64xf32, #tpu.memory_space<vmem>>, vector<16xf32>,
          %add3A_386 = arith.constant 15 : i32
          %add3A_387 = arith.addi %mul3A_214, %add3A_386 : i32
          %get3A_388 = arith.index_cast %add3A_387 : i32 to index
          %get3A_389 = arith.constant 16 : index
          %get3A_390 = tpu.vector_load %arg6[%get3A_388, %get3A_389] {strides = array<i32>} : memref<512x64xf32, #tpu.memory_space<vmem>>, vector<16xf32>,
          %add3A_391 = arith.addf %get3A_315, %get3A_320 : vector<16xf32>
          %add3A_392 = arith.addf %get3A_325, %get3A_330 : vector<16xf32>
          %add3A_393 = arith.addf %get3A_335, %get3A_340 : vector<16xf32>
          %add3A_394 = arith.addf %get3A_345, %get3A_350 : vector<16xf32>
          %add3A_395 = arith.addf %get3A_355, %get3A_360 : vector<16xf32>
          %add3A_396 = arith.addf %get3A_365, %get3A_370 : vector<16xf32>
          %add3A_397 = arith.addf %get3A_375, %get3A_380 : vector<16xf32>
          %add3A_398 = arith.addf %get3A_385, %get3A_390 : vector<16xf32>
          %add3A_399 = arith.addf %add3A_391, %add3A_392 : vector<16xf32>
          %add3A_400 = arith.addf %add3A_393, %add3A_394 : vector<16xf32>
          %add3A_401 = arith.addf %add3A_395, %add3A_396 : vector<16xf32>
          %add3A_402 = arith.addf %add3A_397, %add3A_398 : vector<16xf32>
          %add3A_403 = arith.addf %add3A_399, %add3A_400 : vector<16xf32>
          %add3A_404 = arith.addf %add3A_401, %add3A_402 : vector<16xf32>
          %add3A_405 = arith.addf %add3A_403, %add3A_404 : vector<16xf32>
          %add3A_406 = arith.addf %scan3A_197, %add3A_405 : vector<16xf32>
          %add3A_407 = arith.constant 0 : i32
          %add3A_408 = arith.addi %mul3A_214, %add3A_407 : i32
          %get3A_409 = arith.index_cast %add3A_408 : i32 to index
          %get3A_410 = arith.constant 32 : index
          %get3A_411 = tpu.vector_load %arg6[%get3A_409, %get3A_410] {strides = array<i32>} : memref<512x64xf32, #tpu.memory_space<vmem>>, vector<16xf32>,
          %add3A_412 = arith.constant 1 : i32
          %add3A_413 = arith.addi %mul3A_214, %add3A_412 : i32
          %get3A_414 = arith.index_cast %add3A_413 : i32 to index
          %get3A_415 = arith.constant 32 : index
          %get3A_416 = tpu.vector_load %arg6[%get3A_414, %get3A_415] {strides = array<i32>} : memref<512x64xf32, #tpu.memory_space<vmem>>, vector<16xf32>,
          %add3A_417 = arith.constant 2 : i32
          %add3A_418 = arith.addi %mul3A_214, %add3A_417 : i32
          %get3A_419 = arith.index_cast %add3A_418 : i32 to index
          %get3A_420 = arith.constant 32 : index
          %get3A_421 = tpu.vector_load %arg6[%get3A_419, %get3A_420] {strides = array<i32>} : memref<512x64xf32, #tpu.memory_space<vmem>>, vector<16xf32>,
          %add3A_422 = arith.constant 3 : i32
          %add3A_423 = arith.addi %mul3A_214, %add3A_422 : i32
          %get3A_424 = arith.index_cast %add3A_423 : i32 to index
          %get3A_425 = arith.constant 32 : index
          %get3A_426 = tpu.vector_load %arg6[%get3A_424, %get3A_425] {strides = array<i32>} : memref<512x64xf32, #tpu.memory_space<vmem>>, vector<16xf32>,
          %add3A_427 = arith.constant 4 : i32
          %add3A_428 = arith.addi %mul3A_214, %add3A_427 : i32
          %get3A_429 = arith.index_cast %add3A_428 : i32 to index
          %get3A_430 = arith.constant 32 : index
          %get3A_431 = tpu.vector_load %arg6[%get3A_429, %get3A_430] {strides = array<i32>} : memref<512x64xf32, #tpu.memory_space<vmem>>, vector<16xf32>,
          %add3A_432 = arith.constant 5 : i32
          %add3A_433 = arith.addi %mul3A_214, %add3A_432 : i32
          %get3A_434 = arith.index_cast %add3A_433 : i32 to index
          %get3A_435 = arith.constant 32 : index
          %get3A_436 = tpu.vector_load %arg6[%get3A_434, %get3A_435] {strides = array<i32>} : memref<512x64xf32, #tpu.memory_space<vmem>>, vector<16xf32>,
          %add3A_437 = arith.constant 6 : i32
          %add3A_438 = arith.addi %mul3A_214, %add3A_437 : i32
          %get3A_439 = arith.index_cast %add3A_438 : i32 to index
          %get3A_440 = arith.constant 32 : index
          %get3A_441 = tpu.vector_load %arg6[%get3A_439, %get3A_440] {strides = array<i32>} : memref<512x64xf32, #tpu.memory_space<vmem>>, vector<16xf32>,
          %add3A_442 = arith.constant 7 : i32
          %add3A_443 = arith.addi %mul3A_214, %add3A_442 : i32
          %get3A_444 = arith.index_cast %add3A_443 : i32 to index
          %get3A_445 = arith.constant 32 : index
          %get3A_446 = tpu.vector_load %arg6[%get3A_444, %get3A_445] {strides = array<i32>} : memref<512x64xf32, #tpu.memory_space<vmem>>, vector<16xf32>,
          %add3A_447 = arith.constant 8 : i32
          %add3A_448 = arith.addi %mul3A_214, %add3A_447 : i32
          %get3A_449 = arith.index_cast %add3A_448 : i32 to index
          %get3A_450 = arith.constant 32 : index
          %get3A_451 = tpu.vector_load %arg6[%get3A_449, %get3A_450] {strides = array<i32>} : memref<512x64xf32, #tpu.memory_space<vmem>>, vector<16xf32>,
          %add3A_452 = arith.constant 9 : i32
          %add3A_453 = arith.addi %mul3A_214, %add3A_452 : i32
          %get3A_454 = arith.index_cast %add3A_453 : i32 to index
          %get3A_455 = arith.constant 32 : index
          %get3A_456 = tpu.vector_load %arg6[%get3A_454, %get3A_455] {strides = array<i32>} : memref<512x64xf32, #tpu.memory_space<vmem>>, vector<16xf32>,
          %add3A_457 = arith.constant 10 : i32
          %add3A_458 = arith.addi %mul3A_214, %add3A_457 : i32
          %get3A_459 = arith.index_cast %add3A_458 : i32 to index
          %get3A_460 = arith.constant 32 : index
          %get3A_461 = tpu.vector_load %arg6[%get3A_459, %get3A_460] {strides = array<i32>} : memref<512x64xf32, #tpu.memory_space<vmem>>, vector<16xf32>,
          %add3A_462 = arith.constant 11 : i32
          %add3A_463 = arith.addi %mul3A_214, %add3A_462 : i32
          %get3A_464 = arith.index_cast %add3A_463 : i32 to index
          %get3A_465 = arith.constant 32 : index
          %get3A_466 = tpu.vector_load %arg6[%get3A_464, %get3A_465] {strides = array<i32>} : memref<512x64xf32, #tpu.memory_space<vmem>>, vector<16xf32>,
          %add3A_467 = arith.constant 12 : i32
          %add3A_468 = arith.addi %mul3A_214, %add3A_467 : i32
          %get3A_469 = arith.index_cast %add3A_468 : i32 to index
          %get3A_470 = arith.constant 32 : index
          %get3A_471 = tpu.vector_load %arg6[%get3A_469, %get3A_470] {strides = array<i32>} : memref<512x64xf32, #tpu.memory_space<vmem>>, vector<16xf32>,
          %add3A_472 = arith.constant 13 : i32
          %add3A_473 = arith.addi %mul3A_214, %add3A_472 : i32
          %get3A_474 = arith.index_cast %add3A_473 : i32 to index
          %get3A_475 = arith.constant 32 : index
          %get3A_476 = tpu.vector_load %arg6[%get3A_474, %get3A_475] {strides = array<i32>} : memref<512x64xf32, #tpu.memory_space<vmem>>, vector<16xf32>,
          %add3A_477 = arith.constant 14 : i32
          %add3A_478 = arith.addi %mul3A_214, %add3A_477 : i32
          %get3A_479 = arith.index_cast %add3A_478 : i32 to index
          %get3A_480 = arith.constant 32 : index
          %get3A_481 = tpu.vector_load %arg6[%get3A_479, %get3A_480] {strides = array<i32>} : memref<512x64xf32, #tpu.memory_space<vmem>>, vector<16xf32>,
          %add3A_482 = arith.constant 15 : i32
          %add3A_483 = arith.addi %mul3A_214, %add3A_482 : i32
          %get3A_484 = arith.index_cast %add3A_483 : i32 to index
          %get3A_485 = arith.constant 32 : index
          %get3A_486 = tpu.vector_load %arg6[%get3A_484, %get3A_485] {strides = array<i32>} : memref<512x64xf32, #tpu.memory_space<vmem>>, vector<16xf32>,
          %add3A_487 = arith.addf %get3A_411, %get3A_416 : vector<16xf32>
          %add3A_488 = arith.addf %get3A_421, %get3A_426 : vector<16xf32>
          %add3A_489 = arith.addf %get3A_431, %get3A_436 : vector<16xf32>
          %add3A_490 = arith.addf %get3A_441, %get3A_446 : vector<16xf32>
          %add3A_491 = arith.addf %get3A_451, %get3A_456 : vector<16xf32>
          %add3A_492 = arith.addf %get3A_461, %get3A_466 : vector<16xf32>
          %add3A_493 = arith.addf %get3A_471, %get3A_476 : vector<16xf32>
          %add3A_494 = arith.addf %get3A_481, %get3A_486 : vector<16xf32>
          %add3A_495 = arith.addf %add3A_487, %add3A_488 : vector<16xf32>
          %add3A_496 = arith.addf %add3A_489, %add3A_490 : vector<16xf32>
          %add3A_497 = arith.addf %add3A_491, %add3A_492 : vector<16xf32>
          %add3A_498 = arith.addf %add3A_493, %add3A_494 : vector<16xf32>
          %add3A_499 = arith.addf %add3A_495, %add3A_496 : vector<16xf32>
          %add3A_500 = arith.addf %add3A_497, %add3A_498 : vector<16xf32>
          %add3A_501 = arith.addf %add3A_499, %add3A_500 : vector<16xf32>
          %add3A_502 = arith.addf %scan3A_198, %add3A_501 : vector<16xf32>
          %add3A_503 = arith.constant 0 : i32
          %add3A_504 = arith.addi %mul3A_214, %add3A_503 : i32
          %get3A_505 = arith.index_cast %add3A_504 : i32 to index
          %get3A_506 = arith.constant 48 : index
          %get3A_507 = tpu.vector_load %arg6[%get3A_505, %get3A_506] {strides = array<i32>} : memref<512x64xf32, #tpu.memory_space<vmem>>, vector<16xf32>,
          %add3A_508 = arith.constant 1 : i32
          %add3A_509 = arith.addi %mul3A_214, %add3A_508 : i32
          %get3A_510 = arith.index_cast %add3A_509 : i32 to index
          %get3A_511 = arith.constant 48 : index
          %get3A_512 = tpu.vector_load %arg6[%get3A_510, %get3A_511] {strides = array<i32>} : memref<512x64xf32, #tpu.memory_space<vmem>>, vector<16xf32>,
          %add3A_513 = arith.constant 2 : i32
          %add3A_514 = arith.addi %mul3A_214, %add3A_513 : i32
          %get3A_515 = arith.index_cast %add3A_514 : i32 to index
          %get3A_516 = arith.constant 48 : index
          %get3A_517 = tpu.vector_load %arg6[%get3A_515, %get3A_516] {strides = array<i32>} : memref<512x64xf32, #tpu.memory_space<vmem>>, vector<16xf32>,
          %add3A_518 = arith.constant 3 : i32
          %add3A_519 = arith.addi %mul3A_214, %add3A_518 : i32
          %get3A_520 = arith.index_cast %add3A_519 : i32 to index
          %get3A_521 = arith.constant 48 : index
          %get3A_522 = tpu.vector_load %arg6[%get3A_520, %get3A_521] {strides = array<i32>} : memref<512x64xf32, #tpu.memory_space<vmem>>, vector<16xf32>,
          %add3A_523 = arith.constant 4 : i32
          %add3A_524 = arith.addi %mul3A_214, %add3A_523 : i32
          %get3A_525 = arith.index_cast %add3A_524 : i32 to index
          %get3A_526 = arith.constant 48 : index
          %get3A_527 = tpu.vector_load %arg6[%get3A_525, %get3A_526] {strides = array<i32>} : memref<512x64xf32, #tpu.memory_space<vmem>>, vector<16xf32>,
          %add3A_528 = arith.constant 5 : i32
          %add3A_529 = arith.addi %mul3A_214, %add3A_528 : i32
          %get3A_530 = arith.index_cast %add3A_529 : i32 to index
          %get3A_531 = arith.constant 48 : index
          %get3A_532 = tpu.vector_load %arg6[%get3A_530, %get3A_531] {strides = array<i32>} : memref<512x64xf32, #tpu.memory_space<vmem>>, vector<16xf32>,
          %add3A_533 = arith.constant 6 : i32
          %add3A_534 = arith.addi %mul3A_214, %add3A_533 : i32
          %get3A_535 = arith.index_cast %add3A_534 : i32 to index
          %get3A_536 = arith.constant 48 : index
          %get3A_537 = tpu.vector_load %arg6[%get3A_535, %get3A_536] {strides = array<i32>} : memref<512x64xf32, #tpu.memory_space<vmem>>, vector<16xf32>,
          %add3A_538 = arith.constant 7 : i32
          %add3A_539 = arith.addi %mul3A_214, %add3A_538 : i32
          %get3A_540 = arith.index_cast %add3A_539 : i32 to index
          %get3A_541 = arith.constant 48 : index
          %get3A_542 = tpu.vector_load %arg6[%get3A_540, %get3A_541] {strides = array<i32>} : memref<512x64xf32, #tpu.memory_space<vmem>>, vector<16xf32>,
          %add3A_543 = arith.constant 8 : i32
          %add3A_544 = arith.addi %mul3A_214, %add3A_543 : i32
          %get3A_545 = arith.index_cast %add3A_544 : i32 to index
          %get3A_546 = arith.constant 48 : index
          %get3A_547 = tpu.vector_load %arg6[%get3A_545, %get3A_546] {strides = array<i32>} : memref<512x64xf32, #tpu.memory_space<vmem>>, vector<16xf32>,
          %add3A_548 = arith.constant 9 : i32
          %add3A_549 = arith.addi %mul3A_214, %add3A_548 : i32
          %get3A_550 = arith.index_cast %add3A_549 : i32 to index
          %get3A_551 = arith.constant 48 : index
          %get3A_552 = tpu.vector_load %arg6[%get3A_550, %get3A_551] {strides = array<i32>} : memref<512x64xf32, #tpu.memory_space<vmem>>, vector<16xf32>,
          %add3A_553 = arith.constant 10 : i32
          %add3A_554 = arith.addi %mul3A_214, %add3A_553 : i32
          %get3A_555 = arith.index_cast %add3A_554 : i32 to index
          %get3A_556 = arith.constant 48 : index
          %get3A_557 = tpu.vector_load %arg6[%get3A_555, %get3A_556] {strides = array<i32>} : memref<512x64xf32, #tpu.memory_space<vmem>>, vector<16xf32>,
          %add3A_558 = arith.constant 11 : i32
          %add3A_559 = arith.addi %mul3A_214, %add3A_558 : i32
          %get3A_560 = arith.index_cast %add3A_559 : i32 to index
          %get3A_561 = arith.constant 48 : index
          %get3A_562 = tpu.vector_load %arg6[%get3A_560, %get3A_561] {strides = array<i32>} : memref<512x64xf32, #tpu.memory_space<vmem>>, vector<16xf32>,
          %add3A_563 = arith.constant 12 : i32
          %add3A_564 = arith.addi %mul3A_214, %add3A_563 : i32
          %get3A_565 = arith.index_cast %add3A_564 : i32 to index
          %get3A_566 = arith.constant 48 : index
          %get3A_567 = tpu.vector_load %arg6[%get3A_565, %get3A_566] {strides = array<i32>} : memref<512x64xf32, #tpu.memory_space<vmem>>, vector<16xf32>,
          %add3A_568 = arith.constant 13 : i32
          %add3A_569 = arith.addi %mul3A_214, %add3A_568 : i32
          %get3A_570 = arith.index_cast %add3A_569 : i32 to index
          %get3A_571 = arith.constant 48 : index
          %get3A_572 = tpu.vector_load %arg6[%get3A_570, %get3A_571] {strides = array<i32>} : memref<512x64xf32, #tpu.memory_space<vmem>>, vector<16xf32>,
          %add3A_573 = arith.constant 14 : i32
          %add3A_574 = arith.addi %mul3A_214, %add3A_573 : i32
          %get3A_575 = arith.index_cast %add3A_574 : i32 to index
          %get3A_576 = arith.constant 48 : index
          %get3A_577 = tpu.vector_load %arg6[%get3A_575, %get3A_576] {strides = array<i32>} : memref<512x64xf32, #tpu.memory_space<vmem>>, vector<16xf32>,
          %add3A_578 = arith.constant 15 : i32
          %add3A_579 = arith.addi %mul3A_214, %add3A_578 : i32
          %get3A_580 = arith.index_cast %add3A_579 : i32 to index
          %get3A_581 = arith.constant 48 : index
          %get3A_582 = tpu.vector_load %arg6[%get3A_580, %get3A_581] {strides = array<i32>} : memref<512x64xf32, #tpu.memory_space<vmem>>, vector<16xf32>,
          %add3A_583 = arith.addf %get3A_507, %get3A_512 : vector<16xf32>
          %add3A_584 = arith.addf %get3A_517, %get3A_522 : vector<16xf32>
          %add3A_585 = arith.addf %get3A_527, %get3A_532 : vector<16xf32>
          %add3A_586 = arith.addf %get3A_537, %get3A_542 : vector<16xf32>
          %add3A_587 = arith.addf %get3A_547, %get3A_552 : vector<16xf32>
          %add3A_588 = arith.addf %get3A_557, %get3A_562 : vector<16xf32>
          %add3A_589 = arith.addf %get3A_567, %get3A_572 : vector<16xf32>
          %add3A_590 = arith.addf %get3A_577, %get3A_582 : vector<16xf32>
          %add3A_591 = arith.addf %add3A_583, %add3A_584 : vector<16xf32>
          %add3A_592 = arith.addf %add3A_585, %add3A_586 : vector<16xf32>
          %add3A_593 = arith.addf %add3A_587, %add3A_588 : vector<16xf32>
          %add3A_594 = arith.addf %add3A_589, %add3A_590 : vector<16xf32>
          %add3A_595 = arith.addf %add3A_591, %add3A_592 : vector<16xf32>
          %add3A_596 = arith.addf %add3A_593, %add3A_594 : vector<16xf32>
          %add3A_597 = arith.addf %add3A_595, %add3A_596 : vector<16xf32>
          %add3A_598 = arith.addf %scan3A_199, %add3A_597 : vector<16xf32>
          scf.yield %scan3A_195, %add3A_310, %add3A_406, %add3A_502, %add3A_598 : vector<16xi32>, vector<16xf32>, vector<16xf32>, vector<16xf32>, vector<16xf32>
        } else {
          %broadcast_in_dim3A_213 = arith.constant 0 : i32
          %broadcast_in_dim3A_214 = vector.broadcast %broadcast_in_dim3A_213 : i32 to vector<16xi32>
          %lt3A_215 = arith.constant 0 : i32
          %lt3A_216 = vector.broadcast %lt3A_215 : i32 to vector<16xi32>
          %lt3A_217 = arith.cmpi slt, %broadcast_in_dim3A_214, %lt3A_216 : vector<16xi32>
          %add3A_218 = arith.constant 16 : i32
          %add3A_219 = vector.broadcast %add3A_218 : i32 to vector<16xi32>
          %add3A_220 = arith.addi %broadcast_in_dim3A_214, %add3A_219 : vector<16xi32>
          %select_n3A = arith.select %lt3A_217, %add3A_220, %broadcast_in_dim3A_214 : vector<16xi1>, vector<16xi32>
          %broadcast_in_dim3A_221 = vector.shape_cast %select_n3A : vector<16xi32> to vector<16x1xi32>
          %gather3A = vector.shape_cast %broadcast_in_dim3A_221 : vector<16x1xi32> to vector<16xi32>
          %gather3A_222 = tpu.dynamic_gather %get3A_202[%gather3A] in [0] : vector<16xi32>, vector<16xi32> -> vector<16xi32>
          %ne3A_223 = arith.cmpi ne, %gather3A_222, %scan3A_195 : vector<16xi32>
          %mul3A_224 = arith.constant 16 : i32
          %mul3A_225 = arith.muli %scan3A_194, %mul3A_224 : i32
          %add3A_226 = arith.constant 0 : i32
          %add3A_227 = arith.addi %mul3A_225, %add3A_226 : i32
          tpu.vector_store_idx %arg15[%scan3A_195, %add3A_8], %scan3A_196 masked %ne3A_223 {add = true} : memref<64x64xf32, #tpu.memory_space<vmem>>[vector<16xi32>, vector<16xi32>], vector<16xf32>, vector<16xi1>
          %get3A_228 = arith.index_cast %add3A_227 : i32 to index
          %get3A_229 = arith.constant 0 : index
          %get3A_230 = tpu.vector_load %arg6[%get3A_228, %get3A_229] {strides = array<i32>} : memref<512x64xf32, #tpu.memory_space<vmem>>, vector<16xf32>,
          %add3A_231 = arith.addf %scan3A_196, %get3A_230 : vector<16xf32>
          %select_n3A_232 = arith.select %ne3A_223, %get3A_230, %add3A_231 : vector<16xi1>, vector<16xf32>
          tpu.vector_store_idx %arg15[%scan3A_195, %add3A_12], %scan3A_197 masked %ne3A_223 {add = true} : memref<64x64xf32, #tpu.memory_space<vmem>>[vector<16xi32>, vector<16xi32>], vector<16xf32>, vector<16xi1>
          %get3A_233 = arith.index_cast %add3A_227 : i32 to index
          %get3A_234 = arith.constant 16 : index
          %get3A_235 = tpu.vector_load %arg6[%get3A_233, %get3A_234] {strides = array<i32>} : memref<512x64xf32, #tpu.memory_space<vmem>>, vector<16xf32>,
          %add3A_236 = arith.addf %scan3A_197, %get3A_235 : vector<16xf32>
          %select_n3A_237 = arith.select %ne3A_223, %get3A_235, %add3A_236 : vector<16xi1>, vector<16xf32>
          tpu.vector_store_idx %arg15[%scan3A_195, %add3A_16], %scan3A_198 masked %ne3A_223 {add = true} : memref<64x64xf32, #tpu.memory_space<vmem>>[vector<16xi32>, vector<16xi32>], vector<16xf32>, vector<16xi1>
          %get3A_238 = arith.index_cast %add3A_227 : i32 to index
          %get3A_239 = arith.constant 32 : index
          %get3A_240 = tpu.vector_load %arg6[%get3A_238, %get3A_239] {strides = array<i32>} : memref<512x64xf32, #tpu.memory_space<vmem>>, vector<16xf32>,
          %add3A_241 = arith.addf %scan3A_198, %get3A_240 : vector<16xf32>
          %select_n3A_242 = arith.select %ne3A_223, %get3A_240, %add3A_241 : vector<16xi1>, vector<16xf32>
          tpu.vector_store_idx %arg15[%scan3A_195, %add3A_20], %scan3A_199 masked %ne3A_223 {add = true} : memref<64x64xf32, #tpu.memory_space<vmem>>[vector<16xi32>, vector<16xi32>], vector<16xf32>, vector<16xi1>
          %get3A_243 = arith.index_cast %add3A_227 : i32 to index
          %get3A_244 = arith.constant 48 : index
          %get3A_245 = tpu.vector_load %arg6[%get3A_243, %get3A_244] {strides = array<i32>} : memref<512x64xf32, #tpu.memory_space<vmem>>, vector<16xf32>,
          %add3A_246 = arith.addf %scan3A_199, %get3A_245 : vector<16xf32>
          %select_n3A_247 = arith.select %ne3A_223, %get3A_245, %add3A_246 : vector<16xi1>, vector<16xf32>
          %broadcast_in_dim3A_248 = arith.constant 1 : i32
          %broadcast_in_dim3A_249 = vector.broadcast %broadcast_in_dim3A_248 : i32 to vector<16xi32>
          %lt3A_250 = arith.constant 0 : i32
          %lt3A_251 = vector.broadcast %lt3A_250 : i32 to vector<16xi32>
          %lt3A_252 = arith.cmpi slt, %broadcast_in_dim3A_249, %lt3A_251 : vector<16xi32>
          %add3A_253 = arith.constant 16 : i32
          %add3A_254 = vector.broadcast %add3A_253 : i32 to vector<16xi32>
          %add3A_255 = arith.addi %broadcast_in_dim3A_249, %add3A_254 : vector<16xi32>
          %select_n3A_256 = arith.select %lt3A_252, %add3A_255, %broadcast_in_dim3A_249 : vector<16xi1>, vector<16xi32>
          %broadcast_in_dim3A_257 = vector.shape_cast %select_n3A_256 : vector<16xi32> to vector<16x1xi32>
          %gather3A_258 = vector.shape_cast %broadcast_in_dim3A_257 : vector<16x1xi32> to vector<16xi32>
          %gather3A_259 = tpu.dynamic_gather %get3A_202[%gather3A_258] in [0] : vector<16xi32>, vector<16xi32> -> vector<16xi32>
          %ne3A_260 = arith.cmpi ne, %gather3A_259, %gather3A_222 : vector<16xi32>
          %mul3A_261 = arith.constant 16 : i32
          %mul3A_262 = arith.muli %scan3A_194, %mul3A_261 : i32
          %add3A_263 = arith.constant 1 : i32
          %add3A_264 = arith.addi %mul3A_262, %add3A_263 : i32
          tpu.vector_store_idx %arg15[%gather3A_222, %add3A_8], %select_n3A_232 masked %ne3A_260 {add = true} : memref<64x64xf32, #tpu.memory_space<vmem>>[vector<16xi32>, vector<16xi32>], vector<16xf32>, vector<16xi1>
          %get3A_265 = arith.index_cast %add3A_264 : i32 to index
          %get3A_266 = arith.constant 0 : index
          %get3A_267 = tpu.vector_load %arg6[%get3A_265, %get3A_266] {strides = array<i32>} : memref<512x64xf32, #tpu.memory_space<vmem>>, vector<16xf32>,
          %add3A_268 = arith.addf %select_n3A_232, %get3A_267 : vector<16xf32>
          %select_n3A_269 = arith.select %ne3A_260, %get3A_267, %add3A_268 : vector<16xi1>, vector<16xf32>
          tpu.vector_store_idx %arg15[%gather3A_222, %add3A_12], %select_n3A_237 masked %ne3A_260 {add = true} : memref<64x64xf32, #tpu.memory_space<vmem>>[vector<16xi32>, vector<16xi32>], vector<16xf32>, vector<16xi1>
          %get3A_270 = arith.index_cast %add3A_264 : i32 to index
          %get3A_271 = arith.constant 16 : index
          %get3A_272 = tpu.vector_load %arg6[%get3A_270, %get3A_271] {strides = array<i32>} : memref<512x64xf32, #tpu.memory_space<vmem>>, vector<16xf32>,
          %add3A_273 = arith.addf %select_n3A_237, %get3A_272 : vector<16xf32>
          %select_n3A_274 = arith.select %ne3A_260, %get3A_272, %add3A_273 : vector<16xi1>, vector<16xf32>
          tpu.vector_store_idx %arg15[%gather3A_222, %add3A_16], %select_n3A_242 masked %ne3A_260 {add = true} : memref<64x64xf32, #tpu.memory_space<vmem>>[vector<16xi32>, vector<16xi32>], vector<16xf32>, vector<16xi1>
          %get3A_275 = arith.index_cast %add3A_264 : i32 to index
          %get3A_276 = arith.constant 32 : index
          %get3A_277 = tpu.vector_load %arg6[%get3A_275, %get3A_276] {strides = array<i32>} : memref<512x64xf32, #tpu.memory_space<vmem>>, vector<16xf32>,
          %add3A_278 = arith.addf %select_n3A_242, %get3A_277 : vector<16xf32>
          %select_n3A_279 = arith.select %ne3A_260, %get3A_277, %add3A_278 : vector<16xi1>, vector<16xf32>
          tpu.vector_store_idx %arg15[%gather3A_222, %add3A_20], %select_n3A_247 masked %ne3A_260 {add = true} : memref<64x64xf32, #tpu.memory_space<vmem>>[vector<16xi32>, vector<16xi32>], vector<16xf32>, vector<16xi1>
          %get3A_280 = arith.index_cast %add3A_264 : i32 to index
          %get3A_281 = arith.constant 48 : index
          %get3A_282 = tpu.vector_load %arg6[%get3A_280, %get3A_281] {strides = array<i32>} : memref<512x64xf32, #tpu.memory_space<vmem>>, vector<16xf32>,
          %add3A_283 = arith.addf %select_n3A_247, %get3A_282 : vector<16xf32>
          %select_n3A_284 = arith.select %ne3A_260, %get3A_282, %add3A_283 : vector<16xi1>, vector<16xf32>
          %broadcast_in_dim3A_285 = arith.constant 2 : i32
          %broadcast_in_dim3A_286 = vector.broadcast %broadcast_in_dim3A_285 : i32 to vector<16xi32>
          %lt3A_287 = arith.constant 0 : i32
          %lt3A_288 = vector.broadcast %lt3A_287 : i32 to vector<16xi32>
          %lt3A_289 = arith.cmpi slt, %broadcast_in_dim3A_286, %lt3A_288 : vector<16xi32>
          %add3A_290 = arith.constant 16 : i32
          %add3A_291 = vector.broadcast %add3A_290 : i32 to vector<16xi32>
          %add3A_292 = arith.addi %broadcast_in_dim3A_286, %add3A_291 : vector<16xi32>
          %select_n3A_293 = arith.select %lt3A_289, %add3A_292, %broadcast_in_dim3A_286 : vector<16xi1>, vector<16xi32>
          %broadcast_in_dim3A_294 = vector.shape_cast %select_n3A_293 : vector<16xi32> to vector<16x1xi32>
          %gather3A_295 = vector.shape_cast %broadcast_in_dim3A_294 : vector<16x1xi32> to vector<16xi32>
          %gather3A_296 = tpu.dynamic_gather %get3A_202[%gather3A_295] in [0] : vector<16xi32>, vector<16xi32> -> vector<16xi32>
          %ne3A_297 = arith.cmpi ne, %gather3A_296, %gather3A_259 : vector<16xi32>
          %mul3A_298 = arith.constant 16 : i32
          %mul3A_299 = arith.muli %scan3A_194, %mul3A_298 : i32
          %add3A_300 = arith.constant 2 : i32
          %add3A_301 = arith.addi %mul3A_299, %add3A_300 : i32
          tpu.vector_store_idx %arg15[%gather3A_259, %add3A_8], %select_n3A_269 masked %ne3A_297 {add = true} : memref<64x64xf32, #tpu.memory_space<vmem>>[vector<16xi32>, vector<16xi32>], vector<16xf32>, vector<16xi1>
          %get3A_302 = arith.index_cast %add3A_301 : i32 to index
          %get3A_303 = arith.constant 0 : index
          %get3A_304 = tpu.vector_load %arg6[%get3A_302, %get3A_303] {strides = array<i32>} : memref<512x64xf32, #tpu.memory_space<vmem>>, vector<16xf32>,
          %add3A_305 = arith.addf %select_n3A_269, %get3A_304 : vector<16xf32>
          %select_n3A_306 = arith.select %ne3A_297, %get3A_304, %add3A_305 : vector<16xi1>, vector<16xf32>
          tpu.vector_store_idx %arg15[%gather3A_259, %add3A_12], %select_n3A_274 masked %ne3A_297 {add = true} : memref<64x64xf32, #tpu.memory_space<vmem>>[vector<16xi32>, vector<16xi32>], vector<16xf32>, vector<16xi1>
          %get3A_307 = arith.index_cast %add3A_301 : i32 to index
          %get3A_308 = arith.constant 16 : index
          %get3A_309 = tpu.vector_load %arg6[%get3A_307, %get3A_308] {strides = array<i32>} : memref<512x64xf32, #tpu.memory_space<vmem>>, vector<16xf32>,
          %add3A_310 = arith.addf %select_n3A_274, %get3A_309 : vector<16xf32>
          %select_n3A_311 = arith.select %ne3A_297, %get3A_309, %add3A_310 : vector<16xi1>, vector<16xf32>
          tpu.vector_store_idx %arg15[%gather3A_259, %add3A_16], %select_n3A_279 masked %ne3A_297 {add = true} : memref<64x64xf32, #tpu.memory_space<vmem>>[vector<16xi32>, vector<16xi32>], vector<16xf32>, vector<16xi1>
          %get3A_312 = arith.index_cast %add3A_301 : i32 to index
          %get3A_313 = arith.constant 32 : index
          %get3A_314 = tpu.vector_load %arg6[%get3A_312, %get3A_313] {strides = array<i32>} : memref<512x64xf32, #tpu.memory_space<vmem>>, vector<16xf32>,
          %add3A_315 = arith.addf %select_n3A_279, %get3A_314 : vector<16xf32>
          %select_n3A_316 = arith.select %ne3A_297, %get3A_314, %add3A_315 : vector<16xi1>, vector<16xf32>
          tpu.vector_store_idx %arg15[%gather3A_259, %add3A_20], %select_n3A_284 masked %ne3A_297 {add = true} : memref<64x64xf32, #tpu.memory_space<vmem>>[vector<16xi32>, vector<16xi32>], vector<16xf32>, vector<16xi1>
          %get3A_317 = arith.index_cast %add3A_301 : i32 to index
          %get3A_318 = arith.constant 48 : index
          %get3A_319 = tpu.vector_load %arg6[%get3A_317, %get3A_318] {strides = array<i32>} : memref<512x64xf32, #tpu.memory_space<vmem>>, vector<16xf32>,
          %add3A_320 = arith.addf %select_n3A_284, %get3A_319 : vector<16xf32>
          %select_n3A_321 = arith.select %ne3A_297, %get3A_319, %add3A_320 : vector<16xi1>, vector<16xf32>
          %broadcast_in_dim3A_322 = arith.constant 3 : i32
          %broadcast_in_dim3A_323 = vector.broadcast %broadcast_in_dim3A_322 : i32 to vector<16xi32>
          %lt3A_324 = arith.constant 0 : i32
          %lt3A_325 = vector.broadcast %lt3A_324 : i32 to vector<16xi32>
          %lt3A_326 = arith.cmpi slt, %broadcast_in_dim3A_323, %lt3A_325 : vector<16xi32>
          %add3A_327 = arith.constant 16 : i32
          %add3A_328 = vector.broadcast %add3A_327 : i32 to vector<16xi32>
          %add3A_329 = arith.addi %broadcast_in_dim3A_323, %add3A_328 : vector<16xi32>
          %select_n3A_330 = arith.select %lt3A_326, %add3A_329, %broadcast_in_dim3A_323 : vector<16xi1>, vector<16xi32>
          %broadcast_in_dim3A_331 = vector.shape_cast %select_n3A_330 : vector<16xi32> to vector<16x1xi32>
          %gather3A_332 = vector.shape_cast %broadcast_in_dim3A_331 : vector<16x1xi32> to vector<16xi32>
          %gather3A_333 = tpu.dynamic_gather %get3A_202[%gather3A_332] in [0] : vector<16xi32>, vector<16xi32> -> vector<16xi32>
          %ne3A_334 = arith.cmpi ne, %gather3A_333, %gather3A_296 : vector<16xi32>
          %mul3A_335 = arith.constant 16 : i32
          %mul3A_336 = arith.muli %scan3A_194, %mul3A_335 : i32
          %add3A_337 = arith.constant 3 : i32
          %add3A_338 = arith.addi %mul3A_336, %add3A_337 : i32
          tpu.vector_store_idx %arg15[%gather3A_296, %add3A_8], %select_n3A_306 masked %ne3A_334 {add = true} : memref<64x64xf32, #tpu.memory_space<vmem>>[vector<16xi32>, vector<16xi32>], vector<16xf32>, vector<16xi1>
          %get3A_339 = arith.index_cast %add3A_338 : i32 to index
          %get3A_340 = arith.constant 0 : index
          %get3A_341 = tpu.vector_load %arg6[%get3A_339, %get3A_340] {strides = array<i32>} : memref<512x64xf32, #tpu.memory_space<vmem>>, vector<16xf32>,
          %add3A_342 = arith.addf %select_n3A_306, %get3A_341 : vector<16xf32>
          %select_n3A_343 = arith.select %ne3A_334, %get3A_341, %add3A_342 : vector<16xi1>, vector<16xf32>
          tpu.vector_store_idx %arg15[%gather3A_296, %add3A_12], %select_n3A_311 masked %ne3A_334 {add = true} : memref<64x64xf32, #tpu.memory_space<vmem>>[vector<16xi32>, vector<16xi32>], vector<16xf32>, vector<16xi1>
          %get3A_344 = arith.index_cast %add3A_338 : i32 to index
          %get3A_345 = arith.constant 16 : index
          %get3A_346 = tpu.vector_load %arg6[%get3A_344, %get3A_345] {strides = array<i32>} : memref<512x64xf32, #tpu.memory_space<vmem>>, vector<16xf32>,
          %add3A_347 = arith.addf %select_n3A_311, %get3A_346 : vector<16xf32>
          %select_n3A_348 = arith.select %ne3A_334, %get3A_346, %add3A_347 : vector<16xi1>, vector<16xf32>
          tpu.vector_store_idx %arg15[%gather3A_296, %add3A_16], %select_n3A_316 masked %ne3A_334 {add = true} : memref<64x64xf32, #tpu.memory_space<vmem>>[vector<16xi32>, vector<16xi32>], vector<16xf32>, vector<16xi1>
          %get3A_349 = arith.index_cast %add3A_338 : i32 to index
          %get3A_350 = arith.constant 32 : index
          %get3A_351 = tpu.vector_load %arg6[%get3A_349, %get3A_350] {strides = array<i32>} : memref<512x64xf32, #tpu.memory_space<vmem>>, vector<16xf32>,
          %add3A_352 = arith.addf %select_n3A_316, %get3A_351 : vector<16xf32>
          %select_n3A_353 = arith.select %ne3A_334, %get3A_351, %add3A_352 : vector<16xi1>, vector<16xf32>
          tpu.vector_store_idx %arg15[%gather3A_296, %add3A_20], %select_n3A_321 masked %ne3A_334 {add = true} : memref<64x64xf32, #tpu.memory_space<vmem>>[vector<16xi32>, vector<16xi32>], vector<16xf32>, vector<16xi1>
          %get3A_354 = arith.index_cast %add3A_338 : i32 to index
          %get3A_355 = arith.constant 48 : index
          %get3A_356 = tpu.vector_load %arg6[%get3A_354, %get3A_355] {strides = array<i32>} : memref<512x64xf32, #tpu.memory_space<vmem>>, vector<16xf32>,
          %add3A_357 = arith.addf %select_n3A_321, %get3A_356 : vector<16xf32>
          %select_n3A_358 = arith.select %ne3A_334, %get3A_356, %add3A_357 : vector<16xi1>, vector<16xf32>
          %broadcast_in_dim3A_359 = arith.constant 4 : i32
          %broadcast_in_dim3A_360 = vector.broadcast %broadcast_in_dim3A_359 : i32 to vector<16xi32>
          %lt3A_361 = arith.constant 0 : i32
          %lt3A_362 = vector.broadcast %lt3A_361 : i32 to vector<16xi32>
          %lt3A_363 = arith.cmpi slt, %broadcast_in_dim3A_360, %lt3A_362 : vector<16xi32>
          %add3A_364 = arith.constant 16 : i32
          %add3A_365 = vector.broadcast %add3A_364 : i32 to vector<16xi32>
          %add3A_366 = arith.addi %broadcast_in_dim3A_360, %add3A_365 : vector<16xi32>
          %select_n3A_367 = arith.select %lt3A_363, %add3A_366, %broadcast_in_dim3A_360 : vector<16xi1>, vector<16xi32>
          %broadcast_in_dim3A_368 = vector.shape_cast %select_n3A_367 : vector<16xi32> to vector<16x1xi32>
          %gather3A_369 = vector.shape_cast %broadcast_in_dim3A_368 : vector<16x1xi32> to vector<16xi32>
          %gather3A_370 = tpu.dynamic_gather %get3A_202[%gather3A_369] in [0] : vector<16xi32>, vector<16xi32> -> vector<16xi32>
          %ne3A_371 = arith.cmpi ne, %gather3A_370, %gather3A_333 : vector<16xi32>
          %mul3A_372 = arith.constant 16 : i32
          %mul3A_373 = arith.muli %scan3A_194, %mul3A_372 : i32
          %add3A_374 = arith.constant 4 : i32
          %add3A_375 = arith.addi %mul3A_373, %add3A_374 : i32
          tpu.vector_store_idx %arg15[%gather3A_333, %add3A_8], %select_n3A_343 masked %ne3A_371 {add = true} : memref<64x64xf32, #tpu.memory_space<vmem>>[vector<16xi32>, vector<16xi32>], vector<16xf32>, vector<16xi1>
          %get3A_376 = arith.index_cast %add3A_375 : i32 to index
          %get3A_377 = arith.constant 0 : index
          %get3A_378 = tpu.vector_load %arg6[%get3A_376, %get3A_377] {strides = array<i32>} : memref<512x64xf32, #tpu.memory_space<vmem>>, vector<16xf32>,
          %add3A_379 = arith.addf %select_n3A_343, %get3A_378 : vector<16xf32>
          %select_n3A_380 = arith.select %ne3A_371, %get3A_378, %add3A_379 : vector<16xi1>, vector<16xf32>
          tpu.vector_store_idx %arg15[%gather3A_333, %add3A_12], %select_n3A_348 masked %ne3A_371 {add = true} : memref<64x64xf32, #tpu.memory_space<vmem>>[vector<16xi32>, vector<16xi32>], vector<16xf32>, vector<16xi1>
          %get3A_381 = arith.index_cast %add3A_375 : i32 to index
          %get3A_382 = arith.constant 16 : index
          %get3A_383 = tpu.vector_load %arg6[%get3A_381, %get3A_382] {strides = array<i32>} : memref<512x64xf32, #tpu.memory_space<vmem>>, vector<16xf32>,
          %add3A_384 = arith.addf %select_n3A_348, %get3A_383 : vector<16xf32>
          %select_n3A_385 = arith.select %ne3A_371, %get3A_383, %add3A_384 : vector<16xi1>, vector<16xf32>
          tpu.vector_store_idx %arg15[%gather3A_333, %add3A_16], %select_n3A_353 masked %ne3A_371 {add = true} : memref<64x64xf32, #tpu.memory_space<vmem>>[vector<16xi32>, vector<16xi32>], vector<16xf32>, vector<16xi1>
          %get3A_386 = arith.index_cast %add3A_375 : i32 to index
          %get3A_387 = arith.constant 32 : index
          %get3A_388 = tpu.vector_load %arg6[%get3A_386, %get3A_387] {strides = array<i32>} : memref<512x64xf32, #tpu.memory_space<vmem>>, vector<16xf32>,
          %add3A_389 = arith.addf %select_n3A_353, %get3A_388 : vector<16xf32>
          %select_n3A_390 = arith.select %ne3A_371, %get3A_388, %add3A_389 : vector<16xi1>, vector<16xf32>
          tpu.vector_store_idx %arg15[%gather3A_333, %add3A_20], %select_n3A_358 masked %ne3A_371 {add = true} : memref<64x64xf32, #tpu.memory_space<vmem>>[vector<16xi32>, vector<16xi32>], vector<16xf32>, vector<16xi1>
          %get3A_391 = arith.index_cast %add3A_375 : i32 to index
          %get3A_392 = arith.constant 48 : index
          %get3A_393 = tpu.vector_load %arg6[%get3A_391, %get3A_392] {strides = array<i32>} : memref<512x64xf32, #tpu.memory_space<vmem>>, vector<16xf32>,
          %add3A_394 = arith.addf %select_n3A_358, %get3A_393 : vector<16xf32>
          %select_n3A_395 = arith.select %ne3A_371, %get3A_393, %add3A_394 : vector<16xi1>, vector<16xf32>
          %broadcast_in_dim3A_396 = arith.constant 5 : i32
          %broadcast_in_dim3A_397 = vector.broadcast %broadcast_in_dim3A_396 : i32 to vector<16xi32>
          %lt3A_398 = arith.constant 0 : i32
          %lt3A_399 = vector.broadcast %lt3A_398 : i32 to vector<16xi32>
          %lt3A_400 = arith.cmpi slt, %broadcast_in_dim3A_397, %lt3A_399 : vector<16xi32>
          %add3A_401 = arith.constant 16 : i32
          %add3A_402 = vector.broadcast %add3A_401 : i32 to vector<16xi32>
          %add3A_403 = arith.addi %broadcast_in_dim3A_397, %add3A_402 : vector<16xi32>
          %select_n3A_404 = arith.select %lt3A_400, %add3A_403, %broadcast_in_dim3A_397 : vector<16xi1>, vector<16xi32>
          %broadcast_in_dim3A_405 = vector.shape_cast %select_n3A_404 : vector<16xi32> to vector<16x1xi32>
          %gather3A_406 = vector.shape_cast %broadcast_in_dim3A_405 : vector<16x1xi32> to vector<16xi32>
          %gather3A_407 = tpu.dynamic_gather %get3A_202[%gather3A_406] in [0] : vector<16xi32>, vector<16xi32> -> vector<16xi32>
          %ne3A_408 = arith.cmpi ne, %gather3A_407, %gather3A_370 : vector<16xi32>
          %mul3A_409 = arith.constant 16 : i32
          %mul3A_410 = arith.muli %scan3A_194, %mul3A_409 : i32
          %add3A_411 = arith.constant 5 : i32
          %add3A_412 = arith.addi %mul3A_410, %add3A_411 : i32
          tpu.vector_store_idx %arg15[%gather3A_370, %add3A_8], %select_n3A_380 masked %ne3A_408 {add = true} : memref<64x64xf32, #tpu.memory_space<vmem>>[vector<16xi32>, vector<16xi32>], vector<16xf32>, vector<16xi1>
          %get3A_413 = arith.index_cast %add3A_412 : i32 to index
          %get3A_414 = arith.constant 0 : index
          %get3A_415 = tpu.vector_load %arg6[%get3A_413, %get3A_414] {strides = array<i32>} : memref<512x64xf32, #tpu.memory_space<vmem>>, vector<16xf32>,
          %add3A_416 = arith.addf %select_n3A_380, %get3A_415 : vector<16xf32>
          %select_n3A_417 = arith.select %ne3A_408, %get3A_415, %add3A_416 : vector<16xi1>, vector<16xf32>
          tpu.vector_store_idx %arg15[%gather3A_370, %add3A_12], %select_n3A_385 masked %ne3A_408 {add = true} : memref<64x64xf32, #tpu.memory_space<vmem>>[vector<16xi32>, vector<16xi32>], vector<16xf32>, vector<16xi1>
          %get3A_418 = arith.index_cast %add3A_412 : i32 to index
          %get3A_419 = arith.constant 16 : index
          %get3A_420 = tpu.vector_load %arg6[%get3A_418, %get3A_419] {strides = array<i32>} : memref<512x64xf32, #tpu.memory_space<vmem>>, vector<16xf32>,
          %add3A_421 = arith.addf %select_n3A_385, %get3A_420 : vector<16xf32>
          %select_n3A_422 = arith.select %ne3A_408, %get3A_420, %add3A_421 : vector<16xi1>, vector<16xf32>
          tpu.vector_store_idx %arg15[%gather3A_370, %add3A_16], %select_n3A_390 masked %ne3A_408 {add = true} : memref<64x64xf32, #tpu.memory_space<vmem>>[vector<16xi32>, vector<16xi32>], vector<16xf32>, vector<16xi1>
          %get3A_423 = arith.index_cast %add3A_412 : i32 to index
          %get3A_424 = arith.constant 32 : index
          %get3A_425 = tpu.vector_load %arg6[%get3A_423, %get3A_424] {strides = array<i32>} : memref<512x64xf32, #tpu.memory_space<vmem>>, vector<16xf32>,
          %add3A_426 = arith.addf %select_n3A_390, %get3A_425 : vector<16xf32>
          %select_n3A_427 = arith.select %ne3A_408, %get3A_425, %add3A_426 : vector<16xi1>, vector<16xf32>
          tpu.vector_store_idx %arg15[%gather3A_370, %add3A_20], %select_n3A_395 masked %ne3A_408 {add = true} : memref<64x64xf32, #tpu.memory_space<vmem>>[vector<16xi32>, vector<16xi32>], vector<16xf32>, vector<16xi1>
          %get3A_428 = arith.index_cast %add3A_412 : i32 to index
          %get3A_429 = arith.constant 48 : index
          %get3A_430 = tpu.vector_load %arg6[%get3A_428, %get3A_429] {strides = array<i32>} : memref<512x64xf32, #tpu.memory_space<vmem>>, vector<16xf32>,
          %add3A_431 = arith.addf %select_n3A_395, %get3A_430 : vector<16xf32>
          %select_n3A_432 = arith.select %ne3A_408, %get3A_430, %add3A_431 : vector<16xi1>, vector<16xf32>
          %broadcast_in_dim3A_433 = arith.constant 6 : i32
          %broadcast_in_dim3A_434 = vector.broadcast %broadcast_in_dim3A_433 : i32 to vector<16xi32>
          %lt3A_435 = arith.constant 0 : i32
          %lt3A_436 = vector.broadcast %lt3A_435 : i32 to vector<16xi32>
          %lt3A_437 = arith.cmpi slt, %broadcast_in_dim3A_434, %lt3A_436 : vector<16xi32>
          %add3A_438 = arith.constant 16 : i32
          %add3A_439 = vector.broadcast %add3A_438 : i32 to vector<16xi32>
          %add3A_440 = arith.addi %broadcast_in_dim3A_434, %add3A_439 : vector<16xi32>
          %select_n3A_441 = arith.select %lt3A_437, %add3A_440, %broadcast_in_dim3A_434 : vector<16xi1>, vector<16xi32>
          %broadcast_in_dim3A_442 = vector.shape_cast %select_n3A_441 : vector<16xi32> to vector<16x1xi32>
          %gather3A_443 = vector.shape_cast %broadcast_in_dim3A_442 : vector<16x1xi32> to vector<16xi32>
          %gather3A_444 = tpu.dynamic_gather %get3A_202[%gather3A_443] in [0] : vector<16xi32>, vector<16xi32> -> vector<16xi32>
          %ne3A_445 = arith.cmpi ne, %gather3A_444, %gather3A_407 : vector<16xi32>
          %mul3A_446 = arith.constant 16 : i32
          %mul3A_447 = arith.muli %scan3A_194, %mul3A_446 : i32
          %add3A_448 = arith.constant 6 : i32
          %add3A_449 = arith.addi %mul3A_447, %add3A_448 : i32
          tpu.vector_store_idx %arg15[%gather3A_407, %add3A_8], %select_n3A_417 masked %ne3A_445 {add = true} : memref<64x64xf32, #tpu.memory_space<vmem>>[vector<16xi32>, vector<16xi32>], vector<16xf32>, vector<16xi1>
          %get3A_450 = arith.index_cast %add3A_449 : i32 to index
          %get3A_451 = arith.constant 0 : index
          %get3A_452 = tpu.vector_load %arg6[%get3A_450, %get3A_451] {strides = array<i32>} : memref<512x64xf32, #tpu.memory_space<vmem>>, vector<16xf32>,
          %add3A_453 = arith.addf %select_n3A_417, %get3A_452 : vector<16xf32>
          %select_n3A_454 = arith.select %ne3A_445, %get3A_452, %add3A_453 : vector<16xi1>, vector<16xf32>
          tpu.vector_store_idx %arg15[%gather3A_407, %add3A_12], %select_n3A_422 masked %ne3A_445 {add = true} : memref<64x64xf32, #tpu.memory_space<vmem>>[vector<16xi32>, vector<16xi32>], vector<16xf32>, vector<16xi1>
          %get3A_455 = arith.index_cast %add3A_449 : i32 to index
          %get3A_456 = arith.constant 16 : index
          %get3A_457 = tpu.vector_load %arg6[%get3A_455, %get3A_456] {strides = array<i32>} : memref<512x64xf32, #tpu.memory_space<vmem>>, vector<16xf32>,
          %add3A_458 = arith.addf %select_n3A_422, %get3A_457 : vector<16xf32>
          %select_n3A_459 = arith.select %ne3A_445, %get3A_457, %add3A_458 : vector<16xi1>, vector<16xf32>
          tpu.vector_store_idx %arg15[%gather3A_407, %add3A_16], %select_n3A_427 masked %ne3A_445 {add = true} : memref<64x64xf32, #tpu.memory_space<vmem>>[vector<16xi32>, vector<16xi32>], vector<16xf32>, vector<16xi1>
          %get3A_460 = arith.index_cast %add3A_449 : i32 to index
          %get3A_461 = arith.constant 32 : index
          %get3A_462 = tpu.vector_load %arg6[%get3A_460, %get3A_461] {strides = array<i32>} : memref<512x64xf32, #tpu.memory_space<vmem>>, vector<16xf32>,
          %add3A_463 = arith.addf %select_n3A_427, %get3A_462 : vector<16xf32>
          %select_n3A_464 = arith.select %ne3A_445, %get3A_462, %add3A_463 : vector<16xi1>, vector<16xf32>
          tpu.vector_store_idx %arg15[%gather3A_407, %add3A_20], %select_n3A_432 masked %ne3A_445 {add = true} : memref<64x64xf32, #tpu.memory_space<vmem>>[vector<16xi32>, vector<16xi32>], vector<16xf32>, vector<16xi1>
          %get3A_465 = arith.index_cast %add3A_449 : i32 to index
          %get3A_466 = arith.constant 48 : index
          %get3A_467 = tpu.vector_load %arg6[%get3A_465, %get3A_466] {strides = array<i32>} : memref<512x64xf32, #tpu.memory_space<vmem>>, vector<16xf32>,
          %add3A_468 = arith.addf %select_n3A_432, %get3A_467 : vector<16xf32>
          %select_n3A_469 = arith.select %ne3A_445, %get3A_467, %add3A_468 : vector<16xi1>, vector<16xf32>
          %broadcast_in_dim3A_470 = arith.constant 7 : i32
          %broadcast_in_dim3A_471 = vector.broadcast %broadcast_in_dim3A_470 : i32 to vector<16xi32>
          %lt3A_472 = arith.constant 0 : i32
          %lt3A_473 = vector.broadcast %lt3A_472 : i32 to vector<16xi32>
          %lt3A_474 = arith.cmpi slt, %broadcast_in_dim3A_471, %lt3A_473 : vector<16xi32>
          %add3A_475 = arith.constant 16 : i32
          %add3A_476 = vector.broadcast %add3A_475 : i32 to vector<16xi32>
          %add3A_477 = arith.addi %broadcast_in_dim3A_471, %add3A_476 : vector<16xi32>
          %select_n3A_478 = arith.select %lt3A_474, %add3A_477, %broadcast_in_dim3A_471 : vector<16xi1>, vector<16xi32>
          %broadcast_in_dim3A_479 = vector.shape_cast %select_n3A_478 : vector<16xi32> to vector<16x1xi32>
          %gather3A_480 = vector.shape_cast %broadcast_in_dim3A_479 : vector<16x1xi32> to vector<16xi32>
          %gather3A_481 = tpu.dynamic_gather %get3A_202[%gather3A_480] in [0] : vector<16xi32>, vector<16xi32> -> vector<16xi32>
          %ne3A_482 = arith.cmpi ne, %gather3A_481, %gather3A_444 : vector<16xi32>
          %mul3A_483 = arith.constant 16 : i32
          %mul3A_484 = arith.muli %scan3A_194, %mul3A_483 : i32
          %add3A_485 = arith.constant 7 : i32
          %add3A_486 = arith.addi %mul3A_484, %add3A_485 : i32
          tpu.vector_store_idx %arg15[%gather3A_444, %add3A_8], %select_n3A_454 masked %ne3A_482 {add = true} : memref<64x64xf32, #tpu.memory_space<vmem>>[vector<16xi32>, vector<16xi32>], vector<16xf32>, vector<16xi1>
          %get3A_487 = arith.index_cast %add3A_486 : i32 to index
          %get3A_488 = arith.constant 0 : index
          %get3A_489 = tpu.vector_load %arg6[%get3A_487, %get3A_488] {strides = array<i32>} : memref<512x64xf32, #tpu.memory_space<vmem>>, vector<16xf32>,
          %add3A_490 = arith.addf %select_n3A_454, %get3A_489 : vector<16xf32>
          %select_n3A_491 = arith.select %ne3A_482, %get3A_489, %add3A_490 : vector<16xi1>, vector<16xf32>
          tpu.vector_store_idx %arg15[%gather3A_444, %add3A_12], %select_n3A_459 masked %ne3A_482 {add = true} : memref<64x64xf32, #tpu.memory_space<vmem>>[vector<16xi32>, vector<16xi32>], vector<16xf32>, vector<16xi1>
          %get3A_492 = arith.index_cast %add3A_486 : i32 to index
          %get3A_493 = arith.constant 16 : index
          %get3A_494 = tpu.vector_load %arg6[%get3A_492, %get3A_493] {strides = array<i32>} : memref<512x64xf32, #tpu.memory_space<vmem>>, vector<16xf32>,
          %add3A_495 = arith.addf %select_n3A_459, %get3A_494 : vector<16xf32>
          %select_n3A_496 = arith.select %ne3A_482, %get3A_494, %add3A_495 : vector<16xi1>, vector<16xf32>
          tpu.vector_store_idx %arg15[%gather3A_444, %add3A_16], %select_n3A_464 masked %ne3A_482 {add = true} : memref<64x64xf32, #tpu.memory_space<vmem>>[vector<16xi32>, vector<16xi32>], vector<16xf32>, vector<16xi1>
          %get3A_497 = arith.index_cast %add3A_486 : i32 to index
          %get3A_498 = arith.constant 32 : index
          %get3A_499 = tpu.vector_load %arg6[%get3A_497, %get3A_498] {strides = array<i32>} : memref<512x64xf32, #tpu.memory_space<vmem>>, vector<16xf32>,
          %add3A_500 = arith.addf %select_n3A_464, %get3A_499 : vector<16xf32>
          %select_n3A_501 = arith.select %ne3A_482, %get3A_499, %add3A_500 : vector<16xi1>, vector<16xf32>
          tpu.vector_store_idx %arg15[%gather3A_444, %add3A_20], %select_n3A_469 masked %ne3A_482 {add = true} : memref<64x64xf32, #tpu.memory_space<vmem>>[vector<16xi32>, vector<16xi32>], vector<16xf32>, vector<16xi1>
          %get3A_502 = arith.index_cast %add3A_486 : i32 to index
          %get3A_503 = arith.constant 48 : index
          %get3A_504 = tpu.vector_load %arg6[%get3A_502, %get3A_503] {strides = array<i32>} : memref<512x64xf32, #tpu.memory_space<vmem>>, vector<16xf32>,
          %add3A_505 = arith.addf %select_n3A_469, %get3A_504 : vector<16xf32>
          %select_n3A_506 = arith.select %ne3A_482, %get3A_504, %add3A_505 : vector<16xi1>, vector<16xf32>
          %broadcast_in_dim3A_507 = arith.constant 8 : i32
          %broadcast_in_dim3A_508 = vector.broadcast %broadcast_in_dim3A_507 : i32 to vector<16xi32>
          %lt3A_509 = arith.constant 0 : i32
          %lt3A_510 = vector.broadcast %lt3A_509 : i32 to vector<16xi32>
          %lt3A_511 = arith.cmpi slt, %broadcast_in_dim3A_508, %lt3A_510 : vector<16xi32>
          %add3A_512 = arith.constant 16 : i32
          %add3A_513 = vector.broadcast %add3A_512 : i32 to vector<16xi32>
          %add3A_514 = arith.addi %broadcast_in_dim3A_508, %add3A_513 : vector<16xi32>
          %select_n3A_515 = arith.select %lt3A_511, %add3A_514, %broadcast_in_dim3A_508 : vector<16xi1>, vector<16xi32>
          %broadcast_in_dim3A_516 = vector.shape_cast %select_n3A_515 : vector<16xi32> to vector<16x1xi32>
          %gather3A_517 = vector.shape_cast %broadcast_in_dim3A_516 : vector<16x1xi32> to vector<16xi32>
          %gather3A_518 = tpu.dynamic_gather %get3A_202[%gather3A_517] in [0] : vector<16xi32>, vector<16xi32> -> vector<16xi32>
          %ne3A_519 = arith.cmpi ne, %gather3A_518, %gather3A_481 : vector<16xi32>
          %mul3A_520 = arith.constant 16 : i32
          %mul3A_521 = arith.muli %scan3A_194, %mul3A_520 : i32
          %add3A_522 = arith.constant 8 : i32
          %add3A_523 = arith.addi %mul3A_521, %add3A_522 : i32
          tpu.vector_store_idx %arg15[%gather3A_481, %add3A_8], %select_n3A_491 masked %ne3A_519 {add = true} : memref<64x64xf32, #tpu.memory_space<vmem>>[vector<16xi32>, vector<16xi32>], vector<16xf32>, vector<16xi1>
          %get3A_524 = arith.index_cast %add3A_523 : i32 to index
          %get3A_525 = arith.constant 0 : index
          %get3A_526 = tpu.vector_load %arg6[%get3A_524, %get3A_525] {strides = array<i32>} : memref<512x64xf32, #tpu.memory_space<vmem>>, vector<16xf32>,
          %add3A_527 = arith.addf %select_n3A_491, %get3A_526 : vector<16xf32>
          %select_n3A_528 = arith.select %ne3A_519, %get3A_526, %add3A_527 : vector<16xi1>, vector<16xf32>
          tpu.vector_store_idx %arg15[%gather3A_481, %add3A_12], %select_n3A_496 masked %ne3A_519 {add = true} : memref<64x64xf32, #tpu.memory_space<vmem>>[vector<16xi32>, vector<16xi32>], vector<16xf32>, vector<16xi1>
          %get3A_529 = arith.index_cast %add3A_523 : i32 to index
          %get3A_530 = arith.constant 16 : index
          %get3A_531 = tpu.vector_load %arg6[%get3A_529, %get3A_530] {strides = array<i32>} : memref<512x64xf32, #tpu.memory_space<vmem>>, vector<16xf32>,
          %add3A_532 = arith.addf %select_n3A_496, %get3A_531 : vector<16xf32>
          %select_n3A_533 = arith.select %ne3A_519, %get3A_531, %add3A_532 : vector<16xi1>, vector<16xf32>
          tpu.vector_store_idx %arg15[%gather3A_481, %add3A_16], %select_n3A_501 masked %ne3A_519 {add = true} : memref<64x64xf32, #tpu.memory_space<vmem>>[vector<16xi32>, vector<16xi32>], vector<16xf32>, vector<16xi1>
          %get3A_534 = arith.index_cast %add3A_523 : i32 to index
          %get3A_535 = arith.constant 32 : index
          %get3A_536 = tpu.vector_load %arg6[%get3A_534, %get3A_535] {strides = array<i32>} : memref<512x64xf32, #tpu.memory_space<vmem>>, vector<16xf32>,
          %add3A_537 = arith.addf %select_n3A_501, %get3A_536 : vector<16xf32>
          %select_n3A_538 = arith.select %ne3A_519, %get3A_536, %add3A_537 : vector<16xi1>, vector<16xf32>
          tpu.vector_store_idx %arg15[%gather3A_481, %add3A_20], %select_n3A_506 masked %ne3A_519 {add = true} : memref<64x64xf32, #tpu.memory_space<vmem>>[vector<16xi32>, vector<16xi32>], vector<16xf32>, vector<16xi1>
          %get3A_539 = arith.index_cast %add3A_523 : i32 to index
          %get3A_540 = arith.constant 48 : index
          %get3A_541 = tpu.vector_load %arg6[%get3A_539, %get3A_540] {strides = array<i32>} : memref<512x64xf32, #tpu.memory_space<vmem>>, vector<16xf32>,
          %add3A_542 = arith.addf %select_n3A_506, %get3A_541 : vector<16xf32>
          %select_n3A_543 = arith.select %ne3A_519, %get3A_541, %add3A_542 : vector<16xi1>, vector<16xf32>
          %broadcast_in_dim3A_544 = arith.constant 9 : i32
          %broadcast_in_dim3A_545 = vector.broadcast %broadcast_in_dim3A_544 : i32 to vector<16xi32>
          %lt3A_546 = arith.constant 0 : i32
          %lt3A_547 = vector.broadcast %lt3A_546 : i32 to vector<16xi32>
          %lt3A_548 = arith.cmpi slt, %broadcast_in_dim3A_545, %lt3A_547 : vector<16xi32>
          %add3A_549 = arith.constant 16 : i32
          %add3A_550 = vector.broadcast %add3A_549 : i32 to vector<16xi32>
          %add3A_551 = arith.addi %broadcast_in_dim3A_545, %add3A_550 : vector<16xi32>
          %select_n3A_552 = arith.select %lt3A_548, %add3A_551, %broadcast_in_dim3A_545 : vector<16xi1>, vector<16xi32>
          %broadcast_in_dim3A_553 = vector.shape_cast %select_n3A_552 : vector<16xi32> to vector<16x1xi32>
          %gather3A_554 = vector.shape_cast %broadcast_in_dim3A_553 : vector<16x1xi32> to vector<16xi32>
          %gather3A_555 = tpu.dynamic_gather %get3A_202[%gather3A_554] in [0] : vector<16xi32>, vector<16xi32> -> vector<16xi32>
          %ne3A_556 = arith.cmpi ne, %gather3A_555, %gather3A_518 : vector<16xi32>
          %mul3A_557 = arith.constant 16 : i32
          %mul3A_558 = arith.muli %scan3A_194, %mul3A_557 : i32
          %add3A_559 = arith.constant 9 : i32
          %add3A_560 = arith.addi %mul3A_558, %add3A_559 : i32
          tpu.vector_store_idx %arg15[%gather3A_518, %add3A_8], %select_n3A_528 masked %ne3A_556 {add = true} : memref<64x64xf32, #tpu.memory_space<vmem>>[vector<16xi32>, vector<16xi32>], vector<16xf32>, vector<16xi1>
          %get3A_561 = arith.index_cast %add3A_560 : i32 to index
          %get3A_562 = arith.constant 0 : index
          %get3A_563 = tpu.vector_load %arg6[%get3A_561, %get3A_562] {strides = array<i32>} : memref<512x64xf32, #tpu.memory_space<vmem>>, vector<16xf32>,
          %add3A_564 = arith.addf %select_n3A_528, %get3A_563 : vector<16xf32>
          %select_n3A_565 = arith.select %ne3A_556, %get3A_563, %add3A_564 : vector<16xi1>, vector<16xf32>
          tpu.vector_store_idx %arg15[%gather3A_518, %add3A_12], %select_n3A_533 masked %ne3A_556 {add = true} : memref<64x64xf32, #tpu.memory_space<vmem>>[vector<16xi32>, vector<16xi32>], vector<16xf32>, vector<16xi1>
          %get3A_566 = arith.index_cast %add3A_560 : i32 to index
          %get3A_567 = arith.constant 16 : index
          %get3A_568 = tpu.vector_load %arg6[%get3A_566, %get3A_567] {strides = array<i32>} : memref<512x64xf32, #tpu.memory_space<vmem>>, vector<16xf32>,
          %add3A_569 = arith.addf %select_n3A_533, %get3A_568 : vector<16xf32>
          %select_n3A_570 = arith.select %ne3A_556, %get3A_568, %add3A_569 : vector<16xi1>, vector<16xf32>
          tpu.vector_store_idx %arg15[%gather3A_518, %add3A_16], %select_n3A_538 masked %ne3A_556 {add = true} : memref<64x64xf32, #tpu.memory_space<vmem>>[vector<16xi32>, vector<16xi32>], vector<16xf32>, vector<16xi1>
          %get3A_571 = arith.index_cast %add3A_560 : i32 to index
          %get3A_572 = arith.constant 32 : index
          %get3A_573 = tpu.vector_load %arg6[%get3A_571, %get3A_572] {strides = array<i32>} : memref<512x64xf32, #tpu.memory_space<vmem>>, vector<16xf32>,
          %add3A_574 = arith.addf %select_n3A_538, %get3A_573 : vector<16xf32>
          %select_n3A_575 = arith.select %ne3A_556, %get3A_573, %add3A_574 : vector<16xi1>, vector<16xf32>
          tpu.vector_store_idx %arg15[%gather3A_518, %add3A_20], %select_n3A_543 masked %ne3A_556 {add = true} : memref<64x64xf32, #tpu.memory_space<vmem>>[vector<16xi32>, vector<16xi32>], vector<16xf32>, vector<16xi1>
          %get3A_576 = arith.index_cast %add3A_560 : i32 to index
          %get3A_577 = arith.constant 48 : index
          %get3A_578 = tpu.vector_load %arg6[%get3A_576, %get3A_577] {strides = array<i32>} : memref<512x64xf32, #tpu.memory_space<vmem>>, vector<16xf32>,
          %add3A_579 = arith.addf %select_n3A_543, %get3A_578 : vector<16xf32>
          %select_n3A_580 = arith.select %ne3A_556, %get3A_578, %add3A_579 : vector<16xi1>, vector<16xf32>
          %broadcast_in_dim3A_581 = arith.constant 10 : i32
          %broadcast_in_dim3A_582 = vector.broadcast %broadcast_in_dim3A_581 : i32 to vector<16xi32>
          %lt3A_583 = arith.constant 0 : i32
          %lt3A_584 = vector.broadcast %lt3A_583 : i32 to vector<16xi32>
          %lt3A_585 = arith.cmpi slt, %broadcast_in_dim3A_582, %lt3A_584 : vector<16xi32>
          %add3A_586 = arith.constant 16 : i32
          %add3A_587 = vector.broadcast %add3A_586 : i32 to vector<16xi32>
          %add3A_588 = arith.addi %broadcast_in_dim3A_582, %add3A_587 : vector<16xi32>
          %select_n3A_589 = arith.select %lt3A_585, %add3A_588, %broadcast_in_dim3A_582 : vector<16xi1>, vector<16xi32>
          %broadcast_in_dim3A_590 = vector.shape_cast %select_n3A_589 : vector<16xi32> to vector<16x1xi32>
          %gather3A_591 = vector.shape_cast %broadcast_in_dim3A_590 : vector<16x1xi32> to vector<16xi32>
          %gather3A_592 = tpu.dynamic_gather %get3A_202[%gather3A_591] in [0] : vector<16xi32>, vector<16xi32> -> vector<16xi32>
          %ne3A_593 = arith.cmpi ne, %gather3A_592, %gather3A_555 : vector<16xi32>
          %mul3A_594 = arith.constant 16 : i32
          %mul3A_595 = arith.muli %scan3A_194, %mul3A_594 : i32
          %add3A_596 = arith.constant 10 : i32
          %add3A_597 = arith.addi %mul3A_595, %add3A_596 : i32
          tpu.vector_store_idx %arg15[%gather3A_555, %add3A_8], %select_n3A_565 masked %ne3A_593 {add = true} : memref<64x64xf32, #tpu.memory_space<vmem>>[vector<16xi32>, vector<16xi32>], vector<16xf32>, vector<16xi1>
          %get3A_598 = arith.index_cast %add3A_597 : i32 to index
          %get3A_599 = arith.constant 0 : index
          %get3A_600 = tpu.vector_load %arg6[%get3A_598, %get3A_599] {strides = array<i32>} : memref<512x64xf32, #tpu.memory_space<vmem>>, vector<16xf32>,
          %add3A_601 = arith.addf %select_n3A_565, %get3A_600 : vector<16xf32>
          %select_n3A_602 = arith.select %ne3A_593, %get3A_600, %add3A_601 : vector<16xi1>, vector<16xf32>
          tpu.vector_store_idx %arg15[%gather3A_555, %add3A_12], %select_n3A_570 masked %ne3A_593 {add = true} : memref<64x64xf32, #tpu.memory_space<vmem>>[vector<16xi32>, vector<16xi32>], vector<16xf32>, vector<16xi1>
          %get3A_603 = arith.index_cast %add3A_597 : i32 to index
          %get3A_604 = arith.constant 16 : index
          %get3A_605 = tpu.vector_load %arg6[%get3A_603, %get3A_604] {strides = array<i32>} : memref<512x64xf32, #tpu.memory_space<vmem>>, vector<16xf32>,
          %add3A_606 = arith.addf %select_n3A_570, %get3A_605 : vector<16xf32>
          %select_n3A_607 = arith.select %ne3A_593, %get3A_605, %add3A_606 : vector<16xi1>, vector<16xf32>
          tpu.vector_store_idx %arg15[%gather3A_555, %add3A_16], %select_n3A_575 masked %ne3A_593 {add = true} : memref<64x64xf32, #tpu.memory_space<vmem>>[vector<16xi32>, vector<16xi32>], vector<16xf32>, vector<16xi1>
          %get3A_608 = arith.index_cast %add3A_597 : i32 to index
          %get3A_609 = arith.constant 32 : index
          %get3A_610 = tpu.vector_load %arg6[%get3A_608, %get3A_609] {strides = array<i32>} : memref<512x64xf32, #tpu.memory_space<vmem>>, vector<16xf32>,
          %add3A_611 = arith.addf %select_n3A_575, %get3A_610 : vector<16xf32>
          %select_n3A_612 = arith.select %ne3A_593, %get3A_610, %add3A_611 : vector<16xi1>, vector<16xf32>
          tpu.vector_store_idx %arg15[%gather3A_555, %add3A_20], %select_n3A_580 masked %ne3A_593 {add = true} : memref<64x64xf32, #tpu.memory_space<vmem>>[vector<16xi32>, vector<16xi32>], vector<16xf32>, vector<16xi1>
          %get3A_613 = arith.index_cast %add3A_597 : i32 to index
          %get3A_614 = arith.constant 48 : index
          %get3A_615 = tpu.vector_load %arg6[%get3A_613, %get3A_614] {strides = array<i32>} : memref<512x64xf32, #tpu.memory_space<vmem>>, vector<16xf32>,
          %add3A_616 = arith.addf %select_n3A_580, %get3A_615 : vector<16xf32>
          %select_n3A_617 = arith.select %ne3A_593, %get3A_615, %add3A_616 : vector<16xi1>, vector<16xf32>
          %broadcast_in_dim3A_618 = arith.constant 11 : i32
          %broadcast_in_dim3A_619 = vector.broadcast %broadcast_in_dim3A_618 : i32 to vector<16xi32>
          %lt3A_620 = arith.constant 0 : i32
          %lt3A_621 = vector.broadcast %lt3A_620 : i32 to vector<16xi32>
          %lt3A_622 = arith.cmpi slt, %broadcast_in_dim3A_619, %lt3A_621 : vector<16xi32>
          %add3A_623 = arith.constant 16 : i32
          %add3A_624 = vector.broadcast %add3A_623 : i32 to vector<16xi32>
          %add3A_625 = arith.addi %broadcast_in_dim3A_619, %add3A_624 : vector<16xi32>
          %select_n3A_626 = arith.select %lt3A_622, %add3A_625, %broadcast_in_dim3A_619 : vector<16xi1>, vector<16xi32>
          %broadcast_in_dim3A_627 = vector.shape_cast %select_n3A_626 : vector<16xi32> to vector<16x1xi32>
          %gather3A_628 = vector.shape_cast %broadcast_in_dim3A_627 : vector<16x1xi32> to vector<16xi32>
          %gather3A_629 = tpu.dynamic_gather %get3A_202[%gather3A_628] in [0] : vector<16xi32>, vector<16xi32> -> vector<16xi32>
          %ne3A_630 = arith.cmpi ne, %gather3A_629, %gather3A_592 : vector<16xi32>
          %mul3A_631 = arith.constant 16 : i32
          %mul3A_632 = arith.muli %scan3A_194, %mul3A_631 : i32
          %add3A_633 = arith.constant 11 : i32
          %add3A_634 = arith.addi %mul3A_632, %add3A_633 : i32
          tpu.vector_store_idx %arg15[%gather3A_592, %add3A_8], %select_n3A_602 masked %ne3A_630 {add = true} : memref<64x64xf32, #tpu.memory_space<vmem>>[vector<16xi32>, vector<16xi32>], vector<16xf32>, vector<16xi1>
          %get3A_635 = arith.index_cast %add3A_634 : i32 to index
          %get3A_636 = arith.constant 0 : index
          %get3A_637 = tpu.vector_load %arg6[%get3A_635, %get3A_636] {strides = array<i32>} : memref<512x64xf32, #tpu.memory_space<vmem>>, vector<16xf32>,
          %add3A_638 = arith.addf %select_n3A_602, %get3A_637 : vector<16xf32>
          %select_n3A_639 = arith.select %ne3A_630, %get3A_637, %add3A_638 : vector<16xi1>, vector<16xf32>
          tpu.vector_store_idx %arg15[%gather3A_592, %add3A_12], %select_n3A_607 masked %ne3A_630 {add = true} : memref<64x64xf32, #tpu.memory_space<vmem>>[vector<16xi32>, vector<16xi32>], vector<16xf32>, vector<16xi1>
          %get3A_640 = arith.index_cast %add3A_634 : i32 to index
          %get3A_641 = arith.constant 16 : index
          %get3A_642 = tpu.vector_load %arg6[%get3A_640, %get3A_641] {strides = array<i32>} : memref<512x64xf32, #tpu.memory_space<vmem>>, vector<16xf32>,
          %add3A_643 = arith.addf %select_n3A_607, %get3A_642 : vector<16xf32>
          %select_n3A_644 = arith.select %ne3A_630, %get3A_642, %add3A_643 : vector<16xi1>, vector<16xf32>
          tpu.vector_store_idx %arg15[%gather3A_592, %add3A_16], %select_n3A_612 masked %ne3A_630 {add = true} : memref<64x64xf32, #tpu.memory_space<vmem>>[vector<16xi32>, vector<16xi32>], vector<16xf32>, vector<16xi1>
          %get3A_645 = arith.index_cast %add3A_634 : i32 to index
          %get3A_646 = arith.constant 32 : index
          %get3A_647 = tpu.vector_load %arg6[%get3A_645, %get3A_646] {strides = array<i32>} : memref<512x64xf32, #tpu.memory_space<vmem>>, vector<16xf32>,
          %add3A_648 = arith.addf %select_n3A_612, %get3A_647 : vector<16xf32>
          %select_n3A_649 = arith.select %ne3A_630, %get3A_647, %add3A_648 : vector<16xi1>, vector<16xf32>
          tpu.vector_store_idx %arg15[%gather3A_592, %add3A_20], %select_n3A_617 masked %ne3A_630 {add = true} : memref<64x64xf32, #tpu.memory_space<vmem>>[vector<16xi32>, vector<16xi32>], vector<16xf32>, vector<16xi1>
          %get3A_650 = arith.index_cast %add3A_634 : i32 to index
          %get3A_651 = arith.constant 48 : index
          %get3A_652 = tpu.vector_load %arg6[%get3A_650, %get3A_651] {strides = array<i32>} : memref<512x64xf32, #tpu.memory_space<vmem>>, vector<16xf32>,
          %add3A_653 = arith.addf %select_n3A_617, %get3A_652 : vector<16xf32>
          %select_n3A_654 = arith.select %ne3A_630, %get3A_652, %add3A_653 : vector<16xi1>, vector<16xf32>
          %broadcast_in_dim3A_655 = arith.constant 12 : i32
          %broadcast_in_dim3A_656 = vector.broadcast %broadcast_in_dim3A_655 : i32 to vector<16xi32>
          %lt3A_657 = arith.constant 0 : i32
          %lt3A_658 = vector.broadcast %lt3A_657 : i32 to vector<16xi32>
          %lt3A_659 = arith.cmpi slt, %broadcast_in_dim3A_656, %lt3A_658 : vector<16xi32>
          %add3A_660 = arith.constant 16 : i32
          %add3A_661 = vector.broadcast %add3A_660 : i32 to vector<16xi32>
          %add3A_662 = arith.addi %broadcast_in_dim3A_656, %add3A_661 : vector<16xi32>
          %select_n3A_663 = arith.select %lt3A_659, %add3A_662, %broadcast_in_dim3A_656 : vector<16xi1>, vector<16xi32>
          %broadcast_in_dim3A_664 = vector.shape_cast %select_n3A_663 : vector<16xi32> to vector<16x1xi32>
          %gather3A_665 = vector.shape_cast %broadcast_in_dim3A_664 : vector<16x1xi32> to vector<16xi32>
          %gather3A_666 = tpu.dynamic_gather %get3A_202[%gather3A_665] in [0] : vector<16xi32>, vector<16xi32> -> vector<16xi32>
          %ne3A_667 = arith.cmpi ne, %gather3A_666, %gather3A_629 : vector<16xi32>
          %mul3A_668 = arith.constant 16 : i32
          %mul3A_669 = arith.muli %scan3A_194, %mul3A_668 : i32
          %add3A_670 = arith.constant 12 : i32
          %add3A_671 = arith.addi %mul3A_669, %add3A_670 : i32
          tpu.vector_store_idx %arg15[%gather3A_629, %add3A_8], %select_n3A_639 masked %ne3A_667 {add = true} : memref<64x64xf32, #tpu.memory_space<vmem>>[vector<16xi32>, vector<16xi32>], vector<16xf32>, vector<16xi1>
          %get3A_672 = arith.index_cast %add3A_671 : i32 to index
          %get3A_673 = arith.constant 0 : index
          %get3A_674 = tpu.vector_load %arg6[%get3A_672, %get3A_673] {strides = array<i32>} : memref<512x64xf32, #tpu.memory_space<vmem>>, vector<16xf32>,
          %add3A_675 = arith.addf %select_n3A_639, %get3A_674 : vector<16xf32>
          %select_n3A_676 = arith.select %ne3A_667, %get3A_674, %add3A_675 : vector<16xi1>, vector<16xf32>
          tpu.vector_store_idx %arg15[%gather3A_629, %add3A_12], %select_n3A_644 masked %ne3A_667 {add = true} : memref<64x64xf32, #tpu.memory_space<vmem>>[vector<16xi32>, vector<16xi32>], vector<16xf32>, vector<16xi1>
          %get3A_677 = arith.index_cast %add3A_671 : i32 to index
          %get3A_678 = arith.constant 16 : index
          %get3A_679 = tpu.vector_load %arg6[%get3A_677, %get3A_678] {strides = array<i32>} : memref<512x64xf32, #tpu.memory_space<vmem>>, vector<16xf32>,
          %add3A_680 = arith.addf %select_n3A_644, %get3A_679 : vector<16xf32>
          %select_n3A_681 = arith.select %ne3A_667, %get3A_679, %add3A_680 : vector<16xi1>, vector<16xf32>
          tpu.vector_store_idx %arg15[%gather3A_629, %add3A_16], %select_n3A_649 masked %ne3A_667 {add = true} : memref<64x64xf32, #tpu.memory_space<vmem>>[vector<16xi32>, vector<16xi32>], vector<16xf32>, vector<16xi1>
          %get3A_682 = arith.index_cast %add3A_671 : i32 to index
          %get3A_683 = arith.constant 32 : index
          %get3A_684 = tpu.vector_load %arg6[%get3A_682, %get3A_683] {strides = array<i32>} : memref<512x64xf32, #tpu.memory_space<vmem>>, vector<16xf32>,
          %add3A_685 = arith.addf %select_n3A_649, %get3A_684 : vector<16xf32>
          %select_n3A_686 = arith.select %ne3A_667, %get3A_684, %add3A_685 : vector<16xi1>, vector<16xf32>
          tpu.vector_store_idx %arg15[%gather3A_629, %add3A_20], %select_n3A_654 masked %ne3A_667 {add = true} : memref<64x64xf32, #tpu.memory_space<vmem>>[vector<16xi32>, vector<16xi32>], vector<16xf32>, vector<16xi1>
          %get3A_687 = arith.index_cast %add3A_671 : i32 to index
          %get3A_688 = arith.constant 48 : index
          %get3A_689 = tpu.vector_load %arg6[%get3A_687, %get3A_688] {strides = array<i32>} : memref<512x64xf32, #tpu.memory_space<vmem>>, vector<16xf32>,
          %add3A_690 = arith.addf %select_n3A_654, %get3A_689 : vector<16xf32>
          %select_n3A_691 = arith.select %ne3A_667, %get3A_689, %add3A_690 : vector<16xi1>, vector<16xf32>
          %broadcast_in_dim3A_692 = arith.constant 13 : i32
          %broadcast_in_dim3A_693 = vector.broadcast %broadcast_in_dim3A_692 : i32 to vector<16xi32>
          %lt3A_694 = arith.constant 0 : i32
          %lt3A_695 = vector.broadcast %lt3A_694 : i32 to vector<16xi32>
          %lt3A_696 = arith.cmpi slt, %broadcast_in_dim3A_693, %lt3A_695 : vector<16xi32>
          %add3A_697 = arith.constant 16 : i32
          %add3A_698 = vector.broadcast %add3A_697 : i32 to vector<16xi32>
          %add3A_699 = arith.addi %broadcast_in_dim3A_693, %add3A_698 : vector<16xi32>
          %select_n3A_700 = arith.select %lt3A_696, %add3A_699, %broadcast_in_dim3A_693 : vector<16xi1>, vector<16xi32>
          %broadcast_in_dim3A_701 = vector.shape_cast %select_n3A_700 : vector<16xi32> to vector<16x1xi32>
          %gather3A_702 = vector.shape_cast %broadcast_in_dim3A_701 : vector<16x1xi32> to vector<16xi32>
          %gather3A_703 = tpu.dynamic_gather %get3A_202[%gather3A_702] in [0] : vector<16xi32>, vector<16xi32> -> vector<16xi32>
          %ne3A_704 = arith.cmpi ne, %gather3A_703, %gather3A_666 : vector<16xi32>
          %mul3A_705 = arith.constant 16 : i32
          %mul3A_706 = arith.muli %scan3A_194, %mul3A_705 : i32
          %add3A_707 = arith.constant 13 : i32
          %add3A_708 = arith.addi %mul3A_706, %add3A_707 : i32
          tpu.vector_store_idx %arg15[%gather3A_666, %add3A_8], %select_n3A_676 masked %ne3A_704 {add = true} : memref<64x64xf32, #tpu.memory_space<vmem>>[vector<16xi32>, vector<16xi32>], vector<16xf32>, vector<16xi1>
          %get3A_709 = arith.index_cast %add3A_708 : i32 to index
          %get3A_710 = arith.constant 0 : index
          %get3A_711 = tpu.vector_load %arg6[%get3A_709, %get3A_710] {strides = array<i32>} : memref<512x64xf32, #tpu.memory_space<vmem>>, vector<16xf32>,
          %add3A_712 = arith.addf %select_n3A_676, %get3A_711 : vector<16xf32>
          %select_n3A_713 = arith.select %ne3A_704, %get3A_711, %add3A_712 : vector<16xi1>, vector<16xf32>
          tpu.vector_store_idx %arg15[%gather3A_666, %add3A_12], %select_n3A_681 masked %ne3A_704 {add = true} : memref<64x64xf32, #tpu.memory_space<vmem>>[vector<16xi32>, vector<16xi32>], vector<16xf32>, vector<16xi1>
          %get3A_714 = arith.index_cast %add3A_708 : i32 to index
          %get3A_715 = arith.constant 16 : index
          %get3A_716 = tpu.vector_load %arg6[%get3A_714, %get3A_715] {strides = array<i32>} : memref<512x64xf32, #tpu.memory_space<vmem>>, vector<16xf32>,
          %add3A_717 = arith.addf %select_n3A_681, %get3A_716 : vector<16xf32>
          %select_n3A_718 = arith.select %ne3A_704, %get3A_716, %add3A_717 : vector<16xi1>, vector<16xf32>
          tpu.vector_store_idx %arg15[%gather3A_666, %add3A_16], %select_n3A_686 masked %ne3A_704 {add = true} : memref<64x64xf32, #tpu.memory_space<vmem>>[vector<16xi32>, vector<16xi32>], vector<16xf32>, vector<16xi1>
          %get3A_719 = arith.index_cast %add3A_708 : i32 to index
          %get3A_720 = arith.constant 32 : index
          %get3A_721 = tpu.vector_load %arg6[%get3A_719, %get3A_720] {strides = array<i32>} : memref<512x64xf32, #tpu.memory_space<vmem>>, vector<16xf32>,
          %add3A_722 = arith.addf %select_n3A_686, %get3A_721 : vector<16xf32>
          %select_n3A_723 = arith.select %ne3A_704, %get3A_721, %add3A_722 : vector<16xi1>, vector<16xf32>
          tpu.vector_store_idx %arg15[%gather3A_666, %add3A_20], %select_n3A_691 masked %ne3A_704 {add = true} : memref<64x64xf32, #tpu.memory_space<vmem>>[vector<16xi32>, vector<16xi32>], vector<16xf32>, vector<16xi1>
          %get3A_724 = arith.index_cast %add3A_708 : i32 to index
          %get3A_725 = arith.constant 48 : index
          %get3A_726 = tpu.vector_load %arg6[%get3A_724, %get3A_725] {strides = array<i32>} : memref<512x64xf32, #tpu.memory_space<vmem>>, vector<16xf32>,
          %add3A_727 = arith.addf %select_n3A_691, %get3A_726 : vector<16xf32>
          %select_n3A_728 = arith.select %ne3A_704, %get3A_726, %add3A_727 : vector<16xi1>, vector<16xf32>
          %broadcast_in_dim3A_729 = arith.constant 14 : i32
          %broadcast_in_dim3A_730 = vector.broadcast %broadcast_in_dim3A_729 : i32 to vector<16xi32>
          %lt3A_731 = arith.constant 0 : i32
          %lt3A_732 = vector.broadcast %lt3A_731 : i32 to vector<16xi32>
          %lt3A_733 = arith.cmpi slt, %broadcast_in_dim3A_730, %lt3A_732 : vector<16xi32>
          %add3A_734 = arith.constant 16 : i32
          %add3A_735 = vector.broadcast %add3A_734 : i32 to vector<16xi32>
          %add3A_736 = arith.addi %broadcast_in_dim3A_730, %add3A_735 : vector<16xi32>
          %select_n3A_737 = arith.select %lt3A_733, %add3A_736, %broadcast_in_dim3A_730 : vector<16xi1>, vector<16xi32>
          %broadcast_in_dim3A_738 = vector.shape_cast %select_n3A_737 : vector<16xi32> to vector<16x1xi32>
          %gather3A_739 = vector.shape_cast %broadcast_in_dim3A_738 : vector<16x1xi32> to vector<16xi32>
          %gather3A_740 = tpu.dynamic_gather %get3A_202[%gather3A_739] in [0] : vector<16xi32>, vector<16xi32> -> vector<16xi32>
          %ne3A_741 = arith.cmpi ne, %gather3A_740, %gather3A_703 : vector<16xi32>
          %mul3A_742 = arith.constant 16 : i32
          %mul3A_743 = arith.muli %scan3A_194, %mul3A_742 : i32
          %add3A_744 = arith.constant 14 : i32
          %add3A_745 = arith.addi %mul3A_743, %add3A_744 : i32
          tpu.vector_store_idx %arg15[%gather3A_703, %add3A_8], %select_n3A_713 masked %ne3A_741 {add = true} : memref<64x64xf32, #tpu.memory_space<vmem>>[vector<16xi32>, vector<16xi32>], vector<16xf32>, vector<16xi1>
          %get3A_746 = arith.index_cast %add3A_745 : i32 to index
          %get3A_747 = arith.constant 0 : index
          %get3A_748 = tpu.vector_load %arg6[%get3A_746, %get3A_747] {strides = array<i32>} : memref<512x64xf32, #tpu.memory_space<vmem>>, vector<16xf32>,
          %add3A_749 = arith.addf %select_n3A_713, %get3A_748 : vector<16xf32>
          %select_n3A_750 = arith.select %ne3A_741, %get3A_748, %add3A_749 : vector<16xi1>, vector<16xf32>
          tpu.vector_store_idx %arg15[%gather3A_703, %add3A_12], %select_n3A_718 masked %ne3A_741 {add = true} : memref<64x64xf32, #tpu.memory_space<vmem>>[vector<16xi32>, vector<16xi32>], vector<16xf32>, vector<16xi1>
          %get3A_751 = arith.index_cast %add3A_745 : i32 to index
          %get3A_752 = arith.constant 16 : index
          %get3A_753 = tpu.vector_load %arg6[%get3A_751, %get3A_752] {strides = array<i32>} : memref<512x64xf32, #tpu.memory_space<vmem>>, vector<16xf32>,
          %add3A_754 = arith.addf %select_n3A_718, %get3A_753 : vector<16xf32>
          %select_n3A_755 = arith.select %ne3A_741, %get3A_753, %add3A_754 : vector<16xi1>, vector<16xf32>
          tpu.vector_store_idx %arg15[%gather3A_703, %add3A_16], %select_n3A_723 masked %ne3A_741 {add = true} : memref<64x64xf32, #tpu.memory_space<vmem>>[vector<16xi32>, vector<16xi32>], vector<16xf32>, vector<16xi1>
          %get3A_756 = arith.index_cast %add3A_745 : i32 to index
          %get3A_757 = arith.constant 32 : index
          %get3A_758 = tpu.vector_load %arg6[%get3A_756, %get3A_757] {strides = array<i32>} : memref<512x64xf32, #tpu.memory_space<vmem>>, vector<16xf32>,
          %add3A_759 = arith.addf %select_n3A_723, %get3A_758 : vector<16xf32>
          %select_n3A_760 = arith.select %ne3A_741, %get3A_758, %add3A_759 : vector<16xi1>, vector<16xf32>
          tpu.vector_store_idx %arg15[%gather3A_703, %add3A_20], %select_n3A_728 masked %ne3A_741 {add = true} : memref<64x64xf32, #tpu.memory_space<vmem>>[vector<16xi32>, vector<16xi32>], vector<16xf32>, vector<16xi1>
          %get3A_761 = arith.index_cast %add3A_745 : i32 to index
          %get3A_762 = arith.constant 48 : index
          %get3A_763 = tpu.vector_load %arg6[%get3A_761, %get3A_762] {strides = array<i32>} : memref<512x64xf32, #tpu.memory_space<vmem>>, vector<16xf32>,
          %add3A_764 = arith.addf %select_n3A_728, %get3A_763 : vector<16xf32>
          %select_n3A_765 = arith.select %ne3A_741, %get3A_763, %add3A_764 : vector<16xi1>, vector<16xf32>
          %broadcast_in_dim3A_766 = arith.constant 15 : i32
          %broadcast_in_dim3A_767 = vector.broadcast %broadcast_in_dim3A_766 : i32 to vector<16xi32>
          %lt3A_768 = arith.constant 0 : i32
          %lt3A_769 = vector.broadcast %lt3A_768 : i32 to vector<16xi32>
          %lt3A_770 = arith.cmpi slt, %broadcast_in_dim3A_767, %lt3A_769 : vector<16xi32>
          %add3A_771 = arith.constant 16 : i32
          %add3A_772 = vector.broadcast %add3A_771 : i32 to vector<16xi32>
          %add3A_773 = arith.addi %broadcast_in_dim3A_767, %add3A_772 : vector<16xi32>
          %select_n3A_774 = arith.select %lt3A_770, %add3A_773, %broadcast_in_dim3A_767 : vector<16xi1>, vector<16xi32>
          %broadcast_in_dim3A_775 = vector.shape_cast %select_n3A_774 : vector<16xi32> to vector<16x1xi32>
          %gather3A_776 = vector.shape_cast %broadcast_in_dim3A_775 : vector<16x1xi32> to vector<16xi32>
          %gather3A_777 = tpu.dynamic_gather %get3A_202[%gather3A_776] in [0] : vector<16xi32>, vector<16xi32> -> vector<16xi32>
          %ne3A_778 = arith.cmpi ne, %gather3A_777, %gather3A_740 : vector<16xi32>
          %mul3A_779 = arith.constant 16 : i32
          %mul3A_780 = arith.muli %scan3A_194, %mul3A_779 : i32
          %add3A_781 = arith.constant 15 : i32
          %add3A_782 = arith.addi %mul3A_780, %add3A_781 : i32
          tpu.vector_store_idx %arg15[%gather3A_740, %add3A_8], %select_n3A_750 masked %ne3A_778 {add = true} : memref<64x64xf32, #tpu.memory_space<vmem>>[vector<16xi32>, vector<16xi32>], vector<16xf32>, vector<16xi1>
          %get3A_783 = arith.index_cast %add3A_782 : i32 to index
          %get3A_784 = arith.constant 0 : index
          %get3A_785 = tpu.vector_load %arg6[%get3A_783, %get3A_784] {strides = array<i32>} : memref<512x64xf32, #tpu.memory_space<vmem>>, vector<16xf32>,
          %add3A_786 = arith.addf %select_n3A_750, %get3A_785 : vector<16xf32>
          %select_n3A_787 = arith.select %ne3A_778, %get3A_785, %add3A_786 : vector<16xi1>, vector<16xf32>
          tpu.vector_store_idx %arg15[%gather3A_740, %add3A_12], %select_n3A_755 masked %ne3A_778 {add = true} : memref<64x64xf32, #tpu.memory_space<vmem>>[vector<16xi32>, vector<16xi32>], vector<16xf32>, vector<16xi1>
          %get3A_788 = arith.index_cast %add3A_782 : i32 to index
          %get3A_789 = arith.constant 16 : index
          %get3A_790 = tpu.vector_load %arg6[%get3A_788, %get3A_789] {strides = array<i32>} : memref<512x64xf32, #tpu.memory_space<vmem>>, vector<16xf32>,
          %add3A_791 = arith.addf %select_n3A_755, %get3A_790 : vector<16xf32>
          %select_n3A_792 = arith.select %ne3A_778, %get3A_790, %add3A_791 : vector<16xi1>, vector<16xf32>
          tpu.vector_store_idx %arg15[%gather3A_740, %add3A_16], %select_n3A_760 masked %ne3A_778 {add = true} : memref<64x64xf32, #tpu.memory_space<vmem>>[vector<16xi32>, vector<16xi32>], vector<16xf32>, vector<16xi1>
          %get3A_793 = arith.index_cast %add3A_782 : i32 to index
          %get3A_794 = arith.constant 32 : index
          %get3A_795 = tpu.vector_load %arg6[%get3A_793, %get3A_794] {strides = array<i32>} : memref<512x64xf32, #tpu.memory_space<vmem>>, vector<16xf32>,
          %add3A_796 = arith.addf %select_n3A_760, %get3A_795 : vector<16xf32>
          %select_n3A_797 = arith.select %ne3A_778, %get3A_795, %add3A_796 : vector<16xi1>, vector<16xf32>
          tpu.vector_store_idx %arg15[%gather3A_740, %add3A_20], %select_n3A_765 masked %ne3A_778 {add = true} : memref<64x64xf32, #tpu.memory_space<vmem>>[vector<16xi32>, vector<16xi32>], vector<16xf32>, vector<16xi1>
          %get3A_798 = arith.index_cast %add3A_782 : i32 to index
          %get3A_799 = arith.constant 48 : index
          %get3A_800 = tpu.vector_load %arg6[%get3A_798, %get3A_799] {strides = array<i32>} : memref<512x64xf32, #tpu.memory_space<vmem>>, vector<16xf32>,
          %add3A_801 = arith.addf %select_n3A_765, %get3A_800 : vector<16xf32>
          %select_n3A_802 = arith.select %ne3A_778, %get3A_800, %add3A_801 : vector<16xi1>, vector<16xf32>
          scf.yield %gather3A_777, %select_n3A_787, %select_n3A_792, %select_n3A_797, %select_n3A_802 : vector<16xi32>, vector<16xf32>, vector<16xf32>, vector<16xf32>, vector<16xf32>
        }
        scf.yield %cond3A_212#0, %cond3A_212#1, %cond3A_212#2, %cond3A_212#3, %cond3A_212#4 : vector<16xi32>, vector<16xf32>, vector<16xf32>, vector<16xf32>, vector<16xf32>
      }
      %scan3A_180 = arith.constant 28 : i32
      %dma_wait3A_181 = arith.constant 0 : i32
      %dma_wait3A_182 = arith.constant 0 : i32
      %dma_wait3A_183 = tpu.memref_slice %arg6[%dma_wait3A_181, %dma_wait3A_182] : memref<512x64xf32, #tpu.memory_space<vmem>> -> memref<64x64xf32, #tpu.memory_space<vmem>>
      %dma_wait3A_184 = arith.constant 0 : i32
      %dma_wait3A_185 = arith.constant 0 : i32
      %dma_wait3A_186 = tpu.memref_slice %arg17[%dma_wait3A_184, %dma_wait3A_185] : memref<64x64xf32, #tpu.memory_space<vmem_shared>> -> memref<64x64xf32, #tpu.memory_space<vmem_shared>>
      tpu.wait_indirect_dma semaphore(%arg21 : memref<!tpu.dma_semaphore, #tpu.memory_space<semaphore_mem>>) src(%dma_wait3A_183 : memref<64x64xf32, #tpu.memory_space<vmem>>) dst(%dma_wait3A_186 : memref<64x64xf32, #tpu.memory_space<vmem_shared>>)
      %add3A_187 = arith.constant 2 : i32
      %add3A_188 = arith.addi %add3A_156, %add3A_187 : i32
      %lt3A_189 = arith.constant 12 : i32
      %lt3A_190 = arith.cmpi slt, %add3A_188, %lt3A_189 : i32
      %convert_element_type3A_191 = arith.extui %lt3A_190 : i1 to i32
      %cond3A_192 = arith.constant 0 : i32
      %cond3A_193 = arith.cmpi ne, %convert_element_type3A_191, %cond3A_192 : i32
      scf.if %cond3A_193 {
        %add3A_194 = arith.constant 2 : i32
        %add3A_195 = arith.addi %add3A_156, %add3A_194 : i32
        %mul3A_196 = arith.constant 512 : i32
        %mul3A_197 = arith.muli %add3A_195, %mul3A_196 : i32
        %add3A_198 = arith.addi %mul3A_5, %mul3A_197 : i32
        %dma_start3A_199 = tpu.memref_slice %arg2[%add3A_198, %mul3A_0] : memref<100000x128xf32, #tpu.memory_space<hbm>> -> memref<512x64xf32, #tpu.memory_space<hbm>>
        %dma_start3A_200 = tpu.memref_slice %arg2[%add3A_198, %mul3A_0] : memref<100000x128xf32, #tpu.memory_space<hbm>> -> memref<512x64xf32, #tpu.memory_space<hbm>>
        tpu.enqueue_dma source(%dma_start3A_200 : memref<512x64xf32, #tpu.memory_space<hbm>>) target(%arg6 : memref<512x64xf32, #tpu.memory_space<vmem>>) target_semaphore(%arg19 : memref<!tpu.dma_semaphore, #tpu.memory_space<semaphore_mem>>)
        %mul3A_201 = arith.constant 512 : i32
        %mul3A_202 = arith.muli %add3A_195, %mul3A_201 : i32
        %add3A_203 = arith.addi %mul3A_5, %mul3A_202 : i32
        %dma_start3A_204 = tpu.memref_slice %arg3[%add3A_203] : memref<100000xi32, #tpu.memory_space<hbm>> -> memref<512xi32, #tpu.memory_space<hbm>>
        %dma_start3A_205 = tpu.memref_slice %arg3[%add3A_203] : memref<100000xi32, #tpu.memory_space<hbm>> -> memref<512xi32, #tpu.memory_space<hbm>>
        tpu.enqueue_dma source(%dma_start3A_205 : memref<512xi32, #tpu.memory_space<hbm>>) target(%arg8 : memref<512xi32, #tpu.memory_space<vmem>>) target_semaphore(%arg19 : memref<!tpu.dma_semaphore, #tpu.memory_space<semaphore_mem>>)
        %mul3A_206 = arith.constant 512 : i32
        %mul3A_207 = arith.muli %add3A_195, %mul3A_206 : i32
        %add3A_208 = arith.addi %mul3A_5, %mul3A_207 : i32
        %dma_start3A_209 = tpu.memref_slice %arg3[%add3A_208] : memref<100000xi32, #tpu.memory_space<hbm>> -> memref<64xi32, #tpu.memory_space<hbm>>
        %dma_start3A_210 = tpu.memref_slice %arg3[%add3A_208] : memref<100000xi32, #tpu.memory_space<hbm>> -> memref<64xi32, #tpu.memory_space<hbm>>
        tpu.enqueue_dma source(%dma_start3A_210 : memref<64xi32, #tpu.memory_space<hbm>>) target(%arg10 : memref<64xi32, #tpu.memory_space<vmem>>) target_semaphore(%arg19 : memref<!tpu.dma_semaphore, #tpu.memory_space<semaphore_mem>>)
      } else {
      }
      scf.yield %scan3A_179#0, %scan3A_179#1, %scan3A_179#2, %scan3A_179#3, %scan3A_179#4 : vector<16xi32>, vector<16xf32>, vector<16xf32>, vector<16xf32>, vector<16xf32>
    }
    %scan3A_84 = arith.constant 6 : i32
    tpu.vector_store_idx %arg15[%scan3A_83#0, %add3A_8], %scan3A_83#1 {add = true} : memref<64x64xf32, #tpu.memory_space<vmem>>[vector<16xi32>, vector<16xi32>], vector<16xf32>,
    tpu.vector_store_idx %arg15[%scan3A_83#0, %add3A_12], %scan3A_83#2 {add = true} : memref<64x64xf32, #tpu.memory_space<vmem>>[vector<16xi32>, vector<16xi32>], vector<16xf32>,
    tpu.vector_store_idx %arg15[%scan3A_83#0, %add3A_16], %scan3A_83#3 {add = true} : memref<64x64xf32, #tpu.memory_space<vmem>>[vector<16xi32>, vector<16xi32>], vector<16xf32>,
    tpu.vector_store_idx %arg15[%scan3A_83#0, %add3A_20], %scan3A_83#4 {add = true} : memref<64x64xf32, #tpu.memory_space<vmem>>[vector<16xi32>, vector<16xi32>], vector<16xf32>,
    %lt3A = arith.constant 13 : i32
    %lt3A_85 = arith.cmpi slt, %arg1, %lt3A : i32
    %convert_element_type3A_86 = arith.extui %lt3A_85 : i1 to i32
    %cond3A_87 = arith.constant 0 : i32
    %cond3A_88 = arith.cmpi ne, %convert_element_type3A_86, %cond3A_87 : i32
    scf.if %cond3A_88 {
      %add3A_106 = arith.constant 6144 : i32
      %add3A_107 = arith.addi %mul3A_5, %add3A_106 : i32
      "tpu.region"() ({
        %run_scoped3A = tpu.sem_alloc : memref<!tpu.dma_semaphore, #tpu.memory_space<semaphore_mem>>
        %dma_start3A_118 = tpu.memref_slice %arg2[%add3A_107, %mul3A_0] : memref<100000x128xf32, #tpu.memory_space<hbm>> -> memref<128x64xf32, #tpu.memory_space<hbm>>
        %dma_start3A_119 = tpu.memref_slice %arg2[%add3A_107, %mul3A_0] : memref<100000x128xf32, #tpu.memory_space<hbm>> -> memref<128x64xf32, #tpu.memory_space<hbm>>
        tpu.enqueue_dma source(%dma_start3A_119 : memref<128x64xf32, #tpu.memory_space<hbm>>) target(%arg11 : memref<128x64xf32, #tpu.memory_space<vmem>>) target_semaphore(%run_scoped3A : memref<!tpu.dma_semaphore, #tpu.memory_space<semaphore_mem>>)
        %dma_wait3A_120 = tpu.memref_slice %arg2[%add3A_107, %mul3A_0] : memref<100000x128xf32, #tpu.memory_space<hbm>> -> memref<128x64xf32, #tpu.memory_space<hbm>>
        %dma_wait3A_121 = tpu.memref_slice %arg2[%add3A_107, %mul3A_0] : memref<100000x128xf32, #tpu.memory_space<hbm>> -> memref<128x64xf32, #tpu.memory_space<hbm>>
        tpu.wait_dma2 semaphore(%run_scoped3A : memref<!tpu.dma_semaphore, #tpu.memory_space<semaphore_mem>>) src(%dma_wait3A_121 : memref<128x64xf32, #tpu.memory_space<hbm>>) dst(%arg11 : memref<128x64xf32, #tpu.memory_space<vmem>>)
        tpu.yield
      }) : () -> ()
      "tpu.region"() ({
        %run_scoped3A = tpu.sem_alloc : memref<!tpu.dma_semaphore, #tpu.memory_space<semaphore_mem>>
        %dma_start3A_118 = tpu.memref_slice %arg3[%add3A_107] : memref<100000xi32, #tpu.memory_space<hbm>> -> memref<128xi32, #tpu.memory_space<hbm>>
        %dma_start3A_119 = tpu.memref_slice %arg3[%add3A_107] : memref<100000xi32, #tpu.memory_space<hbm>> -> memref<128xi32, #tpu.memory_space<hbm>>
        tpu.enqueue_dma source(%dma_start3A_119 : memref<128xi32, #tpu.memory_space<hbm>>) target(%arg12 : memref<128xi32, #tpu.memory_space<vmem>>) target_semaphore(%run_scoped3A : memref<!tpu.dma_semaphore, #tpu.memory_space<semaphore_mem>>)
        %dma_wait3A_120 = tpu.memref_slice %arg3[%add3A_107] : memref<100000xi32, #tpu.memory_space<hbm>> -> memref<128xi32, #tpu.memory_space<hbm>>
        %dma_wait3A_121 = tpu.memref_slice %arg3[%add3A_107] : memref<100000xi32, #tpu.memory_space<hbm>> -> memref<128xi32, #tpu.memory_space<hbm>>
        tpu.wait_dma2 semaphore(%run_scoped3A : memref<!tpu.dma_semaphore, #tpu.memory_space<semaphore_mem>>) src(%dma_wait3A_121 : memref<128xi32, #tpu.memory_space<hbm>>) dst(%arg12 : memref<128xi32, #tpu.memory_space<vmem>>)
        tpu.yield
      }) : () -> ()
      %broadcast_in_dim3A_108 = arith.constant 0.000000e+00 : f32
      %broadcast_in_dim3A_109 = vector.broadcast %broadcast_in_dim3A_108 : f32 to vector<16xf32>
      %broadcast_in_dim3A_110 = arith.constant 0 : i32
      %broadcast_in_dim3A_111 = vector.broadcast %broadcast_in_dim3A_110 : i32 to vector<16xi32>
      %scan3A_112 = arith.constant 0 : i32
      %scan3A_113 = arith.constant 8 : i32
      %scan3A_114 = arith.addi %scan3A_112, %scan3A_113 : i32
      %scan3A_115 = arith.constant 1 : i32
      %scan3A_116:5 = scf.for %scan3A_118 = %scan3A_112 to %scan3A_114 step %scan3A_115 iter_args(%scan3A_119 = %broadcast_in_dim3A_111, %scan3A_120 = %broadcast_in_dim3A_109, %scan3A_121 = %broadcast_in_dim3A_109, %scan3A_122 = %broadcast_in_dim3A_109, %scan3A_123 = %broadcast_in_dim3A_109) -> (vector<16xi32>, vector<16xf32>, vector<16xf32>, vector<16xf32>, vector<16xf32>)  : i32 {
        %mul3A_124 = arith.constant 16 : i32
        %mul3A_125 = arith.muli %scan3A_118, %mul3A_124 : i32
        %get3A = arith.index_cast %mul3A_125 : i32 to index
        %get3A_126 = tpu.vector_load %arg12[%get3A] {strides = array<i32>} : memref<128xi32, #tpu.memory_space<vmem>>, vector<16xi32>,
        %ne3A = arith.cmpi ne, %get3A_126, %scan3A_119 : vector<16xi32>
        %convert_element_type3A_127 = arith.extui %ne3A : vector<16xi1> to vector<16xi32>
        %reduce_sum3A = arith.constant true
        %reduce_sum3A_128 = vector.broadcast %reduce_sum3A : i1 to vector<16xi1>
        %reduce_sum3A_129 = tpu.scan <sum>, %convert_element_type3A_127 masked %reduce_sum3A_128 : vector<16xi32>, vector<16xi1> -> vector<16xi32>
        %reduce_sum3A_130 = vector.extract %reduce_sum3A_129[15] : i32 from vector<16xi32>
        %eq3A_131 = arith.constant 0 : i32
        %eq3A_132 = arith.cmpi eq, %reduce_sum3A_130, %eq3A_131 : i32
        %convert_element_type3A_133 = arith.extui %eq3A_132 : i1 to i32
        %cond3A_134 = arith.constant 0 : i32
        %cond3A_135 = arith.cmpi ne, %convert_element_type3A_133, %cond3A_134 : i32
        %cond3A_136:5 = scf.if %cond3A_135 -> (vector<16xi32>, vector<16xf32>, vector<16xf32>, vector<16xf32>, vector<16xf32>) {
          %mul3A_137 = arith.constant 16 : i32
          %mul3A_138 = arith.muli %scan3A_118, %mul3A_137 : i32
          %add3A_139 = arith.constant 0 : i32
          %add3A_140 = arith.addi %mul3A_138, %add3A_139 : i32
          %get3A_141 = arith.index_cast %add3A_140 : i32 to index
          %get3A_142 = arith.constant 0 : index
          %get3A_143 = tpu.vector_load %arg11[%get3A_141, %get3A_142] {strides = array<i32>} : memref<128x64xf32, #tpu.memory_space<vmem>>, vector<16xf32>,
          %add3A_144 = arith.constant 1 : i32
          %add3A_145 = arith.addi %mul3A_138, %add3A_144 : i32
          %get3A_146 = arith.index_cast %add3A_145 : i32 to index
          %get3A_147 = arith.constant 0 : index
          %get3A_148 = tpu.vector_load %arg11[%get3A_146, %get3A_147] {strides = array<i32>} : memref<128x64xf32, #tpu.memory_space<vmem>>, vector<16xf32>,
          %add3A_149 = arith.constant 2 : i32
          %add3A_150 = arith.addi %mul3A_138, %add3A_149 : i32
          %get3A_151 = arith.index_cast %add3A_150 : i32 to index
          %get3A_152 = arith.constant 0 : index
          %get3A_153 = tpu.vector_load %arg11[%get3A_151, %get3A_152] {strides = array<i32>} : memref<128x64xf32, #tpu.memory_space<vmem>>, vector<16xf32>,
          %add3A_154 = arith.constant 3 : i32
          %add3A_155 = arith.addi %mul3A_138, %add3A_154 : i32
          %get3A_156 = arith.index_cast %add3A_155 : i32 to index
          %get3A_157 = arith.constant 0 : index
          %get3A_158 = tpu.vector_load %arg11[%get3A_156, %get3A_157] {strides = array<i32>} : memref<128x64xf32, #tpu.memory_space<vmem>>, vector<16xf32>,
          %add3A_159 = arith.constant 4 : i32
          %add3A_160 = arith.addi %mul3A_138, %add3A_159 : i32
          %get3A_161 = arith.index_cast %add3A_160 : i32 to index
          %get3A_162 = arith.constant 0 : index
          %get3A_163 = tpu.vector_load %arg11[%get3A_161, %get3A_162] {strides = array<i32>} : memref<128x64xf32, #tpu.memory_space<vmem>>, vector<16xf32>,
          %add3A_164 = arith.constant 5 : i32
          %add3A_165 = arith.addi %mul3A_138, %add3A_164 : i32
          %get3A_166 = arith.index_cast %add3A_165 : i32 to index
          %get3A_167 = arith.constant 0 : index
          %get3A_168 = tpu.vector_load %arg11[%get3A_166, %get3A_167] {strides = array<i32>} : memref<128x64xf32, #tpu.memory_space<vmem>>, vector<16xf32>,
          %add3A_169 = arith.constant 6 : i32
          %add3A_170 = arith.addi %mul3A_138, %add3A_169 : i32
          %get3A_171 = arith.index_cast %add3A_170 : i32 to index
          %get3A_172 = arith.constant 0 : index
          %get3A_173 = tpu.vector_load %arg11[%get3A_171, %get3A_172] {strides = array<i32>} : memref<128x64xf32, #tpu.memory_space<vmem>>, vector<16xf32>,
          %add3A_174 = arith.constant 7 : i32
          %add3A_175 = arith.addi %mul3A_138, %add3A_174 : i32
          %get3A_176 = arith.index_cast %add3A_175 : i32 to index
          %get3A_177 = arith.constant 0 : index
          %get3A_178 = tpu.vector_load %arg11[%get3A_176, %get3A_177] {strides = array<i32>} : memref<128x64xf32, #tpu.memory_space<vmem>>, vector<16xf32>,
          %add3A_179 = arith.constant 8 : i32
          %add3A_180 = arith.addi %mul3A_138, %add3A_179 : i32
          %get3A_181 = arith.index_cast %add3A_180 : i32 to index
          %get3A_182 = arith.constant 0 : index
          %get3A_183 = tpu.vector_load %arg11[%get3A_181, %get3A_182] {strides = array<i32>} : memref<128x64xf32, #tpu.memory_space<vmem>>, vector<16xf32>,
          %add3A_184 = arith.constant 9 : i32
          %add3A_185 = arith.addi %mul3A_138, %add3A_184 : i32
          %get3A_186 = arith.index_cast %add3A_185 : i32 to index
          %get3A_187 = arith.constant 0 : index
          %get3A_188 = tpu.vector_load %arg11[%get3A_186, %get3A_187] {strides = array<i32>} : memref<128x64xf32, #tpu.memory_space<vmem>>, vector<16xf32>,
          %add3A_189 = arith.constant 10 : i32
          %add3A_190 = arith.addi %mul3A_138, %add3A_189 : i32
          %get3A_191 = arith.index_cast %add3A_190 : i32 to index
          %get3A_192 = arith.constant 0 : index
          %get3A_193 = tpu.vector_load %arg11[%get3A_191, %get3A_192] {strides = array<i32>} : memref<128x64xf32, #tpu.memory_space<vmem>>, vector<16xf32>,
          %add3A_194 = arith.constant 11 : i32
          %add3A_195 = arith.addi %mul3A_138, %add3A_194 : i32
          %get3A_196 = arith.index_cast %add3A_195 : i32 to index
          %get3A_197 = arith.constant 0 : index
          %get3A_198 = tpu.vector_load %arg11[%get3A_196, %get3A_197] {strides = array<i32>} : memref<128x64xf32, #tpu.memory_space<vmem>>, vector<16xf32>,
          %add3A_199 = arith.constant 12 : i32
          %add3A_200 = arith.addi %mul3A_138, %add3A_199 : i32
          %get3A_201 = arith.index_cast %add3A_200 : i32 to index
          %get3A_202 = arith.constant 0 : index
          %get3A_203 = tpu.vector_load %arg11[%get3A_201, %get3A_202] {strides = array<i32>} : memref<128x64xf32, #tpu.memory_space<vmem>>, vector<16xf32>,
          %add3A_204 = arith.constant 13 : i32
          %add3A_205 = arith.addi %mul3A_138, %add3A_204 : i32
          %get3A_206 = arith.index_cast %add3A_205 : i32 to index
          %get3A_207 = arith.constant 0 : index
          %get3A_208 = tpu.vector_load %arg11[%get3A_206, %get3A_207] {strides = array<i32>} : memref<128x64xf32, #tpu.memory_space<vmem>>, vector<16xf32>,
          %add3A_209 = arith.constant 14 : i32
          %add3A_210 = arith.addi %mul3A_138, %add3A_209 : i32
          %get3A_211 = arith.index_cast %add3A_210 : i32 to index
          %get3A_212 = arith.constant 0 : index
          %get3A_213 = tpu.vector_load %arg11[%get3A_211, %get3A_212] {strides = array<i32>} : memref<128x64xf32, #tpu.memory_space<vmem>>, vector<16xf32>,
          %add3A_214 = arith.constant 15 : i32
          %add3A_215 = arith.addi %mul3A_138, %add3A_214 : i32
          %get3A_216 = arith.index_cast %add3A_215 : i32 to index
          %get3A_217 = arith.constant 0 : index
          %get3A_218 = tpu.vector_load %arg11[%get3A_216, %get3A_217] {strides = array<i32>} : memref<128x64xf32, #tpu.memory_space<vmem>>, vector<16xf32>,
          %add3A_219 = arith.addf %get3A_143, %get3A_148 : vector<16xf32>
          %add3A_220 = arith.addf %get3A_153, %get3A_158 : vector<16xf32>
          %add3A_221 = arith.addf %get3A_163, %get3A_168 : vector<16xf32>
          %add3A_222 = arith.addf %get3A_173, %get3A_178 : vector<16xf32>
          %add3A_223 = arith.addf %get3A_183, %get3A_188 : vector<16xf32>
          %add3A_224 = arith.addf %get3A_193, %get3A_198 : vector<16xf32>
          %add3A_225 = arith.addf %get3A_203, %get3A_208 : vector<16xf32>
          %add3A_226 = arith.addf %get3A_213, %get3A_218 : vector<16xf32>
          %add3A_227 = arith.addf %add3A_219, %add3A_220 : vector<16xf32>
          %add3A_228 = arith.addf %add3A_221, %add3A_222 : vector<16xf32>
          %add3A_229 = arith.addf %add3A_223, %add3A_224 : vector<16xf32>
          %add3A_230 = arith.addf %add3A_225, %add3A_226 : vector<16xf32>
          %add3A_231 = arith.addf %add3A_227, %add3A_228 : vector<16xf32>
          %add3A_232 = arith.addf %add3A_229, %add3A_230 : vector<16xf32>
          %add3A_233 = arith.addf %add3A_231, %add3A_232 : vector<16xf32>
          %add3A_234 = arith.addf %scan3A_120, %add3A_233 : vector<16xf32>
          %add3A_235 = arith.constant 0 : i32
          %add3A_236 = arith.addi %mul3A_138, %add3A_235 : i32
          %get3A_237 = arith.index_cast %add3A_236 : i32 to index
          %get3A_238 = arith.constant 16 : index
          %get3A_239 = tpu.vector_load %arg11[%get3A_237, %get3A_238] {strides = array<i32>} : memref<128x64xf32, #tpu.memory_space<vmem>>, vector<16xf32>,
          %add3A_240 = arith.constant 1 : i32
          %add3A_241 = arith.addi %mul3A_138, %add3A_240 : i32
          %get3A_242 = arith.index_cast %add3A_241 : i32 to index
          %get3A_243 = arith.constant 16 : index
          %get3A_244 = tpu.vector_load %arg11[%get3A_242, %get3A_243] {strides = array<i32>} : memref<128x64xf32, #tpu.memory_space<vmem>>, vector<16xf32>,
          %add3A_245 = arith.constant 2 : i32
          %add3A_246 = arith.addi %mul3A_138, %add3A_245 : i32
          %get3A_247 = arith.index_cast %add3A_246 : i32 to index
          %get3A_248 = arith.constant 16 : index
          %get3A_249 = tpu.vector_load %arg11[%get3A_247, %get3A_248] {strides = array<i32>} : memref<128x64xf32, #tpu.memory_space<vmem>>, vector<16xf32>,
          %add3A_250 = arith.constant 3 : i32
          %add3A_251 = arith.addi %mul3A_138, %add3A_250 : i32
          %get3A_252 = arith.index_cast %add3A_251 : i32 to index
          %get3A_253 = arith.constant 16 : index
          %get3A_254 = tpu.vector_load %arg11[%get3A_252, %get3A_253] {strides = array<i32>} : memref<128x64xf32, #tpu.memory_space<vmem>>, vector<16xf32>,
          %add3A_255 = arith.constant 4 : i32
          %add3A_256 = arith.addi %mul3A_138, %add3A_255 : i32
          %get3A_257 = arith.index_cast %add3A_256 : i32 to index
          %get3A_258 = arith.constant 16 : index
          %get3A_259 = tpu.vector_load %arg11[%get3A_257, %get3A_258] {strides = array<i32>} : memref<128x64xf32, #tpu.memory_space<vmem>>, vector<16xf32>,
          %add3A_260 = arith.constant 5 : i32
          %add3A_261 = arith.addi %mul3A_138, %add3A_260 : i32
          %get3A_262 = arith.index_cast %add3A_261 : i32 to index
          %get3A_263 = arith.constant 16 : index
          %get3A_264 = tpu.vector_load %arg11[%get3A_262, %get3A_263] {strides = array<i32>} : memref<128x64xf32, #tpu.memory_space<vmem>>, vector<16xf32>,
          %add3A_265 = arith.constant 6 : i32
          %add3A_266 = arith.addi %mul3A_138, %add3A_265 : i32
          %get3A_267 = arith.index_cast %add3A_266 : i32 to index
          %get3A_268 = arith.constant 16 : index
          %get3A_269 = tpu.vector_load %arg11[%get3A_267, %get3A_268] {strides = array<i32>} : memref<128x64xf32, #tpu.memory_space<vmem>>, vector<16xf32>,
          %add3A_270 = arith.constant 7 : i32
          %add3A_271 = arith.addi %mul3A_138, %add3A_270 : i32
          %get3A_272 = arith.index_cast %add3A_271 : i32 to index
          %get3A_273 = arith.constant 16 : index
          %get3A_274 = tpu.vector_load %arg11[%get3A_272, %get3A_273] {strides = array<i32>} : memref<128x64xf32, #tpu.memory_space<vmem>>, vector<16xf32>,
          %add3A_275 = arith.constant 8 : i32
          %add3A_276 = arith.addi %mul3A_138, %add3A_275 : i32
          %get3A_277 = arith.index_cast %add3A_276 : i32 to index
          %get3A_278 = arith.constant 16 : index
          %get3A_279 = tpu.vector_load %arg11[%get3A_277, %get3A_278] {strides = array<i32>} : memref<128x64xf32, #tpu.memory_space<vmem>>, vector<16xf32>,
          %add3A_280 = arith.constant 9 : i32
          %add3A_281 = arith.addi %mul3A_138, %add3A_280 : i32
          %get3A_282 = arith.index_cast %add3A_281 : i32 to index
          %get3A_283 = arith.constant 16 : index
          %get3A_284 = tpu.vector_load %arg11[%get3A_282, %get3A_283] {strides = array<i32>} : memref<128x64xf32, #tpu.memory_space<vmem>>, vector<16xf32>,
          %add3A_285 = arith.constant 10 : i32
          %add3A_286 = arith.addi %mul3A_138, %add3A_285 : i32
          %get3A_287 = arith.index_cast %add3A_286 : i32 to index
          %get3A_288 = arith.constant 16 : index
          %get3A_289 = tpu.vector_load %arg11[%get3A_287, %get3A_288] {strides = array<i32>} : memref<128x64xf32, #tpu.memory_space<vmem>>, vector<16xf32>,
          %add3A_290 = arith.constant 11 : i32
          %add3A_291 = arith.addi %mul3A_138, %add3A_290 : i32
          %get3A_292 = arith.index_cast %add3A_291 : i32 to index
          %get3A_293 = arith.constant 16 : index
          %get3A_294 = tpu.vector_load %arg11[%get3A_292, %get3A_293] {strides = array<i32>} : memref<128x64xf32, #tpu.memory_space<vmem>>, vector<16xf32>,
          %add3A_295 = arith.constant 12 : i32
          %add3A_296 = arith.addi %mul3A_138, %add3A_295 : i32
          %get3A_297 = arith.index_cast %add3A_296 : i32 to index
          %get3A_298 = arith.constant 16 : index
          %get3A_299 = tpu.vector_load %arg11[%get3A_297, %get3A_298] {strides = array<i32>} : memref<128x64xf32, #tpu.memory_space<vmem>>, vector<16xf32>,
          %add3A_300 = arith.constant 13 : i32
          %add3A_301 = arith.addi %mul3A_138, %add3A_300 : i32
          %get3A_302 = arith.index_cast %add3A_301 : i32 to index
          %get3A_303 = arith.constant 16 : index
          %get3A_304 = tpu.vector_load %arg11[%get3A_302, %get3A_303] {strides = array<i32>} : memref<128x64xf32, #tpu.memory_space<vmem>>, vector<16xf32>,
          %add3A_305 = arith.constant 14 : i32
          %add3A_306 = arith.addi %mul3A_138, %add3A_305 : i32
          %get3A_307 = arith.index_cast %add3A_306 : i32 to index
          %get3A_308 = arith.constant 16 : index
          %get3A_309 = tpu.vector_load %arg11[%get3A_307, %get3A_308] {strides = array<i32>} : memref<128x64xf32, #tpu.memory_space<vmem>>, vector<16xf32>,
          %add3A_310 = arith.constant 15 : i32
          %add3A_311 = arith.addi %mul3A_138, %add3A_310 : i32
          %get3A_312 = arith.index_cast %add3A_311 : i32 to index
          %get3A_313 = arith.constant 16 : index
          %get3A_314 = tpu.vector_load %arg11[%get3A_312, %get3A_313] {strides = array<i32>} : memref<128x64xf32, #tpu.memory_space<vmem>>, vector<16xf32>,
          %add3A_315 = arith.addf %get3A_239, %get3A_244 : vector<16xf32>
          %add3A_316 = arith.addf %get3A_249, %get3A_254 : vector<16xf32>
          %add3A_317 = arith.addf %get3A_259, %get3A_264 : vector<16xf32>
          %add3A_318 = arith.addf %get3A_269, %get3A_274 : vector<16xf32>
          %add3A_319 = arith.addf %get3A_279, %get3A_284 : vector<16xf32>
          %add3A_320 = arith.addf %get3A_289, %get3A_294 : vector<16xf32>
          %add3A_321 = arith.addf %get3A_299, %get3A_304 : vector<16xf32>
          %add3A_322 = arith.addf %get3A_309, %get3A_314 : vector<16xf32>
          %add3A_323 = arith.addf %add3A_315, %add3A_316 : vector<16xf32>
          %add3A_324 = arith.addf %add3A_317, %add3A_318 : vector<16xf32>
          %add3A_325 = arith.addf %add3A_319, %add3A_320 : vector<16xf32>
          %add3A_326 = arith.addf %add3A_321, %add3A_322 : vector<16xf32>
          %add3A_327 = arith.addf %add3A_323, %add3A_324 : vector<16xf32>
          %add3A_328 = arith.addf %add3A_325, %add3A_326 : vector<16xf32>
          %add3A_329 = arith.addf %add3A_327, %add3A_328 : vector<16xf32>
          %add3A_330 = arith.addf %scan3A_121, %add3A_329 : vector<16xf32>
          %add3A_331 = arith.constant 0 : i32
          %add3A_332 = arith.addi %mul3A_138, %add3A_331 : i32
          %get3A_333 = arith.index_cast %add3A_332 : i32 to index
          %get3A_334 = arith.constant 32 : index
          %get3A_335 = tpu.vector_load %arg11[%get3A_333, %get3A_334] {strides = array<i32>} : memref<128x64xf32, #tpu.memory_space<vmem>>, vector<16xf32>,
          %add3A_336 = arith.constant 1 : i32
          %add3A_337 = arith.addi %mul3A_138, %add3A_336 : i32
          %get3A_338 = arith.index_cast %add3A_337 : i32 to index
          %get3A_339 = arith.constant 32 : index
          %get3A_340 = tpu.vector_load %arg11[%get3A_338, %get3A_339] {strides = array<i32>} : memref<128x64xf32, #tpu.memory_space<vmem>>, vector<16xf32>,
          %add3A_341 = arith.constant 2 : i32
          %add3A_342 = arith.addi %mul3A_138, %add3A_341 : i32
          %get3A_343 = arith.index_cast %add3A_342 : i32 to index
          %get3A_344 = arith.constant 32 : index
          %get3A_345 = tpu.vector_load %arg11[%get3A_343, %get3A_344] {strides = array<i32>} : memref<128x64xf32, #tpu.memory_space<vmem>>, vector<16xf32>,
          %add3A_346 = arith.constant 3 : i32
          %add3A_347 = arith.addi %mul3A_138, %add3A_346 : i32
          %get3A_348 = arith.index_cast %add3A_347 : i32 to index
          %get3A_349 = arith.constant 32 : index
          %get3A_350 = tpu.vector_load %arg11[%get3A_348, %get3A_349] {strides = array<i32>} : memref<128x64xf32, #tpu.memory_space<vmem>>, vector<16xf32>,
          %add3A_351 = arith.constant 4 : i32
          %add3A_352 = arith.addi %mul3A_138, %add3A_351 : i32
          %get3A_353 = arith.index_cast %add3A_352 : i32 to index
          %get3A_354 = arith.constant 32 : index
          %get3A_355 = tpu.vector_load %arg11[%get3A_353, %get3A_354] {strides = array<i32>} : memref<128x64xf32, #tpu.memory_space<vmem>>, vector<16xf32>,
          %add3A_356 = arith.constant 5 : i32
          %add3A_357 = arith.addi %mul3A_138, %add3A_356 : i32
          %get3A_358 = arith.index_cast %add3A_357 : i32 to index
          %get3A_359 = arith.constant 32 : index
          %get3A_360 = tpu.vector_load %arg11[%get3A_358, %get3A_359] {strides = array<i32>} : memref<128x64xf32, #tpu.memory_space<vmem>>, vector<16xf32>,
          %add3A_361 = arith.constant 6 : i32
          %add3A_362 = arith.addi %mul3A_138, %add3A_361 : i32
          %get3A_363 = arith.index_cast %add3A_362 : i32 to index
          %get3A_364 = arith.constant 32 : index
          %get3A_365 = tpu.vector_load %arg11[%get3A_363, %get3A_364] {strides = array<i32>} : memref<128x64xf32, #tpu.memory_space<vmem>>, vector<16xf32>,
          %add3A_366 = arith.constant 7 : i32
          %add3A_367 = arith.addi %mul3A_138, %add3A_366 : i32
          %get3A_368 = arith.index_cast %add3A_367 : i32 to index
          %get3A_369 = arith.constant 32 : index
          %get3A_370 = tpu.vector_load %arg11[%get3A_368, %get3A_369] {strides = array<i32>} : memref<128x64xf32, #tpu.memory_space<vmem>>, vector<16xf32>,
          %add3A_371 = arith.constant 8 : i32
          %add3A_372 = arith.addi %mul3A_138, %add3A_371 : i32
          %get3A_373 = arith.index_cast %add3A_372 : i32 to index
          %get3A_374 = arith.constant 32 : index
          %get3A_375 = tpu.vector_load %arg11[%get3A_373, %get3A_374] {strides = array<i32>} : memref<128x64xf32, #tpu.memory_space<vmem>>, vector<16xf32>,
          %add3A_376 = arith.constant 9 : i32
          %add3A_377 = arith.addi %mul3A_138, %add3A_376 : i32
          %get3A_378 = arith.index_cast %add3A_377 : i32 to index
          %get3A_379 = arith.constant 32 : index
          %get3A_380 = tpu.vector_load %arg11[%get3A_378, %get3A_379] {strides = array<i32>} : memref<128x64xf32, #tpu.memory_space<vmem>>, vector<16xf32>,
          %add3A_381 = arith.constant 10 : i32
          %add3A_382 = arith.addi %mul3A_138, %add3A_381 : i32
          %get3A_383 = arith.index_cast %add3A_382 : i32 to index
          %get3A_384 = arith.constant 32 : index
          %get3A_385 = tpu.vector_load %arg11[%get3A_383, %get3A_384] {strides = array<i32>} : memref<128x64xf32, #tpu.memory_space<vmem>>, vector<16xf32>,
          %add3A_386 = arith.constant 11 : i32
          %add3A_387 = arith.addi %mul3A_138, %add3A_386 : i32
          %get3A_388 = arith.index_cast %add3A_387 : i32 to index
          %get3A_389 = arith.constant 32 : index
          %get3A_390 = tpu.vector_load %arg11[%get3A_388, %get3A_389] {strides = array<i32>} : memref<128x64xf32, #tpu.memory_space<vmem>>, vector<16xf32>,
          %add3A_391 = arith.constant 12 : i32
          %add3A_392 = arith.addi %mul3A_138, %add3A_391 : i32
          %get3A_393 = arith.index_cast %add3A_392 : i32 to index
          %get3A_394 = arith.constant 32 : index
          %get3A_395 = tpu.vector_load %arg11[%get3A_393, %get3A_394] {strides = array<i32>} : memref<128x64xf32, #tpu.memory_space<vmem>>, vector<16xf32>,
          %add3A_396 = arith.constant 13 : i32
          %add3A_397 = arith.addi %mul3A_138, %add3A_396 : i32
          %get3A_398 = arith.index_cast %add3A_397 : i32 to index
          %get3A_399 = arith.constant 32 : index
          %get3A_400 = tpu.vector_load %arg11[%get3A_398, %get3A_399] {strides = array<i32>} : memref<128x64xf32, #tpu.memory_space<vmem>>, vector<16xf32>,
          %add3A_401 = arith.constant 14 : i32
          %add3A_402 = arith.addi %mul3A_138, %add3A_401 : i32
          %get3A_403 = arith.index_cast %add3A_402 : i32 to index
          %get3A_404 = arith.constant 32 : index
          %get3A_405 = tpu.vector_load %arg11[%get3A_403, %get3A_404] {strides = array<i32>} : memref<128x64xf32, #tpu.memory_space<vmem>>, vector<16xf32>,
          %add3A_406 = arith.constant 15 : i32
          %add3A_407 = arith.addi %mul3A_138, %add3A_406 : i32
          %get3A_408 = arith.index_cast %add3A_407 : i32 to index
          %get3A_409 = arith.constant 32 : index
          %get3A_410 = tpu.vector_load %arg11[%get3A_408, %get3A_409] {strides = array<i32>} : memref<128x64xf32, #tpu.memory_space<vmem>>, vector<16xf32>,
          %add3A_411 = arith.addf %get3A_335, %get3A_340 : vector<16xf32>
          %add3A_412 = arith.addf %get3A_345, %get3A_350 : vector<16xf32>
          %add3A_413 = arith.addf %get3A_355, %get3A_360 : vector<16xf32>
          %add3A_414 = arith.addf %get3A_365, %get3A_370 : vector<16xf32>
          %add3A_415 = arith.addf %get3A_375, %get3A_380 : vector<16xf32>
          %add3A_416 = arith.addf %get3A_385, %get3A_390 : vector<16xf32>
          %add3A_417 = arith.addf %get3A_395, %get3A_400 : vector<16xf32>
          %add3A_418 = arith.addf %get3A_405, %get3A_410 : vector<16xf32>
          %add3A_419 = arith.addf %add3A_411, %add3A_412 : vector<16xf32>
          %add3A_420 = arith.addf %add3A_413, %add3A_414 : vector<16xf32>
          %add3A_421 = arith.addf %add3A_415, %add3A_416 : vector<16xf32>
          %add3A_422 = arith.addf %add3A_417, %add3A_418 : vector<16xf32>
          %add3A_423 = arith.addf %add3A_419, %add3A_420 : vector<16xf32>
          %add3A_424 = arith.addf %add3A_421, %add3A_422 : vector<16xf32>
          %add3A_425 = arith.addf %add3A_423, %add3A_424 : vector<16xf32>
          %add3A_426 = arith.addf %scan3A_122, %add3A_425 : vector<16xf32>
          %add3A_427 = arith.constant 0 : i32
          %add3A_428 = arith.addi %mul3A_138, %add3A_427 : i32
          %get3A_429 = arith.index_cast %add3A_428 : i32 to index
          %get3A_430 = arith.constant 48 : index
          %get3A_431 = tpu.vector_load %arg11[%get3A_429, %get3A_430] {strides = array<i32>} : memref<128x64xf32, #tpu.memory_space<vmem>>, vector<16xf32>,
          %add3A_432 = arith.constant 1 : i32
          %add3A_433 = arith.addi %mul3A_138, %add3A_432 : i32
          %get3A_434 = arith.index_cast %add3A_433 : i32 to index
          %get3A_435 = arith.constant 48 : index
          %get3A_436 = tpu.vector_load %arg11[%get3A_434, %get3A_435] {strides = array<i32>} : memref<128x64xf32, #tpu.memory_space<vmem>>, vector<16xf32>,
          %add3A_437 = arith.constant 2 : i32
          %add3A_438 = arith.addi %mul3A_138, %add3A_437 : i32
          %get3A_439 = arith.index_cast %add3A_438 : i32 to index
          %get3A_440 = arith.constant 48 : index
          %get3A_441 = tpu.vector_load %arg11[%get3A_439, %get3A_440] {strides = array<i32>} : memref<128x64xf32, #tpu.memory_space<vmem>>, vector<16xf32>,
          %add3A_442 = arith.constant 3 : i32
          %add3A_443 = arith.addi %mul3A_138, %add3A_442 : i32
          %get3A_444 = arith.index_cast %add3A_443 : i32 to index
          %get3A_445 = arith.constant 48 : index
          %get3A_446 = tpu.vector_load %arg11[%get3A_444, %get3A_445] {strides = array<i32>} : memref<128x64xf32, #tpu.memory_space<vmem>>, vector<16xf32>,
          %add3A_447 = arith.constant 4 : i32
          %add3A_448 = arith.addi %mul3A_138, %add3A_447 : i32
          %get3A_449 = arith.index_cast %add3A_448 : i32 to index
          %get3A_450 = arith.constant 48 : index
          %get3A_451 = tpu.vector_load %arg11[%get3A_449, %get3A_450] {strides = array<i32>} : memref<128x64xf32, #tpu.memory_space<vmem>>, vector<16xf32>,
          %add3A_452 = arith.constant 5 : i32
          %add3A_453 = arith.addi %mul3A_138, %add3A_452 : i32
          %get3A_454 = arith.index_cast %add3A_453 : i32 to index
          %get3A_455 = arith.constant 48 : index
          %get3A_456 = tpu.vector_load %arg11[%get3A_454, %get3A_455] {strides = array<i32>} : memref<128x64xf32, #tpu.memory_space<vmem>>, vector<16xf32>,
          %add3A_457 = arith.constant 6 : i32
          %add3A_458 = arith.addi %mul3A_138, %add3A_457 : i32
          %get3A_459 = arith.index_cast %add3A_458 : i32 to index
          %get3A_460 = arith.constant 48 : index
          %get3A_461 = tpu.vector_load %arg11[%get3A_459, %get3A_460] {strides = array<i32>} : memref<128x64xf32, #tpu.memory_space<vmem>>, vector<16xf32>,
          %add3A_462 = arith.constant 7 : i32
          %add3A_463 = arith.addi %mul3A_138, %add3A_462 : i32
          %get3A_464 = arith.index_cast %add3A_463 : i32 to index
          %get3A_465 = arith.constant 48 : index
          %get3A_466 = tpu.vector_load %arg11[%get3A_464, %get3A_465] {strides = array<i32>} : memref<128x64xf32, #tpu.memory_space<vmem>>, vector<16xf32>,
          %add3A_467 = arith.constant 8 : i32
          %add3A_468 = arith.addi %mul3A_138, %add3A_467 : i32
          %get3A_469 = arith.index_cast %add3A_468 : i32 to index
          %get3A_470 = arith.constant 48 : index
          %get3A_471 = tpu.vector_load %arg11[%get3A_469, %get3A_470] {strides = array<i32>} : memref<128x64xf32, #tpu.memory_space<vmem>>, vector<16xf32>,
          %add3A_472 = arith.constant 9 : i32
          %add3A_473 = arith.addi %mul3A_138, %add3A_472 : i32
          %get3A_474 = arith.index_cast %add3A_473 : i32 to index
          %get3A_475 = arith.constant 48 : index
          %get3A_476 = tpu.vector_load %arg11[%get3A_474, %get3A_475] {strides = array<i32>} : memref<128x64xf32, #tpu.memory_space<vmem>>, vector<16xf32>,
          %add3A_477 = arith.constant 10 : i32
          %add3A_478 = arith.addi %mul3A_138, %add3A_477 : i32
          %get3A_479 = arith.index_cast %add3A_478 : i32 to index
          %get3A_480 = arith.constant 48 : index
          %get3A_481 = tpu.vector_load %arg11[%get3A_479, %get3A_480] {strides = array<i32>} : memref<128x64xf32, #tpu.memory_space<vmem>>, vector<16xf32>,
          %add3A_482 = arith.constant 11 : i32
          %add3A_483 = arith.addi %mul3A_138, %add3A_482 : i32
          %get3A_484 = arith.index_cast %add3A_483 : i32 to index
          %get3A_485 = arith.constant 48 : index
          %get3A_486 = tpu.vector_load %arg11[%get3A_484, %get3A_485] {strides = array<i32>} : memref<128x64xf32, #tpu.memory_space<vmem>>, vector<16xf32>,
          %add3A_487 = arith.constant 12 : i32
          %add3A_488 = arith.addi %mul3A_138, %add3A_487 : i32
          %get3A_489 = arith.index_cast %add3A_488 : i32 to index
          %get3A_490 = arith.constant 48 : index
          %get3A_491 = tpu.vector_load %arg11[%get3A_489, %get3A_490] {strides = array<i32>} : memref<128x64xf32, #tpu.memory_space<vmem>>, vector<16xf32>,
          %add3A_492 = arith.constant 13 : i32
          %add3A_493 = arith.addi %mul3A_138, %add3A_492 : i32
          %get3A_494 = arith.index_cast %add3A_493 : i32 to index
          %get3A_495 = arith.constant 48 : index
          %get3A_496 = tpu.vector_load %arg11[%get3A_494, %get3A_495] {strides = array<i32>} : memref<128x64xf32, #tpu.memory_space<vmem>>, vector<16xf32>,
          %add3A_497 = arith.constant 14 : i32
          %add3A_498 = arith.addi %mul3A_138, %add3A_497 : i32
          %get3A_499 = arith.index_cast %add3A_498 : i32 to index
          %get3A_500 = arith.constant 48 : index
          %get3A_501 = tpu.vector_load %arg11[%get3A_499, %get3A_500] {strides = array<i32>} : memref<128x64xf32, #tpu.memory_space<vmem>>, vector<16xf32>,
          %add3A_502 = arith.constant 15 : i32
          %add3A_503 = arith.addi %mul3A_138, %add3A_502 : i32
          %get3A_504 = arith.index_cast %add3A_503 : i32 to index
          %get3A_505 = arith.constant 48 : index
          %get3A_506 = tpu.vector_load %arg11[%get3A_504, %get3A_505] {strides = array<i32>} : memref<128x64xf32, #tpu.memory_space<vmem>>, vector<16xf32>,
          %add3A_507 = arith.addf %get3A_431, %get3A_436 : vector<16xf32>
          %add3A_508 = arith.addf %get3A_441, %get3A_446 : vector<16xf32>
          %add3A_509 = arith.addf %get3A_451, %get3A_456 : vector<16xf32>
          %add3A_510 = arith.addf %get3A_461, %get3A_466 : vector<16xf32>
          %add3A_511 = arith.addf %get3A_471, %get3A_476 : vector<16xf32>
          %add3A_512 = arith.addf %get3A_481, %get3A_486 : vector<16xf32>
          %add3A_513 = arith.addf %get3A_491, %get3A_496 : vector<16xf32>
          %add3A_514 = arith.addf %get3A_501, %get3A_506 : vector<16xf32>
          %add3A_515 = arith.addf %add3A_507, %add3A_508 : vector<16xf32>
          %add3A_516 = arith.addf %add3A_509, %add3A_510 : vector<16xf32>
          %add3A_517 = arith.addf %add3A_511, %add3A_512 : vector<16xf32>
          %add3A_518 = arith.addf %add3A_513, %add3A_514 : vector<16xf32>
          %add3A_519 = arith.addf %add3A_515, %add3A_516 : vector<16xf32>
          %add3A_520 = arith.addf %add3A_517, %add3A_518 : vector<16xf32>
          %add3A_521 = arith.addf %add3A_519, %add3A_520 : vector<16xf32>
          %add3A_522 = arith.addf %scan3A_123, %add3A_521 : vector<16xf32>
          scf.yield %scan3A_119, %add3A_234, %add3A_330, %add3A_426, %add3A_522 : vector<16xi32>, vector<16xf32>, vector<16xf32>, vector<16xf32>, vector<16xf32>
        } else {
          %broadcast_in_dim3A_137 = arith.constant 0 : i32
          %broadcast_in_dim3A_138 = vector.broadcast %broadcast_in_dim3A_137 : i32 to vector<16xi32>
          %lt3A_139 = arith.constant 0 : i32
          %lt3A_140 = vector.broadcast %lt3A_139 : i32 to vector<16xi32>
          %lt3A_141 = arith.cmpi slt, %broadcast_in_dim3A_138, %lt3A_140 : vector<16xi32>
          %add3A_142 = arith.constant 16 : i32
          %add3A_143 = vector.broadcast %add3A_142 : i32 to vector<16xi32>
          %add3A_144 = arith.addi %broadcast_in_dim3A_138, %add3A_143 : vector<16xi32>
          %select_n3A = arith.select %lt3A_141, %add3A_144, %broadcast_in_dim3A_138 : vector<16xi1>, vector<16xi32>
          %broadcast_in_dim3A_145 = vector.shape_cast %select_n3A : vector<16xi32> to vector<16x1xi32>
          %gather3A = vector.shape_cast %broadcast_in_dim3A_145 : vector<16x1xi32> to vector<16xi32>
          %gather3A_146 = tpu.dynamic_gather %get3A_126[%gather3A] in [0] : vector<16xi32>, vector<16xi32> -> vector<16xi32>
          %ne3A_147 = arith.cmpi ne, %gather3A_146, %scan3A_119 : vector<16xi32>
          %mul3A_148 = arith.constant 16 : i32
          %mul3A_149 = arith.muli %scan3A_118, %mul3A_148 : i32
          %add3A_150 = arith.constant 0 : i32
          %add3A_151 = arith.addi %mul3A_149, %add3A_150 : i32
          tpu.vector_store_idx %arg15[%scan3A_119, %add3A_8], %scan3A_120 masked %ne3A_147 {add = true} : memref<64x64xf32, #tpu.memory_space<vmem>>[vector<16xi32>, vector<16xi32>], vector<16xf32>, vector<16xi1>
          %get3A_152 = arith.index_cast %add3A_151 : i32 to index
          %get3A_153 = arith.constant 0 : index
          %get3A_154 = tpu.vector_load %arg11[%get3A_152, %get3A_153] {strides = array<i32>} : memref<128x64xf32, #tpu.memory_space<vmem>>, vector<16xf32>,
          %add3A_155 = arith.addf %scan3A_120, %get3A_154 : vector<16xf32>
          %select_n3A_156 = arith.select %ne3A_147, %get3A_154, %add3A_155 : vector<16xi1>, vector<16xf32>
          tpu.vector_store_idx %arg15[%scan3A_119, %add3A_12], %scan3A_121 masked %ne3A_147 {add = true} : memref<64x64xf32, #tpu.memory_space<vmem>>[vector<16xi32>, vector<16xi32>], vector<16xf32>, vector<16xi1>
          %get3A_157 = arith.index_cast %add3A_151 : i32 to index
          %get3A_158 = arith.constant 16 : index
          %get3A_159 = tpu.vector_load %arg11[%get3A_157, %get3A_158] {strides = array<i32>} : memref<128x64xf32, #tpu.memory_space<vmem>>, vector<16xf32>,
          %add3A_160 = arith.addf %scan3A_121, %get3A_159 : vector<16xf32>
          %select_n3A_161 = arith.select %ne3A_147, %get3A_159, %add3A_160 : vector<16xi1>, vector<16xf32>
          tpu.vector_store_idx %arg15[%scan3A_119, %add3A_16], %scan3A_122 masked %ne3A_147 {add = true} : memref<64x64xf32, #tpu.memory_space<vmem>>[vector<16xi32>, vector<16xi32>], vector<16xf32>, vector<16xi1>
          %get3A_162 = arith.index_cast %add3A_151 : i32 to index
          %get3A_163 = arith.constant 32 : index
          %get3A_164 = tpu.vector_load %arg11[%get3A_162, %get3A_163] {strides = array<i32>} : memref<128x64xf32, #tpu.memory_space<vmem>>, vector<16xf32>,
          %add3A_165 = arith.addf %scan3A_122, %get3A_164 : vector<16xf32>
          %select_n3A_166 = arith.select %ne3A_147, %get3A_164, %add3A_165 : vector<16xi1>, vector<16xf32>
          tpu.vector_store_idx %arg15[%scan3A_119, %add3A_20], %scan3A_123 masked %ne3A_147 {add = true} : memref<64x64xf32, #tpu.memory_space<vmem>>[vector<16xi32>, vector<16xi32>], vector<16xf32>, vector<16xi1>
          %get3A_167 = arith.index_cast %add3A_151 : i32 to index
          %get3A_168 = arith.constant 48 : index
          %get3A_169 = tpu.vector_load %arg11[%get3A_167, %get3A_168] {strides = array<i32>} : memref<128x64xf32, #tpu.memory_space<vmem>>, vector<16xf32>,
          %add3A_170 = arith.addf %scan3A_123, %get3A_169 : vector<16xf32>
          %select_n3A_171 = arith.select %ne3A_147, %get3A_169, %add3A_170 : vector<16xi1>, vector<16xf32>
          %broadcast_in_dim3A_172 = arith.constant 1 : i32
          %broadcast_in_dim3A_173 = vector.broadcast %broadcast_in_dim3A_172 : i32 to vector<16xi32>
          %lt3A_174 = arith.constant 0 : i32
          %lt3A_175 = vector.broadcast %lt3A_174 : i32 to vector<16xi32>
          %lt3A_176 = arith.cmpi slt, %broadcast_in_dim3A_173, %lt3A_175 : vector<16xi32>
          %add3A_177 = arith.constant 16 : i32
          %add3A_178 = vector.broadcast %add3A_177 : i32 to vector<16xi32>
          %add3A_179 = arith.addi %broadcast_in_dim3A_173, %add3A_178 : vector<16xi32>
          %select_n3A_180 = arith.select %lt3A_176, %add3A_179, %broadcast_in_dim3A_173 : vector<16xi1>, vector<16xi32>
          %broadcast_in_dim3A_181 = vector.shape_cast %select_n3A_180 : vector<16xi32> to vector<16x1xi32>
          %gather3A_182 = vector.shape_cast %broadcast_in_dim3A_181 : vector<16x1xi32> to vector<16xi32>
          %gather3A_183 = tpu.dynamic_gather %get3A_126[%gather3A_182] in [0] : vector<16xi32>, vector<16xi32> -> vector<16xi32>
          %ne3A_184 = arith.cmpi ne, %gather3A_183, %gather3A_146 : vector<16xi32>
          %mul3A_185 = arith.constant 16 : i32
          %mul3A_186 = arith.muli %scan3A_118, %mul3A_185 : i32
          %add3A_187 = arith.constant 1 : i32
          %add3A_188 = arith.addi %mul3A_186, %add3A_187 : i32
          tpu.vector_store_idx %arg15[%gather3A_146, %add3A_8], %select_n3A_156 masked %ne3A_184 {add = true} : memref<64x64xf32, #tpu.memory_space<vmem>>[vector<16xi32>, vector<16xi32>], vector<16xf32>, vector<16xi1>
          %get3A_189 = arith.index_cast %add3A_188 : i32 to index
          %get3A_190 = arith.constant 0 : index
          %get3A_191 = tpu.vector_load %arg11[%get3A_189, %get3A_190] {strides = array<i32>} : memref<128x64xf32, #tpu.memory_space<vmem>>, vector<16xf32>,
          %add3A_192 = arith.addf %select_n3A_156, %get3A_191 : vector<16xf32>
          %select_n3A_193 = arith.select %ne3A_184, %get3A_191, %add3A_192 : vector<16xi1>, vector<16xf32>
          tpu.vector_store_idx %arg15[%gather3A_146, %add3A_12], %select_n3A_161 masked %ne3A_184 {add = true} : memref<64x64xf32, #tpu.memory_space<vmem>>[vector<16xi32>, vector<16xi32>], vector<16xf32>, vector<16xi1>
          %get3A_194 = arith.index_cast %add3A_188 : i32 to index
          %get3A_195 = arith.constant 16 : index
          %get3A_196 = tpu.vector_load %arg11[%get3A_194, %get3A_195] {strides = array<i32>} : memref<128x64xf32, #tpu.memory_space<vmem>>, vector<16xf32>,
          %add3A_197 = arith.addf %select_n3A_161, %get3A_196 : vector<16xf32>
          %select_n3A_198 = arith.select %ne3A_184, %get3A_196, %add3A_197 : vector<16xi1>, vector<16xf32>
          tpu.vector_store_idx %arg15[%gather3A_146, %add3A_16], %select_n3A_166 masked %ne3A_184 {add = true} : memref<64x64xf32, #tpu.memory_space<vmem>>[vector<16xi32>, vector<16xi32>], vector<16xf32>, vector<16xi1>
          %get3A_199 = arith.index_cast %add3A_188 : i32 to index
          %get3A_200 = arith.constant 32 : index
          %get3A_201 = tpu.vector_load %arg11[%get3A_199, %get3A_200] {strides = array<i32>} : memref<128x64xf32, #tpu.memory_space<vmem>>, vector<16xf32>,
          %add3A_202 = arith.addf %select_n3A_166, %get3A_201 : vector<16xf32>
          %select_n3A_203 = arith.select %ne3A_184, %get3A_201, %add3A_202 : vector<16xi1>, vector<16xf32>
          tpu.vector_store_idx %arg15[%gather3A_146, %add3A_20], %select_n3A_171 masked %ne3A_184 {add = true} : memref<64x64xf32, #tpu.memory_space<vmem>>[vector<16xi32>, vector<16xi32>], vector<16xf32>, vector<16xi1>
          %get3A_204 = arith.index_cast %add3A_188 : i32 to index
          %get3A_205 = arith.constant 48 : index
          %get3A_206 = tpu.vector_load %arg11[%get3A_204, %get3A_205] {strides = array<i32>} : memref<128x64xf32, #tpu.memory_space<vmem>>, vector<16xf32>,
          %add3A_207 = arith.addf %select_n3A_171, %get3A_206 : vector<16xf32>
          %select_n3A_208 = arith.select %ne3A_184, %get3A_206, %add3A_207 : vector<16xi1>, vector<16xf32>
          %broadcast_in_dim3A_209 = arith.constant 2 : i32
          %broadcast_in_dim3A_210 = vector.broadcast %broadcast_in_dim3A_209 : i32 to vector<16xi32>
          %lt3A_211 = arith.constant 0 : i32
          %lt3A_212 = vector.broadcast %lt3A_211 : i32 to vector<16xi32>
          %lt3A_213 = arith.cmpi slt, %broadcast_in_dim3A_210, %lt3A_212 : vector<16xi32>
          %add3A_214 = arith.constant 16 : i32
          %add3A_215 = vector.broadcast %add3A_214 : i32 to vector<16xi32>
          %add3A_216 = arith.addi %broadcast_in_dim3A_210, %add3A_215 : vector<16xi32>
          %select_n3A_217 = arith.select %lt3A_213, %add3A_216, %broadcast_in_dim3A_210 : vector<16xi1>, vector<16xi32>
          %broadcast_in_dim3A_218 = vector.shape_cast %select_n3A_217 : vector<16xi32> to vector<16x1xi32>
          %gather3A_219 = vector.shape_cast %broadcast_in_dim3A_218 : vector<16x1xi32> to vector<16xi32>
          %gather3A_220 = tpu.dynamic_gather %get3A_126[%gather3A_219] in [0] : vector<16xi32>, vector<16xi32> -> vector<16xi32>
          %ne3A_221 = arith.cmpi ne, %gather3A_220, %gather3A_183 : vector<16xi32>
          %mul3A_222 = arith.constant 16 : i32
          %mul3A_223 = arith.muli %scan3A_118, %mul3A_222 : i32
          %add3A_224 = arith.constant 2 : i32
          %add3A_225 = arith.addi %mul3A_223, %add3A_224 : i32
          tpu.vector_store_idx %arg15[%gather3A_183, %add3A_8], %select_n3A_193 masked %ne3A_221 {add = true} : memref<64x64xf32, #tpu.memory_space<vmem>>[vector<16xi32>, vector<16xi32>], vector<16xf32>, vector<16xi1>
          %get3A_226 = arith.index_cast %add3A_225 : i32 to index
          %get3A_227 = arith.constant 0 : index
          %get3A_228 = tpu.vector_load %arg11[%get3A_226, %get3A_227] {strides = array<i32>} : memref<128x64xf32, #tpu.memory_space<vmem>>, vector<16xf32>,
          %add3A_229 = arith.addf %select_n3A_193, %get3A_228 : vector<16xf32>
          %select_n3A_230 = arith.select %ne3A_221, %get3A_228, %add3A_229 : vector<16xi1>, vector<16xf32>
          tpu.vector_store_idx %arg15[%gather3A_183, %add3A_12], %select_n3A_198 masked %ne3A_221 {add = true} : memref<64x64xf32, #tpu.memory_space<vmem>>[vector<16xi32>, vector<16xi32>], vector<16xf32>, vector<16xi1>
          %get3A_231 = arith.index_cast %add3A_225 : i32 to index
          %get3A_232 = arith.constant 16 : index
          %get3A_233 = tpu.vector_load %arg11[%get3A_231, %get3A_232] {strides = array<i32>} : memref<128x64xf32, #tpu.memory_space<vmem>>, vector<16xf32>,
          %add3A_234 = arith.addf %select_n3A_198, %get3A_233 : vector<16xf32>
          %select_n3A_235 = arith.select %ne3A_221, %get3A_233, %add3A_234 : vector<16xi1>, vector<16xf32>
          tpu.vector_store_idx %arg15[%gather3A_183, %add3A_16], %select_n3A_203 masked %ne3A_221 {add = true} : memref<64x64xf32, #tpu.memory_space<vmem>>[vector<16xi32>, vector<16xi32>], vector<16xf32>, vector<16xi1>
          %get3A_236 = arith.index_cast %add3A_225 : i32 to index
          %get3A_237 = arith.constant 32 : index
          %get3A_238 = tpu.vector_load %arg11[%get3A_236, %get3A_237] {strides = array<i32>} : memref<128x64xf32, #tpu.memory_space<vmem>>, vector<16xf32>,
          %add3A_239 = arith.addf %select_n3A_203, %get3A_238 : vector<16xf32>
          %select_n3A_240 = arith.select %ne3A_221, %get3A_238, %add3A_239 : vector<16xi1>, vector<16xf32>
          tpu.vector_store_idx %arg15[%gather3A_183, %add3A_20], %select_n3A_208 masked %ne3A_221 {add = true} : memref<64x64xf32, #tpu.memory_space<vmem>>[vector<16xi32>, vector<16xi32>], vector<16xf32>, vector<16xi1>
          %get3A_241 = arith.index_cast %add3A_225 : i32 to index
          %get3A_242 = arith.constant 48 : index
          %get3A_243 = tpu.vector_load %arg11[%get3A_241, %get3A_242] {strides = array<i32>} : memref<128x64xf32, #tpu.memory_space<vmem>>, vector<16xf32>,
          %add3A_244 = arith.addf %select_n3A_208, %get3A_243 : vector<16xf32>
          %select_n3A_245 = arith.select %ne3A_221, %get3A_243, %add3A_244 : vector<16xi1>, vector<16xf32>
          %broadcast_in_dim3A_246 = arith.constant 3 : i32
          %broadcast_in_dim3A_247 = vector.broadcast %broadcast_in_dim3A_246 : i32 to vector<16xi32>
          %lt3A_248 = arith.constant 0 : i32
          %lt3A_249 = vector.broadcast %lt3A_248 : i32 to vector<16xi32>
          %lt3A_250 = arith.cmpi slt, %broadcast_in_dim3A_247, %lt3A_249 : vector<16xi32>
          %add3A_251 = arith.constant 16 : i32
          %add3A_252 = vector.broadcast %add3A_251 : i32 to vector<16xi32>
          %add3A_253 = arith.addi %broadcast_in_dim3A_247, %add3A_252 : vector<16xi32>
          %select_n3A_254 = arith.select %lt3A_250, %add3A_253, %broadcast_in_dim3A_247 : vector<16xi1>, vector<16xi32>
          %broadcast_in_dim3A_255 = vector.shape_cast %select_n3A_254 : vector<16xi32> to vector<16x1xi32>
          %gather3A_256 = vector.shape_cast %broadcast_in_dim3A_255 : vector<16x1xi32> to vector<16xi32>
          %gather3A_257 = tpu.dynamic_gather %get3A_126[%gather3A_256] in [0] : vector<16xi32>, vector<16xi32> -> vector<16xi32>
          %ne3A_258 = arith.cmpi ne, %gather3A_257, %gather3A_220 : vector<16xi32>
          %mul3A_259 = arith.constant 16 : i32
          %mul3A_260 = arith.muli %scan3A_118, %mul3A_259 : i32
          %add3A_261 = arith.constant 3 : i32
          %add3A_262 = arith.addi %mul3A_260, %add3A_261 : i32
          tpu.vector_store_idx %arg15[%gather3A_220, %add3A_8], %select_n3A_230 masked %ne3A_258 {add = true} : memref<64x64xf32, #tpu.memory_space<vmem>>[vector<16xi32>, vector<16xi32>], vector<16xf32>, vector<16xi1>
          %get3A_263 = arith.index_cast %add3A_262 : i32 to index
          %get3A_264 = arith.constant 0 : index
          %get3A_265 = tpu.vector_load %arg11[%get3A_263, %get3A_264] {strides = array<i32>} : memref<128x64xf32, #tpu.memory_space<vmem>>, vector<16xf32>,
          %add3A_266 = arith.addf %select_n3A_230, %get3A_265 : vector<16xf32>
          %select_n3A_267 = arith.select %ne3A_258, %get3A_265, %add3A_266 : vector<16xi1>, vector<16xf32>
          tpu.vector_store_idx %arg15[%gather3A_220, %add3A_12], %select_n3A_235 masked %ne3A_258 {add = true} : memref<64x64xf32, #tpu.memory_space<vmem>>[vector<16xi32>, vector<16xi32>], vector<16xf32>, vector<16xi1>
          %get3A_268 = arith.index_cast %add3A_262 : i32 to index
          %get3A_269 = arith.constant 16 : index
          %get3A_270 = tpu.vector_load %arg11[%get3A_268, %get3A_269] {strides = array<i32>} : memref<128x64xf32, #tpu.memory_space<vmem>>, vector<16xf32>,
          %add3A_271 = arith.addf %select_n3A_235, %get3A_270 : vector<16xf32>
          %select_n3A_272 = arith.select %ne3A_258, %get3A_270, %add3A_271 : vector<16xi1>, vector<16xf32>
          tpu.vector_store_idx %arg15[%gather3A_220, %add3A_16], %select_n3A_240 masked %ne3A_258 {add = true} : memref<64x64xf32, #tpu.memory_space<vmem>>[vector<16xi32>, vector<16xi32>], vector<16xf32>, vector<16xi1>
          %get3A_273 = arith.index_cast %add3A_262 : i32 to index
          %get3A_274 = arith.constant 32 : index
          %get3A_275 = tpu.vector_load %arg11[%get3A_273, %get3A_274] {strides = array<i32>} : memref<128x64xf32, #tpu.memory_space<vmem>>, vector<16xf32>,
          %add3A_276 = arith.addf %select_n3A_240, %get3A_275 : vector<16xf32>
          %select_n3A_277 = arith.select %ne3A_258, %get3A_275, %add3A_276 : vector<16xi1>, vector<16xf32>
          tpu.vector_store_idx %arg15[%gather3A_220, %add3A_20], %select_n3A_245 masked %ne3A_258 {add = true} : memref<64x64xf32, #tpu.memory_space<vmem>>[vector<16xi32>, vector<16xi32>], vector<16xf32>, vector<16xi1>
          %get3A_278 = arith.index_cast %add3A_262 : i32 to index
          %get3A_279 = arith.constant 48 : index
          %get3A_280 = tpu.vector_load %arg11[%get3A_278, %get3A_279] {strides = array<i32>} : memref<128x64xf32, #tpu.memory_space<vmem>>, vector<16xf32>,
          %add3A_281 = arith.addf %select_n3A_245, %get3A_280 : vector<16xf32>
          %select_n3A_282 = arith.select %ne3A_258, %get3A_280, %add3A_281 : vector<16xi1>, vector<16xf32>
          %broadcast_in_dim3A_283 = arith.constant 4 : i32
          %broadcast_in_dim3A_284 = vector.broadcast %broadcast_in_dim3A_283 : i32 to vector<16xi32>
          %lt3A_285 = arith.constant 0 : i32
          %lt3A_286 = vector.broadcast %lt3A_285 : i32 to vector<16xi32>
          %lt3A_287 = arith.cmpi slt, %broadcast_in_dim3A_284, %lt3A_286 : vector<16xi32>
          %add3A_288 = arith.constant 16 : i32
          %add3A_289 = vector.broadcast %add3A_288 : i32 to vector<16xi32>
          %add3A_290 = arith.addi %broadcast_in_dim3A_284, %add3A_289 : vector<16xi32>
          %select_n3A_291 = arith.select %lt3A_287, %add3A_290, %broadcast_in_dim3A_284 : vector<16xi1>, vector<16xi32>
          %broadcast_in_dim3A_292 = vector.shape_cast %select_n3A_291 : vector<16xi32> to vector<16x1xi32>
          %gather3A_293 = vector.shape_cast %broadcast_in_dim3A_292 : vector<16x1xi32> to vector<16xi32>
          %gather3A_294 = tpu.dynamic_gather %get3A_126[%gather3A_293] in [0] : vector<16xi32>, vector<16xi32> -> vector<16xi32>
          %ne3A_295 = arith.cmpi ne, %gather3A_294, %gather3A_257 : vector<16xi32>
          %mul3A_296 = arith.constant 16 : i32
          %mul3A_297 = arith.muli %scan3A_118, %mul3A_296 : i32
          %add3A_298 = arith.constant 4 : i32
          %add3A_299 = arith.addi %mul3A_297, %add3A_298 : i32
          tpu.vector_store_idx %arg15[%gather3A_257, %add3A_8], %select_n3A_267 masked %ne3A_295 {add = true} : memref<64x64xf32, #tpu.memory_space<vmem>>[vector<16xi32>, vector<16xi32>], vector<16xf32>, vector<16xi1>
          %get3A_300 = arith.index_cast %add3A_299 : i32 to index
          %get3A_301 = arith.constant 0 : index
          %get3A_302 = tpu.vector_load %arg11[%get3A_300, %get3A_301] {strides = array<i32>} : memref<128x64xf32, #tpu.memory_space<vmem>>, vector<16xf32>,
          %add3A_303 = arith.addf %select_n3A_267, %get3A_302 : vector<16xf32>
          %select_n3A_304 = arith.select %ne3A_295, %get3A_302, %add3A_303 : vector<16xi1>, vector<16xf32>
          tpu.vector_store_idx %arg15[%gather3A_257, %add3A_12], %select_n3A_272 masked %ne3A_295 {add = true} : memref<64x64xf32, #tpu.memory_space<vmem>>[vector<16xi32>, vector<16xi32>], vector<16xf32>, vector<16xi1>
          %get3A_305 = arith.index_cast %add3A_299 : i32 to index
          %get3A_306 = arith.constant 16 : index
          %get3A_307 = tpu.vector_load %arg11[%get3A_305, %get3A_306] {strides = array<i32>} : memref<128x64xf32, #tpu.memory_space<vmem>>, vector<16xf32>,
          %add3A_308 = arith.addf %select_n3A_272, %get3A_307 : vector<16xf32>
          %select_n3A_309 = arith.select %ne3A_295, %get3A_307, %add3A_308 : vector<16xi1>, vector<16xf32>
          tpu.vector_store_idx %arg15[%gather3A_257, %add3A_16], %select_n3A_277 masked %ne3A_295 {add = true} : memref<64x64xf32, #tpu.memory_space<vmem>>[vector<16xi32>, vector<16xi32>], vector<16xf32>, vector<16xi1>
          %get3A_310 = arith.index_cast %add3A_299 : i32 to index
          %get3A_311 = arith.constant 32 : index
          %get3A_312 = tpu.vector_load %arg11[%get3A_310, %get3A_311] {strides = array<i32>} : memref<128x64xf32, #tpu.memory_space<vmem>>, vector<16xf32>,
          %add3A_313 = arith.addf %select_n3A_277, %get3A_312 : vector<16xf32>
          %select_n3A_314 = arith.select %ne3A_295, %get3A_312, %add3A_313 : vector<16xi1>, vector<16xf32>
          tpu.vector_store_idx %arg15[%gather3A_257, %add3A_20], %select_n3A_282 masked %ne3A_295 {add = true} : memref<64x64xf32, #tpu.memory_space<vmem>>[vector<16xi32>, vector<16xi32>], vector<16xf32>, vector<16xi1>
          %get3A_315 = arith.index_cast %add3A_299 : i32 to index
          %get3A_316 = arith.constant 48 : index
          %get3A_317 = tpu.vector_load %arg11[%get3A_315, %get3A_316] {strides = array<i32>} : memref<128x64xf32, #tpu.memory_space<vmem>>, vector<16xf32>,
          %add3A_318 = arith.addf %select_n3A_282, %get3A_317 : vector<16xf32>
          %select_n3A_319 = arith.select %ne3A_295, %get3A_317, %add3A_318 : vector<16xi1>, vector<16xf32>
          %broadcast_in_dim3A_320 = arith.constant 5 : i32
          %broadcast_in_dim3A_321 = vector.broadcast %broadcast_in_dim3A_320 : i32 to vector<16xi32>
          %lt3A_322 = arith.constant 0 : i32
          %lt3A_323 = vector.broadcast %lt3A_322 : i32 to vector<16xi32>
          %lt3A_324 = arith.cmpi slt, %broadcast_in_dim3A_321, %lt3A_323 : vector<16xi32>
          %add3A_325 = arith.constant 16 : i32
          %add3A_326 = vector.broadcast %add3A_325 : i32 to vector<16xi32>
          %add3A_327 = arith.addi %broadcast_in_dim3A_321, %add3A_326 : vector<16xi32>
          %select_n3A_328 = arith.select %lt3A_324, %add3A_327, %broadcast_in_dim3A_321 : vector<16xi1>, vector<16xi32>
          %broadcast_in_dim3A_329 = vector.shape_cast %select_n3A_328 : vector<16xi32> to vector<16x1xi32>
          %gather3A_330 = vector.shape_cast %broadcast_in_dim3A_329 : vector<16x1xi32> to vector<16xi32>
          %gather3A_331 = tpu.dynamic_gather %get3A_126[%gather3A_330] in [0] : vector<16xi32>, vector<16xi32> -> vector<16xi32>
          %ne3A_332 = arith.cmpi ne, %gather3A_331, %gather3A_294 : vector<16xi32>
          %mul3A_333 = arith.constant 16 : i32
          %mul3A_334 = arith.muli %scan3A_118, %mul3A_333 : i32
          %add3A_335 = arith.constant 5 : i32
          %add3A_336 = arith.addi %mul3A_334, %add3A_335 : i32
          tpu.vector_store_idx %arg15[%gather3A_294, %add3A_8], %select_n3A_304 masked %ne3A_332 {add = true} : memref<64x64xf32, #tpu.memory_space<vmem>>[vector<16xi32>, vector<16xi32>], vector<16xf32>, vector<16xi1>
          %get3A_337 = arith.index_cast %add3A_336 : i32 to index
          %get3A_338 = arith.constant 0 : index
          %get3A_339 = tpu.vector_load %arg11[%get3A_337, %get3A_338] {strides = array<i32>} : memref<128x64xf32, #tpu.memory_space<vmem>>, vector<16xf32>,
          %add3A_340 = arith.addf %select_n3A_304, %get3A_339 : vector<16xf32>
          %select_n3A_341 = arith.select %ne3A_332, %get3A_339, %add3A_340 : vector<16xi1>, vector<16xf32>
          tpu.vector_store_idx %arg15[%gather3A_294, %add3A_12], %select_n3A_309 masked %ne3A_332 {add = true} : memref<64x64xf32, #tpu.memory_space<vmem>>[vector<16xi32>, vector<16xi32>], vector<16xf32>, vector<16xi1>
          %get3A_342 = arith.index_cast %add3A_336 : i32 to index
          %get3A_343 = arith.constant 16 : index
          %get3A_344 = tpu.vector_load %arg11[%get3A_342, %get3A_343] {strides = array<i32>} : memref<128x64xf32, #tpu.memory_space<vmem>>, vector<16xf32>,
          %add3A_345 = arith.addf %select_n3A_309, %get3A_344 : vector<16xf32>
          %select_n3A_346 = arith.select %ne3A_332, %get3A_344, %add3A_345 : vector<16xi1>, vector<16xf32>
          tpu.vector_store_idx %arg15[%gather3A_294, %add3A_16], %select_n3A_314 masked %ne3A_332 {add = true} : memref<64x64xf32, #tpu.memory_space<vmem>>[vector<16xi32>, vector<16xi32>], vector<16xf32>, vector<16xi1>
          %get3A_347 = arith.index_cast %add3A_336 : i32 to index
          %get3A_348 = arith.constant 32 : index
          %get3A_349 = tpu.vector_load %arg11[%get3A_347, %get3A_348] {strides = array<i32>} : memref<128x64xf32, #tpu.memory_space<vmem>>, vector<16xf32>,
          %add3A_350 = arith.addf %select_n3A_314, %get3A_349 : vector<16xf32>
          %select_n3A_351 = arith.select %ne3A_332, %get3A_349, %add3A_350 : vector<16xi1>, vector<16xf32>
          tpu.vector_store_idx %arg15[%gather3A_294, %add3A_20], %select_n3A_319 masked %ne3A_332 {add = true} : memref<64x64xf32, #tpu.memory_space<vmem>>[vector<16xi32>, vector<16xi32>], vector<16xf32>, vector<16xi1>
          %get3A_352 = arith.index_cast %add3A_336 : i32 to index
          %get3A_353 = arith.constant 48 : index
          %get3A_354 = tpu.vector_load %arg11[%get3A_352, %get3A_353] {strides = array<i32>} : memref<128x64xf32, #tpu.memory_space<vmem>>, vector<16xf32>,
          %add3A_355 = arith.addf %select_n3A_319, %get3A_354 : vector<16xf32>
          %select_n3A_356 = arith.select %ne3A_332, %get3A_354, %add3A_355 : vector<16xi1>, vector<16xf32>
          %broadcast_in_dim3A_357 = arith.constant 6 : i32
          %broadcast_in_dim3A_358 = vector.broadcast %broadcast_in_dim3A_357 : i32 to vector<16xi32>
          %lt3A_359 = arith.constant 0 : i32
          %lt3A_360 = vector.broadcast %lt3A_359 : i32 to vector<16xi32>
          %lt3A_361 = arith.cmpi slt, %broadcast_in_dim3A_358, %lt3A_360 : vector<16xi32>
          %add3A_362 = arith.constant 16 : i32
          %add3A_363 = vector.broadcast %add3A_362 : i32 to vector<16xi32>
          %add3A_364 = arith.addi %broadcast_in_dim3A_358, %add3A_363 : vector<16xi32>
          %select_n3A_365 = arith.select %lt3A_361, %add3A_364, %broadcast_in_dim3A_358 : vector<16xi1>, vector<16xi32>
          %broadcast_in_dim3A_366 = vector.shape_cast %select_n3A_365 : vector<16xi32> to vector<16x1xi32>
          %gather3A_367 = vector.shape_cast %broadcast_in_dim3A_366 : vector<16x1xi32> to vector<16xi32>
          %gather3A_368 = tpu.dynamic_gather %get3A_126[%gather3A_367] in [0] : vector<16xi32>, vector<16xi32> -> vector<16xi32>
          %ne3A_369 = arith.cmpi ne, %gather3A_368, %gather3A_331 : vector<16xi32>
          %mul3A_370 = arith.constant 16 : i32
          %mul3A_371 = arith.muli %scan3A_118, %mul3A_370 : i32
          %add3A_372 = arith.constant 6 : i32
          %add3A_373 = arith.addi %mul3A_371, %add3A_372 : i32
          tpu.vector_store_idx %arg15[%gather3A_331, %add3A_8], %select_n3A_341 masked %ne3A_369 {add = true} : memref<64x64xf32, #tpu.memory_space<vmem>>[vector<16xi32>, vector<16xi32>], vector<16xf32>, vector<16xi1>
          %get3A_374 = arith.index_cast %add3A_373 : i32 to index
          %get3A_375 = arith.constant 0 : index
          %get3A_376 = tpu.vector_load %arg11[%get3A_374, %get3A_375] {strides = array<i32>} : memref<128x64xf32, #tpu.memory_space<vmem>>, vector<16xf32>,
          %add3A_377 = arith.addf %select_n3A_341, %get3A_376 : vector<16xf32>
          %select_n3A_378 = arith.select %ne3A_369, %get3A_376, %add3A_377 : vector<16xi1>, vector<16xf32>
          tpu.vector_store_idx %arg15[%gather3A_331, %add3A_12], %select_n3A_346 masked %ne3A_369 {add = true} : memref<64x64xf32, #tpu.memory_space<vmem>>[vector<16xi32>, vector<16xi32>], vector<16xf32>, vector<16xi1>
          %get3A_379 = arith.index_cast %add3A_373 : i32 to index
          %get3A_380 = arith.constant 16 : index
          %get3A_381 = tpu.vector_load %arg11[%get3A_379, %get3A_380] {strides = array<i32>} : memref<128x64xf32, #tpu.memory_space<vmem>>, vector<16xf32>,
          %add3A_382 = arith.addf %select_n3A_346, %get3A_381 : vector<16xf32>
          %select_n3A_383 = arith.select %ne3A_369, %get3A_381, %add3A_382 : vector<16xi1>, vector<16xf32>
          tpu.vector_store_idx %arg15[%gather3A_331, %add3A_16], %select_n3A_351 masked %ne3A_369 {add = true} : memref<64x64xf32, #tpu.memory_space<vmem>>[vector<16xi32>, vector<16xi32>], vector<16xf32>, vector<16xi1>
          %get3A_384 = arith.index_cast %add3A_373 : i32 to index
          %get3A_385 = arith.constant 32 : index
          %get3A_386 = tpu.vector_load %arg11[%get3A_384, %get3A_385] {strides = array<i32>} : memref<128x64xf32, #tpu.memory_space<vmem>>, vector<16xf32>,
          %add3A_387 = arith.addf %select_n3A_351, %get3A_386 : vector<16xf32>
          %select_n3A_388 = arith.select %ne3A_369, %get3A_386, %add3A_387 : vector<16xi1>, vector<16xf32>
          tpu.vector_store_idx %arg15[%gather3A_331, %add3A_20], %select_n3A_356 masked %ne3A_369 {add = true} : memref<64x64xf32, #tpu.memory_space<vmem>>[vector<16xi32>, vector<16xi32>], vector<16xf32>, vector<16xi1>
          %get3A_389 = arith.index_cast %add3A_373 : i32 to index
          %get3A_390 = arith.constant 48 : index
          %get3A_391 = tpu.vector_load %arg11[%get3A_389, %get3A_390] {strides = array<i32>} : memref<128x64xf32, #tpu.memory_space<vmem>>, vector<16xf32>,
          %add3A_392 = arith.addf %select_n3A_356, %get3A_391 : vector<16xf32>
          %select_n3A_393 = arith.select %ne3A_369, %get3A_391, %add3A_392 : vector<16xi1>, vector<16xf32>
          %broadcast_in_dim3A_394 = arith.constant 7 : i32
          %broadcast_in_dim3A_395 = vector.broadcast %broadcast_in_dim3A_394 : i32 to vector<16xi32>
          %lt3A_396 = arith.constant 0 : i32
          %lt3A_397 = vector.broadcast %lt3A_396 : i32 to vector<16xi32>
          %lt3A_398 = arith.cmpi slt, %broadcast_in_dim3A_395, %lt3A_397 : vector<16xi32>
          %add3A_399 = arith.constant 16 : i32
          %add3A_400 = vector.broadcast %add3A_399 : i32 to vector<16xi32>
          %add3A_401 = arith.addi %broadcast_in_dim3A_395, %add3A_400 : vector<16xi32>
          %select_n3A_402 = arith.select %lt3A_398, %add3A_401, %broadcast_in_dim3A_395 : vector<16xi1>, vector<16xi32>
          %broadcast_in_dim3A_403 = vector.shape_cast %select_n3A_402 : vector<16xi32> to vector<16x1xi32>
          %gather3A_404 = vector.shape_cast %broadcast_in_dim3A_403 : vector<16x1xi32> to vector<16xi32>
          %gather3A_405 = tpu.dynamic_gather %get3A_126[%gather3A_404] in [0] : vector<16xi32>, vector<16xi32> -> vector<16xi32>
          %ne3A_406 = arith.cmpi ne, %gather3A_405, %gather3A_368 : vector<16xi32>
          %mul3A_407 = arith.constant 16 : i32
          %mul3A_408 = arith.muli %scan3A_118, %mul3A_407 : i32
          %add3A_409 = arith.constant 7 : i32
          %add3A_410 = arith.addi %mul3A_408, %add3A_409 : i32
          tpu.vector_store_idx %arg15[%gather3A_368, %add3A_8], %select_n3A_378 masked %ne3A_406 {add = true} : memref<64x64xf32, #tpu.memory_space<vmem>>[vector<16xi32>, vector<16xi32>], vector<16xf32>, vector<16xi1>
          %get3A_411 = arith.index_cast %add3A_410 : i32 to index
          %get3A_412 = arith.constant 0 : index
          %get3A_413 = tpu.vector_load %arg11[%get3A_411, %get3A_412] {strides = array<i32>} : memref<128x64xf32, #tpu.memory_space<vmem>>, vector<16xf32>,
          %add3A_414 = arith.addf %select_n3A_378, %get3A_413 : vector<16xf32>
          %select_n3A_415 = arith.select %ne3A_406, %get3A_413, %add3A_414 : vector<16xi1>, vector<16xf32>
          tpu.vector_store_idx %arg15[%gather3A_368, %add3A_12], %select_n3A_383 masked %ne3A_406 {add = true} : memref<64x64xf32, #tpu.memory_space<vmem>>[vector<16xi32>, vector<16xi32>], vector<16xf32>, vector<16xi1>
          %get3A_416 = arith.index_cast %add3A_410 : i32 to index
          %get3A_417 = arith.constant 16 : index
          %get3A_418 = tpu.vector_load %arg11[%get3A_416, %get3A_417] {strides = array<i32>} : memref<128x64xf32, #tpu.memory_space<vmem>>, vector<16xf32>,
          %add3A_419 = arith.addf %select_n3A_383, %get3A_418 : vector<16xf32>
          %select_n3A_420 = arith.select %ne3A_406, %get3A_418, %add3A_419 : vector<16xi1>, vector<16xf32>
          tpu.vector_store_idx %arg15[%gather3A_368, %add3A_16], %select_n3A_388 masked %ne3A_406 {add = true} : memref<64x64xf32, #tpu.memory_space<vmem>>[vector<16xi32>, vector<16xi32>], vector<16xf32>, vector<16xi1>
          %get3A_421 = arith.index_cast %add3A_410 : i32 to index
          %get3A_422 = arith.constant 32 : index
          %get3A_423 = tpu.vector_load %arg11[%get3A_421, %get3A_422] {strides = array<i32>} : memref<128x64xf32, #tpu.memory_space<vmem>>, vector<16xf32>,
          %add3A_424 = arith.addf %select_n3A_388, %get3A_423 : vector<16xf32>
          %select_n3A_425 = arith.select %ne3A_406, %get3A_423, %add3A_424 : vector<16xi1>, vector<16xf32>
          tpu.vector_store_idx %arg15[%gather3A_368, %add3A_20], %select_n3A_393 masked %ne3A_406 {add = true} : memref<64x64xf32, #tpu.memory_space<vmem>>[vector<16xi32>, vector<16xi32>], vector<16xf32>, vector<16xi1>
          %get3A_426 = arith.index_cast %add3A_410 : i32 to index
          %get3A_427 = arith.constant 48 : index
          %get3A_428 = tpu.vector_load %arg11[%get3A_426, %get3A_427] {strides = array<i32>} : memref<128x64xf32, #tpu.memory_space<vmem>>, vector<16xf32>,
          %add3A_429 = arith.addf %select_n3A_393, %get3A_428 : vector<16xf32>
          %select_n3A_430 = arith.select %ne3A_406, %get3A_428, %add3A_429 : vector<16xi1>, vector<16xf32>
          %broadcast_in_dim3A_431 = arith.constant 8 : i32
          %broadcast_in_dim3A_432 = vector.broadcast %broadcast_in_dim3A_431 : i32 to vector<16xi32>
          %lt3A_433 = arith.constant 0 : i32
          %lt3A_434 = vector.broadcast %lt3A_433 : i32 to vector<16xi32>
          %lt3A_435 = arith.cmpi slt, %broadcast_in_dim3A_432, %lt3A_434 : vector<16xi32>
          %add3A_436 = arith.constant 16 : i32
          %add3A_437 = vector.broadcast %add3A_436 : i32 to vector<16xi32>
          %add3A_438 = arith.addi %broadcast_in_dim3A_432, %add3A_437 : vector<16xi32>
          %select_n3A_439 = arith.select %lt3A_435, %add3A_438, %broadcast_in_dim3A_432 : vector<16xi1>, vector<16xi32>
          %broadcast_in_dim3A_440 = vector.shape_cast %select_n3A_439 : vector<16xi32> to vector<16x1xi32>
          %gather3A_441 = vector.shape_cast %broadcast_in_dim3A_440 : vector<16x1xi32> to vector<16xi32>
          %gather3A_442 = tpu.dynamic_gather %get3A_126[%gather3A_441] in [0] : vector<16xi32>, vector<16xi32> -> vector<16xi32>
          %ne3A_443 = arith.cmpi ne, %gather3A_442, %gather3A_405 : vector<16xi32>
          %mul3A_444 = arith.constant 16 : i32
          %mul3A_445 = arith.muli %scan3A_118, %mul3A_444 : i32
          %add3A_446 = arith.constant 8 : i32
          %add3A_447 = arith.addi %mul3A_445, %add3A_446 : i32
          tpu.vector_store_idx %arg15[%gather3A_405, %add3A_8], %select_n3A_415 masked %ne3A_443 {add = true} : memref<64x64xf32, #tpu.memory_space<vmem>>[vector<16xi32>, vector<16xi32>], vector<16xf32>, vector<16xi1>
          %get3A_448 = arith.index_cast %add3A_447 : i32 to index
          %get3A_449 = arith.constant 0 : index
          %get3A_450 = tpu.vector_load %arg11[%get3A_448, %get3A_449] {strides = array<i32>} : memref<128x64xf32, #tpu.memory_space<vmem>>, vector<16xf32>,
          %add3A_451 = arith.addf %select_n3A_415, %get3A_450 : vector<16xf32>
          %select_n3A_452 = arith.select %ne3A_443, %get3A_450, %add3A_451 : vector<16xi1>, vector<16xf32>
          tpu.vector_store_idx %arg15[%gather3A_405, %add3A_12], %select_n3A_420 masked %ne3A_443 {add = true} : memref<64x64xf32, #tpu.memory_space<vmem>>[vector<16xi32>, vector<16xi32>], vector<16xf32>, vector<16xi1>
          %get3A_453 = arith.index_cast %add3A_447 : i32 to index
          %get3A_454 = arith.constant 16 : index
          %get3A_455 = tpu.vector_load %arg11[%get3A_453, %get3A_454] {strides = array<i32>} : memref<128x64xf32, #tpu.memory_space<vmem>>, vector<16xf32>,
          %add3A_456 = arith.addf %select_n3A_420, %get3A_455 : vector<16xf32>
          %select_n3A_457 = arith.select %ne3A_443, %get3A_455, %add3A_456 : vector<16xi1>, vector<16xf32>
          tpu.vector_store_idx %arg15[%gather3A_405, %add3A_16], %select_n3A_425 masked %ne3A_443 {add = true} : memref<64x64xf32, #tpu.memory_space<vmem>>[vector<16xi32>, vector<16xi32>], vector<16xf32>, vector<16xi1>
          %get3A_458 = arith.index_cast %add3A_447 : i32 to index
          %get3A_459 = arith.constant 32 : index
          %get3A_460 = tpu.vector_load %arg11[%get3A_458, %get3A_459] {strides = array<i32>} : memref<128x64xf32, #tpu.memory_space<vmem>>, vector<16xf32>,
          %add3A_461 = arith.addf %select_n3A_425, %get3A_460 : vector<16xf32>
          %select_n3A_462 = arith.select %ne3A_443, %get3A_460, %add3A_461 : vector<16xi1>, vector<16xf32>
          tpu.vector_store_idx %arg15[%gather3A_405, %add3A_20], %select_n3A_430 masked %ne3A_443 {add = true} : memref<64x64xf32, #tpu.memory_space<vmem>>[vector<16xi32>, vector<16xi32>], vector<16xf32>, vector<16xi1>
          %get3A_463 = arith.index_cast %add3A_447 : i32 to index
          %get3A_464 = arith.constant 48 : index
          %get3A_465 = tpu.vector_load %arg11[%get3A_463, %get3A_464] {strides = array<i32>} : memref<128x64xf32, #tpu.memory_space<vmem>>, vector<16xf32>,
          %add3A_466 = arith.addf %select_n3A_430, %get3A_465 : vector<16xf32>
          %select_n3A_467 = arith.select %ne3A_443, %get3A_465, %add3A_466 : vector<16xi1>, vector<16xf32>
          %broadcast_in_dim3A_468 = arith.constant 9 : i32
          %broadcast_in_dim3A_469 = vector.broadcast %broadcast_in_dim3A_468 : i32 to vector<16xi32>
          %lt3A_470 = arith.constant 0 : i32
          %lt3A_471 = vector.broadcast %lt3A_470 : i32 to vector<16xi32>
          %lt3A_472 = arith.cmpi slt, %broadcast_in_dim3A_469, %lt3A_471 : vector<16xi32>
          %add3A_473 = arith.constant 16 : i32
          %add3A_474 = vector.broadcast %add3A_473 : i32 to vector<16xi32>
          %add3A_475 = arith.addi %broadcast_in_dim3A_469, %add3A_474 : vector<16xi32>
          %select_n3A_476 = arith.select %lt3A_472, %add3A_475, %broadcast_in_dim3A_469 : vector<16xi1>, vector<16xi32>
          %broadcast_in_dim3A_477 = vector.shape_cast %select_n3A_476 : vector<16xi32> to vector<16x1xi32>
          %gather3A_478 = vector.shape_cast %broadcast_in_dim3A_477 : vector<16x1xi32> to vector<16xi32>
          %gather3A_479 = tpu.dynamic_gather %get3A_126[%gather3A_478] in [0] : vector<16xi32>, vector<16xi32> -> vector<16xi32>
          %ne3A_480 = arith.cmpi ne, %gather3A_479, %gather3A_442 : vector<16xi32>
          %mul3A_481 = arith.constant 16 : i32
          %mul3A_482 = arith.muli %scan3A_118, %mul3A_481 : i32
          %add3A_483 = arith.constant 9 : i32
          %add3A_484 = arith.addi %mul3A_482, %add3A_483 : i32
          tpu.vector_store_idx %arg15[%gather3A_442, %add3A_8], %select_n3A_452 masked %ne3A_480 {add = true} : memref<64x64xf32, #tpu.memory_space<vmem>>[vector<16xi32>, vector<16xi32>], vector<16xf32>, vector<16xi1>
          %get3A_485 = arith.index_cast %add3A_484 : i32 to index
          %get3A_486 = arith.constant 0 : index
          %get3A_487 = tpu.vector_load %arg11[%get3A_485, %get3A_486] {strides = array<i32>} : memref<128x64xf32, #tpu.memory_space<vmem>>, vector<16xf32>,
          %add3A_488 = arith.addf %select_n3A_452, %get3A_487 : vector<16xf32>
          %select_n3A_489 = arith.select %ne3A_480, %get3A_487, %add3A_488 : vector<16xi1>, vector<16xf32>
          tpu.vector_store_idx %arg15[%gather3A_442, %add3A_12], %select_n3A_457 masked %ne3A_480 {add = true} : memref<64x64xf32, #tpu.memory_space<vmem>>[vector<16xi32>, vector<16xi32>], vector<16xf32>, vector<16xi1>
          %get3A_490 = arith.index_cast %add3A_484 : i32 to index
          %get3A_491 = arith.constant 16 : index
          %get3A_492 = tpu.vector_load %arg11[%get3A_490, %get3A_491] {strides = array<i32>} : memref<128x64xf32, #tpu.memory_space<vmem>>, vector<16xf32>,
          %add3A_493 = arith.addf %select_n3A_457, %get3A_492 : vector<16xf32>
          %select_n3A_494 = arith.select %ne3A_480, %get3A_492, %add3A_493 : vector<16xi1>, vector<16xf32>
          tpu.vector_store_idx %arg15[%gather3A_442, %add3A_16], %select_n3A_462 masked %ne3A_480 {add = true} : memref<64x64xf32, #tpu.memory_space<vmem>>[vector<16xi32>, vector<16xi32>], vector<16xf32>, vector<16xi1>
          %get3A_495 = arith.index_cast %add3A_484 : i32 to index
          %get3A_496 = arith.constant 32 : index
          %get3A_497 = tpu.vector_load %arg11[%get3A_495, %get3A_496] {strides = array<i32>} : memref<128x64xf32, #tpu.memory_space<vmem>>, vector<16xf32>,
          %add3A_498 = arith.addf %select_n3A_462, %get3A_497 : vector<16xf32>
          %select_n3A_499 = arith.select %ne3A_480, %get3A_497, %add3A_498 : vector<16xi1>, vector<16xf32>
          tpu.vector_store_idx %arg15[%gather3A_442, %add3A_20], %select_n3A_467 masked %ne3A_480 {add = true} : memref<64x64xf32, #tpu.memory_space<vmem>>[vector<16xi32>, vector<16xi32>], vector<16xf32>, vector<16xi1>
          %get3A_500 = arith.index_cast %add3A_484 : i32 to index
          %get3A_501 = arith.constant 48 : index
          %get3A_502 = tpu.vector_load %arg11[%get3A_500, %get3A_501] {strides = array<i32>} : memref<128x64xf32, #tpu.memory_space<vmem>>, vector<16xf32>,
          %add3A_503 = arith.addf %select_n3A_467, %get3A_502 : vector<16xf32>
          %select_n3A_504 = arith.select %ne3A_480, %get3A_502, %add3A_503 : vector<16xi1>, vector<16xf32>
          %broadcast_in_dim3A_505 = arith.constant 10 : i32
          %broadcast_in_dim3A_506 = vector.broadcast %broadcast_in_dim3A_505 : i32 to vector<16xi32>
          %lt3A_507 = arith.constant 0 : i32
          %lt3A_508 = vector.broadcast %lt3A_507 : i32 to vector<16xi32>
          %lt3A_509 = arith.cmpi slt, %broadcast_in_dim3A_506, %lt3A_508 : vector<16xi32>
          %add3A_510 = arith.constant 16 : i32
          %add3A_511 = vector.broadcast %add3A_510 : i32 to vector<16xi32>
          %add3A_512 = arith.addi %broadcast_in_dim3A_506, %add3A_511 : vector<16xi32>
          %select_n3A_513 = arith.select %lt3A_509, %add3A_512, %broadcast_in_dim3A_506 : vector<16xi1>, vector<16xi32>
          %broadcast_in_dim3A_514 = vector.shape_cast %select_n3A_513 : vector<16xi32> to vector<16x1xi32>
          %gather3A_515 = vector.shape_cast %broadcast_in_dim3A_514 : vector<16x1xi32> to vector<16xi32>
          %gather3A_516 = tpu.dynamic_gather %get3A_126[%gather3A_515] in [0] : vector<16xi32>, vector<16xi32> -> vector<16xi32>
          %ne3A_517 = arith.cmpi ne, %gather3A_516, %gather3A_479 : vector<16xi32>
          %mul3A_518 = arith.constant 16 : i32
          %mul3A_519 = arith.muli %scan3A_118, %mul3A_518 : i32
          %add3A_520 = arith.constant 10 : i32
          %add3A_521 = arith.addi %mul3A_519, %add3A_520 : i32
          tpu.vector_store_idx %arg15[%gather3A_479, %add3A_8], %select_n3A_489 masked %ne3A_517 {add = true} : memref<64x64xf32, #tpu.memory_space<vmem>>[vector<16xi32>, vector<16xi32>], vector<16xf32>, vector<16xi1>
          %get3A_522 = arith.index_cast %add3A_521 : i32 to index
          %get3A_523 = arith.constant 0 : index
          %get3A_524 = tpu.vector_load %arg11[%get3A_522, %get3A_523] {strides = array<i32>} : memref<128x64xf32, #tpu.memory_space<vmem>>, vector<16xf32>,
          %add3A_525 = arith.addf %select_n3A_489, %get3A_524 : vector<16xf32>
          %select_n3A_526 = arith.select %ne3A_517, %get3A_524, %add3A_525 : vector<16xi1>, vector<16xf32>
          tpu.vector_store_idx %arg15[%gather3A_479, %add3A_12], %select_n3A_494 masked %ne3A_517 {add = true} : memref<64x64xf32, #tpu.memory_space<vmem>>[vector<16xi32>, vector<16xi32>], vector<16xf32>, vector<16xi1>
          %get3A_527 = arith.index_cast %add3A_521 : i32 to index
          %get3A_528 = arith.constant 16 : index
          %get3A_529 = tpu.vector_load %arg11[%get3A_527, %get3A_528] {strides = array<i32>} : memref<128x64xf32, #tpu.memory_space<vmem>>, vector<16xf32>,
          %add3A_530 = arith.addf %select_n3A_494, %get3A_529 : vector<16xf32>
          %select_n3A_531 = arith.select %ne3A_517, %get3A_529, %add3A_530 : vector<16xi1>, vector<16xf32>
          tpu.vector_store_idx %arg15[%gather3A_479, %add3A_16], %select_n3A_499 masked %ne3A_517 {add = true} : memref<64x64xf32, #tpu.memory_space<vmem>>[vector<16xi32>, vector<16xi32>], vector<16xf32>, vector<16xi1>
          %get3A_532 = arith.index_cast %add3A_521 : i32 to index
          %get3A_533 = arith.constant 32 : index
          %get3A_534 = tpu.vector_load %arg11[%get3A_532, %get3A_533] {strides = array<i32>} : memref<128x64xf32, #tpu.memory_space<vmem>>, vector<16xf32>,
          %add3A_535 = arith.addf %select_n3A_499, %get3A_534 : vector<16xf32>
          %select_n3A_536 = arith.select %ne3A_517, %get3A_534, %add3A_535 : vector<16xi1>, vector<16xf32>
          tpu.vector_store_idx %arg15[%gather3A_479, %add3A_20], %select_n3A_504 masked %ne3A_517 {add = true} : memref<64x64xf32, #tpu.memory_space<vmem>>[vector<16xi32>, vector<16xi32>], vector<16xf32>, vector<16xi1>
          %get3A_537 = arith.index_cast %add3A_521 : i32 to index
          %get3A_538 = arith.constant 48 : index
          %get3A_539 = tpu.vector_load %arg11[%get3A_537, %get3A_538] {strides = array<i32>} : memref<128x64xf32, #tpu.memory_space<vmem>>, vector<16xf32>,
          %add3A_540 = arith.addf %select_n3A_504, %get3A_539 : vector<16xf32>
          %select_n3A_541 = arith.select %ne3A_517, %get3A_539, %add3A_540 : vector<16xi1>, vector<16xf32>
          %broadcast_in_dim3A_542 = arith.constant 11 : i32
          %broadcast_in_dim3A_543 = vector.broadcast %broadcast_in_dim3A_542 : i32 to vector<16xi32>
          %lt3A_544 = arith.constant 0 : i32
          %lt3A_545 = vector.broadcast %lt3A_544 : i32 to vector<16xi32>
          %lt3A_546 = arith.cmpi slt, %broadcast_in_dim3A_543, %lt3A_545 : vector<16xi32>
          %add3A_547 = arith.constant 16 : i32
          %add3A_548 = vector.broadcast %add3A_547 : i32 to vector<16xi32>
          %add3A_549 = arith.addi %broadcast_in_dim3A_543, %add3A_548 : vector<16xi32>
          %select_n3A_550 = arith.select %lt3A_546, %add3A_549, %broadcast_in_dim3A_543 : vector<16xi1>, vector<16xi32>
          %broadcast_in_dim3A_551 = vector.shape_cast %select_n3A_550 : vector<16xi32> to vector<16x1xi32>
          %gather3A_552 = vector.shape_cast %broadcast_in_dim3A_551 : vector<16x1xi32> to vector<16xi32>
          %gather3A_553 = tpu.dynamic_gather %get3A_126[%gather3A_552] in [0] : vector<16xi32>, vector<16xi32> -> vector<16xi32>
          %ne3A_554 = arith.cmpi ne, %gather3A_553, %gather3A_516 : vector<16xi32>
          %mul3A_555 = arith.constant 16 : i32
          %mul3A_556 = arith.muli %scan3A_118, %mul3A_555 : i32
          %add3A_557 = arith.constant 11 : i32
          %add3A_558 = arith.addi %mul3A_556, %add3A_557 : i32
          tpu.vector_store_idx %arg15[%gather3A_516, %add3A_8], %select_n3A_526 masked %ne3A_554 {add = true} : memref<64x64xf32, #tpu.memory_space<vmem>>[vector<16xi32>, vector<16xi32>], vector<16xf32>, vector<16xi1>
          %get3A_559 = arith.index_cast %add3A_558 : i32 to index
          %get3A_560 = arith.constant 0 : index
          %get3A_561 = tpu.vector_load %arg11[%get3A_559, %get3A_560] {strides = array<i32>} : memref<128x64xf32, #tpu.memory_space<vmem>>, vector<16xf32>,
          %add3A_562 = arith.addf %select_n3A_526, %get3A_561 : vector<16xf32>
          %select_n3A_563 = arith.select %ne3A_554, %get3A_561, %add3A_562 : vector<16xi1>, vector<16xf32>
          tpu.vector_store_idx %arg15[%gather3A_516, %add3A_12], %select_n3A_531 masked %ne3A_554 {add = true} : memref<64x64xf32, #tpu.memory_space<vmem>>[vector<16xi32>, vector<16xi32>], vector<16xf32>, vector<16xi1>
          %get3A_564 = arith.index_cast %add3A_558 : i32 to index
          %get3A_565 = arith.constant 16 : index
          %get3A_566 = tpu.vector_load %arg11[%get3A_564, %get3A_565] {strides = array<i32>} : memref<128x64xf32, #tpu.memory_space<vmem>>, vector<16xf32>,
          %add3A_567 = arith.addf %select_n3A_531, %get3A_566 : vector<16xf32>
          %select_n3A_568 = arith.select %ne3A_554, %get3A_566, %add3A_567 : vector<16xi1>, vector<16xf32>
          tpu.vector_store_idx %arg15[%gather3A_516, %add3A_16], %select_n3A_536 masked %ne3A_554 {add = true} : memref<64x64xf32, #tpu.memory_space<vmem>>[vector<16xi32>, vector<16xi32>], vector<16xf32>, vector<16xi1>
          %get3A_569 = arith.index_cast %add3A_558 : i32 to index
          %get3A_570 = arith.constant 32 : index
          %get3A_571 = tpu.vector_load %arg11[%get3A_569, %get3A_570] {strides = array<i32>} : memref<128x64xf32, #tpu.memory_space<vmem>>, vector<16xf32>,
          %add3A_572 = arith.addf %select_n3A_536, %get3A_571 : vector<16xf32>
          %select_n3A_573 = arith.select %ne3A_554, %get3A_571, %add3A_572 : vector<16xi1>, vector<16xf32>
          tpu.vector_store_idx %arg15[%gather3A_516, %add3A_20], %select_n3A_541 masked %ne3A_554 {add = true} : memref<64x64xf32, #tpu.memory_space<vmem>>[vector<16xi32>, vector<16xi32>], vector<16xf32>, vector<16xi1>
          %get3A_574 = arith.index_cast %add3A_558 : i32 to index
          %get3A_575 = arith.constant 48 : index
          %get3A_576 = tpu.vector_load %arg11[%get3A_574, %get3A_575] {strides = array<i32>} : memref<128x64xf32, #tpu.memory_space<vmem>>, vector<16xf32>,
          %add3A_577 = arith.addf %select_n3A_541, %get3A_576 : vector<16xf32>
          %select_n3A_578 = arith.select %ne3A_554, %get3A_576, %add3A_577 : vector<16xi1>, vector<16xf32>
          %broadcast_in_dim3A_579 = arith.constant 12 : i32
          %broadcast_in_dim3A_580 = vector.broadcast %broadcast_in_dim3A_579 : i32 to vector<16xi32>
          %lt3A_581 = arith.constant 0 : i32
          %lt3A_582 = vector.broadcast %lt3A_581 : i32 to vector<16xi32>
          %lt3A_583 = arith.cmpi slt, %broadcast_in_dim3A_580, %lt3A_582 : vector<16xi32>
          %add3A_584 = arith.constant 16 : i32
          %add3A_585 = vector.broadcast %add3A_584 : i32 to vector<16xi32>
          %add3A_586 = arith.addi %broadcast_in_dim3A_580, %add3A_585 : vector<16xi32>
          %select_n3A_587 = arith.select %lt3A_583, %add3A_586, %broadcast_in_dim3A_580 : vector<16xi1>, vector<16xi32>
          %broadcast_in_dim3A_588 = vector.shape_cast %select_n3A_587 : vector<16xi32> to vector<16x1xi32>
          %gather3A_589 = vector.shape_cast %broadcast_in_dim3A_588 : vector<16x1xi32> to vector<16xi32>
          %gather3A_590 = tpu.dynamic_gather %get3A_126[%gather3A_589] in [0] : vector<16xi32>, vector<16xi32> -> vector<16xi32>
          %ne3A_591 = arith.cmpi ne, %gather3A_590, %gather3A_553 : vector<16xi32>
          %mul3A_592 = arith.constant 16 : i32
          %mul3A_593 = arith.muli %scan3A_118, %mul3A_592 : i32
          %add3A_594 = arith.constant 12 : i32
          %add3A_595 = arith.addi %mul3A_593, %add3A_594 : i32
          tpu.vector_store_idx %arg15[%gather3A_553, %add3A_8], %select_n3A_563 masked %ne3A_591 {add = true} : memref<64x64xf32, #tpu.memory_space<vmem>>[vector<16xi32>, vector<16xi32>], vector<16xf32>, vector<16xi1>
          %get3A_596 = arith.index_cast %add3A_595 : i32 to index
          %get3A_597 = arith.constant 0 : index
          %get3A_598 = tpu.vector_load %arg11[%get3A_596, %get3A_597] {strides = array<i32>} : memref<128x64xf32, #tpu.memory_space<vmem>>, vector<16xf32>,
          %add3A_599 = arith.addf %select_n3A_563, %get3A_598 : vector<16xf32>
          %select_n3A_600 = arith.select %ne3A_591, %get3A_598, %add3A_599 : vector<16xi1>, vector<16xf32>
          tpu.vector_store_idx %arg15[%gather3A_553, %add3A_12], %select_n3A_568 masked %ne3A_591 {add = true} : memref<64x64xf32, #tpu.memory_space<vmem>>[vector<16xi32>, vector<16xi32>], vector<16xf32>, vector<16xi1>
          %get3A_601 = arith.index_cast %add3A_595 : i32 to index
          %get3A_602 = arith.constant 16 : index
          %get3A_603 = tpu.vector_load %arg11[%get3A_601, %get3A_602] {strides = array<i32>} : memref<128x64xf32, #tpu.memory_space<vmem>>, vector<16xf32>,
          %add3A_604 = arith.addf %select_n3A_568, %get3A_603 : vector<16xf32>
          %select_n3A_605 = arith.select %ne3A_591, %get3A_603, %add3A_604 : vector<16xi1>, vector<16xf32>
          tpu.vector_store_idx %arg15[%gather3A_553, %add3A_16], %select_n3A_573 masked %ne3A_591 {add = true} : memref<64x64xf32, #tpu.memory_space<vmem>>[vector<16xi32>, vector<16xi32>], vector<16xf32>, vector<16xi1>
          %get3A_606 = arith.index_cast %add3A_595 : i32 to index
          %get3A_607 = arith.constant 32 : index
          %get3A_608 = tpu.vector_load %arg11[%get3A_606, %get3A_607] {strides = array<i32>} : memref<128x64xf32, #tpu.memory_space<vmem>>, vector<16xf32>,
          %add3A_609 = arith.addf %select_n3A_573, %get3A_608 : vector<16xf32>
          %select_n3A_610 = arith.select %ne3A_591, %get3A_608, %add3A_609 : vector<16xi1>, vector<16xf32>
          tpu.vector_store_idx %arg15[%gather3A_553, %add3A_20], %select_n3A_578 masked %ne3A_591 {add = true} : memref<64x64xf32, #tpu.memory_space<vmem>>[vector<16xi32>, vector<16xi32>], vector<16xf32>, vector<16xi1>
          %get3A_611 = arith.index_cast %add3A_595 : i32 to index
          %get3A_612 = arith.constant 48 : index
          %get3A_613 = tpu.vector_load %arg11[%get3A_611, %get3A_612] {strides = array<i32>} : memref<128x64xf32, #tpu.memory_space<vmem>>, vector<16xf32>,
          %add3A_614 = arith.addf %select_n3A_578, %get3A_613 : vector<16xf32>
          %select_n3A_615 = arith.select %ne3A_591, %get3A_613, %add3A_614 : vector<16xi1>, vector<16xf32>
          %broadcast_in_dim3A_616 = arith.constant 13 : i32
          %broadcast_in_dim3A_617 = vector.broadcast %broadcast_in_dim3A_616 : i32 to vector<16xi32>
          %lt3A_618 = arith.constant 0 : i32
          %lt3A_619 = vector.broadcast %lt3A_618 : i32 to vector<16xi32>
          %lt3A_620 = arith.cmpi slt, %broadcast_in_dim3A_617, %lt3A_619 : vector<16xi32>
          %add3A_621 = arith.constant 16 : i32
          %add3A_622 = vector.broadcast %add3A_621 : i32 to vector<16xi32>
          %add3A_623 = arith.addi %broadcast_in_dim3A_617, %add3A_622 : vector<16xi32>
          %select_n3A_624 = arith.select %lt3A_620, %add3A_623, %broadcast_in_dim3A_617 : vector<16xi1>, vector<16xi32>
          %broadcast_in_dim3A_625 = vector.shape_cast %select_n3A_624 : vector<16xi32> to vector<16x1xi32>
          %gather3A_626 = vector.shape_cast %broadcast_in_dim3A_625 : vector<16x1xi32> to vector<16xi32>
          %gather3A_627 = tpu.dynamic_gather %get3A_126[%gather3A_626] in [0] : vector<16xi32>, vector<16xi32> -> vector<16xi32>
          %ne3A_628 = arith.cmpi ne, %gather3A_627, %gather3A_590 : vector<16xi32>
          %mul3A_629 = arith.constant 16 : i32
          %mul3A_630 = arith.muli %scan3A_118, %mul3A_629 : i32
          %add3A_631 = arith.constant 13 : i32
          %add3A_632 = arith.addi %mul3A_630, %add3A_631 : i32
          tpu.vector_store_idx %arg15[%gather3A_590, %add3A_8], %select_n3A_600 masked %ne3A_628 {add = true} : memref<64x64xf32, #tpu.memory_space<vmem>>[vector<16xi32>, vector<16xi32>], vector<16xf32>, vector<16xi1>
          %get3A_633 = arith.index_cast %add3A_632 : i32 to index
          %get3A_634 = arith.constant 0 : index
          %get3A_635 = tpu.vector_load %arg11[%get3A_633, %get3A_634] {strides = array<i32>} : memref<128x64xf32, #tpu.memory_space<vmem>>, vector<16xf32>,
          %add3A_636 = arith.addf %select_n3A_600, %get3A_635 : vector<16xf32>
          %select_n3A_637 = arith.select %ne3A_628, %get3A_635, %add3A_636 : vector<16xi1>, vector<16xf32>
          tpu.vector_store_idx %arg15[%gather3A_590, %add3A_12], %select_n3A_605 masked %ne3A_628 {add = true} : memref<64x64xf32, #tpu.memory_space<vmem>>[vector<16xi32>, vector<16xi32>], vector<16xf32>, vector<16xi1>
          %get3A_638 = arith.index_cast %add3A_632 : i32 to index
          %get3A_639 = arith.constant 16 : index
          %get3A_640 = tpu.vector_load %arg11[%get3A_638, %get3A_639] {strides = array<i32>} : memref<128x64xf32, #tpu.memory_space<vmem>>, vector<16xf32>,
          %add3A_641 = arith.addf %select_n3A_605, %get3A_640 : vector<16xf32>
          %select_n3A_642 = arith.select %ne3A_628, %get3A_640, %add3A_641 : vector<16xi1>, vector<16xf32>
          tpu.vector_store_idx %arg15[%gather3A_590, %add3A_16], %select_n3A_610 masked %ne3A_628 {add = true} : memref<64x64xf32, #tpu.memory_space<vmem>>[vector<16xi32>, vector<16xi32>], vector<16xf32>, vector<16xi1>
          %get3A_643 = arith.index_cast %add3A_632 : i32 to index
          %get3A_644 = arith.constant 32 : index
          %get3A_645 = tpu.vector_load %arg11[%get3A_643, %get3A_644] {strides = array<i32>} : memref<128x64xf32, #tpu.memory_space<vmem>>, vector<16xf32>,
          %add3A_646 = arith.addf %select_n3A_610, %get3A_645 : vector<16xf32>
          %select_n3A_647 = arith.select %ne3A_628, %get3A_645, %add3A_646 : vector<16xi1>, vector<16xf32>
          tpu.vector_store_idx %arg15[%gather3A_590, %add3A_20], %select_n3A_615 masked %ne3A_628 {add = true} : memref<64x64xf32, #tpu.memory_space<vmem>>[vector<16xi32>, vector<16xi32>], vector<16xf32>, vector<16xi1>
          %get3A_648 = arith.index_cast %add3A_632 : i32 to index
          %get3A_649 = arith.constant 48 : index
          %get3A_650 = tpu.vector_load %arg11[%get3A_648, %get3A_649] {strides = array<i32>} : memref<128x64xf32, #tpu.memory_space<vmem>>, vector<16xf32>,
          %add3A_651 = arith.addf %select_n3A_615, %get3A_650 : vector<16xf32>
          %select_n3A_652 = arith.select %ne3A_628, %get3A_650, %add3A_651 : vector<16xi1>, vector<16xf32>
          %broadcast_in_dim3A_653 = arith.constant 14 : i32
          %broadcast_in_dim3A_654 = vector.broadcast %broadcast_in_dim3A_653 : i32 to vector<16xi32>
          %lt3A_655 = arith.constant 0 : i32
          %lt3A_656 = vector.broadcast %lt3A_655 : i32 to vector<16xi32>
          %lt3A_657 = arith.cmpi slt, %broadcast_in_dim3A_654, %lt3A_656 : vector<16xi32>
          %add3A_658 = arith.constant 16 : i32
          %add3A_659 = vector.broadcast %add3A_658 : i32 to vector<16xi32>
          %add3A_660 = arith.addi %broadcast_in_dim3A_654, %add3A_659 : vector<16xi32>
          %select_n3A_661 = arith.select %lt3A_657, %add3A_660, %broadcast_in_dim3A_654 : vector<16xi1>, vector<16xi32>
          %broadcast_in_dim3A_662 = vector.shape_cast %select_n3A_661 : vector<16xi32> to vector<16x1xi32>
          %gather3A_663 = vector.shape_cast %broadcast_in_dim3A_662 : vector<16x1xi32> to vector<16xi32>
          %gather3A_664 = tpu.dynamic_gather %get3A_126[%gather3A_663] in [0] : vector<16xi32>, vector<16xi32> -> vector<16xi32>
          %ne3A_665 = arith.cmpi ne, %gather3A_664, %gather3A_627 : vector<16xi32>
          %mul3A_666 = arith.constant 16 : i32
          %mul3A_667 = arith.muli %scan3A_118, %mul3A_666 : i32
          %add3A_668 = arith.constant 14 : i32
          %add3A_669 = arith.addi %mul3A_667, %add3A_668 : i32
          tpu.vector_store_idx %arg15[%gather3A_627, %add3A_8], %select_n3A_637 masked %ne3A_665 {add = true} : memref<64x64xf32, #tpu.memory_space<vmem>>[vector<16xi32>, vector<16xi32>], vector<16xf32>, vector<16xi1>
          %get3A_670 = arith.index_cast %add3A_669 : i32 to index
          %get3A_671 = arith.constant 0 : index
          %get3A_672 = tpu.vector_load %arg11[%get3A_670, %get3A_671] {strides = array<i32>} : memref<128x64xf32, #tpu.memory_space<vmem>>, vector<16xf32>,
          %add3A_673 = arith.addf %select_n3A_637, %get3A_672 : vector<16xf32>
          %select_n3A_674 = arith.select %ne3A_665, %get3A_672, %add3A_673 : vector<16xi1>, vector<16xf32>
          tpu.vector_store_idx %arg15[%gather3A_627, %add3A_12], %select_n3A_642 masked %ne3A_665 {add = true} : memref<64x64xf32, #tpu.memory_space<vmem>>[vector<16xi32>, vector<16xi32>], vector<16xf32>, vector<16xi1>
          %get3A_675 = arith.index_cast %add3A_669 : i32 to index
          %get3A_676 = arith.constant 16 : index
          %get3A_677 = tpu.vector_load %arg11[%get3A_675, %get3A_676] {strides = array<i32>} : memref<128x64xf32, #tpu.memory_space<vmem>>, vector<16xf32>,
          %add3A_678 = arith.addf %select_n3A_642, %get3A_677 : vector<16xf32>
          %select_n3A_679 = arith.select %ne3A_665, %get3A_677, %add3A_678 : vector<16xi1>, vector<16xf32>
          tpu.vector_store_idx %arg15[%gather3A_627, %add3A_16], %select_n3A_647 masked %ne3A_665 {add = true} : memref<64x64xf32, #tpu.memory_space<vmem>>[vector<16xi32>, vector<16xi32>], vector<16xf32>, vector<16xi1>
          %get3A_680 = arith.index_cast %add3A_669 : i32 to index
          %get3A_681 = arith.constant 32 : index
          %get3A_682 = tpu.vector_load %arg11[%get3A_680, %get3A_681] {strides = array<i32>} : memref<128x64xf32, #tpu.memory_space<vmem>>, vector<16xf32>,
          %add3A_683 = arith.addf %select_n3A_647, %get3A_682 : vector<16xf32>
          %select_n3A_684 = arith.select %ne3A_665, %get3A_682, %add3A_683 : vector<16xi1>, vector<16xf32>
          tpu.vector_store_idx %arg15[%gather3A_627, %add3A_20], %select_n3A_652 masked %ne3A_665 {add = true} : memref<64x64xf32, #tpu.memory_space<vmem>>[vector<16xi32>, vector<16xi32>], vector<16xf32>, vector<16xi1>
          %get3A_685 = arith.index_cast %add3A_669 : i32 to index
          %get3A_686 = arith.constant 48 : index
          %get3A_687 = tpu.vector_load %arg11[%get3A_685, %get3A_686] {strides = array<i32>} : memref<128x64xf32, #tpu.memory_space<vmem>>, vector<16xf32>,
          %add3A_688 = arith.addf %select_n3A_652, %get3A_687 : vector<16xf32>
          %select_n3A_689 = arith.select %ne3A_665, %get3A_687, %add3A_688 : vector<16xi1>, vector<16xf32>
          %broadcast_in_dim3A_690 = arith.constant 15 : i32
          %broadcast_in_dim3A_691 = vector.broadcast %broadcast_in_dim3A_690 : i32 to vector<16xi32>
          %lt3A_692 = arith.constant 0 : i32
          %lt3A_693 = vector.broadcast %lt3A_692 : i32 to vector<16xi32>
          %lt3A_694 = arith.cmpi slt, %broadcast_in_dim3A_691, %lt3A_693 : vector<16xi32>
          %add3A_695 = arith.constant 16 : i32
          %add3A_696 = vector.broadcast %add3A_695 : i32 to vector<16xi32>
          %add3A_697 = arith.addi %broadcast_in_dim3A_691, %add3A_696 : vector<16xi32>
          %select_n3A_698 = arith.select %lt3A_694, %add3A_697, %broadcast_in_dim3A_691 : vector<16xi1>, vector<16xi32>
          %broadcast_in_dim3A_699 = vector.shape_cast %select_n3A_698 : vector<16xi32> to vector<16x1xi32>
          %gather3A_700 = vector.shape_cast %broadcast_in_dim3A_699 : vector<16x1xi32> to vector<16xi32>
          %gather3A_701 = tpu.dynamic_gather %get3A_126[%gather3A_700] in [0] : vector<16xi32>, vector<16xi32> -> vector<16xi32>
          %ne3A_702 = arith.cmpi ne, %gather3A_701, %gather3A_664 : vector<16xi32>
          %mul3A_703 = arith.constant 16 : i32
          %mul3A_704 = arith.muli %scan3A_118, %mul3A_703 : i32
          %add3A_705 = arith.constant 15 : i32
          %add3A_706 = arith.addi %mul3A_704, %add3A_705 : i32
          tpu.vector_store_idx %arg15[%gather3A_664, %add3A_8], %select_n3A_674 masked %ne3A_702 {add = true} : memref<64x64xf32, #tpu.memory_space<vmem>>[vector<16xi32>, vector<16xi32>], vector<16xf32>, vector<16xi1>
          %get3A_707 = arith.index_cast %add3A_706 : i32 to index
          %get3A_708 = arith.constant 0 : index
          %get3A_709 = tpu.vector_load %arg11[%get3A_707, %get3A_708] {strides = array<i32>} : memref<128x64xf32, #tpu.memory_space<vmem>>, vector<16xf32>,
          %add3A_710 = arith.addf %select_n3A_674, %get3A_709 : vector<16xf32>
          %select_n3A_711 = arith.select %ne3A_702, %get3A_709, %add3A_710 : vector<16xi1>, vector<16xf32>
          tpu.vector_store_idx %arg15[%gather3A_664, %add3A_12], %select_n3A_679 masked %ne3A_702 {add = true} : memref<64x64xf32, #tpu.memory_space<vmem>>[vector<16xi32>, vector<16xi32>], vector<16xf32>, vector<16xi1>
          %get3A_712 = arith.index_cast %add3A_706 : i32 to index
          %get3A_713 = arith.constant 16 : index
          %get3A_714 = tpu.vector_load %arg11[%get3A_712, %get3A_713] {strides = array<i32>} : memref<128x64xf32, #tpu.memory_space<vmem>>, vector<16xf32>,
          %add3A_715 = arith.addf %select_n3A_679, %get3A_714 : vector<16xf32>
          %select_n3A_716 = arith.select %ne3A_702, %get3A_714, %add3A_715 : vector<16xi1>, vector<16xf32>
          tpu.vector_store_idx %arg15[%gather3A_664, %add3A_16], %select_n3A_684 masked %ne3A_702 {add = true} : memref<64x64xf32, #tpu.memory_space<vmem>>[vector<16xi32>, vector<16xi32>], vector<16xf32>, vector<16xi1>
          %get3A_717 = arith.index_cast %add3A_706 : i32 to index
          %get3A_718 = arith.constant 32 : index
          %get3A_719 = tpu.vector_load %arg11[%get3A_717, %get3A_718] {strides = array<i32>} : memref<128x64xf32, #tpu.memory_space<vmem>>, vector<16xf32>,
          %add3A_720 = arith.addf %select_n3A_684, %get3A_719 : vector<16xf32>
          %select_n3A_721 = arith.select %ne3A_702, %get3A_719, %add3A_720 : vector<16xi1>, vector<16xf32>
          tpu.vector_store_idx %arg15[%gather3A_664, %add3A_20], %select_n3A_689 masked %ne3A_702 {add = true} : memref<64x64xf32, #tpu.memory_space<vmem>>[vector<16xi32>, vector<16xi32>], vector<16xf32>, vector<16xi1>
          %get3A_722 = arith.index_cast %add3A_706 : i32 to index
          %get3A_723 = arith.constant 48 : index
          %get3A_724 = tpu.vector_load %arg11[%get3A_722, %get3A_723] {strides = array<i32>} : memref<128x64xf32, #tpu.memory_space<vmem>>, vector<16xf32>,
          %add3A_725 = arith.addf %select_n3A_689, %get3A_724 : vector<16xf32>
          %select_n3A_726 = arith.select %ne3A_702, %get3A_724, %add3A_725 : vector<16xi1>, vector<16xf32>
          scf.yield %gather3A_701, %select_n3A_711, %select_n3A_716, %select_n3A_721, %select_n3A_726 : vector<16xi32>, vector<16xf32>, vector<16xf32>, vector<16xf32>, vector<16xf32>
        }
        scf.yield %cond3A_136#0, %cond3A_136#1, %cond3A_136#2, %cond3A_136#3, %cond3A_136#4 : vector<16xi32>, vector<16xf32>, vector<16xf32>, vector<16xf32>, vector<16xf32>
      }
      %scan3A_117 = arith.constant 8 : i32
      tpu.vector_store_idx %arg15[%scan3A_116#0, %add3A_8], %scan3A_116#1 {add = true} : memref<64x64xf32, #tpu.memory_space<vmem>>[vector<16xi32>, vector<16xi32>], vector<16xf32>,
      tpu.vector_store_idx %arg15[%scan3A_116#0, %add3A_12], %scan3A_116#2 {add = true} : memref<64x64xf32, #tpu.memory_space<vmem>>[vector<16xi32>, vector<16xi32>], vector<16xf32>,
      tpu.vector_store_idx %arg15[%scan3A_116#0, %add3A_16], %scan3A_116#3 {add = true} : memref<64x64xf32, #tpu.memory_space<vmem>>[vector<16xi32>, vector<16xi32>], vector<16xf32>,
      tpu.vector_store_idx %arg15[%scan3A_116#0, %add3A_20], %scan3A_116#4 {add = true} : memref<64x64xf32, #tpu.memory_space<vmem>>[vector<16xi32>, vector<16xi32>], vector<16xf32>,
    } else {
    }
    %eq3A_89 = arith.constant 15 : i32
    %eq3A_90 = arith.cmpi eq, %arg1, %eq3A_89 : i32
    %convert_element_type3A_91 = arith.extui %eq3A_90 : i1 to i32
    %cond3A_92 = arith.constant 0 : i32
    %cond3A_93 = arith.cmpi ne, %convert_element_type3A_91, %cond3A_92 : i32
    scf.if %cond3A_93 {
      "tpu.region"() ({
        %run_scoped3A = tpu.sem_alloc : memref<!tpu.dma_semaphore, #tpu.memory_space<semaphore_mem>>
        %dma_start3A_116 = arith.constant 99968 : i32
        %dma_start3A_117 = tpu.memref_slice %arg2[%dma_start3A_116, %mul3A_0] : memref<100000x128xf32, #tpu.memory_space<hbm>> -> memref<32x64xf32, #tpu.memory_space<hbm>>
        %dma_start3A_118 = arith.constant 99968 : i32
        %dma_start3A_119 = tpu.memref_slice %arg2[%dma_start3A_118, %mul3A_0] : memref<100000x128xf32, #tpu.memory_space<hbm>> -> memref<32x64xf32, #tpu.memory_space<hbm>>
        tpu.enqueue_dma source(%dma_start3A_119 : memref<32x64xf32, #tpu.memory_space<hbm>>) target(%arg13 : memref<32x64xf32, #tpu.memory_space<vmem>>) target_semaphore(%run_scoped3A : memref<!tpu.dma_semaphore, #tpu.memory_space<semaphore_mem>>)
        %dma_wait3A_120 = arith.constant 99968 : i32
        %dma_wait3A_121 = tpu.memref_slice %arg2[%dma_wait3A_120, %mul3A_0] : memref<100000x128xf32, #tpu.memory_space<hbm>> -> memref<32x64xf32, #tpu.memory_space<hbm>>
        %dma_wait3A_122 = arith.constant 99968 : i32
        %dma_wait3A_123 = tpu.memref_slice %arg2[%dma_wait3A_122, %mul3A_0] : memref<100000x128xf32, #tpu.memory_space<hbm>> -> memref<32x64xf32, #tpu.memory_space<hbm>>
        tpu.wait_dma2 semaphore(%run_scoped3A : memref<!tpu.dma_semaphore, #tpu.memory_space<semaphore_mem>>) src(%dma_wait3A_123 : memref<32x64xf32, #tpu.memory_space<hbm>>) dst(%arg13 : memref<32x64xf32, #tpu.memory_space<vmem>>)
        tpu.yield
      }) : () -> ()
      "tpu.region"() ({
        %run_scoped3A = tpu.sem_alloc : memref<!tpu.dma_semaphore, #tpu.memory_space<semaphore_mem>>
        %dma_start3A_116 = arith.constant 99968 : i32
        %dma_start3A_117 = tpu.memref_slice %arg3[%dma_start3A_116] : memref<100000xi32, #tpu.memory_space<hbm>> -> memref<32xi32, #tpu.memory_space<hbm>>
        %dma_start3A_118 = arith.constant 99968 : i32
        %dma_start3A_119 = tpu.memref_slice %arg3[%dma_start3A_118] : memref<100000xi32, #tpu.memory_space<hbm>> -> memref<32xi32, #tpu.memory_space<hbm>>
        tpu.enqueue_dma source(%dma_start3A_119 : memref<32xi32, #tpu.memory_space<hbm>>) target(%arg14 : memref<32xi32, #tpu.memory_space<vmem>>) target_semaphore(%run_scoped3A : memref<!tpu.dma_semaphore, #tpu.memory_space<semaphore_mem>>)
        %dma_wait3A_120 = arith.constant 99968 : i32
        %dma_wait3A_121 = tpu.memref_slice %arg3[%dma_wait3A_120] : memref<100000xi32, #tpu.memory_space<hbm>> -> memref<32xi32, #tpu.memory_space<hbm>>
        %dma_wait3A_122 = arith.constant 99968 : i32
        %dma_wait3A_123 = tpu.memref_slice %arg3[%dma_wait3A_122] : memref<100000xi32, #tpu.memory_space<hbm>> -> memref<32xi32, #tpu.memory_space<hbm>>
        tpu.wait_dma2 semaphore(%run_scoped3A : memref<!tpu.dma_semaphore, #tpu.memory_space<semaphore_mem>>) src(%dma_wait3A_123 : memref<32xi32, #tpu.memory_space<hbm>>) dst(%arg14 : memref<32xi32, #tpu.memory_space<vmem>>)
        tpu.yield
      }) : () -> ()
      %broadcast_in_dim3A_106 = arith.constant 0.000000e+00 : f32
      %broadcast_in_dim3A_107 = vector.broadcast %broadcast_in_dim3A_106 : f32 to vector<16xf32>
      %broadcast_in_dim3A_108 = arith.constant 0 : i32
      %broadcast_in_dim3A_109 = vector.broadcast %broadcast_in_dim3A_108 : i32 to vector<16xi32>
      %scan3A_110 = arith.constant 0 : i32
      %scan3A_111 = arith.constant 2 : i32
      %scan3A_112 = arith.addi %scan3A_110, %scan3A_111 : i32
      %scan3A_113 = arith.constant 1 : i32
      %scan3A_114:5 = scf.for %scan3A_116 = %scan3A_110 to %scan3A_112 step %scan3A_113 iter_args(%scan3A_117 = %broadcast_in_dim3A_109, %scan3A_118 = %broadcast_in_dim3A_107, %scan3A_119 = %broadcast_in_dim3A_107, %scan3A_120 = %broadcast_in_dim3A_107, %scan3A_121 = %broadcast_in_dim3A_107) -> (vector<16xi32>, vector<16xf32>, vector<16xf32>, vector<16xf32>, vector<16xf32>)  : i32 {
        %mul3A_122 = arith.constant 16 : i32
        %mul3A_123 = arith.muli %scan3A_116, %mul3A_122 : i32
        %get3A = arith.index_cast %mul3A_123 : i32 to index
        %get3A_124 = tpu.vector_load %arg14[%get3A] {strides = array<i32>} : memref<32xi32, #tpu.memory_space<vmem>>, vector<16xi32>,
        %ne3A = arith.cmpi ne, %get3A_124, %scan3A_117 : vector<16xi32>
        %convert_element_type3A_125 = arith.extui %ne3A : vector<16xi1> to vector<16xi32>
        %reduce_sum3A = arith.constant true
        %reduce_sum3A_126 = vector.broadcast %reduce_sum3A : i1 to vector<16xi1>
        %reduce_sum3A_127 = tpu.scan <sum>, %convert_element_type3A_125 masked %reduce_sum3A_126 : vector<16xi32>, vector<16xi1> -> vector<16xi32>
        %reduce_sum3A_128 = vector.extract %reduce_sum3A_127[15] : i32 from vector<16xi32>
        %eq3A_129 = arith.constant 0 : i32
        %eq3A_130 = arith.cmpi eq, %reduce_sum3A_128, %eq3A_129 : i32
        %convert_element_type3A_131 = arith.extui %eq3A_130 : i1 to i32
        %cond3A_132 = arith.constant 0 : i32
        %cond3A_133 = arith.cmpi ne, %convert_element_type3A_131, %cond3A_132 : i32
        %cond3A_134:5 = scf.if %cond3A_133 -> (vector<16xi32>, vector<16xf32>, vector<16xf32>, vector<16xf32>, vector<16xf32>) {
          %mul3A_135 = arith.constant 16 : i32
          %mul3A_136 = arith.muli %scan3A_116, %mul3A_135 : i32
          %add3A_137 = arith.constant 0 : i32
          %add3A_138 = arith.addi %mul3A_136, %add3A_137 : i32
          %get3A_139 = arith.index_cast %add3A_138 : i32 to index
          %get3A_140 = arith.constant 0 : index
          %get3A_141 = tpu.vector_load %arg13[%get3A_139, %get3A_140] {strides = array<i32>} : memref<32x64xf32, #tpu.memory_space<vmem>>, vector<16xf32>,
          %add3A_142 = arith.constant 1 : i32
          %add3A_143 = arith.addi %mul3A_136, %add3A_142 : i32
          %get3A_144 = arith.index_cast %add3A_143 : i32 to index
          %get3A_145 = arith.constant 0 : index
          %get3A_146 = tpu.vector_load %arg13[%get3A_144, %get3A_145] {strides = array<i32>} : memref<32x64xf32, #tpu.memory_space<vmem>>, vector<16xf32>,
          %add3A_147 = arith.constant 2 : i32
          %add3A_148 = arith.addi %mul3A_136, %add3A_147 : i32
          %get3A_149 = arith.index_cast %add3A_148 : i32 to index
          %get3A_150 = arith.constant 0 : index
          %get3A_151 = tpu.vector_load %arg13[%get3A_149, %get3A_150] {strides = array<i32>} : memref<32x64xf32, #tpu.memory_space<vmem>>, vector<16xf32>,
          %add3A_152 = arith.constant 3 : i32
          %add3A_153 = arith.addi %mul3A_136, %add3A_152 : i32
          %get3A_154 = arith.index_cast %add3A_153 : i32 to index
          %get3A_155 = arith.constant 0 : index
          %get3A_156 = tpu.vector_load %arg13[%get3A_154, %get3A_155] {strides = array<i32>} : memref<32x64xf32, #tpu.memory_space<vmem>>, vector<16xf32>,
          %add3A_157 = arith.constant 4 : i32
          %add3A_158 = arith.addi %mul3A_136, %add3A_157 : i32
          %get3A_159 = arith.index_cast %add3A_158 : i32 to index
          %get3A_160 = arith.constant 0 : index
          %get3A_161 = tpu.vector_load %arg13[%get3A_159, %get3A_160] {strides = array<i32>} : memref<32x64xf32, #tpu.memory_space<vmem>>, vector<16xf32>,
          %add3A_162 = arith.constant 5 : i32
          %add3A_163 = arith.addi %mul3A_136, %add3A_162 : i32
          %get3A_164 = arith.index_cast %add3A_163 : i32 to index
          %get3A_165 = arith.constant 0 : index
          %get3A_166 = tpu.vector_load %arg13[%get3A_164, %get3A_165] {strides = array<i32>} : memref<32x64xf32, #tpu.memory_space<vmem>>, vector<16xf32>,
          %add3A_167 = arith.constant 6 : i32
          %add3A_168 = arith.addi %mul3A_136, %add3A_167 : i32
          %get3A_169 = arith.index_cast %add3A_168 : i32 to index
          %get3A_170 = arith.constant 0 : index
          %get3A_171 = tpu.vector_load %arg13[%get3A_169, %get3A_170] {strides = array<i32>} : memref<32x64xf32, #tpu.memory_space<vmem>>, vector<16xf32>,
          %add3A_172 = arith.constant 7 : i32
          %add3A_173 = arith.addi %mul3A_136, %add3A_172 : i32
          %get3A_174 = arith.index_cast %add3A_173 : i32 to index
          %get3A_175 = arith.constant 0 : index
          %get3A_176 = tpu.vector_load %arg13[%get3A_174, %get3A_175] {strides = array<i32>} : memref<32x64xf32, #tpu.memory_space<vmem>>, vector<16xf32>,
          %add3A_177 = arith.constant 8 : i32
          %add3A_178 = arith.addi %mul3A_136, %add3A_177 : i32
          %get3A_179 = arith.index_cast %add3A_178 : i32 to index
          %get3A_180 = arith.constant 0 : index
          %get3A_181 = tpu.vector_load %arg13[%get3A_179, %get3A_180] {strides = array<i32>} : memref<32x64xf32, #tpu.memory_space<vmem>>, vector<16xf32>,
          %add3A_182 = arith.constant 9 : i32
          %add3A_183 = arith.addi %mul3A_136, %add3A_182 : i32
          %get3A_184 = arith.index_cast %add3A_183 : i32 to index
          %get3A_185 = arith.constant 0 : index
          %get3A_186 = tpu.vector_load %arg13[%get3A_184, %get3A_185] {strides = array<i32>} : memref<32x64xf32, #tpu.memory_space<vmem>>, vector<16xf32>,
          %add3A_187 = arith.constant 10 : i32
          %add3A_188 = arith.addi %mul3A_136, %add3A_187 : i32
          %get3A_189 = arith.index_cast %add3A_188 : i32 to index
          %get3A_190 = arith.constant 0 : index
          %get3A_191 = tpu.vector_load %arg13[%get3A_189, %get3A_190] {strides = array<i32>} : memref<32x64xf32, #tpu.memory_space<vmem>>, vector<16xf32>,
          %add3A_192 = arith.constant 11 : i32
          %add3A_193 = arith.addi %mul3A_136, %add3A_192 : i32
          %get3A_194 = arith.index_cast %add3A_193 : i32 to index
          %get3A_195 = arith.constant 0 : index
          %get3A_196 = tpu.vector_load %arg13[%get3A_194, %get3A_195] {strides = array<i32>} : memref<32x64xf32, #tpu.memory_space<vmem>>, vector<16xf32>,
          %add3A_197 = arith.constant 12 : i32
          %add3A_198 = arith.addi %mul3A_136, %add3A_197 : i32
          %get3A_199 = arith.index_cast %add3A_198 : i32 to index
          %get3A_200 = arith.constant 0 : index
          %get3A_201 = tpu.vector_load %arg13[%get3A_199, %get3A_200] {strides = array<i32>} : memref<32x64xf32, #tpu.memory_space<vmem>>, vector<16xf32>,
          %add3A_202 = arith.constant 13 : i32
          %add3A_203 = arith.addi %mul3A_136, %add3A_202 : i32
          %get3A_204 = arith.index_cast %add3A_203 : i32 to index
          %get3A_205 = arith.constant 0 : index
          %get3A_206 = tpu.vector_load %arg13[%get3A_204, %get3A_205] {strides = array<i32>} : memref<32x64xf32, #tpu.memory_space<vmem>>, vector<16xf32>,
          %add3A_207 = arith.constant 14 : i32
          %add3A_208 = arith.addi %mul3A_136, %add3A_207 : i32
          %get3A_209 = arith.index_cast %add3A_208 : i32 to index
          %get3A_210 = arith.constant 0 : index
          %get3A_211 = tpu.vector_load %arg13[%get3A_209, %get3A_210] {strides = array<i32>} : memref<32x64xf32, #tpu.memory_space<vmem>>, vector<16xf32>,
          %add3A_212 = arith.constant 15 : i32
          %add3A_213 = arith.addi %mul3A_136, %add3A_212 : i32
          %get3A_214 = arith.index_cast %add3A_213 : i32 to index
          %get3A_215 = arith.constant 0 : index
          %get3A_216 = tpu.vector_load %arg13[%get3A_214, %get3A_215] {strides = array<i32>} : memref<32x64xf32, #tpu.memory_space<vmem>>, vector<16xf32>,
          %add3A_217 = arith.addf %get3A_141, %get3A_146 : vector<16xf32>
          %add3A_218 = arith.addf %get3A_151, %get3A_156 : vector<16xf32>
          %add3A_219 = arith.addf %get3A_161, %get3A_166 : vector<16xf32>
          %add3A_220 = arith.addf %get3A_171, %get3A_176 : vector<16xf32>
          %add3A_221 = arith.addf %get3A_181, %get3A_186 : vector<16xf32>
          %add3A_222 = arith.addf %get3A_191, %get3A_196 : vector<16xf32>
          %add3A_223 = arith.addf %get3A_201, %get3A_206 : vector<16xf32>
          %add3A_224 = arith.addf %get3A_211, %get3A_216 : vector<16xf32>
          %add3A_225 = arith.addf %add3A_217, %add3A_218 : vector<16xf32>
          %add3A_226 = arith.addf %add3A_219, %add3A_220 : vector<16xf32>
          %add3A_227 = arith.addf %add3A_221, %add3A_222 : vector<16xf32>
          %add3A_228 = arith.addf %add3A_223, %add3A_224 : vector<16xf32>
          %add3A_229 = arith.addf %add3A_225, %add3A_226 : vector<16xf32>
          %add3A_230 = arith.addf %add3A_227, %add3A_228 : vector<16xf32>
          %add3A_231 = arith.addf %add3A_229, %add3A_230 : vector<16xf32>
          %add3A_232 = arith.addf %scan3A_118, %add3A_231 : vector<16xf32>
          %add3A_233 = arith.constant 0 : i32
          %add3A_234 = arith.addi %mul3A_136, %add3A_233 : i32
          %get3A_235 = arith.index_cast %add3A_234 : i32 to index
          %get3A_236 = arith.constant 16 : index
          %get3A_237 = tpu.vector_load %arg13[%get3A_235, %get3A_236] {strides = array<i32>} : memref<32x64xf32, #tpu.memory_space<vmem>>, vector<16xf32>,
          %add3A_238 = arith.constant 1 : i32
          %add3A_239 = arith.addi %mul3A_136, %add3A_238 : i32
          %get3A_240 = arith.index_cast %add3A_239 : i32 to index
          %get3A_241 = arith.constant 16 : index
          %get3A_242 = tpu.vector_load %arg13[%get3A_240, %get3A_241] {strides = array<i32>} : memref<32x64xf32, #tpu.memory_space<vmem>>, vector<16xf32>,
          %add3A_243 = arith.constant 2 : i32
          %add3A_244 = arith.addi %mul3A_136, %add3A_243 : i32
          %get3A_245 = arith.index_cast %add3A_244 : i32 to index
          %get3A_246 = arith.constant 16 : index
          %get3A_247 = tpu.vector_load %arg13[%get3A_245, %get3A_246] {strides = array<i32>} : memref<32x64xf32, #tpu.memory_space<vmem>>, vector<16xf32>,
          %add3A_248 = arith.constant 3 : i32
          %add3A_249 = arith.addi %mul3A_136, %add3A_248 : i32
          %get3A_250 = arith.index_cast %add3A_249 : i32 to index
          %get3A_251 = arith.constant 16 : index
          %get3A_252 = tpu.vector_load %arg13[%get3A_250, %get3A_251] {strides = array<i32>} : memref<32x64xf32, #tpu.memory_space<vmem>>, vector<16xf32>,
          %add3A_253 = arith.constant 4 : i32
          %add3A_254 = arith.addi %mul3A_136, %add3A_253 : i32
          %get3A_255 = arith.index_cast %add3A_254 : i32 to index
          %get3A_256 = arith.constant 16 : index
          %get3A_257 = tpu.vector_load %arg13[%get3A_255, %get3A_256] {strides = array<i32>} : memref<32x64xf32, #tpu.memory_space<vmem>>, vector<16xf32>,
          %add3A_258 = arith.constant 5 : i32
          %add3A_259 = arith.addi %mul3A_136, %add3A_258 : i32
          %get3A_260 = arith.index_cast %add3A_259 : i32 to index
          %get3A_261 = arith.constant 16 : index
          %get3A_262 = tpu.vector_load %arg13[%get3A_260, %get3A_261] {strides = array<i32>} : memref<32x64xf32, #tpu.memory_space<vmem>>, vector<16xf32>,
          %add3A_263 = arith.constant 6 : i32
          %add3A_264 = arith.addi %mul3A_136, %add3A_263 : i32
          %get3A_265 = arith.index_cast %add3A_264 : i32 to index
          %get3A_266 = arith.constant 16 : index
          %get3A_267 = tpu.vector_load %arg13[%get3A_265, %get3A_266] {strides = array<i32>} : memref<32x64xf32, #tpu.memory_space<vmem>>, vector<16xf32>,
          %add3A_268 = arith.constant 7 : i32
          %add3A_269 = arith.addi %mul3A_136, %add3A_268 : i32
          %get3A_270 = arith.index_cast %add3A_269 : i32 to index
          %get3A_271 = arith.constant 16 : index
          %get3A_272 = tpu.vector_load %arg13[%get3A_270, %get3A_271] {strides = array<i32>} : memref<32x64xf32, #tpu.memory_space<vmem>>, vector<16xf32>,
          %add3A_273 = arith.constant 8 : i32
          %add3A_274 = arith.addi %mul3A_136, %add3A_273 : i32
          %get3A_275 = arith.index_cast %add3A_274 : i32 to index
          %get3A_276 = arith.constant 16 : index
          %get3A_277 = tpu.vector_load %arg13[%get3A_275, %get3A_276] {strides = array<i32>} : memref<32x64xf32, #tpu.memory_space<vmem>>, vector<16xf32>,
          %add3A_278 = arith.constant 9 : i32
          %add3A_279 = arith.addi %mul3A_136, %add3A_278 : i32
          %get3A_280 = arith.index_cast %add3A_279 : i32 to index
          %get3A_281 = arith.constant 16 : index
          %get3A_282 = tpu.vector_load %arg13[%get3A_280, %get3A_281] {strides = array<i32>} : memref<32x64xf32, #tpu.memory_space<vmem>>, vector<16xf32>,
          %add3A_283 = arith.constant 10 : i32
          %add3A_284 = arith.addi %mul3A_136, %add3A_283 : i32
          %get3A_285 = arith.index_cast %add3A_284 : i32 to index
          %get3A_286 = arith.constant 16 : index
          %get3A_287 = tpu.vector_load %arg13[%get3A_285, %get3A_286] {strides = array<i32>} : memref<32x64xf32, #tpu.memory_space<vmem>>, vector<16xf32>,
          %add3A_288 = arith.constant 11 : i32
          %add3A_289 = arith.addi %mul3A_136, %add3A_288 : i32
          %get3A_290 = arith.index_cast %add3A_289 : i32 to index
          %get3A_291 = arith.constant 16 : index
          %get3A_292 = tpu.vector_load %arg13[%get3A_290, %get3A_291] {strides = array<i32>} : memref<32x64xf32, #tpu.memory_space<vmem>>, vector<16xf32>,
          %add3A_293 = arith.constant 12 : i32
          %add3A_294 = arith.addi %mul3A_136, %add3A_293 : i32
          %get3A_295 = arith.index_cast %add3A_294 : i32 to index
          %get3A_296 = arith.constant 16 : index
          %get3A_297 = tpu.vector_load %arg13[%get3A_295, %get3A_296] {strides = array<i32>} : memref<32x64xf32, #tpu.memory_space<vmem>>, vector<16xf32>,
          %add3A_298 = arith.constant 13 : i32
          %add3A_299 = arith.addi %mul3A_136, %add3A_298 : i32
          %get3A_300 = arith.index_cast %add3A_299 : i32 to index
          %get3A_301 = arith.constant 16 : index
          %get3A_302 = tpu.vector_load %arg13[%get3A_300, %get3A_301] {strides = array<i32>} : memref<32x64xf32, #tpu.memory_space<vmem>>, vector<16xf32>,
          %add3A_303 = arith.constant 14 : i32
          %add3A_304 = arith.addi %mul3A_136, %add3A_303 : i32
          %get3A_305 = arith.index_cast %add3A_304 : i32 to index
          %get3A_306 = arith.constant 16 : index
          %get3A_307 = tpu.vector_load %arg13[%get3A_305, %get3A_306] {strides = array<i32>} : memref<32x64xf32, #tpu.memory_space<vmem>>, vector<16xf32>,
          %add3A_308 = arith.constant 15 : i32
          %add3A_309 = arith.addi %mul3A_136, %add3A_308 : i32
          %get3A_310 = arith.index_cast %add3A_309 : i32 to index
          %get3A_311 = arith.constant 16 : index
          %get3A_312 = tpu.vector_load %arg13[%get3A_310, %get3A_311] {strides = array<i32>} : memref<32x64xf32, #tpu.memory_space<vmem>>, vector<16xf32>,
          %add3A_313 = arith.addf %get3A_237, %get3A_242 : vector<16xf32>
          %add3A_314 = arith.addf %get3A_247, %get3A_252 : vector<16xf32>
          %add3A_315 = arith.addf %get3A_257, %get3A_262 : vector<16xf32>
          %add3A_316 = arith.addf %get3A_267, %get3A_272 : vector<16xf32>
          %add3A_317 = arith.addf %get3A_277, %get3A_282 : vector<16xf32>
          %add3A_318 = arith.addf %get3A_287, %get3A_292 : vector<16xf32>
          %add3A_319 = arith.addf %get3A_297, %get3A_302 : vector<16xf32>
          %add3A_320 = arith.addf %get3A_307, %get3A_312 : vector<16xf32>
          %add3A_321 = arith.addf %add3A_313, %add3A_314 : vector<16xf32>
          %add3A_322 = arith.addf %add3A_315, %add3A_316 : vector<16xf32>
          %add3A_323 = arith.addf %add3A_317, %add3A_318 : vector<16xf32>
          %add3A_324 = arith.addf %add3A_319, %add3A_320 : vector<16xf32>
          %add3A_325 = arith.addf %add3A_321, %add3A_322 : vector<16xf32>
          %add3A_326 = arith.addf %add3A_323, %add3A_324 : vector<16xf32>
          %add3A_327 = arith.addf %add3A_325, %add3A_326 : vector<16xf32>
          %add3A_328 = arith.addf %scan3A_119, %add3A_327 : vector<16xf32>
          %add3A_329 = arith.constant 0 : i32
          %add3A_330 = arith.addi %mul3A_136, %add3A_329 : i32
          %get3A_331 = arith.index_cast %add3A_330 : i32 to index
          %get3A_332 = arith.constant 32 : index
          %get3A_333 = tpu.vector_load %arg13[%get3A_331, %get3A_332] {strides = array<i32>} : memref<32x64xf32, #tpu.memory_space<vmem>>, vector<16xf32>,
          %add3A_334 = arith.constant 1 : i32
          %add3A_335 = arith.addi %mul3A_136, %add3A_334 : i32
          %get3A_336 = arith.index_cast %add3A_335 : i32 to index
          %get3A_337 = arith.constant 32 : index
          %get3A_338 = tpu.vector_load %arg13[%get3A_336, %get3A_337] {strides = array<i32>} : memref<32x64xf32, #tpu.memory_space<vmem>>, vector<16xf32>,
          %add3A_339 = arith.constant 2 : i32
          %add3A_340 = arith.addi %mul3A_136, %add3A_339 : i32
          %get3A_341 = arith.index_cast %add3A_340 : i32 to index
          %get3A_342 = arith.constant 32 : index
          %get3A_343 = tpu.vector_load %arg13[%get3A_341, %get3A_342] {strides = array<i32>} : memref<32x64xf32, #tpu.memory_space<vmem>>, vector<16xf32>,
          %add3A_344 = arith.constant 3 : i32
          %add3A_345 = arith.addi %mul3A_136, %add3A_344 : i32
          %get3A_346 = arith.index_cast %add3A_345 : i32 to index
          %get3A_347 = arith.constant 32 : index
          %get3A_348 = tpu.vector_load %arg13[%get3A_346, %get3A_347] {strides = array<i32>} : memref<32x64xf32, #tpu.memory_space<vmem>>, vector<16xf32>,
          %add3A_349 = arith.constant 4 : i32
          %add3A_350 = arith.addi %mul3A_136, %add3A_349 : i32
          %get3A_351 = arith.index_cast %add3A_350 : i32 to index
          %get3A_352 = arith.constant 32 : index
          %get3A_353 = tpu.vector_load %arg13[%get3A_351, %get3A_352] {strides = array<i32>} : memref<32x64xf32, #tpu.memory_space<vmem>>, vector<16xf32>,
          %add3A_354 = arith.constant 5 : i32
          %add3A_355 = arith.addi %mul3A_136, %add3A_354 : i32
          %get3A_356 = arith.index_cast %add3A_355 : i32 to index
          %get3A_357 = arith.constant 32 : index
          %get3A_358 = tpu.vector_load %arg13[%get3A_356, %get3A_357] {strides = array<i32>} : memref<32x64xf32, #tpu.memory_space<vmem>>, vector<16xf32>,
          %add3A_359 = arith.constant 6 : i32
          %add3A_360 = arith.addi %mul3A_136, %add3A_359 : i32
          %get3A_361 = arith.index_cast %add3A_360 : i32 to index
          %get3A_362 = arith.constant 32 : index
          %get3A_363 = tpu.vector_load %arg13[%get3A_361, %get3A_362] {strides = array<i32>} : memref<32x64xf32, #tpu.memory_space<vmem>>, vector<16xf32>,
          %add3A_364 = arith.constant 7 : i32
          %add3A_365 = arith.addi %mul3A_136, %add3A_364 : i32
          %get3A_366 = arith.index_cast %add3A_365 : i32 to index
          %get3A_367 = arith.constant 32 : index
          %get3A_368 = tpu.vector_load %arg13[%get3A_366, %get3A_367] {strides = array<i32>} : memref<32x64xf32, #tpu.memory_space<vmem>>, vector<16xf32>,
          %add3A_369 = arith.constant 8 : i32
          %add3A_370 = arith.addi %mul3A_136, %add3A_369 : i32
          %get3A_371 = arith.index_cast %add3A_370 : i32 to index
          %get3A_372 = arith.constant 32 : index
          %get3A_373 = tpu.vector_load %arg13[%get3A_371, %get3A_372] {strides = array<i32>} : memref<32x64xf32, #tpu.memory_space<vmem>>, vector<16xf32>,
          %add3A_374 = arith.constant 9 : i32
          %add3A_375 = arith.addi %mul3A_136, %add3A_374 : i32
          %get3A_376 = arith.index_cast %add3A_375 : i32 to index
          %get3A_377 = arith.constant 32 : index
          %get3A_378 = tpu.vector_load %arg13[%get3A_376, %get3A_377] {strides = array<i32>} : memref<32x64xf32, #tpu.memory_space<vmem>>, vector<16xf32>,
          %add3A_379 = arith.constant 10 : i32
          %add3A_380 = arith.addi %mul3A_136, %add3A_379 : i32
          %get3A_381 = arith.index_cast %add3A_380 : i32 to index
          %get3A_382 = arith.constant 32 : index
          %get3A_383 = tpu.vector_load %arg13[%get3A_381, %get3A_382] {strides = array<i32>} : memref<32x64xf32, #tpu.memory_space<vmem>>, vector<16xf32>,
          %add3A_384 = arith.constant 11 : i32
          %add3A_385 = arith.addi %mul3A_136, %add3A_384 : i32
          %get3A_386 = arith.index_cast %add3A_385 : i32 to index
          %get3A_387 = arith.constant 32 : index
          %get3A_388 = tpu.vector_load %arg13[%get3A_386, %get3A_387] {strides = array<i32>} : memref<32x64xf32, #tpu.memory_space<vmem>>, vector<16xf32>,
          %add3A_389 = arith.constant 12 : i32
          %add3A_390 = arith.addi %mul3A_136, %add3A_389 : i32
          %get3A_391 = arith.index_cast %add3A_390 : i32 to index
          %get3A_392 = arith.constant 32 : index
          %get3A_393 = tpu.vector_load %arg13[%get3A_391, %get3A_392] {strides = array<i32>} : memref<32x64xf32, #tpu.memory_space<vmem>>, vector<16xf32>,
          %add3A_394 = arith.constant 13 : i32
          %add3A_395 = arith.addi %mul3A_136, %add3A_394 : i32
          %get3A_396 = arith.index_cast %add3A_395 : i32 to index
          %get3A_397 = arith.constant 32 : index
          %get3A_398 = tpu.vector_load %arg13[%get3A_396, %get3A_397] {strides = array<i32>} : memref<32x64xf32, #tpu.memory_space<vmem>>, vector<16xf32>,
          %add3A_399 = arith.constant 14 : i32
          %add3A_400 = arith.addi %mul3A_136, %add3A_399 : i32
          %get3A_401 = arith.index_cast %add3A_400 : i32 to index
          %get3A_402 = arith.constant 32 : index
          %get3A_403 = tpu.vector_load %arg13[%get3A_401, %get3A_402] {strides = array<i32>} : memref<32x64xf32, #tpu.memory_space<vmem>>, vector<16xf32>,
          %add3A_404 = arith.constant 15 : i32
          %add3A_405 = arith.addi %mul3A_136, %add3A_404 : i32
          %get3A_406 = arith.index_cast %add3A_405 : i32 to index
          %get3A_407 = arith.constant 32 : index
          %get3A_408 = tpu.vector_load %arg13[%get3A_406, %get3A_407] {strides = array<i32>} : memref<32x64xf32, #tpu.memory_space<vmem>>, vector<16xf32>,
          %add3A_409 = arith.addf %get3A_333, %get3A_338 : vector<16xf32>
          %add3A_410 = arith.addf %get3A_343, %get3A_348 : vector<16xf32>
          %add3A_411 = arith.addf %get3A_353, %get3A_358 : vector<16xf32>
          %add3A_412 = arith.addf %get3A_363, %get3A_368 : vector<16xf32>
          %add3A_413 = arith.addf %get3A_373, %get3A_378 : vector<16xf32>
          %add3A_414 = arith.addf %get3A_383, %get3A_388 : vector<16xf32>
          %add3A_415 = arith.addf %get3A_393, %get3A_398 : vector<16xf32>
          %add3A_416 = arith.addf %get3A_403, %get3A_408 : vector<16xf32>
          %add3A_417 = arith.addf %add3A_409, %add3A_410 : vector<16xf32>
          %add3A_418 = arith.addf %add3A_411, %add3A_412 : vector<16xf32>
          %add3A_419 = arith.addf %add3A_413, %add3A_414 : vector<16xf32>
          %add3A_420 = arith.addf %add3A_415, %add3A_416 : vector<16xf32>
          %add3A_421 = arith.addf %add3A_417, %add3A_418 : vector<16xf32>
          %add3A_422 = arith.addf %add3A_419, %add3A_420 : vector<16xf32>
          %add3A_423 = arith.addf %add3A_421, %add3A_422 : vector<16xf32>
          %add3A_424 = arith.addf %scan3A_120, %add3A_423 : vector<16xf32>
          %add3A_425 = arith.constant 0 : i32
          %add3A_426 = arith.addi %mul3A_136, %add3A_425 : i32
          %get3A_427 = arith.index_cast %add3A_426 : i32 to index
          %get3A_428 = arith.constant 48 : index
          %get3A_429 = tpu.vector_load %arg13[%get3A_427, %get3A_428] {strides = array<i32>} : memref<32x64xf32, #tpu.memory_space<vmem>>, vector<16xf32>,
          %add3A_430 = arith.constant 1 : i32
          %add3A_431 = arith.addi %mul3A_136, %add3A_430 : i32
          %get3A_432 = arith.index_cast %add3A_431 : i32 to index
          %get3A_433 = arith.constant 48 : index
          %get3A_434 = tpu.vector_load %arg13[%get3A_432, %get3A_433] {strides = array<i32>} : memref<32x64xf32, #tpu.memory_space<vmem>>, vector<16xf32>,
          %add3A_435 = arith.constant 2 : i32
          %add3A_436 = arith.addi %mul3A_136, %add3A_435 : i32
          %get3A_437 = arith.index_cast %add3A_436 : i32 to index
          %get3A_438 = arith.constant 48 : index
          %get3A_439 = tpu.vector_load %arg13[%get3A_437, %get3A_438] {strides = array<i32>} : memref<32x64xf32, #tpu.memory_space<vmem>>, vector<16xf32>,
          %add3A_440 = arith.constant 3 : i32
          %add3A_441 = arith.addi %mul3A_136, %add3A_440 : i32
          %get3A_442 = arith.index_cast %add3A_441 : i32 to index
          %get3A_443 = arith.constant 48 : index
          %get3A_444 = tpu.vector_load %arg13[%get3A_442, %get3A_443] {strides = array<i32>} : memref<32x64xf32, #tpu.memory_space<vmem>>, vector<16xf32>,
          %add3A_445 = arith.constant 4 : i32
          %add3A_446 = arith.addi %mul3A_136, %add3A_445 : i32
          %get3A_447 = arith.index_cast %add3A_446 : i32 to index
          %get3A_448 = arith.constant 48 : index
          %get3A_449 = tpu.vector_load %arg13[%get3A_447, %get3A_448] {strides = array<i32>} : memref<32x64xf32, #tpu.memory_space<vmem>>, vector<16xf32>,
          %add3A_450 = arith.constant 5 : i32
          %add3A_451 = arith.addi %mul3A_136, %add3A_450 : i32
          %get3A_452 = arith.index_cast %add3A_451 : i32 to index
          %get3A_453 = arith.constant 48 : index
          %get3A_454 = tpu.vector_load %arg13[%get3A_452, %get3A_453] {strides = array<i32>} : memref<32x64xf32, #tpu.memory_space<vmem>>, vector<16xf32>,
          %add3A_455 = arith.constant 6 : i32
          %add3A_456 = arith.addi %mul3A_136, %add3A_455 : i32
          %get3A_457 = arith.index_cast %add3A_456 : i32 to index
          %get3A_458 = arith.constant 48 : index
          %get3A_459 = tpu.vector_load %arg13[%get3A_457, %get3A_458] {strides = array<i32>} : memref<32x64xf32, #tpu.memory_space<vmem>>, vector<16xf32>,
          %add3A_460 = arith.constant 7 : i32
          %add3A_461 = arith.addi %mul3A_136, %add3A_460 : i32
          %get3A_462 = arith.index_cast %add3A_461 : i32 to index
          %get3A_463 = arith.constant 48 : index
          %get3A_464 = tpu.vector_load %arg13[%get3A_462, %get3A_463] {strides = array<i32>} : memref<32x64xf32, #tpu.memory_space<vmem>>, vector<16xf32>,
          %add3A_465 = arith.constant 8 : i32
          %add3A_466 = arith.addi %mul3A_136, %add3A_465 : i32
          %get3A_467 = arith.index_cast %add3A_466 : i32 to index
          %get3A_468 = arith.constant 48 : index
          %get3A_469 = tpu.vector_load %arg13[%get3A_467, %get3A_468] {strides = array<i32>} : memref<32x64xf32, #tpu.memory_space<vmem>>, vector<16xf32>,
          %add3A_470 = arith.constant 9 : i32
          %add3A_471 = arith.addi %mul3A_136, %add3A_470 : i32
          %get3A_472 = arith.index_cast %add3A_471 : i32 to index
          %get3A_473 = arith.constant 48 : index
          %get3A_474 = tpu.vector_load %arg13[%get3A_472, %get3A_473] {strides = array<i32>} : memref<32x64xf32, #tpu.memory_space<vmem>>, vector<16xf32>,
          %add3A_475 = arith.constant 10 : i32
          %add3A_476 = arith.addi %mul3A_136, %add3A_475 : i32
          %get3A_477 = arith.index_cast %add3A_476 : i32 to index
          %get3A_478 = arith.constant 48 : index
          %get3A_479 = tpu.vector_load %arg13[%get3A_477, %get3A_478] {strides = array<i32>} : memref<32x64xf32, #tpu.memory_space<vmem>>, vector<16xf32>,
          %add3A_480 = arith.constant 11 : i32
          %add3A_481 = arith.addi %mul3A_136, %add3A_480 : i32
          %get3A_482 = arith.index_cast %add3A_481 : i32 to index
          %get3A_483 = arith.constant 48 : index
          %get3A_484 = tpu.vector_load %arg13[%get3A_482, %get3A_483] {strides = array<i32>} : memref<32x64xf32, #tpu.memory_space<vmem>>, vector<16xf32>,
          %add3A_485 = arith.constant 12 : i32
          %add3A_486 = arith.addi %mul3A_136, %add3A_485 : i32
          %get3A_487 = arith.index_cast %add3A_486 : i32 to index
          %get3A_488 = arith.constant 48 : index
          %get3A_489 = tpu.vector_load %arg13[%get3A_487, %get3A_488] {strides = array<i32>} : memref<32x64xf32, #tpu.memory_space<vmem>>, vector<16xf32>,
          %add3A_490 = arith.constant 13 : i32
          %add3A_491 = arith.addi %mul3A_136, %add3A_490 : i32
          %get3A_492 = arith.index_cast %add3A_491 : i32 to index
          %get3A_493 = arith.constant 48 : index
          %get3A_494 = tpu.vector_load %arg13[%get3A_492, %get3A_493] {strides = array<i32>} : memref<32x64xf32, #tpu.memory_space<vmem>>, vector<16xf32>,
          %add3A_495 = arith.constant 14 : i32
          %add3A_496 = arith.addi %mul3A_136, %add3A_495 : i32
          %get3A_497 = arith.index_cast %add3A_496 : i32 to index
          %get3A_498 = arith.constant 48 : index
          %get3A_499 = tpu.vector_load %arg13[%get3A_497, %get3A_498] {strides = array<i32>} : memref<32x64xf32, #tpu.memory_space<vmem>>, vector<16xf32>,
          %add3A_500 = arith.constant 15 : i32
          %add3A_501 = arith.addi %mul3A_136, %add3A_500 : i32
          %get3A_502 = arith.index_cast %add3A_501 : i32 to index
          %get3A_503 = arith.constant 48 : index
          %get3A_504 = tpu.vector_load %arg13[%get3A_502, %get3A_503] {strides = array<i32>} : memref<32x64xf32, #tpu.memory_space<vmem>>, vector<16xf32>,
          %add3A_505 = arith.addf %get3A_429, %get3A_434 : vector<16xf32>
          %add3A_506 = arith.addf %get3A_439, %get3A_444 : vector<16xf32>
          %add3A_507 = arith.addf %get3A_449, %get3A_454 : vector<16xf32>
          %add3A_508 = arith.addf %get3A_459, %get3A_464 : vector<16xf32>
          %add3A_509 = arith.addf %get3A_469, %get3A_474 : vector<16xf32>
          %add3A_510 = arith.addf %get3A_479, %get3A_484 : vector<16xf32>
          %add3A_511 = arith.addf %get3A_489, %get3A_494 : vector<16xf32>
          %add3A_512 = arith.addf %get3A_499, %get3A_504 : vector<16xf32>
          %add3A_513 = arith.addf %add3A_505, %add3A_506 : vector<16xf32>
          %add3A_514 = arith.addf %add3A_507, %add3A_508 : vector<16xf32>
          %add3A_515 = arith.addf %add3A_509, %add3A_510 : vector<16xf32>
          %add3A_516 = arith.addf %add3A_511, %add3A_512 : vector<16xf32>
          %add3A_517 = arith.addf %add3A_513, %add3A_514 : vector<16xf32>
          %add3A_518 = arith.addf %add3A_515, %add3A_516 : vector<16xf32>
          %add3A_519 = arith.addf %add3A_517, %add3A_518 : vector<16xf32>
          %add3A_520 = arith.addf %scan3A_121, %add3A_519 : vector<16xf32>
          scf.yield %scan3A_117, %add3A_232, %add3A_328, %add3A_424, %add3A_520 : vector<16xi32>, vector<16xf32>, vector<16xf32>, vector<16xf32>, vector<16xf32>
        } else {
          %broadcast_in_dim3A_135 = arith.constant 0 : i32
          %broadcast_in_dim3A_136 = vector.broadcast %broadcast_in_dim3A_135 : i32 to vector<16xi32>
          %lt3A_137 = arith.constant 0 : i32
          %lt3A_138 = vector.broadcast %lt3A_137 : i32 to vector<16xi32>
          %lt3A_139 = arith.cmpi slt, %broadcast_in_dim3A_136, %lt3A_138 : vector<16xi32>
          %add3A_140 = arith.constant 16 : i32
          %add3A_141 = vector.broadcast %add3A_140 : i32 to vector<16xi32>
          %add3A_142 = arith.addi %broadcast_in_dim3A_136, %add3A_141 : vector<16xi32>
          %select_n3A = arith.select %lt3A_139, %add3A_142, %broadcast_in_dim3A_136 : vector<16xi1>, vector<16xi32>
          %broadcast_in_dim3A_143 = vector.shape_cast %select_n3A : vector<16xi32> to vector<16x1xi32>
          %gather3A = vector.shape_cast %broadcast_in_dim3A_143 : vector<16x1xi32> to vector<16xi32>
          %gather3A_144 = tpu.dynamic_gather %get3A_124[%gather3A] in [0] : vector<16xi32>, vector<16xi32> -> vector<16xi32>
          %ne3A_145 = arith.cmpi ne, %gather3A_144, %scan3A_117 : vector<16xi32>
          %mul3A_146 = arith.constant 16 : i32
          %mul3A_147 = arith.muli %scan3A_116, %mul3A_146 : i32
          %add3A_148 = arith.constant 0 : i32
          %add3A_149 = arith.addi %mul3A_147, %add3A_148 : i32
          tpu.vector_store_idx %arg15[%scan3A_117, %add3A_8], %scan3A_118 masked %ne3A_145 {add = true} : memref<64x64xf32, #tpu.memory_space<vmem>>[vector<16xi32>, vector<16xi32>], vector<16xf32>, vector<16xi1>
          %get3A_150 = arith.index_cast %add3A_149 : i32 to index
          %get3A_151 = arith.constant 0 : index
          %get3A_152 = tpu.vector_load %arg13[%get3A_150, %get3A_151] {strides = array<i32>} : memref<32x64xf32, #tpu.memory_space<vmem>>, vector<16xf32>,
          %add3A_153 = arith.addf %scan3A_118, %get3A_152 : vector<16xf32>
          %select_n3A_154 = arith.select %ne3A_145, %get3A_152, %add3A_153 : vector<16xi1>, vector<16xf32>
          tpu.vector_store_idx %arg15[%scan3A_117, %add3A_12], %scan3A_119 masked %ne3A_145 {add = true} : memref<64x64xf32, #tpu.memory_space<vmem>>[vector<16xi32>, vector<16xi32>], vector<16xf32>, vector<16xi1>
          %get3A_155 = arith.index_cast %add3A_149 : i32 to index
          %get3A_156 = arith.constant 16 : index
          %get3A_157 = tpu.vector_load %arg13[%get3A_155, %get3A_156] {strides = array<i32>} : memref<32x64xf32, #tpu.memory_space<vmem>>, vector<16xf32>,
          %add3A_158 = arith.addf %scan3A_119, %get3A_157 : vector<16xf32>
          %select_n3A_159 = arith.select %ne3A_145, %get3A_157, %add3A_158 : vector<16xi1>, vector<16xf32>
          tpu.vector_store_idx %arg15[%scan3A_117, %add3A_16], %scan3A_120 masked %ne3A_145 {add = true} : memref<64x64xf32, #tpu.memory_space<vmem>>[vector<16xi32>, vector<16xi32>], vector<16xf32>, vector<16xi1>
          %get3A_160 = arith.index_cast %add3A_149 : i32 to index
          %get3A_161 = arith.constant 32 : index
          %get3A_162 = tpu.vector_load %arg13[%get3A_160, %get3A_161] {strides = array<i32>} : memref<32x64xf32, #tpu.memory_space<vmem>>, vector<16xf32>,
          %add3A_163 = arith.addf %scan3A_120, %get3A_162 : vector<16xf32>
          %select_n3A_164 = arith.select %ne3A_145, %get3A_162, %add3A_163 : vector<16xi1>, vector<16xf32>
          tpu.vector_store_idx %arg15[%scan3A_117, %add3A_20], %scan3A_121 masked %ne3A_145 {add = true} : memref<64x64xf32, #tpu.memory_space<vmem>>[vector<16xi32>, vector<16xi32>], vector<16xf32>, vector<16xi1>
          %get3A_165 = arith.index_cast %add3A_149 : i32 to index
          %get3A_166 = arith.constant 48 : index
          %get3A_167 = tpu.vector_load %arg13[%get3A_165, %get3A_166] {strides = array<i32>} : memref<32x64xf32, #tpu.memory_space<vmem>>, vector<16xf32>,
          %add3A_168 = arith.addf %scan3A_121, %get3A_167 : vector<16xf32>
          %select_n3A_169 = arith.select %ne3A_145, %get3A_167, %add3A_168 : vector<16xi1>, vector<16xf32>
          %broadcast_in_dim3A_170 = arith.constant 1 : i32
          %broadcast_in_dim3A_171 = vector.broadcast %broadcast_in_dim3A_170 : i32 to vector<16xi32>
          %lt3A_172 = arith.constant 0 : i32
          %lt3A_173 = vector.broadcast %lt3A_172 : i32 to vector<16xi32>
          %lt3A_174 = arith.cmpi slt, %broadcast_in_dim3A_171, %lt3A_173 : vector<16xi32>
          %add3A_175 = arith.constant 16 : i32
          %add3A_176 = vector.broadcast %add3A_175 : i32 to vector<16xi32>
          %add3A_177 = arith.addi %broadcast_in_dim3A_171, %add3A_176 : vector<16xi32>
          %select_n3A_178 = arith.select %lt3A_174, %add3A_177, %broadcast_in_dim3A_171 : vector<16xi1>, vector<16xi32>
          %broadcast_in_dim3A_179 = vector.shape_cast %select_n3A_178 : vector<16xi32> to vector<16x1xi32>
          %gather3A_180 = vector.shape_cast %broadcast_in_dim3A_179 : vector<16x1xi32> to vector<16xi32>
          %gather3A_181 = tpu.dynamic_gather %get3A_124[%gather3A_180] in [0] : vector<16xi32>, vector<16xi32> -> vector<16xi32>
          %ne3A_182 = arith.cmpi ne, %gather3A_181, %gather3A_144 : vector<16xi32>
          %mul3A_183 = arith.constant 16 : i32
          %mul3A_184 = arith.muli %scan3A_116, %mul3A_183 : i32
          %add3A_185 = arith.constant 1 : i32
          %add3A_186 = arith.addi %mul3A_184, %add3A_185 : i32
          tpu.vector_store_idx %arg15[%gather3A_144, %add3A_8], %select_n3A_154 masked %ne3A_182 {add = true} : memref<64x64xf32, #tpu.memory_space<vmem>>[vector<16xi32>, vector<16xi32>], vector<16xf32>, vector<16xi1>
          %get3A_187 = arith.index_cast %add3A_186 : i32 to index
          %get3A_188 = arith.constant 0 : index
          %get3A_189 = tpu.vector_load %arg13[%get3A_187, %get3A_188] {strides = array<i32>} : memref<32x64xf32, #tpu.memory_space<vmem>>, vector<16xf32>,
          %add3A_190 = arith.addf %select_n3A_154, %get3A_189 : vector<16xf32>
          %select_n3A_191 = arith.select %ne3A_182, %get3A_189, %add3A_190 : vector<16xi1>, vector<16xf32>
          tpu.vector_store_idx %arg15[%gather3A_144, %add3A_12], %select_n3A_159 masked %ne3A_182 {add = true} : memref<64x64xf32, #tpu.memory_space<vmem>>[vector<16xi32>, vector<16xi32>], vector<16xf32>, vector<16xi1>
          %get3A_192 = arith.index_cast %add3A_186 : i32 to index
          %get3A_193 = arith.constant 16 : index
          %get3A_194 = tpu.vector_load %arg13[%get3A_192, %get3A_193] {strides = array<i32>} : memref<32x64xf32, #tpu.memory_space<vmem>>, vector<16xf32>,
          %add3A_195 = arith.addf %select_n3A_159, %get3A_194 : vector<16xf32>
          %select_n3A_196 = arith.select %ne3A_182, %get3A_194, %add3A_195 : vector<16xi1>, vector<16xf32>
          tpu.vector_store_idx %arg15[%gather3A_144, %add3A_16], %select_n3A_164 masked %ne3A_182 {add = true} : memref<64x64xf32, #tpu.memory_space<vmem>>[vector<16xi32>, vector<16xi32>], vector<16xf32>, vector<16xi1>
          %get3A_197 = arith.index_cast %add3A_186 : i32 to index
          %get3A_198 = arith.constant 32 : index
          %get3A_199 = tpu.vector_load %arg13[%get3A_197, %get3A_198] {strides = array<i32>} : memref<32x64xf32, #tpu.memory_space<vmem>>, vector<16xf32>,
          %add3A_200 = arith.addf %select_n3A_164, %get3A_199 : vector<16xf32>
          %select_n3A_201 = arith.select %ne3A_182, %get3A_199, %add3A_200 : vector<16xi1>, vector<16xf32>
          tpu.vector_store_idx %arg15[%gather3A_144, %add3A_20], %select_n3A_169 masked %ne3A_182 {add = true} : memref<64x64xf32, #tpu.memory_space<vmem>>[vector<16xi32>, vector<16xi32>], vector<16xf32>, vector<16xi1>
          %get3A_202 = arith.index_cast %add3A_186 : i32 to index
          %get3A_203 = arith.constant 48 : index
          %get3A_204 = tpu.vector_load %arg13[%get3A_202, %get3A_203] {strides = array<i32>} : memref<32x64xf32, #tpu.memory_space<vmem>>, vector<16xf32>,
          %add3A_205 = arith.addf %select_n3A_169, %get3A_204 : vector<16xf32>
          %select_n3A_206 = arith.select %ne3A_182, %get3A_204, %add3A_205 : vector<16xi1>, vector<16xf32>
          %broadcast_in_dim3A_207 = arith.constant 2 : i32
          %broadcast_in_dim3A_208 = vector.broadcast %broadcast_in_dim3A_207 : i32 to vector<16xi32>
          %lt3A_209 = arith.constant 0 : i32
          %lt3A_210 = vector.broadcast %lt3A_209 : i32 to vector<16xi32>
          %lt3A_211 = arith.cmpi slt, %broadcast_in_dim3A_208, %lt3A_210 : vector<16xi32>
          %add3A_212 = arith.constant 16 : i32
          %add3A_213 = vector.broadcast %add3A_212 : i32 to vector<16xi32>
          %add3A_214 = arith.addi %broadcast_in_dim3A_208, %add3A_213 : vector<16xi32>
          %select_n3A_215 = arith.select %lt3A_211, %add3A_214, %broadcast_in_dim3A_208 : vector<16xi1>, vector<16xi32>
          %broadcast_in_dim3A_216 = vector.shape_cast %select_n3A_215 : vector<16xi32> to vector<16x1xi32>
          %gather3A_217 = vector.shape_cast %broadcast_in_dim3A_216 : vector<16x1xi32> to vector<16xi32>
          %gather3A_218 = tpu.dynamic_gather %get3A_124[%gather3A_217] in [0] : vector<16xi32>, vector<16xi32> -> vector<16xi32>
          %ne3A_219 = arith.cmpi ne, %gather3A_218, %gather3A_181 : vector<16xi32>
          %mul3A_220 = arith.constant 16 : i32
          %mul3A_221 = arith.muli %scan3A_116, %mul3A_220 : i32
          %add3A_222 = arith.constant 2 : i32
          %add3A_223 = arith.addi %mul3A_221, %add3A_222 : i32
          tpu.vector_store_idx %arg15[%gather3A_181, %add3A_8], %select_n3A_191 masked %ne3A_219 {add = true} : memref<64x64xf32, #tpu.memory_space<vmem>>[vector<16xi32>, vector<16xi32>], vector<16xf32>, vector<16xi1>
          %get3A_224 = arith.index_cast %add3A_223 : i32 to index
          %get3A_225 = arith.constant 0 : index
          %get3A_226 = tpu.vector_load %arg13[%get3A_224, %get3A_225] {strides = array<i32>} : memref<32x64xf32, #tpu.memory_space<vmem>>, vector<16xf32>,
          %add3A_227 = arith.addf %select_n3A_191, %get3A_226 : vector<16xf32>
          %select_n3A_228 = arith.select %ne3A_219, %get3A_226, %add3A_227 : vector<16xi1>, vector<16xf32>
          tpu.vector_store_idx %arg15[%gather3A_181, %add3A_12], %select_n3A_196 masked %ne3A_219 {add = true} : memref<64x64xf32, #tpu.memory_space<vmem>>[vector<16xi32>, vector<16xi32>], vector<16xf32>, vector<16xi1>
          %get3A_229 = arith.index_cast %add3A_223 : i32 to index
          %get3A_230 = arith.constant 16 : index
          %get3A_231 = tpu.vector_load %arg13[%get3A_229, %get3A_230] {strides = array<i32>} : memref<32x64xf32, #tpu.memory_space<vmem>>, vector<16xf32>,
          %add3A_232 = arith.addf %select_n3A_196, %get3A_231 : vector<16xf32>
          %select_n3A_233 = arith.select %ne3A_219, %get3A_231, %add3A_232 : vector<16xi1>, vector<16xf32>
          tpu.vector_store_idx %arg15[%gather3A_181, %add3A_16], %select_n3A_201 masked %ne3A_219 {add = true} : memref<64x64xf32, #tpu.memory_space<vmem>>[vector<16xi32>, vector<16xi32>], vector<16xf32>, vector<16xi1>
          %get3A_234 = arith.index_cast %add3A_223 : i32 to index
          %get3A_235 = arith.constant 32 : index
          %get3A_236 = tpu.vector_load %arg13[%get3A_234, %get3A_235] {strides = array<i32>} : memref<32x64xf32, #tpu.memory_space<vmem>>, vector<16xf32>,
          %add3A_237 = arith.addf %select_n3A_201, %get3A_236 : vector<16xf32>
          %select_n3A_238 = arith.select %ne3A_219, %get3A_236, %add3A_237 : vector<16xi1>, vector<16xf32>
          tpu.vector_store_idx %arg15[%gather3A_181, %add3A_20], %select_n3A_206 masked %ne3A_219 {add = true} : memref<64x64xf32, #tpu.memory_space<vmem>>[vector<16xi32>, vector<16xi32>], vector<16xf32>, vector<16xi1>
          %get3A_239 = arith.index_cast %add3A_223 : i32 to index
          %get3A_240 = arith.constant 48 : index
          %get3A_241 = tpu.vector_load %arg13[%get3A_239, %get3A_240] {strides = array<i32>} : memref<32x64xf32, #tpu.memory_space<vmem>>, vector<16xf32>,
          %add3A_242 = arith.addf %select_n3A_206, %get3A_241 : vector<16xf32>
          %select_n3A_243 = arith.select %ne3A_219, %get3A_241, %add3A_242 : vector<16xi1>, vector<16xf32>
          %broadcast_in_dim3A_244 = arith.constant 3 : i32
          %broadcast_in_dim3A_245 = vector.broadcast %broadcast_in_dim3A_244 : i32 to vector<16xi32>
          %lt3A_246 = arith.constant 0 : i32
          %lt3A_247 = vector.broadcast %lt3A_246 : i32 to vector<16xi32>
          %lt3A_248 = arith.cmpi slt, %broadcast_in_dim3A_245, %lt3A_247 : vector<16xi32>
          %add3A_249 = arith.constant 16 : i32
          %add3A_250 = vector.broadcast %add3A_249 : i32 to vector<16xi32>
          %add3A_251 = arith.addi %broadcast_in_dim3A_245, %add3A_250 : vector<16xi32>
          %select_n3A_252 = arith.select %lt3A_248, %add3A_251, %broadcast_in_dim3A_245 : vector<16xi1>, vector<16xi32>
          %broadcast_in_dim3A_253 = vector.shape_cast %select_n3A_252 : vector<16xi32> to vector<16x1xi32>
          %gather3A_254 = vector.shape_cast %broadcast_in_dim3A_253 : vector<16x1xi32> to vector<16xi32>
          %gather3A_255 = tpu.dynamic_gather %get3A_124[%gather3A_254] in [0] : vector<16xi32>, vector<16xi32> -> vector<16xi32>
          %ne3A_256 = arith.cmpi ne, %gather3A_255, %gather3A_218 : vector<16xi32>
          %mul3A_257 = arith.constant 16 : i32
          %mul3A_258 = arith.muli %scan3A_116, %mul3A_257 : i32
          %add3A_259 = arith.constant 3 : i32
          %add3A_260 = arith.addi %mul3A_258, %add3A_259 : i32
          tpu.vector_store_idx %arg15[%gather3A_218, %add3A_8], %select_n3A_228 masked %ne3A_256 {add = true} : memref<64x64xf32, #tpu.memory_space<vmem>>[vector<16xi32>, vector<16xi32>], vector<16xf32>, vector<16xi1>
          %get3A_261 = arith.index_cast %add3A_260 : i32 to index
          %get3A_262 = arith.constant 0 : index
          %get3A_263 = tpu.vector_load %arg13[%get3A_261, %get3A_262] {strides = array<i32>} : memref<32x64xf32, #tpu.memory_space<vmem>>, vector<16xf32>,
          %add3A_264 = arith.addf %select_n3A_228, %get3A_263 : vector<16xf32>
          %select_n3A_265 = arith.select %ne3A_256, %get3A_263, %add3A_264 : vector<16xi1>, vector<16xf32>
          tpu.vector_store_idx %arg15[%gather3A_218, %add3A_12], %select_n3A_233 masked %ne3A_256 {add = true} : memref<64x64xf32, #tpu.memory_space<vmem>>[vector<16xi32>, vector<16xi32>], vector<16xf32>, vector<16xi1>
          %get3A_266 = arith.index_cast %add3A_260 : i32 to index
          %get3A_267 = arith.constant 16 : index
          %get3A_268 = tpu.vector_load %arg13[%get3A_266, %get3A_267] {strides = array<i32>} : memref<32x64xf32, #tpu.memory_space<vmem>>, vector<16xf32>,
          %add3A_269 = arith.addf %select_n3A_233, %get3A_268 : vector<16xf32>
          %select_n3A_270 = arith.select %ne3A_256, %get3A_268, %add3A_269 : vector<16xi1>, vector<16xf32>
          tpu.vector_store_idx %arg15[%gather3A_218, %add3A_16], %select_n3A_238 masked %ne3A_256 {add = true} : memref<64x64xf32, #tpu.memory_space<vmem>>[vector<16xi32>, vector<16xi32>], vector<16xf32>, vector<16xi1>
          %get3A_271 = arith.index_cast %add3A_260 : i32 to index
          %get3A_272 = arith.constant 32 : index
          %get3A_273 = tpu.vector_load %arg13[%get3A_271, %get3A_272] {strides = array<i32>} : memref<32x64xf32, #tpu.memory_space<vmem>>, vector<16xf32>,
          %add3A_274 = arith.addf %select_n3A_238, %get3A_273 : vector<16xf32>
          %select_n3A_275 = arith.select %ne3A_256, %get3A_273, %add3A_274 : vector<16xi1>, vector<16xf32>
          tpu.vector_store_idx %arg15[%gather3A_218, %add3A_20], %select_n3A_243 masked %ne3A_256 {add = true} : memref<64x64xf32, #tpu.memory_space<vmem>>[vector<16xi32>, vector<16xi32>], vector<16xf32>, vector<16xi1>
          %get3A_276 = arith.index_cast %add3A_260 : i32 to index
          %get3A_277 = arith.constant 48 : index
          %get3A_278 = tpu.vector_load %arg13[%get3A_276, %get3A_277] {strides = array<i32>} : memref<32x64xf32, #tpu.memory_space<vmem>>, vector<16xf32>,
          %add3A_279 = arith.addf %select_n3A_243, %get3A_278 : vector<16xf32>
          %select_n3A_280 = arith.select %ne3A_256, %get3A_278, %add3A_279 : vector<16xi1>, vector<16xf32>
          %broadcast_in_dim3A_281 = arith.constant 4 : i32
          %broadcast_in_dim3A_282 = vector.broadcast %broadcast_in_dim3A_281 : i32 to vector<16xi32>
          %lt3A_283 = arith.constant 0 : i32
          %lt3A_284 = vector.broadcast %lt3A_283 : i32 to vector<16xi32>
          %lt3A_285 = arith.cmpi slt, %broadcast_in_dim3A_282, %lt3A_284 : vector<16xi32>
          %add3A_286 = arith.constant 16 : i32
          %add3A_287 = vector.broadcast %add3A_286 : i32 to vector<16xi32>
          %add3A_288 = arith.addi %broadcast_in_dim3A_282, %add3A_287 : vector<16xi32>
          %select_n3A_289 = arith.select %lt3A_285, %add3A_288, %broadcast_in_dim3A_282 : vector<16xi1>, vector<16xi32>
          %broadcast_in_dim3A_290 = vector.shape_cast %select_n3A_289 : vector<16xi32> to vector<16x1xi32>
          %gather3A_291 = vector.shape_cast %broadcast_in_dim3A_290 : vector<16x1xi32> to vector<16xi32>
          %gather3A_292 = tpu.dynamic_gather %get3A_124[%gather3A_291] in [0] : vector<16xi32>, vector<16xi32> -> vector<16xi32>
          %ne3A_293 = arith.cmpi ne, %gather3A_292, %gather3A_255 : vector<16xi32>
          %mul3A_294 = arith.constant 16 : i32
          %mul3A_295 = arith.muli %scan3A_116, %mul3A_294 : i32
          %add3A_296 = arith.constant 4 : i32
          %add3A_297 = arith.addi %mul3A_295, %add3A_296 : i32
          tpu.vector_store_idx %arg15[%gather3A_255, %add3A_8], %select_n3A_265 masked %ne3A_293 {add = true} : memref<64x64xf32, #tpu.memory_space<vmem>>[vector<16xi32>, vector<16xi32>], vector<16xf32>, vector<16xi1>
          %get3A_298 = arith.index_cast %add3A_297 : i32 to index
          %get3A_299 = arith.constant 0 : index
          %get3A_300 = tpu.vector_load %arg13[%get3A_298, %get3A_299] {strides = array<i32>} : memref<32x64xf32, #tpu.memory_space<vmem>>, vector<16xf32>,
          %add3A_301 = arith.addf %select_n3A_265, %get3A_300 : vector<16xf32>
          %select_n3A_302 = arith.select %ne3A_293, %get3A_300, %add3A_301 : vector<16xi1>, vector<16xf32>
          tpu.vector_store_idx %arg15[%gather3A_255, %add3A_12], %select_n3A_270 masked %ne3A_293 {add = true} : memref<64x64xf32, #tpu.memory_space<vmem>>[vector<16xi32>, vector<16xi32>], vector<16xf32>, vector<16xi1>
          %get3A_303 = arith.index_cast %add3A_297 : i32 to index
          %get3A_304 = arith.constant 16 : index
          %get3A_305 = tpu.vector_load %arg13[%get3A_303, %get3A_304] {strides = array<i32>} : memref<32x64xf32, #tpu.memory_space<vmem>>, vector<16xf32>,
          %add3A_306 = arith.addf %select_n3A_270, %get3A_305 : vector<16xf32>
          %select_n3A_307 = arith.select %ne3A_293, %get3A_305, %add3A_306 : vector<16xi1>, vector<16xf32>
          tpu.vector_store_idx %arg15[%gather3A_255, %add3A_16], %select_n3A_275 masked %ne3A_293 {add = true} : memref<64x64xf32, #tpu.memory_space<vmem>>[vector<16xi32>, vector<16xi32>], vector<16xf32>, vector<16xi1>
          %get3A_308 = arith.index_cast %add3A_297 : i32 to index
          %get3A_309 = arith.constant 32 : index
          %get3A_310 = tpu.vector_load %arg13[%get3A_308, %get3A_309] {strides = array<i32>} : memref<32x64xf32, #tpu.memory_space<vmem>>, vector<16xf32>,
          %add3A_311 = arith.addf %select_n3A_275, %get3A_310 : vector<16xf32>
          %select_n3A_312 = arith.select %ne3A_293, %get3A_310, %add3A_311 : vector<16xi1>, vector<16xf32>
          tpu.vector_store_idx %arg15[%gather3A_255, %add3A_20], %select_n3A_280 masked %ne3A_293 {add = true} : memref<64x64xf32, #tpu.memory_space<vmem>>[vector<16xi32>, vector<16xi32>], vector<16xf32>, vector<16xi1>
          %get3A_313 = arith.index_cast %add3A_297 : i32 to index
          %get3A_314 = arith.constant 48 : index
          %get3A_315 = tpu.vector_load %arg13[%get3A_313, %get3A_314] {strides = array<i32>} : memref<32x64xf32, #tpu.memory_space<vmem>>, vector<16xf32>,
          %add3A_316 = arith.addf %select_n3A_280, %get3A_315 : vector<16xf32>
          %select_n3A_317 = arith.select %ne3A_293, %get3A_315, %add3A_316 : vector<16xi1>, vector<16xf32>
          %broadcast_in_dim3A_318 = arith.constant 5 : i32
          %broadcast_in_dim3A_319 = vector.broadcast %broadcast_in_dim3A_318 : i32 to vector<16xi32>
          %lt3A_320 = arith.constant 0 : i32
          %lt3A_321 = vector.broadcast %lt3A_320 : i32 to vector<16xi32>
          %lt3A_322 = arith.cmpi slt, %broadcast_in_dim3A_319, %lt3A_321 : vector<16xi32>
          %add3A_323 = arith.constant 16 : i32
          %add3A_324 = vector.broadcast %add3A_323 : i32 to vector<16xi32>
          %add3A_325 = arith.addi %broadcast_in_dim3A_319, %add3A_324 : vector<16xi32>
          %select_n3A_326 = arith.select %lt3A_322, %add3A_325, %broadcast_in_dim3A_319 : vector<16xi1>, vector<16xi32>
          %broadcast_in_dim3A_327 = vector.shape_cast %select_n3A_326 : vector<16xi32> to vector<16x1xi32>
          %gather3A_328 = vector.shape_cast %broadcast_in_dim3A_327 : vector<16x1xi32> to vector<16xi32>
          %gather3A_329 = tpu.dynamic_gather %get3A_124[%gather3A_328] in [0] : vector<16xi32>, vector<16xi32> -> vector<16xi32>
          %ne3A_330 = arith.cmpi ne, %gather3A_329, %gather3A_292 : vector<16xi32>
          %mul3A_331 = arith.constant 16 : i32
          %mul3A_332 = arith.muli %scan3A_116, %mul3A_331 : i32
          %add3A_333 = arith.constant 5 : i32
          %add3A_334 = arith.addi %mul3A_332, %add3A_333 : i32
          tpu.vector_store_idx %arg15[%gather3A_292, %add3A_8], %select_n3A_302 masked %ne3A_330 {add = true} : memref<64x64xf32, #tpu.memory_space<vmem>>[vector<16xi32>, vector<16xi32>], vector<16xf32>, vector<16xi1>
          %get3A_335 = arith.index_cast %add3A_334 : i32 to index
          %get3A_336 = arith.constant 0 : index
          %get3A_337 = tpu.vector_load %arg13[%get3A_335, %get3A_336] {strides = array<i32>} : memref<32x64xf32, #tpu.memory_space<vmem>>, vector<16xf32>,
          %add3A_338 = arith.addf %select_n3A_302, %get3A_337 : vector<16xf32>
          %select_n3A_339 = arith.select %ne3A_330, %get3A_337, %add3A_338 : vector<16xi1>, vector<16xf32>
          tpu.vector_store_idx %arg15[%gather3A_292, %add3A_12], %select_n3A_307 masked %ne3A_330 {add = true} : memref<64x64xf32, #tpu.memory_space<vmem>>[vector<16xi32>, vector<16xi32>], vector<16xf32>, vector<16xi1>
          %get3A_340 = arith.index_cast %add3A_334 : i32 to index
          %get3A_341 = arith.constant 16 : index
          %get3A_342 = tpu.vector_load %arg13[%get3A_340, %get3A_341] {strides = array<i32>} : memref<32x64xf32, #tpu.memory_space<vmem>>, vector<16xf32>,
          %add3A_343 = arith.addf %select_n3A_307, %get3A_342 : vector<16xf32>
          %select_n3A_344 = arith.select %ne3A_330, %get3A_342, %add3A_343 : vector<16xi1>, vector<16xf32>
          tpu.vector_store_idx %arg15[%gather3A_292, %add3A_16], %select_n3A_312 masked %ne3A_330 {add = true} : memref<64x64xf32, #tpu.memory_space<vmem>>[vector<16xi32>, vector<16xi32>], vector<16xf32>, vector<16xi1>
          %get3A_345 = arith.index_cast %add3A_334 : i32 to index
          %get3A_346 = arith.constant 32 : index
          %get3A_347 = tpu.vector_load %arg13[%get3A_345, %get3A_346] {strides = array<i32>} : memref<32x64xf32, #tpu.memory_space<vmem>>, vector<16xf32>,
          %add3A_348 = arith.addf %select_n3A_312, %get3A_347 : vector<16xf32>
          %select_n3A_349 = arith.select %ne3A_330, %get3A_347, %add3A_348 : vector<16xi1>, vector<16xf32>
          tpu.vector_store_idx %arg15[%gather3A_292, %add3A_20], %select_n3A_317 masked %ne3A_330 {add = true} : memref<64x64xf32, #tpu.memory_space<vmem>>[vector<16xi32>, vector<16xi32>], vector<16xf32>, vector<16xi1>
          %get3A_350 = arith.index_cast %add3A_334 : i32 to index
          %get3A_351 = arith.constant 48 : index
          %get3A_352 = tpu.vector_load %arg13[%get3A_350, %get3A_351] {strides = array<i32>} : memref<32x64xf32, #tpu.memory_space<vmem>>, vector<16xf32>,
          %add3A_353 = arith.addf %select_n3A_317, %get3A_352 : vector<16xf32>
          %select_n3A_354 = arith.select %ne3A_330, %get3A_352, %add3A_353 : vector<16xi1>, vector<16xf32>
          %broadcast_in_dim3A_355 = arith.constant 6 : i32
          %broadcast_in_dim3A_356 = vector.broadcast %broadcast_in_dim3A_355 : i32 to vector<16xi32>
          %lt3A_357 = arith.constant 0 : i32
          %lt3A_358 = vector.broadcast %lt3A_357 : i32 to vector<16xi32>
          %lt3A_359 = arith.cmpi slt, %broadcast_in_dim3A_356, %lt3A_358 : vector<16xi32>
          %add3A_360 = arith.constant 16 : i32
          %add3A_361 = vector.broadcast %add3A_360 : i32 to vector<16xi32>
          %add3A_362 = arith.addi %broadcast_in_dim3A_356, %add3A_361 : vector<16xi32>
          %select_n3A_363 = arith.select %lt3A_359, %add3A_362, %broadcast_in_dim3A_356 : vector<16xi1>, vector<16xi32>
          %broadcast_in_dim3A_364 = vector.shape_cast %select_n3A_363 : vector<16xi32> to vector<16x1xi32>
          %gather3A_365 = vector.shape_cast %broadcast_in_dim3A_364 : vector<16x1xi32> to vector<16xi32>
          %gather3A_366 = tpu.dynamic_gather %get3A_124[%gather3A_365] in [0] : vector<16xi32>, vector<16xi32> -> vector<16xi32>
          %ne3A_367 = arith.cmpi ne, %gather3A_366, %gather3A_329 : vector<16xi32>
          %mul3A_368 = arith.constant 16 : i32
          %mul3A_369 = arith.muli %scan3A_116, %mul3A_368 : i32
          %add3A_370 = arith.constant 6 : i32
          %add3A_371 = arith.addi %mul3A_369, %add3A_370 : i32
          tpu.vector_store_idx %arg15[%gather3A_329, %add3A_8], %select_n3A_339 masked %ne3A_367 {add = true} : memref<64x64xf32, #tpu.memory_space<vmem>>[vector<16xi32>, vector<16xi32>], vector<16xf32>, vector<16xi1>
          %get3A_372 = arith.index_cast %add3A_371 : i32 to index
          %get3A_373 = arith.constant 0 : index
          %get3A_374 = tpu.vector_load %arg13[%get3A_372, %get3A_373] {strides = array<i32>} : memref<32x64xf32, #tpu.memory_space<vmem>>, vector<16xf32>,
          %add3A_375 = arith.addf %select_n3A_339, %get3A_374 : vector<16xf32>
          %select_n3A_376 = arith.select %ne3A_367, %get3A_374, %add3A_375 : vector<16xi1>, vector<16xf32>
          tpu.vector_store_idx %arg15[%gather3A_329, %add3A_12], %select_n3A_344 masked %ne3A_367 {add = true} : memref<64x64xf32, #tpu.memory_space<vmem>>[vector<16xi32>, vector<16xi32>], vector<16xf32>, vector<16xi1>
          %get3A_377 = arith.index_cast %add3A_371 : i32 to index
          %get3A_378 = arith.constant 16 : index
          %get3A_379 = tpu.vector_load %arg13[%get3A_377, %get3A_378] {strides = array<i32>} : memref<32x64xf32, #tpu.memory_space<vmem>>, vector<16xf32>,
          %add3A_380 = arith.addf %select_n3A_344, %get3A_379 : vector<16xf32>
          %select_n3A_381 = arith.select %ne3A_367, %get3A_379, %add3A_380 : vector<16xi1>, vector<16xf32>
          tpu.vector_store_idx %arg15[%gather3A_329, %add3A_16], %select_n3A_349 masked %ne3A_367 {add = true} : memref<64x64xf32, #tpu.memory_space<vmem>>[vector<16xi32>, vector<16xi32>], vector<16xf32>, vector<16xi1>
          %get3A_382 = arith.index_cast %add3A_371 : i32 to index
          %get3A_383 = arith.constant 32 : index
          %get3A_384 = tpu.vector_load %arg13[%get3A_382, %get3A_383] {strides = array<i32>} : memref<32x64xf32, #tpu.memory_space<vmem>>, vector<16xf32>,
          %add3A_385 = arith.addf %select_n3A_349, %get3A_384 : vector<16xf32>
          %select_n3A_386 = arith.select %ne3A_367, %get3A_384, %add3A_385 : vector<16xi1>, vector<16xf32>
          tpu.vector_store_idx %arg15[%gather3A_329, %add3A_20], %select_n3A_354 masked %ne3A_367 {add = true} : memref<64x64xf32, #tpu.memory_space<vmem>>[vector<16xi32>, vector<16xi32>], vector<16xf32>, vector<16xi1>
          %get3A_387 = arith.index_cast %add3A_371 : i32 to index
          %get3A_388 = arith.constant 48 : index
          %get3A_389 = tpu.vector_load %arg13[%get3A_387, %get3A_388] {strides = array<i32>} : memref<32x64xf32, #tpu.memory_space<vmem>>, vector<16xf32>,
          %add3A_390 = arith.addf %select_n3A_354, %get3A_389 : vector<16xf32>
          %select_n3A_391 = arith.select %ne3A_367, %get3A_389, %add3A_390 : vector<16xi1>, vector<16xf32>
          %broadcast_in_dim3A_392 = arith.constant 7 : i32
          %broadcast_in_dim3A_393 = vector.broadcast %broadcast_in_dim3A_392 : i32 to vector<16xi32>
          %lt3A_394 = arith.constant 0 : i32
          %lt3A_395 = vector.broadcast %lt3A_394 : i32 to vector<16xi32>
          %lt3A_396 = arith.cmpi slt, %broadcast_in_dim3A_393, %lt3A_395 : vector<16xi32>
          %add3A_397 = arith.constant 16 : i32
          %add3A_398 = vector.broadcast %add3A_397 : i32 to vector<16xi32>
          %add3A_399 = arith.addi %broadcast_in_dim3A_393, %add3A_398 : vector<16xi32>
          %select_n3A_400 = arith.select %lt3A_396, %add3A_399, %broadcast_in_dim3A_393 : vector<16xi1>, vector<16xi32>
          %broadcast_in_dim3A_401 = vector.shape_cast %select_n3A_400 : vector<16xi32> to vector<16x1xi32>
          %gather3A_402 = vector.shape_cast %broadcast_in_dim3A_401 : vector<16x1xi32> to vector<16xi32>
          %gather3A_403 = tpu.dynamic_gather %get3A_124[%gather3A_402] in [0] : vector<16xi32>, vector<16xi32> -> vector<16xi32>
          %ne3A_404 = arith.cmpi ne, %gather3A_403, %gather3A_366 : vector<16xi32>
          %mul3A_405 = arith.constant 16 : i32
          %mul3A_406 = arith.muli %scan3A_116, %mul3A_405 : i32
          %add3A_407 = arith.constant 7 : i32
          %add3A_408 = arith.addi %mul3A_406, %add3A_407 : i32
          tpu.vector_store_idx %arg15[%gather3A_366, %add3A_8], %select_n3A_376 masked %ne3A_404 {add = true} : memref<64x64xf32, #tpu.memory_space<vmem>>[vector<16xi32>, vector<16xi32>], vector<16xf32>, vector<16xi1>
          %get3A_409 = arith.index_cast %add3A_408 : i32 to index
          %get3A_410 = arith.constant 0 : index
          %get3A_411 = tpu.vector_load %arg13[%get3A_409, %get3A_410] {strides = array<i32>} : memref<32x64xf32, #tpu.memory_space<vmem>>, vector<16xf32>,
          %add3A_412 = arith.addf %select_n3A_376, %get3A_411 : vector<16xf32>
          %select_n3A_413 = arith.select %ne3A_404, %get3A_411, %add3A_412 : vector<16xi1>, vector<16xf32>
          tpu.vector_store_idx %arg15[%gather3A_366, %add3A_12], %select_n3A_381 masked %ne3A_404 {add = true} : memref<64x64xf32, #tpu.memory_space<vmem>>[vector<16xi32>, vector<16xi32>], vector<16xf32>, vector<16xi1>
          %get3A_414 = arith.index_cast %add3A_408 : i32 to index
          %get3A_415 = arith.constant 16 : index
          %get3A_416 = tpu.vector_load %arg13[%get3A_414, %get3A_415] {strides = array<i32>} : memref<32x64xf32, #tpu.memory_space<vmem>>, vector<16xf32>,
          %add3A_417 = arith.addf %select_n3A_381, %get3A_416 : vector<16xf32>
          %select_n3A_418 = arith.select %ne3A_404, %get3A_416, %add3A_417 : vector<16xi1>, vector<16xf32>
          tpu.vector_store_idx %arg15[%gather3A_366, %add3A_16], %select_n3A_386 masked %ne3A_404 {add = true} : memref<64x64xf32, #tpu.memory_space<vmem>>[vector<16xi32>, vector<16xi32>], vector<16xf32>, vector<16xi1>
          %get3A_419 = arith.index_cast %add3A_408 : i32 to index
          %get3A_420 = arith.constant 32 : index
          %get3A_421 = tpu.vector_load %arg13[%get3A_419, %get3A_420] {strides = array<i32>} : memref<32x64xf32, #tpu.memory_space<vmem>>, vector<16xf32>,
          %add3A_422 = arith.addf %select_n3A_386, %get3A_421 : vector<16xf32>
          %select_n3A_423 = arith.select %ne3A_404, %get3A_421, %add3A_422 : vector<16xi1>, vector<16xf32>
          tpu.vector_store_idx %arg15[%gather3A_366, %add3A_20], %select_n3A_391 masked %ne3A_404 {add = true} : memref<64x64xf32, #tpu.memory_space<vmem>>[vector<16xi32>, vector<16xi32>], vector<16xf32>, vector<16xi1>
          %get3A_424 = arith.index_cast %add3A_408 : i32 to index
          %get3A_425 = arith.constant 48 : index
          %get3A_426 = tpu.vector_load %arg13[%get3A_424, %get3A_425] {strides = array<i32>} : memref<32x64xf32, #tpu.memory_space<vmem>>, vector<16xf32>,
          %add3A_427 = arith.addf %select_n3A_391, %get3A_426 : vector<16xf32>
          %select_n3A_428 = arith.select %ne3A_404, %get3A_426, %add3A_427 : vector<16xi1>, vector<16xf32>
          %broadcast_in_dim3A_429 = arith.constant 8 : i32
          %broadcast_in_dim3A_430 = vector.broadcast %broadcast_in_dim3A_429 : i32 to vector<16xi32>
          %lt3A_431 = arith.constant 0 : i32
          %lt3A_432 = vector.broadcast %lt3A_431 : i32 to vector<16xi32>
          %lt3A_433 = arith.cmpi slt, %broadcast_in_dim3A_430, %lt3A_432 : vector<16xi32>
          %add3A_434 = arith.constant 16 : i32
          %add3A_435 = vector.broadcast %add3A_434 : i32 to vector<16xi32>
          %add3A_436 = arith.addi %broadcast_in_dim3A_430, %add3A_435 : vector<16xi32>
          %select_n3A_437 = arith.select %lt3A_433, %add3A_436, %broadcast_in_dim3A_430 : vector<16xi1>, vector<16xi32>
          %broadcast_in_dim3A_438 = vector.shape_cast %select_n3A_437 : vector<16xi32> to vector<16x1xi32>
          %gather3A_439 = vector.shape_cast %broadcast_in_dim3A_438 : vector<16x1xi32> to vector<16xi32>
          %gather3A_440 = tpu.dynamic_gather %get3A_124[%gather3A_439] in [0] : vector<16xi32>, vector<16xi32> -> vector<16xi32>
          %ne3A_441 = arith.cmpi ne, %gather3A_440, %gather3A_403 : vector<16xi32>
          %mul3A_442 = arith.constant 16 : i32
          %mul3A_443 = arith.muli %scan3A_116, %mul3A_442 : i32
          %add3A_444 = arith.constant 8 : i32
          %add3A_445 = arith.addi %mul3A_443, %add3A_444 : i32
          tpu.vector_store_idx %arg15[%gather3A_403, %add3A_8], %select_n3A_413 masked %ne3A_441 {add = true} : memref<64x64xf32, #tpu.memory_space<vmem>>[vector<16xi32>, vector<16xi32>], vector<16xf32>, vector<16xi1>
          %get3A_446 = arith.index_cast %add3A_445 : i32 to index
          %get3A_447 = arith.constant 0 : index
          %get3A_448 = tpu.vector_load %arg13[%get3A_446, %get3A_447] {strides = array<i32>} : memref<32x64xf32, #tpu.memory_space<vmem>>, vector<16xf32>,
          %add3A_449 = arith.addf %select_n3A_413, %get3A_448 : vector<16xf32>
          %select_n3A_450 = arith.select %ne3A_441, %get3A_448, %add3A_449 : vector<16xi1>, vector<16xf32>
          tpu.vector_store_idx %arg15[%gather3A_403, %add3A_12], %select_n3A_418 masked %ne3A_441 {add = true} : memref<64x64xf32, #tpu.memory_space<vmem>>[vector<16xi32>, vector<16xi32>], vector<16xf32>, vector<16xi1>
          %get3A_451 = arith.index_cast %add3A_445 : i32 to index
          %get3A_452 = arith.constant 16 : index
          %get3A_453 = tpu.vector_load %arg13[%get3A_451, %get3A_452] {strides = array<i32>} : memref<32x64xf32, #tpu.memory_space<vmem>>, vector<16xf32>,
          %add3A_454 = arith.addf %select_n3A_418, %get3A_453 : vector<16xf32>
          %select_n3A_455 = arith.select %ne3A_441, %get3A_453, %add3A_454 : vector<16xi1>, vector<16xf32>
          tpu.vector_store_idx %arg15[%gather3A_403, %add3A_16], %select_n3A_423 masked %ne3A_441 {add = true} : memref<64x64xf32, #tpu.memory_space<vmem>>[vector<16xi32>, vector<16xi32>], vector<16xf32>, vector<16xi1>
          %get3A_456 = arith.index_cast %add3A_445 : i32 to index
          %get3A_457 = arith.constant 32 : index
          %get3A_458 = tpu.vector_load %arg13[%get3A_456, %get3A_457] {strides = array<i32>} : memref<32x64xf32, #tpu.memory_space<vmem>>, vector<16xf32>,
          %add3A_459 = arith.addf %select_n3A_423, %get3A_458 : vector<16xf32>
          %select_n3A_460 = arith.select %ne3A_441, %get3A_458, %add3A_459 : vector<16xi1>, vector<16xf32>
          tpu.vector_store_idx %arg15[%gather3A_403, %add3A_20], %select_n3A_428 masked %ne3A_441 {add = true} : memref<64x64xf32, #tpu.memory_space<vmem>>[vector<16xi32>, vector<16xi32>], vector<16xf32>, vector<16xi1>
          %get3A_461 = arith.index_cast %add3A_445 : i32 to index
          %get3A_462 = arith.constant 48 : index
          %get3A_463 = tpu.vector_load %arg13[%get3A_461, %get3A_462] {strides = array<i32>} : memref<32x64xf32, #tpu.memory_space<vmem>>, vector<16xf32>,
          %add3A_464 = arith.addf %select_n3A_428, %get3A_463 : vector<16xf32>
          %select_n3A_465 = arith.select %ne3A_441, %get3A_463, %add3A_464 : vector<16xi1>, vector<16xf32>
          %broadcast_in_dim3A_466 = arith.constant 9 : i32
          %broadcast_in_dim3A_467 = vector.broadcast %broadcast_in_dim3A_466 : i32 to vector<16xi32>
          %lt3A_468 = arith.constant 0 : i32
          %lt3A_469 = vector.broadcast %lt3A_468 : i32 to vector<16xi32>
          %lt3A_470 = arith.cmpi slt, %broadcast_in_dim3A_467, %lt3A_469 : vector<16xi32>
          %add3A_471 = arith.constant 16 : i32
          %add3A_472 = vector.broadcast %add3A_471 : i32 to vector<16xi32>
          %add3A_473 = arith.addi %broadcast_in_dim3A_467, %add3A_472 : vector<16xi32>
          %select_n3A_474 = arith.select %lt3A_470, %add3A_473, %broadcast_in_dim3A_467 : vector<16xi1>, vector<16xi32>
          %broadcast_in_dim3A_475 = vector.shape_cast %select_n3A_474 : vector<16xi32> to vector<16x1xi32>
          %gather3A_476 = vector.shape_cast %broadcast_in_dim3A_475 : vector<16x1xi32> to vector<16xi32>
          %gather3A_477 = tpu.dynamic_gather %get3A_124[%gather3A_476] in [0] : vector<16xi32>, vector<16xi32> -> vector<16xi32>
          %ne3A_478 = arith.cmpi ne, %gather3A_477, %gather3A_440 : vector<16xi32>
          %mul3A_479 = arith.constant 16 : i32
          %mul3A_480 = arith.muli %scan3A_116, %mul3A_479 : i32
          %add3A_481 = arith.constant 9 : i32
          %add3A_482 = arith.addi %mul3A_480, %add3A_481 : i32
          tpu.vector_store_idx %arg15[%gather3A_440, %add3A_8], %select_n3A_450 masked %ne3A_478 {add = true} : memref<64x64xf32, #tpu.memory_space<vmem>>[vector<16xi32>, vector<16xi32>], vector<16xf32>, vector<16xi1>
          %get3A_483 = arith.index_cast %add3A_482 : i32 to index
          %get3A_484 = arith.constant 0 : index
          %get3A_485 = tpu.vector_load %arg13[%get3A_483, %get3A_484] {strides = array<i32>} : memref<32x64xf32, #tpu.memory_space<vmem>>, vector<16xf32>,
          %add3A_486 = arith.addf %select_n3A_450, %get3A_485 : vector<16xf32>
          %select_n3A_487 = arith.select %ne3A_478, %get3A_485, %add3A_486 : vector<16xi1>, vector<16xf32>
          tpu.vector_store_idx %arg15[%gather3A_440, %add3A_12], %select_n3A_455 masked %ne3A_478 {add = true} : memref<64x64xf32, #tpu.memory_space<vmem>>[vector<16xi32>, vector<16xi32>], vector<16xf32>, vector<16xi1>
          %get3A_488 = arith.index_cast %add3A_482 : i32 to index
          %get3A_489 = arith.constant 16 : index
          %get3A_490 = tpu.vector_load %arg13[%get3A_488, %get3A_489] {strides = array<i32>} : memref<32x64xf32, #tpu.memory_space<vmem>>, vector<16xf32>,
          %add3A_491 = arith.addf %select_n3A_455, %get3A_490 : vector<16xf32>
          %select_n3A_492 = arith.select %ne3A_478, %get3A_490, %add3A_491 : vector<16xi1>, vector<16xf32>
          tpu.vector_store_idx %arg15[%gather3A_440, %add3A_16], %select_n3A_460 masked %ne3A_478 {add = true} : memref<64x64xf32, #tpu.memory_space<vmem>>[vector<16xi32>, vector<16xi32>], vector<16xf32>, vector<16xi1>
          %get3A_493 = arith.index_cast %add3A_482 : i32 to index
          %get3A_494 = arith.constant 32 : index
          %get3A_495 = tpu.vector_load %arg13[%get3A_493, %get3A_494] {strides = array<i32>} : memref<32x64xf32, #tpu.memory_space<vmem>>, vector<16xf32>,
          %add3A_496 = arith.addf %select_n3A_460, %get3A_495 : vector<16xf32>
          %select_n3A_497 = arith.select %ne3A_478, %get3A_495, %add3A_496 : vector<16xi1>, vector<16xf32>
          tpu.vector_store_idx %arg15[%gather3A_440, %add3A_20], %select_n3A_465 masked %ne3A_478 {add = true} : memref<64x64xf32, #tpu.memory_space<vmem>>[vector<16xi32>, vector<16xi32>], vector<16xf32>, vector<16xi1>
          %get3A_498 = arith.index_cast %add3A_482 : i32 to index
          %get3A_499 = arith.constant 48 : index
          %get3A_500 = tpu.vector_load %arg13[%get3A_498, %get3A_499] {strides = array<i32>} : memref<32x64xf32, #tpu.memory_space<vmem>>, vector<16xf32>,
          %add3A_501 = arith.addf %select_n3A_465, %get3A_500 : vector<16xf32>
          %select_n3A_502 = arith.select %ne3A_478, %get3A_500, %add3A_501 : vector<16xi1>, vector<16xf32>
          %broadcast_in_dim3A_503 = arith.constant 10 : i32
          %broadcast_in_dim3A_504 = vector.broadcast %broadcast_in_dim3A_503 : i32 to vector<16xi32>
          %lt3A_505 = arith.constant 0 : i32
          %lt3A_506 = vector.broadcast %lt3A_505 : i32 to vector<16xi32>
          %lt3A_507 = arith.cmpi slt, %broadcast_in_dim3A_504, %lt3A_506 : vector<16xi32>
          %add3A_508 = arith.constant 16 : i32
          %add3A_509 = vector.broadcast %add3A_508 : i32 to vector<16xi32>
          %add3A_510 = arith.addi %broadcast_in_dim3A_504, %add3A_509 : vector<16xi32>
          %select_n3A_511 = arith.select %lt3A_507, %add3A_510, %broadcast_in_dim3A_504 : vector<16xi1>, vector<16xi32>
          %broadcast_in_dim3A_512 = vector.shape_cast %select_n3A_511 : vector<16xi32> to vector<16x1xi32>
          %gather3A_513 = vector.shape_cast %broadcast_in_dim3A_512 : vector<16x1xi32> to vector<16xi32>
          %gather3A_514 = tpu.dynamic_gather %get3A_124[%gather3A_513] in [0] : vector<16xi32>, vector<16xi32> -> vector<16xi32>
          %ne3A_515 = arith.cmpi ne, %gather3A_514, %gather3A_477 : vector<16xi32>
          %mul3A_516 = arith.constant 16 : i32
          %mul3A_517 = arith.muli %scan3A_116, %mul3A_516 : i32
          %add3A_518 = arith.constant 10 : i32
          %add3A_519 = arith.addi %mul3A_517, %add3A_518 : i32
          tpu.vector_store_idx %arg15[%gather3A_477, %add3A_8], %select_n3A_487 masked %ne3A_515 {add = true} : memref<64x64xf32, #tpu.memory_space<vmem>>[vector<16xi32>, vector<16xi32>], vector<16xf32>, vector<16xi1>
          %get3A_520 = arith.index_cast %add3A_519 : i32 to index
          %get3A_521 = arith.constant 0 : index
          %get3A_522 = tpu.vector_load %arg13[%get3A_520, %get3A_521] {strides = array<i32>} : memref<32x64xf32, #tpu.memory_space<vmem>>, vector<16xf32>,
          %add3A_523 = arith.addf %select_n3A_487, %get3A_522 : vector<16xf32>
          %select_n3A_524 = arith.select %ne3A_515, %get3A_522, %add3A_523 : vector<16xi1>, vector<16xf32>
          tpu.vector_store_idx %arg15[%gather3A_477, %add3A_12], %select_n3A_492 masked %ne3A_515 {add = true} : memref<64x64xf32, #tpu.memory_space<vmem>>[vector<16xi32>, vector<16xi32>], vector<16xf32>, vector<16xi1>
          %get3A_525 = arith.index_cast %add3A_519 : i32 to index
          %get3A_526 = arith.constant 16 : index
          %get3A_527 = tpu.vector_load %arg13[%get3A_525, %get3A_526] {strides = array<i32>} : memref<32x64xf32, #tpu.memory_space<vmem>>, vector<16xf32>,
          %add3A_528 = arith.addf %select_n3A_492, %get3A_527 : vector<16xf32>
          %select_n3A_529 = arith.select %ne3A_515, %get3A_527, %add3A_528 : vector<16xi1>, vector<16xf32>
          tpu.vector_store_idx %arg15[%gather3A_477, %add3A_16], %select_n3A_497 masked %ne3A_515 {add = true} : memref<64x64xf32, #tpu.memory_space<vmem>>[vector<16xi32>, vector<16xi32>], vector<16xf32>, vector<16xi1>
          %get3A_530 = arith.index_cast %add3A_519 : i32 to index
          %get3A_531 = arith.constant 32 : index
          %get3A_532 = tpu.vector_load %arg13[%get3A_530, %get3A_531] {strides = array<i32>} : memref<32x64xf32, #tpu.memory_space<vmem>>, vector<16xf32>,
          %add3A_533 = arith.addf %select_n3A_497, %get3A_532 : vector<16xf32>
          %select_n3A_534 = arith.select %ne3A_515, %get3A_532, %add3A_533 : vector<16xi1>, vector<16xf32>
          tpu.vector_store_idx %arg15[%gather3A_477, %add3A_20], %select_n3A_502 masked %ne3A_515 {add = true} : memref<64x64xf32, #tpu.memory_space<vmem>>[vector<16xi32>, vector<16xi32>], vector<16xf32>, vector<16xi1>
          %get3A_535 = arith.index_cast %add3A_519 : i32 to index
          %get3A_536 = arith.constant 48 : index
          %get3A_537 = tpu.vector_load %arg13[%get3A_535, %get3A_536] {strides = array<i32>} : memref<32x64xf32, #tpu.memory_space<vmem>>, vector<16xf32>,
          %add3A_538 = arith.addf %select_n3A_502, %get3A_537 : vector<16xf32>
          %select_n3A_539 = arith.select %ne3A_515, %get3A_537, %add3A_538 : vector<16xi1>, vector<16xf32>
          %broadcast_in_dim3A_540 = arith.constant 11 : i32
          %broadcast_in_dim3A_541 = vector.broadcast %broadcast_in_dim3A_540 : i32 to vector<16xi32>
          %lt3A_542 = arith.constant 0 : i32
          %lt3A_543 = vector.broadcast %lt3A_542 : i32 to vector<16xi32>
          %lt3A_544 = arith.cmpi slt, %broadcast_in_dim3A_541, %lt3A_543 : vector<16xi32>
          %add3A_545 = arith.constant 16 : i32
          %add3A_546 = vector.broadcast %add3A_545 : i32 to vector<16xi32>
          %add3A_547 = arith.addi %broadcast_in_dim3A_541, %add3A_546 : vector<16xi32>
          %select_n3A_548 = arith.select %lt3A_544, %add3A_547, %broadcast_in_dim3A_541 : vector<16xi1>, vector<16xi32>
          %broadcast_in_dim3A_549 = vector.shape_cast %select_n3A_548 : vector<16xi32> to vector<16x1xi32>
          %gather3A_550 = vector.shape_cast %broadcast_in_dim3A_549 : vector<16x1xi32> to vector<16xi32>
          %gather3A_551 = tpu.dynamic_gather %get3A_124[%gather3A_550] in [0] : vector<16xi32>, vector<16xi32> -> vector<16xi32>
          %ne3A_552 = arith.cmpi ne, %gather3A_551, %gather3A_514 : vector<16xi32>
          %mul3A_553 = arith.constant 16 : i32
          %mul3A_554 = arith.muli %scan3A_116, %mul3A_553 : i32
          %add3A_555 = arith.constant 11 : i32
          %add3A_556 = arith.addi %mul3A_554, %add3A_555 : i32
          tpu.vector_store_idx %arg15[%gather3A_514, %add3A_8], %select_n3A_524 masked %ne3A_552 {add = true} : memref<64x64xf32, #tpu.memory_space<vmem>>[vector<16xi32>, vector<16xi32>], vector<16xf32>, vector<16xi1>
          %get3A_557 = arith.index_cast %add3A_556 : i32 to index
          %get3A_558 = arith.constant 0 : index
          %get3A_559 = tpu.vector_load %arg13[%get3A_557, %get3A_558] {strides = array<i32>} : memref<32x64xf32, #tpu.memory_space<vmem>>, vector<16xf32>,
          %add3A_560 = arith.addf %select_n3A_524, %get3A_559 : vector<16xf32>
          %select_n3A_561 = arith.select %ne3A_552, %get3A_559, %add3A_560 : vector<16xi1>, vector<16xf32>
          tpu.vector_store_idx %arg15[%gather3A_514, %add3A_12], %select_n3A_529 masked %ne3A_552 {add = true} : memref<64x64xf32, #tpu.memory_space<vmem>>[vector<16xi32>, vector<16xi32>], vector<16xf32>, vector<16xi1>
          %get3A_562 = arith.index_cast %add3A_556 : i32 to index
          %get3A_563 = arith.constant 16 : index
          %get3A_564 = tpu.vector_load %arg13[%get3A_562, %get3A_563] {strides = array<i32>} : memref<32x64xf32, #tpu.memory_space<vmem>>, vector<16xf32>,
          %add3A_565 = arith.addf %select_n3A_529, %get3A_564 : vector<16xf32>
          %select_n3A_566 = arith.select %ne3A_552, %get3A_564, %add3A_565 : vector<16xi1>, vector<16xf32>
          tpu.vector_store_idx %arg15[%gather3A_514, %add3A_16], %select_n3A_534 masked %ne3A_552 {add = true} : memref<64x64xf32, #tpu.memory_space<vmem>>[vector<16xi32>, vector<16xi32>], vector<16xf32>, vector<16xi1>
          %get3A_567 = arith.index_cast %add3A_556 : i32 to index
          %get3A_568 = arith.constant 32 : index
          %get3A_569 = tpu.vector_load %arg13[%get3A_567, %get3A_568] {strides = array<i32>} : memref<32x64xf32, #tpu.memory_space<vmem>>, vector<16xf32>,
          %add3A_570 = arith.addf %select_n3A_534, %get3A_569 : vector<16xf32>
          %select_n3A_571 = arith.select %ne3A_552, %get3A_569, %add3A_570 : vector<16xi1>, vector<16xf32>
          tpu.vector_store_idx %arg15[%gather3A_514, %add3A_20], %select_n3A_539 masked %ne3A_552 {add = true} : memref<64x64xf32, #tpu.memory_space<vmem>>[vector<16xi32>, vector<16xi32>], vector<16xf32>, vector<16xi1>
          %get3A_572 = arith.index_cast %add3A_556 : i32 to index
          %get3A_573 = arith.constant 48 : index
          %get3A_574 = tpu.vector_load %arg13[%get3A_572, %get3A_573] {strides = array<i32>} : memref<32x64xf32, #tpu.memory_space<vmem>>, vector<16xf32>,
          %add3A_575 = arith.addf %select_n3A_539, %get3A_574 : vector<16xf32>
          %select_n3A_576 = arith.select %ne3A_552, %get3A_574, %add3A_575 : vector<16xi1>, vector<16xf32>
          %broadcast_in_dim3A_577 = arith.constant 12 : i32
          %broadcast_in_dim3A_578 = vector.broadcast %broadcast_in_dim3A_577 : i32 to vector<16xi32>
          %lt3A_579 = arith.constant 0 : i32
          %lt3A_580 = vector.broadcast %lt3A_579 : i32 to vector<16xi32>
          %lt3A_581 = arith.cmpi slt, %broadcast_in_dim3A_578, %lt3A_580 : vector<16xi32>
          %add3A_582 = arith.constant 16 : i32
          %add3A_583 = vector.broadcast %add3A_582 : i32 to vector<16xi32>
          %add3A_584 = arith.addi %broadcast_in_dim3A_578, %add3A_583 : vector<16xi32>
          %select_n3A_585 = arith.select %lt3A_581, %add3A_584, %broadcast_in_dim3A_578 : vector<16xi1>, vector<16xi32>
          %broadcast_in_dim3A_586 = vector.shape_cast %select_n3A_585 : vector<16xi32> to vector<16x1xi32>
          %gather3A_587 = vector.shape_cast %broadcast_in_dim3A_586 : vector<16x1xi32> to vector<16xi32>
          %gather3A_588 = tpu.dynamic_gather %get3A_124[%gather3A_587] in [0] : vector<16xi32>, vector<16xi32> -> vector<16xi32>
          %ne3A_589 = arith.cmpi ne, %gather3A_588, %gather3A_551 : vector<16xi32>
          %mul3A_590 = arith.constant 16 : i32
          %mul3A_591 = arith.muli %scan3A_116, %mul3A_590 : i32
          %add3A_592 = arith.constant 12 : i32
          %add3A_593 = arith.addi %mul3A_591, %add3A_592 : i32
          tpu.vector_store_idx %arg15[%gather3A_551, %add3A_8], %select_n3A_561 masked %ne3A_589 {add = true} : memref<64x64xf32, #tpu.memory_space<vmem>>[vector<16xi32>, vector<16xi32>], vector<16xf32>, vector<16xi1>
          %get3A_594 = arith.index_cast %add3A_593 : i32 to index
          %get3A_595 = arith.constant 0 : index
          %get3A_596 = tpu.vector_load %arg13[%get3A_594, %get3A_595] {strides = array<i32>} : memref<32x64xf32, #tpu.memory_space<vmem>>, vector<16xf32>,
          %add3A_597 = arith.addf %select_n3A_561, %get3A_596 : vector<16xf32>
          %select_n3A_598 = arith.select %ne3A_589, %get3A_596, %add3A_597 : vector<16xi1>, vector<16xf32>
          tpu.vector_store_idx %arg15[%gather3A_551, %add3A_12], %select_n3A_566 masked %ne3A_589 {add = true} : memref<64x64xf32, #tpu.memory_space<vmem>>[vector<16xi32>, vector<16xi32>], vector<16xf32>, vector<16xi1>
          %get3A_599 = arith.index_cast %add3A_593 : i32 to index
          %get3A_600 = arith.constant 16 : index
          %get3A_601 = tpu.vector_load %arg13[%get3A_599, %get3A_600] {strides = array<i32>} : memref<32x64xf32, #tpu.memory_space<vmem>>, vector<16xf32>,
          %add3A_602 = arith.addf %select_n3A_566, %get3A_601 : vector<16xf32>
          %select_n3A_603 = arith.select %ne3A_589, %get3A_601, %add3A_602 : vector<16xi1>, vector<16xf32>
          tpu.vector_store_idx %arg15[%gather3A_551, %add3A_16], %select_n3A_571 masked %ne3A_589 {add = true} : memref<64x64xf32, #tpu.memory_space<vmem>>[vector<16xi32>, vector<16xi32>], vector<16xf32>, vector<16xi1>
          %get3A_604 = arith.index_cast %add3A_593 : i32 to index
          %get3A_605 = arith.constant 32 : index
          %get3A_606 = tpu.vector_load %arg13[%get3A_604, %get3A_605] {strides = array<i32>} : memref<32x64xf32, #tpu.memory_space<vmem>>, vector<16xf32>,
          %add3A_607 = arith.addf %select_n3A_571, %get3A_606 : vector<16xf32>
          %select_n3A_608 = arith.select %ne3A_589, %get3A_606, %add3A_607 : vector<16xi1>, vector<16xf32>
          tpu.vector_store_idx %arg15[%gather3A_551, %add3A_20], %select_n3A_576 masked %ne3A_589 {add = true} : memref<64x64xf32, #tpu.memory_space<vmem>>[vector<16xi32>, vector<16xi32>], vector<16xf32>, vector<16xi1>
          %get3A_609 = arith.index_cast %add3A_593 : i32 to index
          %get3A_610 = arith.constant 48 : index
          %get3A_611 = tpu.vector_load %arg13[%get3A_609, %get3A_610] {strides = array<i32>} : memref<32x64xf32, #tpu.memory_space<vmem>>, vector<16xf32>,
          %add3A_612 = arith.addf %select_n3A_576, %get3A_611 : vector<16xf32>
          %select_n3A_613 = arith.select %ne3A_589, %get3A_611, %add3A_612 : vector<16xi1>, vector<16xf32>
          %broadcast_in_dim3A_614 = arith.constant 13 : i32
          %broadcast_in_dim3A_615 = vector.broadcast %broadcast_in_dim3A_614 : i32 to vector<16xi32>
          %lt3A_616 = arith.constant 0 : i32
          %lt3A_617 = vector.broadcast %lt3A_616 : i32 to vector<16xi32>
          %lt3A_618 = arith.cmpi slt, %broadcast_in_dim3A_615, %lt3A_617 : vector<16xi32>
          %add3A_619 = arith.constant 16 : i32
          %add3A_620 = vector.broadcast %add3A_619 : i32 to vector<16xi32>
          %add3A_621 = arith.addi %broadcast_in_dim3A_615, %add3A_620 : vector<16xi32>
          %select_n3A_622 = arith.select %lt3A_618, %add3A_621, %broadcast_in_dim3A_615 : vector<16xi1>, vector<16xi32>
          %broadcast_in_dim3A_623 = vector.shape_cast %select_n3A_622 : vector<16xi32> to vector<16x1xi32>
          %gather3A_624 = vector.shape_cast %broadcast_in_dim3A_623 : vector<16x1xi32> to vector<16xi32>
          %gather3A_625 = tpu.dynamic_gather %get3A_124[%gather3A_624] in [0] : vector<16xi32>, vector<16xi32> -> vector<16xi32>
          %ne3A_626 = arith.cmpi ne, %gather3A_625, %gather3A_588 : vector<16xi32>
          %mul3A_627 = arith.constant 16 : i32
          %mul3A_628 = arith.muli %scan3A_116, %mul3A_627 : i32
          %add3A_629 = arith.constant 13 : i32
          %add3A_630 = arith.addi %mul3A_628, %add3A_629 : i32
          tpu.vector_store_idx %arg15[%gather3A_588, %add3A_8], %select_n3A_598 masked %ne3A_626 {add = true} : memref<64x64xf32, #tpu.memory_space<vmem>>[vector<16xi32>, vector<16xi32>], vector<16xf32>, vector<16xi1>
          %get3A_631 = arith.index_cast %add3A_630 : i32 to index
          %get3A_632 = arith.constant 0 : index
          %get3A_633 = tpu.vector_load %arg13[%get3A_631, %get3A_632] {strides = array<i32>} : memref<32x64xf32, #tpu.memory_space<vmem>>, vector<16xf32>,
          %add3A_634 = arith.addf %select_n3A_598, %get3A_633 : vector<16xf32>
          %select_n3A_635 = arith.select %ne3A_626, %get3A_633, %add3A_634 : vector<16xi1>, vector<16xf32>
          tpu.vector_store_idx %arg15[%gather3A_588, %add3A_12], %select_n3A_603 masked %ne3A_626 {add = true} : memref<64x64xf32, #tpu.memory_space<vmem>>[vector<16xi32>, vector<16xi32>], vector<16xf32>, vector<16xi1>
          %get3A_636 = arith.index_cast %add3A_630 : i32 to index
          %get3A_637 = arith.constant 16 : index
          %get3A_638 = tpu.vector_load %arg13[%get3A_636, %get3A_637] {strides = array<i32>} : memref<32x64xf32, #tpu.memory_space<vmem>>, vector<16xf32>,
          %add3A_639 = arith.addf %select_n3A_603, %get3A_638 : vector<16xf32>
          %select_n3A_640 = arith.select %ne3A_626, %get3A_638, %add3A_639 : vector<16xi1>, vector<16xf32>
          tpu.vector_store_idx %arg15[%gather3A_588, %add3A_16], %select_n3A_608 masked %ne3A_626 {add = true} : memref<64x64xf32, #tpu.memory_space<vmem>>[vector<16xi32>, vector<16xi32>], vector<16xf32>, vector<16xi1>
          %get3A_641 = arith.index_cast %add3A_630 : i32 to index
          %get3A_642 = arith.constant 32 : index
          %get3A_643 = tpu.vector_load %arg13[%get3A_641, %get3A_642] {strides = array<i32>} : memref<32x64xf32, #tpu.memory_space<vmem>>, vector<16xf32>,
          %add3A_644 = arith.addf %select_n3A_608, %get3A_643 : vector<16xf32>
          %select_n3A_645 = arith.select %ne3A_626, %get3A_643, %add3A_644 : vector<16xi1>, vector<16xf32>
          tpu.vector_store_idx %arg15[%gather3A_588, %add3A_20], %select_n3A_613 masked %ne3A_626 {add = true} : memref<64x64xf32, #tpu.memory_space<vmem>>[vector<16xi32>, vector<16xi32>], vector<16xf32>, vector<16xi1>
          %get3A_646 = arith.index_cast %add3A_630 : i32 to index
          %get3A_647 = arith.constant 48 : index
          %get3A_648 = tpu.vector_load %arg13[%get3A_646, %get3A_647] {strides = array<i32>} : memref<32x64xf32, #tpu.memory_space<vmem>>, vector<16xf32>,
          %add3A_649 = arith.addf %select_n3A_613, %get3A_648 : vector<16xf32>
          %select_n3A_650 = arith.select %ne3A_626, %get3A_648, %add3A_649 : vector<16xi1>, vector<16xf32>
          %broadcast_in_dim3A_651 = arith.constant 14 : i32
          %broadcast_in_dim3A_652 = vector.broadcast %broadcast_in_dim3A_651 : i32 to vector<16xi32>
          %lt3A_653 = arith.constant 0 : i32
          %lt3A_654 = vector.broadcast %lt3A_653 : i32 to vector<16xi32>
          %lt3A_655 = arith.cmpi slt, %broadcast_in_dim3A_652, %lt3A_654 : vector<16xi32>
          %add3A_656 = arith.constant 16 : i32
          %add3A_657 = vector.broadcast %add3A_656 : i32 to vector<16xi32>
          %add3A_658 = arith.addi %broadcast_in_dim3A_652, %add3A_657 : vector<16xi32>
          %select_n3A_659 = arith.select %lt3A_655, %add3A_658, %broadcast_in_dim3A_652 : vector<16xi1>, vector<16xi32>
          %broadcast_in_dim3A_660 = vector.shape_cast %select_n3A_659 : vector<16xi32> to vector<16x1xi32>
          %gather3A_661 = vector.shape_cast %broadcast_in_dim3A_660 : vector<16x1xi32> to vector<16xi32>
          %gather3A_662 = tpu.dynamic_gather %get3A_124[%gather3A_661] in [0] : vector<16xi32>, vector<16xi32> -> vector<16xi32>
          %ne3A_663 = arith.cmpi ne, %gather3A_662, %gather3A_625 : vector<16xi32>
          %mul3A_664 = arith.constant 16 : i32
          %mul3A_665 = arith.muli %scan3A_116, %mul3A_664 : i32
          %add3A_666 = arith.constant 14 : i32
          %add3A_667 = arith.addi %mul3A_665, %add3A_666 : i32
          tpu.vector_store_idx %arg15[%gather3A_625, %add3A_8], %select_n3A_635 masked %ne3A_663 {add = true} : memref<64x64xf32, #tpu.memory_space<vmem>>[vector<16xi32>, vector<16xi32>], vector<16xf32>, vector<16xi1>
          %get3A_668 = arith.index_cast %add3A_667 : i32 to index
          %get3A_669 = arith.constant 0 : index
          %get3A_670 = tpu.vector_load %arg13[%get3A_668, %get3A_669] {strides = array<i32>} : memref<32x64xf32, #tpu.memory_space<vmem>>, vector<16xf32>,
          %add3A_671 = arith.addf %select_n3A_635, %get3A_670 : vector<16xf32>
          %select_n3A_672 = arith.select %ne3A_663, %get3A_670, %add3A_671 : vector<16xi1>, vector<16xf32>
          tpu.vector_store_idx %arg15[%gather3A_625, %add3A_12], %select_n3A_640 masked %ne3A_663 {add = true} : memref<64x64xf32, #tpu.memory_space<vmem>>[vector<16xi32>, vector<16xi32>], vector<16xf32>, vector<16xi1>
          %get3A_673 = arith.index_cast %add3A_667 : i32 to index
          %get3A_674 = arith.constant 16 : index
          %get3A_675 = tpu.vector_load %arg13[%get3A_673, %get3A_674] {strides = array<i32>} : memref<32x64xf32, #tpu.memory_space<vmem>>, vector<16xf32>,
          %add3A_676 = arith.addf %select_n3A_640, %get3A_675 : vector<16xf32>
          %select_n3A_677 = arith.select %ne3A_663, %get3A_675, %add3A_676 : vector<16xi1>, vector<16xf32>
          tpu.vector_store_idx %arg15[%gather3A_625, %add3A_16], %select_n3A_645 masked %ne3A_663 {add = true} : memref<64x64xf32, #tpu.memory_space<vmem>>[vector<16xi32>, vector<16xi32>], vector<16xf32>, vector<16xi1>
          %get3A_678 = arith.index_cast %add3A_667 : i32 to index
          %get3A_679 = arith.constant 32 : index
          %get3A_680 = tpu.vector_load %arg13[%get3A_678, %get3A_679] {strides = array<i32>} : memref<32x64xf32, #tpu.memory_space<vmem>>, vector<16xf32>,
          %add3A_681 = arith.addf %select_n3A_645, %get3A_680 : vector<16xf32>
          %select_n3A_682 = arith.select %ne3A_663, %get3A_680, %add3A_681 : vector<16xi1>, vector<16xf32>
          tpu.vector_store_idx %arg15[%gather3A_625, %add3A_20], %select_n3A_650 masked %ne3A_663 {add = true} : memref<64x64xf32, #tpu.memory_space<vmem>>[vector<16xi32>, vector<16xi32>], vector<16xf32>, vector<16xi1>
          %get3A_683 = arith.index_cast %add3A_667 : i32 to index
          %get3A_684 = arith.constant 48 : index
          %get3A_685 = tpu.vector_load %arg13[%get3A_683, %get3A_684] {strides = array<i32>} : memref<32x64xf32, #tpu.memory_space<vmem>>, vector<16xf32>,
          %add3A_686 = arith.addf %select_n3A_650, %get3A_685 : vector<16xf32>
          %select_n3A_687 = arith.select %ne3A_663, %get3A_685, %add3A_686 : vector<16xi1>, vector<16xf32>
          %broadcast_in_dim3A_688 = arith.constant 15 : i32
          %broadcast_in_dim3A_689 = vector.broadcast %broadcast_in_dim3A_688 : i32 to vector<16xi32>
          %lt3A_690 = arith.constant 0 : i32
          %lt3A_691 = vector.broadcast %lt3A_690 : i32 to vector<16xi32>
          %lt3A_692 = arith.cmpi slt, %broadcast_in_dim3A_689, %lt3A_691 : vector<16xi32>
          %add3A_693 = arith.constant 16 : i32
          %add3A_694 = vector.broadcast %add3A_693 : i32 to vector<16xi32>
          %add3A_695 = arith.addi %broadcast_in_dim3A_689, %add3A_694 : vector<16xi32>
          %select_n3A_696 = arith.select %lt3A_692, %add3A_695, %broadcast_in_dim3A_689 : vector<16xi1>, vector<16xi32>
          %broadcast_in_dim3A_697 = vector.shape_cast %select_n3A_696 : vector<16xi32> to vector<16x1xi32>
          %gather3A_698 = vector.shape_cast %broadcast_in_dim3A_697 : vector<16x1xi32> to vector<16xi32>
          %gather3A_699 = tpu.dynamic_gather %get3A_124[%gather3A_698] in [0] : vector<16xi32>, vector<16xi32> -> vector<16xi32>
          %ne3A_700 = arith.cmpi ne, %gather3A_699, %gather3A_662 : vector<16xi32>
          %mul3A_701 = arith.constant 16 : i32
          %mul3A_702 = arith.muli %scan3A_116, %mul3A_701 : i32
          %add3A_703 = arith.constant 15 : i32
          %add3A_704 = arith.addi %mul3A_702, %add3A_703 : i32
          tpu.vector_store_idx %arg15[%gather3A_662, %add3A_8], %select_n3A_672 masked %ne3A_700 {add = true} : memref<64x64xf32, #tpu.memory_space<vmem>>[vector<16xi32>, vector<16xi32>], vector<16xf32>, vector<16xi1>
          %get3A_705 = arith.index_cast %add3A_704 : i32 to index
          %get3A_706 = arith.constant 0 : index
          %get3A_707 = tpu.vector_load %arg13[%get3A_705, %get3A_706] {strides = array<i32>} : memref<32x64xf32, #tpu.memory_space<vmem>>, vector<16xf32>,
          %add3A_708 = arith.addf %select_n3A_672, %get3A_707 : vector<16xf32>
          %select_n3A_709 = arith.select %ne3A_700, %get3A_707, %add3A_708 : vector<16xi1>, vector<16xf32>
          tpu.vector_store_idx %arg15[%gather3A_662, %add3A_12], %select_n3A_677 masked %ne3A_700 {add = true} : memref<64x64xf32, #tpu.memory_space<vmem>>[vector<16xi32>, vector<16xi32>], vector<16xf32>, vector<16xi1>
          %get3A_710 = arith.index_cast %add3A_704 : i32 to index
          %get3A_711 = arith.constant 16 : index
          %get3A_712 = tpu.vector_load %arg13[%get3A_710, %get3A_711] {strides = array<i32>} : memref<32x64xf32, #tpu.memory_space<vmem>>, vector<16xf32>,
          %add3A_713 = arith.addf %select_n3A_677, %get3A_712 : vector<16xf32>
          %select_n3A_714 = arith.select %ne3A_700, %get3A_712, %add3A_713 : vector<16xi1>, vector<16xf32>
          tpu.vector_store_idx %arg15[%gather3A_662, %add3A_16], %select_n3A_682 masked %ne3A_700 {add = true} : memref<64x64xf32, #tpu.memory_space<vmem>>[vector<16xi32>, vector<16xi32>], vector<16xf32>, vector<16xi1>
          %get3A_715 = arith.index_cast %add3A_704 : i32 to index
          %get3A_716 = arith.constant 32 : index
          %get3A_717 = tpu.vector_load %arg13[%get3A_715, %get3A_716] {strides = array<i32>} : memref<32x64xf32, #tpu.memory_space<vmem>>, vector<16xf32>,
          %add3A_718 = arith.addf %select_n3A_682, %get3A_717 : vector<16xf32>
          %select_n3A_719 = arith.select %ne3A_700, %get3A_717, %add3A_718 : vector<16xi1>, vector<16xf32>
          tpu.vector_store_idx %arg15[%gather3A_662, %add3A_20], %select_n3A_687 masked %ne3A_700 {add = true} : memref<64x64xf32, #tpu.memory_space<vmem>>[vector<16xi32>, vector<16xi32>], vector<16xf32>, vector<16xi1>
          %get3A_720 = arith.index_cast %add3A_704 : i32 to index
          %get3A_721 = arith.constant 48 : index
          %get3A_722 = tpu.vector_load %arg13[%get3A_720, %get3A_721] {strides = array<i32>} : memref<32x64xf32, #tpu.memory_space<vmem>>, vector<16xf32>,
          %add3A_723 = arith.addf %select_n3A_687, %get3A_722 : vector<16xf32>
          %select_n3A_724 = arith.select %ne3A_700, %get3A_722, %add3A_723 : vector<16xi1>, vector<16xf32>
          scf.yield %gather3A_699, %select_n3A_709, %select_n3A_714, %select_n3A_719, %select_n3A_724 : vector<16xi32>, vector<16xf32>, vector<16xf32>, vector<16xf32>, vector<16xf32>
        }
        scf.yield %cond3A_134#0, %cond3A_134#1, %cond3A_134#2, %cond3A_134#3, %cond3A_134#4 : vector<16xi32>, vector<16xf32>, vector<16xf32>, vector<16xf32>, vector<16xf32>
      }
      %scan3A_115 = arith.constant 2 : i32
      tpu.vector_store_idx %arg15[%scan3A_114#0, %add3A_8], %scan3A_114#1 {add = true} : memref<64x64xf32, #tpu.memory_space<vmem>>[vector<16xi32>, vector<16xi32>], vector<16xf32>,
      tpu.vector_store_idx %arg15[%scan3A_114#0, %add3A_12], %scan3A_114#2 {add = true} : memref<64x64xf32, #tpu.memory_space<vmem>>[vector<16xi32>, vector<16xi32>], vector<16xf32>,
      tpu.vector_store_idx %arg15[%scan3A_114#0, %add3A_16], %scan3A_114#3 {add = true} : memref<64x64xf32, #tpu.memory_space<vmem>>[vector<16xi32>, vector<16xi32>], vector<16xf32>,
      tpu.vector_store_idx %arg15[%scan3A_114#0, %add3A_20], %scan3A_114#4 {add = true} : memref<64x64xf32, #tpu.memory_space<vmem>>[vector<16xi32>, vector<16xi32>], vector<16xf32>,
    } else {
    }
    %barrier3A_94 = arith.constant 0 : index
    tpu.barrier barrier_id(%barrier3A_94)
    %dma_start3A_95 = arith.constant 0 : i32
    %dma_start3A_96 = arith.constant 0 : i32
    %dma_start3A_97 = tpu.memref_slice %arg17[%dma_start3A_95, %dma_start3A_96] : memref<64x64xf32, #tpu.memory_space<vmem_shared>> -> memref<64x64xf32, #tpu.memory_space<vmem_shared>>
    tpu.enqueue_indirect_dma source(%arg15 : memref<64x64xf32, #tpu.memory_space<vmem>>) target(%dma_start3A_97 : memref<64x64xf32, #tpu.memory_space<vmem_shared>>) offsets(%arg16 : memref<64xi32, #tpu.memory_space<vmem>>) semaphore(%arg20 : memref<!tpu.dma_semaphore, #tpu.memory_space<semaphore_mem>>) {add = true}
    %dma_wait3A = arith.constant 0 : i32
    %dma_wait3A_98 = arith.constant 0 : i32
    %dma_wait3A_99 = tpu.memref_slice %arg17[%dma_wait3A, %dma_wait3A_98] : memref<64x64xf32, #tpu.memory_space<vmem_shared>> -> memref<64x64xf32, #tpu.memory_space<vmem_shared>>
    tpu.wait_indirect_dma semaphore(%arg20 : memref<!tpu.dma_semaphore, #tpu.memory_space<semaphore_mem>>) src(%arg15 : memref<64x64xf32, #tpu.memory_space<vmem>>) dst(%dma_wait3A_99 : memref<64x64xf32, #tpu.memory_space<vmem_shared>>)
    %barrier3A_100 = arith.constant 0 : index
    tpu.barrier barrier_id(%barrier3A_100)
    %eq3A_101 = arith.constant 0 : i32
    %eq3A_102 = arith.cmpi eq, %arg1, %eq3A_101 : i32
    %convert_element_type3A_103 = arith.extui %eq3A_102 : i1 to i32
    %cond3A_104 = arith.constant 0 : i32
    %cond3A_105 = arith.cmpi ne, %convert_element_type3A_103, %cond3A_104 : i32
    scf.if %cond3A_105 {
      "tpu.region"() ({
        %run_scoped3A = tpu.sem_alloc : memref<!tpu.dma_semaphore, #tpu.memory_space<semaphore_mem>>
        %dma_start3A_106 = arith.constant 0 : i32
        %dma_start3A_107 = tpu.memref_slice %arg4[%dma_start3A_106, %mul3A_0] : memref<64x128xf32, #tpu.memory_space<hbm>> -> memref<64x64xf32, #tpu.memory_space<hbm>>
        tpu.enqueue_dma source(%arg17 : memref<64x64xf32, #tpu.memory_space<vmem_shared>>) target(%dma_start3A_107 : memref<64x64xf32, #tpu.memory_space<hbm>>) target_semaphore(%run_scoped3A : memref<!tpu.dma_semaphore, #tpu.memory_space<semaphore_mem>>)
        %dma_wait3A_108 = arith.constant 0 : i32
        %dma_wait3A_109 = tpu.memref_slice %arg4[%dma_wait3A_108, %mul3A_0] : memref<64x128xf32, #tpu.memory_space<hbm>> -> memref<64x64xf32, #tpu.memory_space<hbm>>
        tpu.wait_dma2 semaphore(%run_scoped3A : memref<!tpu.dma_semaphore, #tpu.memory_space<semaphore_mem>>) src(%arg17 : memref<64x64xf32, #tpu.memory_space<vmem_shared>>) dst(%dma_wait3A_109 : memref<64x64xf32, #tpu.memory_space<hbm>>)
        tpu.yield
      }) : () -> ()
    } else {
    }
    return
  }
}

</mosaic_0001>

<sc_bundles>
// kernel: kernel.3.cloned.1.call-start
scs
__scs_entry_jumppad:
0x0: {  	(pc) =	sbr.rel $0x88, $3  }
0x1: {  	(tag) =	ssettag $0x0;
	lr =	simm.s32 $0x1  }
0x2: {  	[smem:$0x3F9F] =	sst lr;
	_ =	strace $0xD0000000  }
0x3: {  	_ = 	snop  }
0x4: {  	_ = 	snop  }
0x5: {  	_ = 	snop  }
0x6: {  	_ = 	snop  }
0x7: {  	_ = 	snop  }
__scs_overlays_trampoline_lowered:
0x8: {  	[smem:$0x3FAE] =	sst s0  }
0x9: {  	[smem:$0x3FAF] =	sst s1  }
0xa: {  	[smem:$0x3FB0] =	sst s2  }
0xb: {  	[smem:$0x3FB1] =	sst s3  }
0xc: {  	[smem:$0x3FB2] =	sst s4  }
0xd: {  	[smem:$0x3FB3] =	sst s5  }
0xe: {  	[smem:$0x3FB4] =	sst s6  }
0xf: {  	[smem:$0x3FB5] =	sst s7  }
0x10: {  	[smem:$0x3FB6] =	sst s8  }
0x11: {  	[smem:$0x3FB7] =	sst s9;
	s0 =	simm.s32 @!p0 $0x0  }
0x12: {  	s1 =	sld [smem:$0x3F9D];
	s0 =	simm.s32 @p0 $0x1  }
0x13: {  	[smem:$0x3FB8] =	sst s0;
	s0 =	simm.s32 @!p1 $0x0  }
0x14: {  	s2 =	sld [smem:$0x3F9C];
	s0 =	simm.s32 @p1 $0x1  }
0x15: {  	[smem:$0x3FB9] =	sst s0;
	s0 =	simm.s32 @!p2 $0x0  }
0x16: {  	s3 =	sld [smem:$0x3FDB];
	s0 =	simm.s32 @p2 $0x1  }
0x17: {  	s4 =	simm.s32 $0x1BF5;
	[smem:$0x3FBB] =	sst s0  }
0x18: {  	s0 =	sld [smem:$0x3F9E];
	_ =	swait.ge [sflag:s4], $0x0  }
0x19: {  	s7 =	sld [smem:$0x3F9F]  }
0x1a: {  	s8 =	sadd.s32 $0xFFFFE003, lr  }
0x1b: {  	s9 =	sadd.s32 $0xFFFFFEF7, lr;
	s5 =	simm.s32 $0xFFFFFFFF;
	p2 =	slt.u32 s8, $0xFFFFF086  }
0x1c: {  	p1 =	slt.u32 s9, $0xF7A;
	s5 =	simm.s32 @!p2 $0x0  }
0x1d: {  	s5 =	simm.s32 @p1 $0x1;
	p0 =	seq.s32 s7, s2  }
0x1e: {  	s7 =	smul.u32 @!p0 $0xF7A, s2;
	p2 =	seq.s32 @!p0 s5, $0x0  }
0x1f: {  	s9 =	smul.u32 $0xF7A, s1;
	s8 =	simm.s32 @!p0 $0x1BF5;
	p2 =	por !p2, p0  }
0x20: {  	[sflag:s8] =	ssyncset.s32 @!p0 $0xFFFFF086;
	s6 =	sadd.s32 @!p0 s3, s7;
	s7 =	simm.s32 @!p0 $0x108  }
0x21: {  	s3 =	sadd.s32 s3, s9;
	s6 =	sadd.s32 @!p0 $0x88, s6;
	s7 =	simm.s32 @p2 $0x1082  }
0x22: {  	[simem:s7], [sflag:s8] =	dma.local @!p0 [hbm:s6], $0xF7A  }
0x23: {  	s9 =	sor.u32 $0xD0000000, s2;
	s6 =	simm.s32 $0x108;
	_ =	swait.ge @!p0 [sflag:s8], $0x0  }
0x24: {  	s3 =	sadd.s32 $0x88, s3;
	s6 =	simm.s32 @!p1 $0x1082;
	[sflag:s4] =	ssyncset.s32 $0xFFFFF086  }
0x25: {  	[simem:s6], [sflag:s4] =	dma.local [hbm:s3], $0xF7A  }
0x26: {  	[smem:$0x3F9F] =	sst s1;
	(tag) =	ssettag s2;
	_ =	strace s9  }
0x27: {  	s1 =	sld [smem:$0x3FAF]  }
0x28: {  	s2 =	sld [smem:$0x3FB0]  }
0x29: {  	s4 =	sld [smem:$0x3FB2]  }
0x2a: {  	p0 =	seq.s32 s5, $0x0;
	s5 =	sld [smem:$0x3FB3]  }
0x2b: {  	s6 =	sld [smem:$0x3FB4]  }
0x2c: {  	s7 =	sld [smem:$0x3FB5]  }
0x2d: {  	s3 =	simm.s32 $0x108;
	s8 =	sld [smem:$0x3FB6]  }
0x2e: {  	s3 =	simm.s32 @!p0 $0x1082;
	s9 =	sld [smem:$0x3FB7]  }
0x2f: {  	lr =	sadd.s32 s0, s3;
	s0 =	sld [smem:$0x3FAE]  }
0x30: {  	s3 =	sld [smem:$0x3FB1]  }
0x31: {  	[smem:$0x3FBA] =	sst s10  }
0x32: {  	s10 =	sld [smem:$0x3FB8];
	_ =	sdelay $0x3  }
0x33: {  	p0 =	seq.s32 s10, $0x1;
	s10 =	sld [smem:$0x3FBA];
	_ =	sdelay $0x3  }
0x34: {  	[smem:$0x3FBA] =	sst s10  }
0x35: {  	s10 =	sld [smem:$0x3FB9];
	_ =	sdelay $0x3  }
0x36: {  	p1 =	seq.s32 s10, $0x1;
	s10 =	sld [smem:$0x3FBA];
	_ =	sdelay $0x3  }
0x37: {  	[smem:$0x3FBA] =	sst s10  }
0x38: {  	s10 =	sld [smem:$0x3FBB]  }
0x39: {  	_ = 	snop;
	(pc) =	sbr.ind lr, $3  }
0x3a: {  	_ = 	snop  }
0x3b: {  	_ = 	snop  }
0x3c: {  	p2 =	seq.s32 s10, $0x1;
	s10 =	sld [smem:$0x3FBA]  }
0x3d: {  	_ =	shalt  }
0x3e: {  	_ =	shalt  }
0x3f: {  	_ =	shalt  }
0x40: {  	_ =	shalt  }
0x41: {  	_ =	shalt  }
0x42: {  	_ =	shalt  }
0x43: {  	_ =	shalt  }
0x44: {  	_ =	shalt  }
0x45: {  	_ =	shalt  }
0x46: {  	_ =	shalt  }
0x47: {  	_ =	shalt  }
0x48: {  	_ =	shalt  }
0x49: {  	_ =	shalt  }
0x4a: {  	_ =	shalt  }
0x4b: {  	_ =	shalt  }
0x4c: {  	_ =	shalt  }
0x4d: {  	_ =	shalt  }
0x4e: {  	_ =	shalt  }
0x4f: {  	_ =	shalt  }
0x50: {  	_ =	shalt  }
0x51: {  	_ =	shalt  }
0x52: {  	_ =	shalt  }
0x53: {  	_ =	shalt  }
0x54: {  	_ =	shalt  }
0x55: {  	_ =	shalt  }
0x56: {  	_ =	shalt  }
0x57: {  	_ =	shalt  }
0x58: {  	_ =	shalt  }
0x59: {  	_ =	shalt  }
0x5a: {  	_ =	shalt  }
0x5b: {  	_ =	shalt  }
0x5c: {  	_ =	shalt  }
0x5d: {  	_ =	shalt  }
0x5e: {  	_ =	shalt  }
0x5f: {  	_ =	shalt  }
0x60: {  	_ =	shalt  }
0x61: {  	_ =	shalt  }
0x62: {  	_ =	shalt  }
0x63: {  	_ =	shalt  }
0x64: {  	_ =	shalt  }
0x65: {  	_ =	shalt  }
0x66: {  	_ =	shalt  }
0x67: {  	_ =	shalt  }
0x68: {  	_ =	shalt  }
0x69: {  	_ =	shalt  }
0x6a: {  	_ =	shalt  }
0x6b: {  	_ =	shalt  }
0x6c: {  	_ =	shalt  }
0x6d: {  	_ =	shalt  }
0x6e: {  	_ =	shalt  }
0x6f: {  	_ =	shalt  }
0x70: {  	_ =	shalt  }
0x71: {  	_ =	shalt  }
0x72: {  	_ =	shalt  }
0x73: {  	_ =	shalt  }
0x74: {  	_ =	shalt  }
0x75: {  	_ =	shalt  }
0x76: {  	_ =	shalt  }
0x77: {  	_ =	shalt  }
0x78: {  	_ =	shalt  }
0x79: {  	_ =	shalt  }
0x7a: {  	_ =	shalt  }
0x7b: {  	_ =	shalt  }
0x7c: {  	_ =	shalt  }
0x7d: {  	_ =	shalt  }
0x7e: {  	_ =	shalt  }
0x7f: {  	_ =	shalt  }
0x80: {  	_ =	shalt  }
0x81: {  	_ =	shalt  }
0x82: {  	_ =	shalt  }
0x83: {  	_ =	shalt  }
0x84: {  	_ =	shalt  }
0x85: {  	_ =	shalt  }
0x86: {  	_ =	shalt  }
0x87: {  	_ =	shalt  }
.Lfunc_end0:
.L_simem_size_0:
called_computation_lowered:
.L_overlay_start_0:
0x88: {  	s2 =	sld [smem:$0x3FD9]  }
0x89: {  	s3 =	sld [smem:$0x3FFE];
	_ =	sdelay $0x1  }
0x8a: {  	s1 =	srdreg.scid  }
0x8b: {  	s0 =	sand.u32 $0x1, s1  }
0x8c: {  	s18 =	sshll.u32 s0, $0xA;
	s2 =	sadd.s32 s3, s2  }
0x8d: {  	s2 =	sadd.s32 s2, s18  }
0x8e: {  	[smem:$0x3FC6] =	sst s2  }
0x8f: {  	_ = 	snop  }
0x90: {  	s2 =	sld [smem:$0x3FC9]  }
0x91: {  	s19 =	sld [smem:$0x3FC8]  }
0x92: {  	s4 =	sld [smem:$0x3FD0];
	(tm) =	ssettm $0x1  }
0x93: {  	s5 =	sld [smem:$0x3FFB];
	_ =	sdelay $0x3  }
0x94: {  	_ =	strace s5  }
0x95: {  	s5 =	sld [smem:$0x3FFC];
	_ =	sdelay $0x3  }
0x96: {  	_ =	strace s5  }
0x97: {  	s5 =	sld [smem:$0x3FFD];
	_ =	sdelay $0x3  }
0x98: {  	_ =	strace s5  }
0x99: {  	_ =	strace $0x8FFFFFFF  }
0x9a: {  	s20 =	sld [smem:$0x3FDB];
	_ =	sdelay $0x1  }
0x9b: {  	s6 =	simm.s32 $_scs_section_size  }
0x9c: {  	s7 =	simm.s32 $_size__tile_overlayer_lowered;
	s8 =	simm.s32 $_tile_overlayer_lowered  }
0x9d: {  	s23 =	simm.s32 $0x1BFF;
	s22 =	sshll.u32 s8, $0x1;
	s5 =	sadd.s32 s6, s20  }
0x9e: {  	s9 =	simm.s32 $0x0;
	s21 =	sshll.u32 s7, $0x1;
	s7 =	sadd.s32 s22, s5  }
0x9f: {  	[timem:s9], [sflag:s23] =	dma.local [hbm:s7], s21  }
0xa0: {  	_ =	swait.ge [sflag:s23], s21  }
0xa1: {  	s6 =	ssub.s32 $0x0, s21;
	[sflag:s23] =	ssyncset.done $0x0  }
0xa2: {  	[sflag:s23] =	ssyncadd.s32 s6;
	_ =	sdelay $0x1  }
0xa3: {  	s24 =	simm.s32 $0x1B8B  }
0xa4: {  	_ =	swait.ge [sflag:s24], $0x1  }
0xa5: {  	[sflag:s24] =	ssyncset.done $0x0  }
0xa6: {  	s25 =	simm.s32 $0x1B8E;
	[sflag:s24] =	ssyncadd.s32 $0xFFFFFFFF  }
0xa7: {  	s26 =	simm.s32 $execute0_lowered;
	[smem:$0x3FD2] =	sst s25  }
0xa8: {  	s6 =	sshll.u32 s26, $0x1;
	_ =	strace $0x80000046;
	[dreg:$0x1] =	wrdreg $0xFFFFFFFF  }
0xa9: {  	s28 =	simm.s32 $_size_execute0_lowered;
	s5 =	sadd.s32 s5, s6;
	[dreg:$0x0] =	wrdreg $0x0  }
0xaa: {  	s6 =	sshll.u32 s28, $0x1;
	[dreg:$0x2] =	wrdreg s5  }
0xab: {  	[dreg:$0x3] =	wrdreg s6  }
0xac: {  	[dreg:$0x4] =	wrdreg $0xC0  }
0xad: {  	_ =	task [dreg:s9], $0x5FFFF  }
0xae: {  	[dreg:$0x1] =	wrdreg $0xFFFFFFFF  }
0xaf: {  	[dreg:$0x0] =	wrdreg $0x60  }
0xb0: {  	[dreg:$0x2] =	wrdreg s2  }
0xb1: {  	[dreg:$0x3] =	wrdreg s19  }
0xb2: {  	[dreg:$0x4] =	wrdreg s4  }
0xb3: {  	[dreg:$0x5] =	wrdreg $0x13D600  }
0xb4: {  	[dreg:$0x6] =	wrdreg $0x9  }
0xb5: {  	_ =	task.clear_ibuf [dreg:s9], $0x7FFFF;
	_ =	strace $0x90000046  }
0xb6: {  	s29 =	simm.s32 $0x9;
	_ =	strace $0x80000048  }
0xb7: {  	_ =	swait.ge [sflag:s29], $0x1  }
0xb8: {  	[sflag:s29] =	ssyncadd.s32 $0xFFFFFFFF  }
0xb9: {  	_ =	strace $0x90000048  }
0xba: {  	_ =	sfence  }
0xbb: {  	s30 =	sld [smem:$0x0];
	_ =	sdelay $0x2  }
0xbc: {  	s31 =	sshll.u32 s1, $0xD;
	s1 =	sshrl.u32 s1, $0x2  }
0xbd: {  	s3 =	sand.u32 $0x4000, s31;
	s1 =	sadd.s32 s1, s30  }
0xbe: {  	s0 =	sor.u32 s3, s0;
	s1 =	sshll.u32 s1, $0x11  }
0xbf: {  	s0 =	sor.u32 s1, s0  }
0xc0: {  	s0 =	sadd.s32 $0x8F2B, s0  }
0xc1: {  	[sflag:s0] =	ssyncadd.remote.s32 $0x1  }
0xc2: {  	_ =	sfence.sel $0xFFFF  }
0xc3: {  	[dreg:$0x0] =	wrdreg $0xFFFFFFFF;
	(pc) =	sbr.abs _section_cstart, $3  }
0xc4: {  	[dreg:$0x1] =	wrdreg $0xFFFFFFFF  }
0xc5: {  	_ =	task.clear_ibuf [dreg:s9], $0x2FFFF;
	_ =	strace $0x9FFFFFFF  }
0xc6: {  	(tm) =	ssettm $0x7FFFFFFF  }
0xc7: {  	_ =	shalt  }
tec
execute0_lowered:
.L_overlay_start_1:
0x0: {  	(tag) =	ssettag $0x1  }
0x1: {  	s1 =	rddreg [dreg:$0x0]  }
0x2: {  	s2 =	rddreg [dreg:$0x1]  }
0x3: {  	s0 =	rddreg [dreg:$0x2]  }
0x4: {  	s3 =	rddreg [dreg:$0x3];
	s12 =	stileid.u32;
	s4 =	simm.s32 $0x0  }
0x5: {  	s5 =	srdreg.scid;
	s28 =	simm.s32 $0x2;
	s29 =	simm.s32 $0x12D20  }
0x6: {  	s31 =	simm.s32 $0x5;
	s6 =	smul.u32 $0x30, s12;
	[smem:$0x7FF] =	sst s4  }
0x7: {  	s13 =	sand.u32 $0x1, s5;
	s17 =	smin.u32 s12, $0xD;
	s30 =	sadd.s32 $0x30D0, s2  }
0x8: {  	p0 =	sne.s32 s12, $0x0;
	p1 =	sgt.u32 s12, $0xC;
	p2 =	sne.s32 s12, $0xF  }
0x9: {  	_ =	strace $0x80000047;
	s7 =	ssub.s32 $0x2, s13;
	s5 =	sshll.u32 s13, $0x6  }
0xa: {  	s13 =	sshll.u32 s13, $0x3;
	[dreg:$0xa] =	wrdreg s30;
	s8 =	sor.u32 s17, s6  }
0xb: {  	s9 =	sshrl.u32 s7, $0x1;
	s24 =	sadd.s32 s13, s1;
	s11 =	sshll.u32 s8, $0x7  }
0xc: {  	s6 =	sshll.u32 s8, $0xE;
	s14 =	ssub.s32 s7, s9;
	s8 =	sshll.u32 s8, $0x4  }
0xd: {  	s26 =	sadd.s32 $0x186800, s24;
	s24 =	simm.s32 $0x10440;
	s6 =	sor.u32 s5, s6  }
0xe: {  	s10 =	sadd.s32 $0x200, s11;
	s7 =	sadd.s32 s2, s8;
	s15 =	sadd.s32 $0x1800, s11  }
0xf: {  	[dreg:$0x9] =	wrdreg s26;
	s17 =	smax.u32 s14, $0x1;
	s26 =	simm.s32 $0x4  }
0x10: {  	s6 =	sshrl.u32 s6, $0x3;
	s18 =	sshll.u32 s10, $0x7;
	s22 =	sshrl.u32 s10, $0x3  }
0x11: {  	s16 =	sshll.u32 s15, $0x7;
	s10 =	sadd.s32 $0x400, s11;
	s11 =	sadd.s32 $0x600, s11  }
0x12: {  	s15 =	sshrl.u32 s15, $0x3;
	s6 =	sadd.s32 s1, s6;
	s19 =	sor.u32 s5, s18  }
0x13: {  	s9 =	sadd.s32 s2, s22;
	s16 =	sor.u32 s5, s16;
	s25 =	sadd.s32 s2, s15  }
0x14: {  	s18 =	simm.s32 $0x40;
	s22 =	simm.s32 $0x8000;
	[dreg:$0x5] =	wrdreg s6  }
.Ltmp0:
0x15: {  	v0 =	vlaneseq.u32;
	v1 =	vimm.f32 $0.0e+00;
	s20 =	sshrl.u32 s19, $0x3;
	s16 =	sshrl.u32 s16, $0x3;
	(pc) =	sbr.rel .LBB2_1-.Ltmp0, $4  }
0x16: {  	v5 =	vimm.s32 $0x0;
	v13 =	vimm.s32 $0x8;
	v14 =	vimm.s32 $0x9;
	[dreg:$0x8] =	wrdreg s25;
	s19 =	simm.s32 $0x80;
	s25 =	simm.s32 $0x1  }
0x17: {  	v15 =	vimm.s32 $0xA;
	v16 =	vimm.s32 $0xB;
	v17 =	vimm.s32 $0xC;
	s21 =	sadd.s32 s1, s20;
	s23 =	sadd.s32 s1, s16;
	s16 =	sadd.s32 s0, s13  }
0x18: {  	v18 =	vimm.s32 $0xD;
	v19 =	vimm.s32 $0xE;
	v20 =	vimm.s32 $0xF;
	s0 =	simm.s32 $0x3;
	s20 =	simm.s32 $0x0;
	[dreg:$0x6] =	wrdreg s21  }
0x19: {  	v2 =	vor.u32 $0x10, v0;
	v3 =	vor.u32 $0x20, v0;
	v4 =	vor.u32 $0x30, v0;
	[dreg:$0x7] =	wrdreg s23;
	s21 =	simm.s32 $0x10400;
	s23 =	simm.s32 $0x10200  }
.LBB2_29:
0x1a: {  	v6 =	vshll.u32 v23, $0x6  }
0x1b: {  	v7 =	vor.u32 v0, v6  }
0x1c: {  	v8 =	vor.u32 v2, v6  }
0x1d: {  	v9 =	vor.u32 v3, v6  }
0x1e: {  	v6 =	vor.u32 v4, v6;
	_ =	sdelay $0x1  }
0x1f: {  	[tilespmem:v7+s29+$0x0] =	vst.idx.add.f32.msk $0xffff, v26  }
0x20: {  	[tilespmem:v8+s29+$0x0] =	vst.idx.add.f32.msk $0xffff, v25  }
0x21: {  	[tilespmem:v9+s29+$0x0] =	vst.idx.add.f32.msk $0xffff, v24  }
0x22: {  	[tilespmem:v6+s29+$0x0] =	vst.idx.add.f32.msk $0xffff, v22  }
.LBB2_30:
0x23: {  	[bflag:$0x0] =	sbarrier.arrive $0xFFFF;
	s6 =	simm.s32 $0x13D20  }
0x24: {  	[spmem:s3] =	stream.indirect.scatter.add.f32 [tilespmem:s29], [sflag:$0x3], $0x40, s6, s18, $0xb8;
	[tilespmem:$0x13E60] =	vst v63  }
0x25: {  	s8 =	simm.s32 @!p0 $0x1;
	_ =	swait.ge [sflag:s0], $0x1000  }
0x26: {  	s12 =	simm.s32 @!p0 $0x10;
	s13 =	simm.s32 @!p0 $0x8;
	[sflag:s0] =	ssyncset.done $0x0  }
0x27: {  	s14 =	simm.s32 @!p0 $0x1C05;
	s20 =	sadd.s32 $0x1, s20;
	[sflag:s0] =	ssyncadd.s32 $0xFFFFF000  }
0x28: {  	s6 =	sshrl.u32 @!p0 s3, $0x3;
	p3 =	sne.s32 s20, s17;
	[bflag:$0x0] =	sbarrier.arrive $0xFFFF  }
0x29: {  	[hbm:s16@s12], [sflag:s14] =	dma.strided @!p0 [spmem:s6@s13], $0x200, s8, $0x8   }
.Ltmp1:
0x2a: {  	_ = 	snop;
	(pc) =	sbr.rel @!p3 .LBB2_31-.Ltmp1, $4  }
0x2b: {  	s6 =	simm.s32 @!p0 $0x5  }
0x2c: {  	_ =	swait.ge @!p0 [sflag:s6], $0x200  }
0x2d: {  	[sflag:s6] =	ssyncset.done @!p0 $0x0  }
0x2e: {  	[sflag:s6] =	ssyncadd.s32 @!p0 $0xFFFFFE00  }
.LBB2_1:
0x2f: {  	s6 =	rddreg [dreg:$0x5]  }
0x30: {  	[tilespmem:s4], [sflag:$0x1] =	stream.strided.gather [hbm4b:s6+s18], $0x8000, s19, s18, $0x38;
	[tilespmem:$0x13E60] =	vst v63  }
0x31: {  	s15 =	simm.s32 $0x10000  }
0x32: {  	[tilespmem:s15], [sflag:$0x1] =	stream.linear.gather [hbm4b:s7+s4], $0x200, $0x38;
	[tilespmem:$0x13E60] =	vst v63  }
0x33: {  	_ = 	snop  }
0x34: {  	[tilespmem:s21], [sflag:$0x1] =	stream.linear.gather [hbm4b:s7+s4], $0x40, $0x38;
	[tilespmem:$0x13E60] =	vst v63  }
0x35: {  	s30 =	rddreg [dreg:$0x6]  }
0x36: {  	[tilespmem:s22], [sflag:$0x2] =	stream.strided.gather [hbm4b:s30+s18], $0x8000, s19, s18, $0x38;
	[tilespmem:$0x13E60] =	vst v63  }
0x37: {  	_ = 	snop  }
0x38: {  	[tilespmem:s23], [sflag:$0x2] =	stream.linear.gather [hbm4b:s9+s4], $0x200, $0x38;
	[tilespmem:$0x13E60] =	vst v63  }
0x39: {  	s13 =	simm.s32 $0x100;
	s12 =	simm.s32 $0x0  }
0x3a: {  	[tilespmem:s24], [sflag:$0x2] =	stream.linear.gather [hbm4b:s9+s4], $0x40, $0x38;
	[tilespmem:$0x13E60] =	vst v63  }
.LBB2_2:
0x3b: {  	p3 =	sne.s32 s13, $0x3F00;
	[tilespmem:s12+$0x12D50] =	vst v1;
	s14 =	smov.u32 s13;
	s13 =	sadd.s32 $0x100, s13  }
.Ltmp2:
0x3c: {  	[tilespmem:s12+$0x12D40] =	vst v1;
	(pc) =	sbr.rel @p3 .LBB2_2-.Ltmp2, $3  }
0x3d: {  	[tilespmem:s12+$0x12D20] =	vst v1  }
0x3e: {  	[tilespmem:s12+$0x12D30] =	vst v1;
	_ =	sdelay $0x1  }
0x3f: {  	s12 =	sshra.s32 s14, $0x2  }
0x40: {  	[tilespmem:s12+$0x12D50] =	vst v1  }
0x41: {  	[tilespmem:s12+$0x12D40] =	vst v1  }
0x42: {  	[tilespmem:s12+$0x12D20] =	vst v1  }
0x43: {  	[tilespmem:s12+$0x12D30] =	vst v1;
	s12 =	simm.s32 @!p0 $0x12D20  }
0x44: {  	[spmem:s3] =	stream.linear.scatter @!p0 [tilespmem:s12], [sflag:$0x5], $0x1000, $0x38;
	[tilespmem:$0x13E60] =	vst v63  }
0x45: {  	s12 =	simm.s32 @!p0 $0x5  }
0x46: {  	_ =	swait.ge @!p0 [sflag:s12], $0x1000  }
0x47: {  	[sflag:s12] =	ssyncset.done @!p0 $0x0  }
0x48: {  	[sflag:s12] =	ssyncadd.s32 @!p0 $0xFFFFF000  }
0x49: {  	[tilespmem:$0x13D20] =	vst v0  }
0x4a: {  	[tilespmem:$0x13D30] =	vst v2  }
0x4b: {  	[tilespmem:$0x13D40] =	vst v3  }
0x4c: {  	v21 =	vimm.s32 $0x0;
	v22 =	vimm.f32 $0.0e+00;
	[tilespmem:$0x13D50] =	vst v4  }
0x4d: {  	s30 =	simm.s32 $0x0;
	v23 =	vimm.f32 $0.0e+00;
	v24 =	vimm.f32 $0.0e+00;
	v25 =	vimm.f32 $0.0e+00;
	[bflag:$0x0] =	sbarrier.arrive $0xFFFF  }
.LBB2_4:
0x4e: {  	_ =	swait.ge [sflag:s25], $0x8000  }
0x4f: {  	[sflag:s25] =	ssyncset.done $0x0  }
0x50: {  	[sflag:s25] =	ssyncadd.s32 $0xFFFF8000  }
0x51: {  	_ =	swait.ge [sflag:s25], $0x200  }
0x52: {  	[sflag:s25] =	ssyncset.done $0x0  }
.Ltmp3:
0x53: {  	[sflag:s25] =	ssyncadd.s32 $0xFFFFFE00;
	(pc) =	sbr.rel .LBB2_5-.Ltmp3, $4  }
0x54: {  	_ =	swait.ge [sflag:s25], $0x40  }
0x55: {  	[sflag:s25] =	ssyncset.done $0x0  }
0x56: {  	s12 =	simm.s32 $0x100;
	s13 =	simm.s32 $0x13F0;
	[sflag:s25] =	ssyncadd.s32 $0xFFFFFFC0  }
0x57: {  	[spmem:s3] =	stream.indirect.scatter.add.f32 [tilespmem:s4], [sflag:$0x4], $0x40, s21, s18, $0xb8;
	[tilespmem:$0x13E60] =	vst v63  }
.LBB2_7:
0x58: {  	v6 =	vperm.xlane v26, v5;
	_ =	sdelay $0x1  }
0x59: {  	v7 =	vshll.u32 v21, $0x6;
	vm1 =	vne.s32 v6, v21  }
0x5a: {  	v8 =	vor.u32 v0, v7;
	_ =	sdelay $0x1  }
0x5b: {  	v9 =	vor.u32 v2, v7;
	_ =	sdelay $0x1  }
0x5c: {  	v10 =	vor.u32 v3, v7  }
0x5d: {  	[tilespmem:v8+s29+$0x0] =	vst.idx.add.f32.msk vm1, v25  }
0x5e: {  	v11 =	vimm.s32 $0x1;
	v8 =	vld [tilespmem:s13+$0xFFFFFC10]  }
0x5f: {  	v11 =	vperm.xlane v26, v11;
	[tilespmem:v9+s29+$0x0] =	vst.idx.add.f32.msk vm1, v24  }
0x60: {  	v7 =	vor.u32 v4, v7;
	v9 =	vld [tilespmem:s13+$0xFFFFFC20]  }
0x61: {  	vm2 =	vne.s32 v11, v6;
	v6 =	vshll.u32 v6, $0x6;
	[tilespmem:v10+s29+$0x0] =	vst.idx.add.f32.msk vm1, v23  }
0x62: {  	v32 =	vor.u32 v0, v6;
	v12 =	vld [tilespmem:s13+$0xFFFFFC30];
	_ =	sdelay $0x1  }
0x63: {  	v21 =	vadd.f32 v8, v25;
	v25 =	vor.u32 v2, v6  }
0x64: {  	[tilespmem:v7+s29+$0x0] =	vst.idx.add.f32.msk vm1, v22  }
0x65: {  	v33 =	vadd.f32 v9, v24;
	v24 =	vor.u32 v3, v6;
	v7 =	vsel vm1, v8, v21;
	v21 =	vld [tilespmem:s13+$0xFFFFFC40]  }
0x66: {  	v34 =	vadd.f32 v12, v23;
	v23 =	vimm.s32 $0x2;
	[tilespmem:v32+s29+$0x0] =	vst.idx.add.f32.msk vm2, v7  }
0x67: {  	v8 =	vsel vm1, v9, v33;
	v23 =	vperm.xlane v26, v23;
	v10 =	vld [tilespmem:s13+$0xFFFFFC50]  }
0x68: {  	v6 =	vor.u32 v4, v6;
	[tilespmem:v25+s29+$0x0] =	vst.idx.add.f32.msk vm2, v8  }
0x69: {  	v9 =	vsel vm1, v12, v34;
	vm0 =	vne.s32 v23, v11;
	v11 =	vshll.u32 v11, $0x6;
	v12 =	vld [tilespmem:s13+$0xFFFFFC60]  }
0x6a: {  	[tilespmem:v24+s29+$0x0] =	vst.idx.add.f32.msk vm2, v9;
	v24 =	vor.u32 v0, v11;
	v22 =	vadd.f32 v21, v22;
	_ =	sdelay $0x1  }
0x6b: {  	v25 =	vld [tilespmem:s13+$0xFFFFFC70];
	v21 =	vsel vm1, v21, v22;
	v7 =	vadd.f32 v10, v7;
	v22 =	vor.u32 v2, v11  }
0x6c: {  	[tilespmem:v6+s29+$0x0] =	vst.idx.add.f32.msk vm2, v21  }
0x6d: {  	v6 =	vsel vm2, v10, v7;
	v7 =	vadd.f32 v12, v8;
	v35 =	vld [tilespmem:s13+$0xFFFFFC80]  }
0x6e: {  	v36 =	vor.u32 v3, v11;
	[tilespmem:v24+s29+$0x0] =	vst.idx.add.f32.msk vm0, v6;
	v24 =	vimm.s32 $0x3  }
0x6f: {  	v7 =	vsel vm2, v12, v7;
	v12 =	vld [tilespmem:s13+$0xFFFFFC90];
	v24 =	vperm.xlane v26, v24  }
0x70: {  	v11 =	vor.u32 v4, v11;
	v9 =	vadd.f32 v25, v9;
	[tilespmem:v22+s29+$0x0] =	vst.idx.add.f32.msk vm0, v7  }
0x71: {  	v22 =	vld [tilespmem:s13+$0xFFFFFCA0];
	vm15 =	vne.s32 v24, v23;
	v23 =	vshll.u32 v23, $0x6  }
0x72: {  	v9 =	vsel vm2, v25, v9;
	v21 =	vadd.f32 v35, v21;
	v37 =	vor.u32 v0, v23  }
0x73: {  	[tilespmem:v36+s29+$0x0] =	vst.idx.add.f32.msk vm0, v9  }
0x74: {  	v25 =	vld [tilespmem:s13+$0xFFFFFCB0];
	v8 =	vsel vm2, v35, v21;
	v6 =	vadd.f32 v12, v6;
	v21 =	vor.u32 v2, v23  }
0x75: {  	[tilespmem:v11+s29+$0x0] =	vst.idx.add.f32.msk vm0, v8  }
0x76: {  	v6 =	vsel vm0, v12, v6;
	v7 =	vadd.f32 v22, v7;
	v11 =	vld [tilespmem:s13+$0xFFFFFCC0]  }
0x77: {  	v12 =	vor.u32 v3, v23;
	[tilespmem:v37+s29+$0x0] =	vst.idx.add.f32.msk vm15, v6  }
0x78: {  	v7 =	vsel vm0, v22, v7;
	v10 =	vld [tilespmem:s13+$0xFFFFFCD0];
	v22 =	vimm.s32 $0x4  }
0x79: {  	v9 =	vadd.f32 v25, v9;
	v22 =	vperm.xlane v26, v22;
	[tilespmem:v21+s29+$0x0] =	vst.idx.add.f32.msk vm15, v7  }
0x7a: {  	v21 =	vor.u32 v4, v23;
	v23 =	vld [tilespmem:s13+$0xFFFFFCE0]  }
0x7b: {  	v9 =	vsel vm0, v25, v9;
	vm4 =	vne.s32 v22, v24;
	v24 =	vshll.u32 v24, $0x6  }
0x7c: {  	v8 =	vadd.f32 v11, v8;
	[tilespmem:v12+s29+$0x0] =	vst.idx.add.f32.msk vm15, v9;
	v12 =	vor.u32 v0, v24  }
0x7d: {  	v25 =	vld [tilespmem:s13+$0xFFFFFCF0]  }
0x7e: {  	v38 =	vor.u32 v2, v24;
	v8 =	vsel vm0, v11, v8;
	v6 =	vadd.f32 v10, v6  }
0x7f: {  	[tilespmem:v21+s29+$0x0] =	vst.idx.add.f32.msk vm15, v8;
	v7 =	vadd.f32 v23, v7  }
0x80: {  	v21 =	vor.u32 v3, v24;
	v6 =	vsel vm15, v10, v6;
	v39 =	vld [tilespmem:s13+$0xFFFFFD00]  }
0x81: {  	[tilespmem:v12+s29+$0x0] =	vst.idx.add.f32.msk vm4, v6;
	v7 =	vsel vm15, v23, v7;
	v23 =	vimm.s32 $0x5  }
0x82: {  	v9 =	vadd.f32 v25, v9;
	v12 =	vld [tilespmem:s13+$0xFFFFFD10];
	v23 =	vperm.xlane v26, v23  }
0x83: {  	v40 =	vor.u32 v4, v24;
	[tilespmem:v38+s29+$0x0] =	vst.idx.add.f32.msk vm4, v7  }
0x84: {  	v9 =	vsel vm15, v25, v9;
	v24 =	vld [tilespmem:s13+$0xFFFFFD20];
	vm5 =	vne.s32 v23, v22;
	v22 =	vshll.u32 v22, $0x6  }
0x85: {  	v8 =	vadd.f32 v39, v8;
	[tilespmem:v21+s29+$0x0] =	vst.idx.add.f32.msk vm4, v9;
	v21 =	vor.u32 v0, v22;
	_ =	sdelay $0x1  }
0x86: {  	v25 =	vld [tilespmem:s13+$0xFFFFFD30];
	v41 =	vor.u32 v2, v22;
	v8 =	vsel vm15, v39, v8;
	v6 =	vadd.f32 v12, v6  }
0x87: {  	[tilespmem:v40+s29+$0x0] =	vst.idx.add.f32.msk vm4, v8  }
0x88: {  	v7 =	vadd.f32 v24, v7;
	v11 =	vld [tilespmem:s13+$0xFFFFFD40];
	v6 =	vsel vm4, v12, v6  }
0x89: {  	v12 =	vor.u32 v3, v22;
	[tilespmem:v21+s29+$0x0] =	vst.idx.add.f32.msk vm5, v6  }
0x8a: {  	v7 =	vsel vm4, v24, v7;
	v24 =	vimm.s32 $0x6;
	v21 =	vld [tilespmem:s13+$0xFFFFFD50]  }
0x8b: {  	v9 =	vadd.f32 v25, v9;
	v24 =	vperm.xlane v26, v24;
	[tilespmem:v41+s29+$0x0] =	vst.idx.add.f32.msk vm5, v7  }
0x8c: {  	v42 =	vor.u32 v4, v22;
	v22 =	vld [tilespmem:s13+$0xFFFFFD60]  }
0x8d: {  	v9 =	vsel vm4, v25, v9;
	vm6 =	vne.s32 v24, v23;
	v23 =	vshll.u32 v23, $0x6  }
0x8e: {  	v8 =	vadd.f32 v11, v8;
	[tilespmem:v12+s29+$0x0] =	vst.idx.add.f32.msk vm5, v9;
	v12 =	vor.u32 v0, v23  }
0x8f: {  	v25 =	vld [tilespmem:s13+$0xFFFFFD70]  }
0x90: {  	v43 =	vor.u32 v2, v23;
	v8 =	vsel vm4, v11, v8;
	v6 =	vadd.f32 v21, v6  }
0x91: {  	[tilespmem:v42+s29+$0x0] =	vst.idx.add.f32.msk vm5, v8;
	v7 =	vadd.f32 v22, v7  }
0x92: {  	v10 =	vld [tilespmem:s13+$0xFFFFFD80];
	v6 =	vsel vm5, v21, v6;
	v21 =	vor.u32 v3, v23  }
0x93: {  	[tilespmem:v12+s29+$0x0] =	vst.idx.add.f32.msk vm6, v6;
	v7 =	vsel vm5, v22, v7;
	v22 =	vimm.s32 $0x7  }
0x94: {  	v9 =	vadd.f32 v25, v9;
	v12 =	vld [tilespmem:s13+$0xFFFFFD90];
	v22 =	vperm.xlane v26, v22  }
0x95: {  	v44 =	vor.u32 v4, v23;
	[tilespmem:v43+s29+$0x0] =	vst.idx.add.f32.msk vm6, v7  }
0x96: {  	v23 =	vld [tilespmem:s13+$0xFFFFFDA0];
	v9 =	vsel vm5, v25, v9;
	vm7 =	vne.s32 v22, v24;
	v24 =	vshll.u32 v24, $0x6  }
0x97: {  	v8 =	vadd.f32 v10, v8;
	[tilespmem:v21+s29+$0x0] =	vst.idx.add.f32.msk vm6, v9;
	v21 =	vor.u32 v0, v24  }
0x98: {  	v25 =	vld [tilespmem:s13+$0xFFFFFDB0]  }
0x99: {  	v45 =	vor.u32 v2, v24;
	v8 =	vsel vm5, v10, v8;
	v6 =	vadd.f32 v12, v6  }
0x9a: {  	[tilespmem:v44+s29+$0x0] =	vst.idx.add.f32.msk vm6, v8  }
0x9b: {  	v7 =	vadd.f32 v23, v7;
	v11 =	vld [tilespmem:s13+$0xFFFFFDC0];
	v6 =	vsel vm6, v12, v6;
	v12 =	vor.u32 v3, v24  }
0x9c: {  	[tilespmem:v21+s29+$0x0] =	vst.idx.add.f32.msk vm7, v6  }
0x9d: {  	v7 =	vsel vm6, v23, v7;
	v23 =	vperm.xlane v26, v13;
	v9 =	vadd.f32 v25, v9;
	v21 =	vld [tilespmem:s13+$0xFFFFFDD0]  }
0x9e: {  	v46 =	vor.u32 v4, v24;
	[tilespmem:v45+s29+$0x0] =	vst.idx.add.f32.msk vm7, v7  }
0x9f: {  	v24 =	vld [tilespmem:s13+$0xFFFFFDE0];
	vm8 =	vne.s32 v23, v22;
	v22 =	vshll.u32 v22, $0x6;
	v9 =	vsel vm6, v25, v9  }
0xa0: {  	v8 =	vadd.f32 v11, v8;
	[tilespmem:v12+s29+$0x0] =	vst.idx.add.f32.msk vm7, v9;
	v12 =	vor.u32 v0, v22  }
0xa1: {  	v25 =	vld [tilespmem:s13+$0xFFFFFDF0]  }
0xa2: {  	v47 =	vor.u32 v2, v22;
	v8 =	vsel vm6, v11, v8;
	v6 =	vadd.f32 v21, v6  }
0xa3: {  	[tilespmem:v46+s29+$0x0] =	vst.idx.add.f32.msk vm7, v8  }
0xa4: {  	v7 =	vadd.f32 v24, v7;
	v10 =	vld [tilespmem:s13+$0xFFFFFE00];
	v6 =	vsel vm7, v21, v6;
	v21 =	vor.u32 v3, v22  }
0xa5: {  	[tilespmem:v12+s29+$0x0] =	vst.idx.add.f32.msk vm8, v6  }
0xa6: {  	v7 =	vsel vm7, v24, v7;
	v24 =	vperm.xlane v26, v14;
	v9 =	vadd.f32 v25, v9;
	v12 =	vld [tilespmem:s13+$0xFFFFFE10]  }
0xa7: {  	v48 =	vor.u32 v4, v22;
	[tilespmem:v47+s29+$0x0] =	vst.idx.add.f32.msk vm8, v7  }
0xa8: {  	v22 =	vld [tilespmem:s13+$0xFFFFFE20];
	vm9 =	vne.s32 v24, v23;
	v23 =	vshll.u32 v23, $0x6;
	v9 =	vsel vm7, v25, v9  }
0xa9: {  	v8 =	vadd.f32 v10, v8;
	[tilespmem:v21+s29+$0x0] =	vst.idx.add.f32.msk vm8, v9;
	v21 =	vor.u32 v0, v23  }
0xaa: {  	v25 =	vld [tilespmem:s13+$0xFFFFFE30]  }
0xab: {  	v49 =	vor.u32 v2, v23;
	v8 =	vsel vm7, v10, v8;
	v6 =	vadd.f32 v12, v6  }
0xac: {  	[tilespmem:v48+s29+$0x0] =	vst.idx.add.f32.msk vm8, v8  }
0xad: {  	v7 =	vadd.f32 v22, v7;
	v11 =	vld [tilespmem:s13+$0xFFFFFE40];
	v6 =	vsel vm8, v12, v6;
	v12 =	vor.u32 v3, v23  }
0xae: {  	[tilespmem:v21+s29+$0x0] =	vst.idx.add.f32.msk vm9, v6  }
0xaf: {  	v7 =	vsel vm8, v22, v7;
	v22 =	vperm.xlane v26, v15;
	v9 =	vadd.f32 v25, v9;
	v21 =	vld [tilespmem:s13+$0xFFFFFE50]  }
0xb0: {  	v50 =	vor.u32 v4, v23;
	[tilespmem:v49+s29+$0x0] =	vst.idx.add.f32.msk vm9, v7  }
0xb1: {  	v23 =	vld [tilespmem:s13+$0xFFFFFE60];
	vm10 =	vne.s32 v22, v24;
	v24 =	vshll.u32 v24, $0x6;
	v9 =	vsel vm8, v25, v9  }
0xb2: {  	v8 =	vadd.f32 v11, v8;
	[tilespmem:v12+s29+$0x0] =	vst.idx.add.f32.msk vm9, v9;
	v12 =	vor.u32 v0, v24  }
0xb3: {  	v25 =	vld [tilespmem:s13+$0xFFFFFE70]  }
0xb4: {  	v51 =	vor.u32 v2, v24;
	v8 =	vsel vm8, v11, v8;
	v6 =	vadd.f32 v21, v6  }
0xb5: {  	[tilespmem:v50+s29+$0x0] =	vst.idx.add.f32.msk vm9, v8  }
0xb6: {  	v7 =	vadd.f32 v23, v7;
	v10 =	vld [tilespmem:s13+$0xFFFFFE80];
	v6 =	vsel vm9, v21, v6;
	v21 =	vor.u32 v3, v24  }
0xb7: {  	[tilespmem:v12+s29+$0x0] =	vst.idx.add.f32.msk vm10, v6  }
0xb8: {  	v7 =	vsel vm9, v23, v7;
	v23 =	vperm.xlane v26, v16;
	v9 =	vadd.f32 v25, v9;
	v12 =	vld [tilespmem:s13+$0xFFFFFE90]  }
0xb9: {  	v52 =	vor.u32 v4, v24;
	[tilespmem:v51+s29+$0x0] =	vst.idx.add.f32.msk vm10, v7  }
0xba: {  	v24 =	vld [tilespmem:s13+$0xFFFFFEA0];
	vm11 =	vne.s32 v23, v22;
	v22 =	vshll.u32 v22, $0x6;
	v9 =	vsel vm9, v25, v9  }
0xbb: {  	v8 =	vadd.f32 v10, v8;
	[tilespmem:v21+s29+$0x0] =	vst.idx.add.f32.msk vm10, v9;
	v21 =	vor.u32 v0, v22  }
0xbc: {  	v25 =	vld [tilespmem:s13+$0xFFFFFEB0]  }
0xbd: {  	v53 =	vor.u32 v2, v22;
	v8 =	vsel vm9, v10, v8;
	v6 =	vadd.f32 v12, v6  }
0xbe: {  	[tilespmem:v52+s29+$0x0] =	vst.idx.add.f32.msk vm10, v8  }
0xbf: {  	v7 =	vadd.f32 v24, v7;
	v11 =	vld [tilespmem:s13+$0xFFFFFEC0];
	v6 =	vsel vm10, v12, v6;
	v12 =	vor.u32 v3, v22  }
0xc0: {  	[tilespmem:v21+s29+$0x0] =	vst.idx.add.f32.msk vm11, v6  }
0xc1: {  	v7 =	vsel vm10, v24, v7;
	v24 =	vperm.xlane v26, v17;
	v9 =	vadd.f32 v25, v9;
	v21 =	vld [tilespmem:s13+$0xFFFFFED0]  }
0xc2: {  	v54 =	vor.u32 v4, v22;
	[tilespmem:v53+s29+$0x0] =	vst.idx.add.f32.msk vm11, v7  }
0xc3: {  	v22 =	vld [tilespmem:s13+$0xFFFFFEE0];
	vm12 =	vne.s32 v24, v23;
	v23 =	vshll.u32 v23, $0x6;
	v9 =	vsel vm10, v25, v9  }
0xc4: {  	v8 =	vadd.f32 v11, v8;
	[tilespmem:v12+s29+$0x0] =	vst.idx.add.f32.msk vm11, v9;
	v12 =	vor.u32 v0, v23  }
0xc5: {  	v25 =	vld [tilespmem:s13+$0xFFFFFEF0]  }
0xc6: {  	v55 =	vor.u32 v2, v23;
	v8 =	vsel vm10, v11, v8;
	v6 =	vadd.f32 v21, v6  }
0xc7: {  	[tilespmem:v54+s29+$0x0] =	vst.idx.add.f32.msk vm11, v8  }
0xc8: {  	v7 =	vadd.f32 v22, v7;
	v10 =	vld [tilespmem:s13+$0xFFFFFF00];
	v6 =	vsel vm11, v21, v6;
	v21 =	vor.u32 v3, v23  }
0xc9: {  	[tilespmem:v12+s29+$0x0] =	vst.idx.add.f32.msk vm12, v6  }
0xca: {  	v7 =	vsel vm11, v22, v7;
	v22 =	vperm.xlane v26, v18;
	v9 =	vadd.f32 v25, v9;
	v12 =	vld [tilespmem:s13+$0xFFFFFF10]  }
0xcb: {  	v56 =	vor.u32 v4, v23;
	[tilespmem:v55+s29+$0x0] =	vst.idx.add.f32.msk vm12, v7  }
0xcc: {  	v23 =	vld [tilespmem:s13+$0xFFFFFF20];
	vm13 =	vne.s32 v22, v24;
	v24 =	vshll.u32 v24, $0x6;
	v9 =	vsel vm11, v25, v9  }
0xcd: {  	v8 =	vadd.f32 v10, v8;
	[tilespmem:v21+s29+$0x0] =	vst.idx.add.f32.msk vm12, v9;
	v21 =	vor.u32 v0, v24  }
0xce: {  	v25 =	vld [tilespmem:s13+$0xFFFFFF30]  }
0xcf: {  	v57 =	vor.u32 v2, v24;
	v8 =	vsel vm11, v10, v8;
	v6 =	vadd.f32 v12, v6  }
0xd0: {  	[tilespmem:v56+s29+$0x0] =	vst.idx.add.f32.msk vm12, v8  }
0xd1: {  	v7 =	vadd.f32 v23, v7;
	v11 =	vld [tilespmem:s13+$0xFFFFFF40];
	v6 =	vsel vm12, v12, v6;
	v12 =	vor.u32 v3, v24  }
0xd2: {  	[tilespmem:v21+s29+$0x0] =	vst.idx.add.f32.msk vm13, v6  }
0xd3: {  	v7 =	vsel vm12, v23, v7;
	v9 =	vadd.f32 v25, v9;
	v21 =	vld [tilespmem:s13+$0xFFFFFF50]  }
0xd4: {  	v58 =	vor.u32 v4, v24;
	v23 =	vperm.xlane v26, v19;
	[tilespmem:v57+s29+$0x0] =	vst.idx.add.f32.msk vm13, v7  }
0xd5: {  	v24 =	vld [tilespmem:s13+$0xFFFFFF60];
	v9 =	vsel vm12, v25, v9  }
0xd6: {  	vm14 =	vne.s32 v23, v22;
	v8 =	vadd.f32 v11, v8;
	[tilespmem:v12+s29+$0x0] =	vst.idx.add.f32.msk vm13, v9;
	v12 =	vshll.u32 v22, $0x6  }
0xd7: {  	v25 =	vor.u32 v0, v12  }
0xd8: {  	v22 =	vld [tilespmem:s13+$0xFFFFFF70];
	v8 =	vsel vm12, v11, v8  }
0xd9: {  	v59 =	vor.u32 v2, v12;
	v6 =	vadd.f32 v21, v6;
	[tilespmem:v58+s29+$0x0] =	vst.idx.add.f32.msk vm13, v8  }
0xda: {  	v60 =	vld [tilespmem:s13+$0xFFFFFF80]  }
0xdb: {  	v27 =	vor.u32 v3, v12;
	v7 =	vadd.f32 v24, v7;
	v6 =	vsel vm13, v21, v6  }
0xdc: {  	v21 =	vperm.xlane v26, v20;
	[tilespmem:v25+s29+$0x0] =	vst.idx.add.f32.msk vm14, v6  }
0xdd: {  	v12 =	vor.u32 v4, v12;
	v7 =	vsel vm13, v24, v7;
	v9 =	vadd.f32 v22, v9;
	v24 =	vld [tilespmem:s13+$0xFFFFFF90]  }
0xde: {  	vm15 =	vne.s32 v21, v23;
	[tilespmem:v59+s29+$0x0] =	vst.idx.add.f32.msk vm14, v7  }
0xdf: {  	v9 =	vsel vm13, v22, v9;
	v8 =	vadd.f32 v60, v8;
	v10 =	vld [tilespmem:s13+$0xFFFFFFA0];
	v22 =	vshll.u32 v23, $0x6  }
0xe0: {  	[tilespmem:v27+s29+$0x0] =	vst.idx.add.f32.msk vm14, v9;
	v23 =	vor.u32 v0, v22  }
0xe1: {  	v8 =	vsel vm13, v60, v8;
	v61 =	vld [tilespmem:s13+$0xFFFFFFB0]  }
0xe2: {  	[tilespmem:v12+s29+$0x0] =	vst.idx.add.f32.msk vm14, v8;
	v12 =	vor.u32 v2, v22;
	v6 =	vadd.f32 v24, v6  }
0xe3: {  	v25 =	vld [tilespmem:s13+$0xFFFFFFC0]  }
0xe4: {  	v7 =	vadd.f32 v10, v7;
	v6 =	vsel vm14, v24, v6;
	v24 =	vor.u32 v3, v22  }
0xe5: {  	[tilespmem:v23+s29+$0x0] =	vst.idx.add.f32.msk vm15, v6  }
0xe6: {  	v22 =	vor.u32 v4, v22;
	v7 =	vsel vm14, v10, v7;
	v9 =	vadd.f32 v61, v9;
	v62 =	vld [tilespmem:s13+$0xFFFFFFD0]  }
0xe7: {  	[tilespmem:v12+s29+$0x0] =	vst.idx.add.f32.msk vm15, v7  }
0xe8: {  	v9 =	vsel vm14, v61, v9;
	v8 =	vadd.f32 v25, v8;
	v63 =	vld [tilespmem:s13+$0xFFFFFFE0]  }
0xe9: {  	[tilespmem:v24+s29+$0x0] =	vst.idx.add.f32.msk vm15, v9  }
0xea: {  	v8 =	vsel vm14, v25, v8;
	v12 =	vld [tilespmem:s13+$0xFFFFFFF0]  }
0xeb: {  	[tilespmem:v22+s29+$0x0] =	vst.idx.add.f32.msk vm15, v8  }
0xec: {  	v22 =	vld [tilespmem:s13+$0x0];
	_ =	sdelay $0x3  }
0xed: {  	v6 =	vadd.f32 v62, v6;
	v7 =	vadd.f32 v63, v7  }
0xee: {  	v9 =	vadd.f32 v12, v9;
	v8 =	vadd.f32 v22, v8  }
0xef: {  	v25 =	vsel vm15, v62, v6  }
0xf0: {  	v24 =	vsel vm15, v63, v7;
	v23 =	vsel vm15, v12, v9;
	v22 =	vsel vm15, v22, v8  }
.LBB2_8:
0xf1: {  	s12 =	sadd.s32 $0x40, s12  }
0xf2: {  	p3 =	sne.s32 s12, $0x800  }
.Ltmp4:
0xf3: {  	_ = 	snop;
	(pc) =	sbr.rel @!p3 .LBB2_9-.Ltmp4, $2  }
0xf4: {  	_ =	sdelay $0x2  }
0xf5: {  	s13 =	sadd.s32 $0x400, s13  }
.LBB2_5:
0xf6: {  	s14 =	sshra.s32 s12, $0x2  }
0xf7: {  	v26 =	vld [tilespmem:s14+$0x10000];
	_ =	sdelay $0x4  }
0xf8: {  	vm0 =	vne.s32 v26, v21  }
0xf9: {  	v27 =	vsel vm0, $0x1, v5  }
0xfa: {  	(xrf0) =	vadd.scan.msk.s32 $0xffff, v27;
	_ =	sdelay $0x5  }
0xfb: {  	v27, _, _ =	vpop (xrf0)  }
0xfc: {  	(v2sf) =	vpush v27, $0xF;
	_ =	sdelay $0xe  }
0xfd: {  	s15 =	spop (v2sf)  }
0xfe: {  	p3 =	sne.s32 s15, $0x0  }
.Ltmp5:
0xff: {  	_ = 	snop;
	(pc) =	sbr.rel @p3 .LBB2_7-.Ltmp5, $1  }
0x100: {  	_ =	sdelay $0x3  }
0x101: {  	v26 =	vld [tilespmem:s13+$0xFFFFFC10]  }
0x102: {  	v27 =	vld [tilespmem:s13+$0xFFFFFC50]  }
0x103: {  	v28 =	vld [tilespmem:s13+$0xFFFFFC90]  }
0x104: {  	v29 =	vld [tilespmem:s13+$0xFFFFFCD0]  }
0x105: {  	v30 =	vld [tilespmem:s13+$0xFFFFFD10]  }
0x106: {  	v31 =	vld [tilespmem:s13+$0xFFFFFD50]  }
0x107: {  	v32 =	vld [tilespmem:s13+$0xFFFFFD90]  }
0x108: {  	v33 =	vld [tilespmem:s13+$0xFFFFFDD0]  }
0x109: {  	v34 =	vld [tilespmem:s13+$0xFFFFFE10]  }
0x10a: {  	v35 =	vld [tilespmem:s13+$0xFFFFFE50]  }
0x10b: {  	v36 =	vld [tilespmem:s13+$0xFFFFFE90]  }
0x10c: {  	v37 =	vld [tilespmem:s13+$0xFFFFFED0]  }
0x10d: {  	v38 =	vld [tilespmem:s13+$0xFFFFFF10]  }
0x10e: {  	v39 =	vld [tilespmem:s13+$0xFFFFFF50]  }
0x10f: {  	v40 =	vld [tilespmem:s13+$0xFFFFFF90]  }
0x110: {  	v41 =	vld [tilespmem:s13+$0xFFFFFFD0]  }
0x111: {  	v42 =	vld [tilespmem:s13+$0xFFFFFC20]  }
0x112: {  	v43 =	vld [tilespmem:s13+$0xFFFFFC60]  }
0x113: {  	v44 =	vld [tilespmem:s13+$0xFFFFFCA0]  }
0x114: {  	v45 =	vld [tilespmem:s13+$0xFFFFFCE0]  }
0x115: {  	v46 =	vld [tilespmem:s13+$0xFFFFFD20]  }
0x116: {  	v47 =	vld [tilespmem:s13+$0xFFFFFD60]  }
0x117: {  	v48 =	vld [tilespmem:s13+$0xFFFFFDA0]  }
0x118: {  	v49 =	vld [tilespmem:s13+$0xFFFFFDE0]  }
0x119: {  	v50 =	vld [tilespmem:s13+$0xFFFFFE20]  }
0x11a: {  	v51 =	vld [tilespmem:s13+$0xFFFFFE60]  }
0x11b: {  	v52 =	vld [tilespmem:s13+$0xFFFFFEA0]  }
0x11c: {  	v53 =	vld [tilespmem:s13+$0xFFFFFEE0]  }
0x11d: {  	v54 =	vld [tilespmem:s13+$0xFFFFFF20]  }
0x11e: {  	v55 =	vld [tilespmem:s13+$0xFFFFFF60]  }
0x11f: {  	v56 =	vld [tilespmem:s13+$0xFFFFFFA0]  }
0x120: {  	v57 =	vld [tilespmem:s13+$0xFFFFFFE0]  }
0x121: {  	v58 =	vld [tilespmem:s13+$0xFFFFFC30]  }
0x122: {  	v59 =	vld [tilespmem:s13+$0xFFFFFC70]  }
0x123: {  	v60 =	vld [tilespmem:s13+$0xFFFFFCB0]  }
0x124: {  	v61 =	vld [tilespmem:s13+$0xFFFFFCF0]  }
0x125: {  	v62 =	vld [tilespmem:s13+$0xFFFFFD30]  }
0x126: {  	v63 =	vld [tilespmem:s13+$0xFFFFFD70]  }
0x127: {  	v6 =	vld [tilespmem:s13+$0xFFFFFDB0]  }
0x128: {  	v7 =	vld [tilespmem:s13+$0xFFFFFDF0]  }
0x129: {  	v8 =	vld [tilespmem:s13+$0xFFFFFE30]  }
0x12a: {  	v9 =	vld [tilespmem:s13+$0xFFFFFE70]  }
0x12b: {  	v10 =	vld [tilespmem:s13+$0xFFFFFEB0]  }
0x12c: {  	v11 =	vld [tilespmem:s13+$0xFFFFFEF0]  }
0x12d: {  	v12 =	vld [tilespmem:s13+$0xFFFFFF30]  }
0x12e: {  	v26 =	vadd.f32 v27, v26;
	v27 =	vadd.f32 v29, v28;
	v28 =	vld [tilespmem:s13+$0xFFFFFF70]  }
0x12f: {  	v29 =	vadd.f32 v31, v30;
	v30 =	vadd.f32 v33, v32;
	v31 =	vld [tilespmem:s13+$0xFFFFFFB0]  }
0x130: {  	v32 =	vadd.f32 v35, v34;
	v33 =	vadd.f32 v37, v36;
	v34 =	vld [tilespmem:s13+$0xFFFFFFF0]  }
0x131: {  	v35 =	vadd.f32 v39, v38;
	v41 =	vadd.f32 v41, v40;
	v37 =	vld [tilespmem:s13+$0xFFFFFC40]  }
0x132: {  	v36 =	vadd.f32 v45, v44;
	v38 =	vld [tilespmem:s13+$0xFFFFFD00];
	v39 =	vadd.f32 v47, v46  }
0x133: {  	v49 =	vadd.f32 v49, v48;
	v51 =	vadd.f32 v51, v50;
	v44 =	vld [tilespmem:s13+$0xFFFFFD80]  }
0x134: {  	v52 =	vadd.f32 v53, v52;
	v53 =	vadd.f32 v55, v54;
	v47 =	vld [tilespmem:s13+$0xFFFFFDC0]  }
0x135: {  	v54 =	vadd.f32 v57, v56;
	v60 =	vadd.f32 v61, v60;
	v61 =	vld [tilespmem:s13+$0xFFFFFF00]  }
0x136: {  	v59 =	vadd.f32 v59, v58;
	v6 =	vadd.f32 v7, v6;
	v7 =	vld [tilespmem:s13+$0xFFFFFF40]  }
0x137: {  	v48 =	vadd.f32 v63, v62;
	v8 =	vadd.f32 v9, v8;
	v50 =	vld [tilespmem:s13+$0xFFFFFF80]  }
0x138: {  	v26 =	vadd.f32 v27, v26;
	v27 =	vadd.f32 v30, v29;
	v29 =	vld [tilespmem:s13+$0xFFFFFC80]  }
0x139: {  	v30 =	vadd.f32 v33, v32;
	v32 =	vadd.f32 v41, v35;
	v33 =	vld [tilespmem:s13+$0xFFFFFCC0]  }
0x13a: {  	v35 =	vadd.f32 v43, v42;
	v41 =	vld [tilespmem:s13+$0xFFFFFD40];
	v55 =	vadd.f32 v49, v39  }
0x13b: {  	v39 =	vld [tilespmem:s13+$0xFFFFFE00];
	v56 =	vadd.f32 v52, v51;
	v57 =	vadd.f32 v54, v53  }
0x13c: {  	v43 =	vld [tilespmem:s13+$0xFFFFFE40];
	v49 =	vadd.f32 v11, v10;
	v53 =	vadd.f32 v60, v59  }
0x13d: {  	v52 =	vld [tilespmem:s13+$0xFFFFFFC0];
	v6 =	vadd.f32 v6, v48;
	v35 =	vadd.f32 v36, v35  }
0x13e: {  	v54 =	vld [tilespmem:s13+$0x0];
	v26 =	vadd.f32 v27, v26;
	v27 =	vadd.f32 v32, v30  }
0x13f: {  	v30 =	vld [tilespmem:s13+$0xFFFFFE80];
	v8 =	vadd.f32 v49, v8;
	v51 =	vadd.f32 v28, v12  }
0x140: {  	v36 =	vld [tilespmem:s13+$0xFFFFFEC0];
	v12 =	vadd.f32 v34, v31;
	v7 =	vadd.f32 v50, v7  }
0x141: {  	v32 =	vadd.f32 v55, v35;
	v35 =	vadd.f32 v57, v56  }
0x142: {  	v55 =	vadd.f32 v12, v51;
	v56 =	vadd.f32 v29, v37  }
0x143: {  	v12 =	vadd.f32 v38, v33;
	v57 =	vadd.f32 v44, v41  }
0x144: {  	v58 =	vadd.f32 v39, v47;
	v59 =	vadd.f32 v54, v52  }
0x145: {  	v30 =	vadd.f32 v30, v43;
	v36 =	vadd.f32 v61, v36  }
0x146: {  	v11 =	vadd.f32 v12, v56;
	v12 =	vadd.f32 v58, v57  }
0x147: {  	v7 =	vadd.f32 v59, v7;
	v60 =	vadd.f32 v36, v30  }
0x148: {  	v6 =	vadd.f32 v6, v53;
	v8 =	vadd.f32 v55, v8  }
.Ltmp6:
0x149: {  	v61 =	vadd.f32 v12, v11;
	v7 =	vadd.f32 v7, v60;
	(pc) =	sbr.rel .LBB2_8-.Ltmp6, $4  }
0x14a: {  	v62 =	vadd.f32 v27, v26;
	v63 =	vadd.f32 v35, v32  }
0x14b: {  	v6 =	vadd.f32 v8, v6;
	v7 =	vadd.f32 v7, v61  }
0x14c: {  	v25 =	vadd.f32 v62, v25;
	v24 =	vadd.f32 v63, v24  }
0x14d: {  	v23 =	vadd.f32 v6, v23;
	v22 =	vadd.f32 v7, v22  }
.LBB2_9:
0x14e: {  	s12 =	sshll.u32 s30, $0xA;
	p3 =	seq.s32 s30, $0x5  }
0x14f: {  	s13 =	sadd.s32 @!p3 s12, s10  }
0x150: {  	_ =	swait.ge [sflag:s26], $0x1000;
	s14 =	sshll.u32 @!p3 s13, $0x7  }
0x151: {  	[sflag:s26] =	ssyncset.done $0x0;
	s14 =	sor.u32 @!p3 s5, s14  }
0x152: {  	s15 =	simm.s32 @!p3 $0x40;
	s6 =	simm.s32 @!p3 $0x80;
	s14 =	sshrl.u32 @!p3 s14, $0x3  }
0x153: {  	s8 =	simm.s32 @!p3 $0x0;
	[sflag:s26] =	ssyncadd.s32 $0xFFFFF000;
	s14 =	sadd.s32 @!p3 s1, s14  }
0x154: {  	[tilespmem:s8], [sflag:$0x1] =	stream.strided.gather @!p3 [hbm4b:s14+s15], $0x8000, s6, s15, $0x38;
	[tilespmem:$0x13E60] =	vst v63  }
0x155: {  	s6 =	sshrl.u32 @!p3 s13, $0x3  }
0x156: {  	s13 =	simm.s32 @!p3 $0x10000;
	s6 =	sadd.s32 @!p3 s2, s6  }
0x157: {  	[tilespmem:s13], [sflag:$0x1] =	stream.linear.gather @!p3 [hbm4b:s6+s8], $0x200, $0x38;
	[tilespmem:$0x13E60] =	vst v63  }
0x158: {  	s13 =	simm.s32 @!p3 $0x10400  }
0x159: {  	[tilespmem:s13], [sflag:$0x1] =	stream.linear.gather @!p3 [hbm4b:s6+s8], $0x40, $0x38;
	[tilespmem:$0x13E60] =	vst v63  }
0x15a: {  	_ =	swait.ge [sflag:s28], $0x8000  }
0x15b: {  	[sflag:s28] =	ssyncset.done $0x0  }
0x15c: {  	[sflag:s28] =	ssyncadd.s32 $0xFFFF8000  }
0x15d: {  	_ =	swait.ge [sflag:s28], $0x200  }
0x15e: {  	[sflag:s28] =	ssyncset.done $0x0  }
.Ltmp7:
0x15f: {  	[sflag:s28] =	ssyncadd.s32 $0xFFFFFE00;
	(pc) =	sbr.rel .LBB2_10-.Ltmp7, $4  }
0x160: {  	_ =	swait.ge [sflag:s28], $0x40  }
0x161: {  	[sflag:s28] =	ssyncset.done $0x0  }
0x162: {  	s14 =	simm.s32 $0x93F0;
	s13 =	simm.s32 $0x100;
	[sflag:s28] =	ssyncadd.s32 $0xFFFFFFC0  }
0x163: {  	[spmem:s3] =	stream.indirect.scatter.add.f32 [tilespmem:s22], [sflag:$0x4], $0x40, s24, s18, $0xb8;
	[tilespmem:$0x13E60] =	vst v63  }
.LBB2_12:
0x164: {  	v6 =	vperm.xlane v26, v5;
	_ =	sdelay $0x1  }
0x165: {  	v7 =	vshll.u32 v21, $0x6;
	vm1 =	vne.s32 v6, v21  }
0x166: {  	v8 =	vor.u32 v0, v7;
	_ =	sdelay $0x1  }
0x167: {  	v9 =	vor.u32 v2, v7;
	_ =	sdelay $0x1  }
0x168: {  	v10 =	vor.u32 v3, v7  }
0x169: {  	[tilespmem:v8+s29+$0x0] =	vst.idx.add.f32.msk vm1, v25  }
0x16a: {  	v11 =	vimm.s32 $0x1;
	v8 =	vld [tilespmem:s14+$0xFFFFFC10]  }
0x16b: {  	v11 =	vperm.xlane v26, v11;
	[tilespmem:v9+s29+$0x0] =	vst.idx.add.f32.msk vm1, v24  }
0x16c: {  	v7 =	vor.u32 v4, v7;
	v9 =	vld [tilespmem:s14+$0xFFFFFC20]  }
0x16d: {  	vm2 =	vne.s32 v11, v6;
	v6 =	vshll.u32 v6, $0x6;
	[tilespmem:v10+s29+$0x0] =	vst.idx.add.f32.msk vm1, v23  }
0x16e: {  	v32 =	vor.u32 v0, v6;
	v12 =	vld [tilespmem:s14+$0xFFFFFC30];
	_ =	sdelay $0x1  }
0x16f: {  	v21 =	vadd.f32 v8, v25;
	v25 =	vor.u32 v2, v6  }
0x170: {  	[tilespmem:v7+s29+$0x0] =	vst.idx.add.f32.msk vm1, v22  }
0x171: {  	v33 =	vadd.f32 v9, v24;
	v24 =	vor.u32 v3, v6;
	v7 =	vsel vm1, v8, v21;
	v21 =	vld [tilespmem:s14+$0xFFFFFC40]  }
0x172: {  	v34 =	vadd.f32 v12, v23;
	v23 =	vimm.s32 $0x2;
	[tilespmem:v32+s29+$0x0] =	vst.idx.add.f32.msk vm2, v7  }
0x173: {  	v8 =	vsel vm1, v9, v33;
	v23 =	vperm.xlane v26, v23;
	v10 =	vld [tilespmem:s14+$0xFFFFFC50]  }
0x174: {  	v6 =	vor.u32 v4, v6;
	[tilespmem:v25+s29+$0x0] =	vst.idx.add.f32.msk vm2, v8  }
0x175: {  	v9 =	vsel vm1, v12, v34;
	vm0 =	vne.s32 v23, v11;
	v11 =	vshll.u32 v11, $0x6;
	v12 =	vld [tilespmem:s14+$0xFFFFFC60]  }
0x176: {  	[tilespmem:v24+s29+$0x0] =	vst.idx.add.f32.msk vm2, v9;
	v24 =	vor.u32 v0, v11;
	v22 =	vadd.f32 v21, v22;
	_ =	sdelay $0x1  }
0x177: {  	v25 =	vld [tilespmem:s14+$0xFFFFFC70];
	v21 =	vsel vm1, v21, v22;
	v7 =	vadd.f32 v10, v7;
	v22 =	vor.u32 v2, v11  }
0x178: {  	[tilespmem:v6+s29+$0x0] =	vst.idx.add.f32.msk vm2, v21  }
0x179: {  	v6 =	vsel vm2, v10, v7;
	v7 =	vadd.f32 v12, v8;
	v35 =	vld [tilespmem:s14+$0xFFFFFC80]  }
0x17a: {  	v36 =	vor.u32 v3, v11;
	[tilespmem:v24+s29+$0x0] =	vst.idx.add.f32.msk vm0, v6;
	v24 =	vimm.s32 $0x3  }
0x17b: {  	v7 =	vsel vm2, v12, v7;
	v12 =	vld [tilespmem:s14+$0xFFFFFC90];
	v24 =	vperm.xlane v26, v24  }
0x17c: {  	v11 =	vor.u32 v4, v11;
	v9 =	vadd.f32 v25, v9;
	[tilespmem:v22+s29+$0x0] =	vst.idx.add.f32.msk vm0, v7  }
0x17d: {  	v22 =	vld [tilespmem:s14+$0xFFFFFCA0];
	vm15 =	vne.s32 v24, v23;
	v23 =	vshll.u32 v23, $0x6  }
0x17e: {  	v9 =	vsel vm2, v25, v9;
	v21 =	vadd.f32 v35, v21;
	v37 =	vor.u32 v0, v23  }
0x17f: {  	[tilespmem:v36+s29+$0x0] =	vst.idx.add.f32.msk vm0, v9  }
0x180: {  	v25 =	vld [tilespmem:s14+$0xFFFFFCB0];
	v8 =	vsel vm2, v35, v21;
	v6 =	vadd.f32 v12, v6;
	v21 =	vor.u32 v2, v23  }
0x181: {  	[tilespmem:v11+s29+$0x0] =	vst.idx.add.f32.msk vm0, v8  }
0x182: {  	v6 =	vsel vm0, v12, v6;
	v7 =	vadd.f32 v22, v7;
	v11 =	vld [tilespmem:s14+$0xFFFFFCC0]  }
0x183: {  	v12 =	vor.u32 v3, v23;
	[tilespmem:v37+s29+$0x0] =	vst.idx.add.f32.msk vm15, v6  }
0x184: {  	v7 =	vsel vm0, v22, v7;
	v10 =	vld [tilespmem:s14+$0xFFFFFCD0];
	v22 =	vimm.s32 $0x4  }
0x185: {  	v9 =	vadd.f32 v25, v9;
	v22 =	vperm.xlane v26, v22;
	[tilespmem:v21+s29+$0x0] =	vst.idx.add.f32.msk vm15, v7  }
0x186: {  	v21 =	vor.u32 v4, v23;
	v23 =	vld [tilespmem:s14+$0xFFFFFCE0]  }
0x187: {  	v9 =	vsel vm0, v25, v9;
	vm4 =	vne.s32 v22, v24;
	v24 =	vshll.u32 v24, $0x6  }
0x188: {  	v8 =	vadd.f32 v11, v8;
	[tilespmem:v12+s29+$0x0] =	vst.idx.add.f32.msk vm15, v9;
	v12 =	vor.u32 v0, v24  }
0x189: {  	v25 =	vld [tilespmem:s14+$0xFFFFFCF0]  }
0x18a: {  	v38 =	vor.u32 v2, v24;
	v8 =	vsel vm0, v11, v8;
	v6 =	vadd.f32 v10, v6  }
0x18b: {  	[tilespmem:v21+s29+$0x0] =	vst.idx.add.f32.msk vm15, v8;
	v7 =	vadd.f32 v23, v7  }
0x18c: {  	v21 =	vor.u32 v3, v24;
	v6 =	vsel vm15, v10, v6;
	v39 =	vld [tilespmem:s14+$0xFFFFFD00]  }
0x18d: {  	[tilespmem:v12+s29+$0x0] =	vst.idx.add.f32.msk vm4, v6;
	v7 =	vsel vm15, v23, v7;
	v23 =	vimm.s32 $0x5  }
0x18e: {  	v9 =	vadd.f32 v25, v9;
	v12 =	vld [tilespmem:s14+$0xFFFFFD10];
	v23 =	vperm.xlane v26, v23  }
0x18f: {  	v40 =	vor.u32 v4, v24;
	[tilespmem:v38+s29+$0x0] =	vst.idx.add.f32.msk vm4, v7  }
0x190: {  	v9 =	vsel vm15, v25, v9;
	v24 =	vld [tilespmem:s14+$0xFFFFFD20];
	vm5 =	vne.s32 v23, v22;
	v22 =	vshll.u32 v22, $0x6  }
0x191: {  	v8 =	vadd.f32 v39, v8;
	[tilespmem:v21+s29+$0x0] =	vst.idx.add.f32.msk vm4, v9;
	v21 =	vor.u32 v0, v22;
	_ =	sdelay $0x1  }
0x192: {  	v25 =	vld [tilespmem:s14+$0xFFFFFD30];
	v41 =	vor.u32 v2, v22;
	v8 =	vsel vm15, v39, v8;
	v6 =	vadd.f32 v12, v6  }
0x193: {  	[tilespmem:v40+s29+$0x0] =	vst.idx.add.f32.msk vm4, v8  }
0x194: {  	v7 =	vadd.f32 v24, v7;
	v11 =	vld [tilespmem:s14+$0xFFFFFD40];
	v6 =	vsel vm4, v12, v6  }
0x195: {  	v12 =	vor.u32 v3, v22;
	[tilespmem:v21+s29+$0x0] =	vst.idx.add.f32.msk vm5, v6  }
0x196: {  	v7 =	vsel vm4, v24, v7;
	v24 =	vimm.s32 $0x6;
	v21 =	vld [tilespmem:s14+$0xFFFFFD50]  }
0x197: {  	v9 =	vadd.f32 v25, v9;
	v24 =	vperm.xlane v26, v24;
	[tilespmem:v41+s29+$0x0] =	vst.idx.add.f32.msk vm5, v7  }
0x198: {  	v42 =	vor.u32 v4, v22;
	v22 =	vld [tilespmem:s14+$0xFFFFFD60]  }
0x199: {  	v9 =	vsel vm4, v25, v9;
	vm6 =	vne.s32 v24, v23;
	v23 =	vshll.u32 v23, $0x6  }
0x19a: {  	v8 =	vadd.f32 v11, v8;
	[tilespmem:v12+s29+$0x0] =	vst.idx.add.f32.msk vm5, v9;
	v12 =	vor.u32 v0, v23  }
0x19b: {  	v25 =	vld [tilespmem:s14+$0xFFFFFD70]  }
0x19c: {  	v43 =	vor.u32 v2, v23;
	v8 =	vsel vm4, v11, v8;
	v6 =	vadd.f32 v21, v6  }
0x19d: {  	[tilespmem:v42+s29+$0x0] =	vst.idx.add.f32.msk vm5, v8;
	v7 =	vadd.f32 v22, v7  }
0x19e: {  	v10 =	vld [tilespmem:s14+$0xFFFFFD80];
	v6 =	vsel vm5, v21, v6;
	v21 =	vor.u32 v3, v23  }
0x19f: {  	[tilespmem:v12+s29+$0x0] =	vst.idx.add.f32.msk vm6, v6;
	v7 =	vsel vm5, v22, v7;
	v22 =	vimm.s32 $0x7  }
0x1a0: {  	v9 =	vadd.f32 v25, v9;
	v12 =	vld [tilespmem:s14+$0xFFFFFD90];
	v22 =	vperm.xlane v26, v22  }
0x1a1: {  	v44 =	vor.u32 v4, v23;
	[tilespmem:v43+s29+$0x0] =	vst.idx.add.f32.msk vm6, v7  }
0x1a2: {  	v23 =	vld [tilespmem:s14+$0xFFFFFDA0];
	v9 =	vsel vm5, v25, v9;
	vm7 =	vne.s32 v22, v24;
	v24 =	vshll.u32 v24, $0x6  }
0x1a3: {  	v8 =	vadd.f32 v10, v8;
	[tilespmem:v21+s29+$0x0] =	vst.idx.add.f32.msk vm6, v9;
	v21 =	vor.u32 v0, v24  }
0x1a4: {  	v25 =	vld [tilespmem:s14+$0xFFFFFDB0]  }
0x1a5: {  	v45 =	vor.u32 v2, v24;
	v8 =	vsel vm5, v10, v8;
	v6 =	vadd.f32 v12, v6  }
0x1a6: {  	[tilespmem:v44+s29+$0x0] =	vst.idx.add.f32.msk vm6, v8  }
0x1a7: {  	v7 =	vadd.f32 v23, v7;
	v11 =	vld [tilespmem:s14+$0xFFFFFDC0];
	v6 =	vsel vm6, v12, v6;
	v12 =	vor.u32 v3, v24  }
0x1a8: {  	[tilespmem:v21+s29+$0x0] =	vst.idx.add.f32.msk vm7, v6  }
0x1a9: {  	v7 =	vsel vm6, v23, v7;
	v23 =	vperm.xlane v26, v13;
	v9 =	vadd.f32 v25, v9;
	v21 =	vld [tilespmem:s14+$0xFFFFFDD0]  }
0x1aa: {  	v46 =	vor.u32 v4, v24;
	[tilespmem:v45+s29+$0x0] =	vst.idx.add.f32.msk vm7, v7  }
0x1ab: {  	v24 =	vld [tilespmem:s14+$0xFFFFFDE0];
	vm8 =	vne.s32 v23, v22;
	v22 =	vshll.u32 v22, $0x6;
	v9 =	vsel vm6, v25, v9  }
0x1ac: {  	v8 =	vadd.f32 v11, v8;
	[tilespmem:v12+s29+$0x0] =	vst.idx.add.f32.msk vm7, v9;
	v12 =	vor.u32 v0, v22  }
0x1ad: {  	v25 =	vld [tilespmem:s14+$0xFFFFFDF0]  }
0x1ae: {  	v47 =	vor.u32 v2, v22;
	v8 =	vsel vm6, v11, v8;
	v6 =	vadd.f32 v21, v6  }
0x1af: {  	[tilespmem:v46+s29+$0x0] =	vst.idx.add.f32.msk vm7, v8  }
0x1b0: {  	v7 =	vadd.f32 v24, v7;
	v10 =	vld [tilespmem:s14+$0xFFFFFE00];
	v6 =	vsel vm7, v21, v6;
	v21 =	vor.u32 v3, v22  }
0x1b1: {  	[tilespmem:v12+s29+$0x0] =	vst.idx.add.f32.msk vm8, v6  }
0x1b2: {  	v7 =	vsel vm7, v24, v7;
	v24 =	vperm.xlane v26, v14;
	v9 =	vadd.f32 v25, v9;
	v12 =	vld [tilespmem:s14+$0xFFFFFE10]  }
0x1b3: {  	v48 =	vor.u32 v4, v22;
	[tilespmem:v47+s29+$0x0] =	vst.idx.add.f32.msk vm8, v7  }
0x1b4: {  	v22 =	vld [tilespmem:s14+$0xFFFFFE20];
	vm9 =	vne.s32 v24, v23;
	v23 =	vshll.u32 v23, $0x6;
	v9 =	vsel vm7, v25, v9  }
0x1b5: {  	v8 =	vadd.f32 v10, v8;
	[tilespmem:v21+s29+$0x0] =	vst.idx.add.f32.msk vm8, v9;
	v21 =	vor.u32 v0, v23  }
0x1b6: {  	v25 =	vld [tilespmem:s14+$0xFFFFFE30]  }
0x1b7: {  	v49 =	vor.u32 v2, v23;
	v8 =	vsel vm7, v10, v8;
	v6 =	vadd.f32 v12, v6  }
0x1b8: {  	[tilespmem:v48+s29+$0x0] =	vst.idx.add.f32.msk vm8, v8  }
0x1b9: {  	v7 =	vadd.f32 v22, v7;
	v11 =	vld [tilespmem:s14+$0xFFFFFE40];
	v6 =	vsel vm8, v12, v6;
	v12 =	vor.u32 v3, v23  }
0x1ba: {  	[tilespmem:v21+s29+$0x0] =	vst.idx.add.f32.msk vm9, v6  }
0x1bb: {  	v7 =	vsel vm8, v22, v7;
	v22 =	vperm.xlane v26, v15;
	v9 =	vadd.f32 v25, v9;
	v21 =	vld [tilespmem:s14+$0xFFFFFE50]  }
0x1bc: {  	v50 =	vor.u32 v4, v23;
	[tilespmem:v49+s29+$0x0] =	vst.idx.add.f32.msk vm9, v7  }
0x1bd: {  	v23 =	vld [tilespmem:s14+$0xFFFFFE60];
	vm10 =	vne.s32 v22, v24;
	v24 =	vshll.u32 v24, $0x6;
	v9 =	vsel vm8, v25, v9  }
0x1be: {  	v8 =	vadd.f32 v11, v8;
	[tilespmem:v12+s29+$0x0] =	vst.idx.add.f32.msk vm9, v9;
	v12 =	vor.u32 v0, v24  }
0x1bf: {  	v25 =	vld [tilespmem:s14+$0xFFFFFE70]  }
0x1c0: {  	v51 =	vor.u32 v2, v24;
	v8 =	vsel vm8, v11, v8;
	v6 =	vadd.f32 v21, v6  }
0x1c1: {  	[tilespmem:v50+s29+$0x0] =	vst.idx.add.f32.msk vm9, v8  }
0x1c2: {  	v7 =	vadd.f32 v23, v7;
	v10 =	vld [tilespmem:s14+$0xFFFFFE80];
	v6 =	vsel vm9, v21, v6;
	v21 =	vor.u32 v3, v24  }
0x1c3: {  	[tilespmem:v12+s29+$0x0] =	vst.idx.add.f32.msk vm10, v6  }
0x1c4: {  	v7 =	vsel vm9, v23, v7;
	v23 =	vperm.xlane v26, v16;
	v9 =	vadd.f32 v25, v9;
	v12 =	vld [tilespmem:s14+$0xFFFFFE90]  }
0x1c5: {  	v52 =	vor.u32 v4, v24;
	[tilespmem:v51+s29+$0x0] =	vst.idx.add.f32.msk vm10, v7  }
0x1c6: {  	v24 =	vld [tilespmem:s14+$0xFFFFFEA0];
	vm11 =	vne.s32 v23, v22;
	v22 =	vshll.u32 v22, $0x6;
	v9 =	vsel vm9, v25, v9  }
0x1c7: {  	v8 =	vadd.f32 v10, v8;
	[tilespmem:v21+s29+$0x0] =	vst.idx.add.f32.msk vm10, v9;
	v21 =	vor.u32 v0, v22  }
0x1c8: {  	v25 =	vld [tilespmem:s14+$0xFFFFFEB0]  }
0x1c9: {  	v53 =	vor.u32 v2, v22;
	v8 =	vsel vm9, v10, v8;
	v6 =	vadd.f32 v12, v6  }
0x1ca: {  	[tilespmem:v52+s29+$0x0] =	vst.idx.add.f32.msk vm10, v8  }
0x1cb: {  	v7 =	vadd.f32 v24, v7;
	v11 =	vld [tilespmem:s14+$0xFFFFFEC0];
	v6 =	vsel vm10, v12, v6;
	v12 =	vor.u32 v3, v22  }
0x1cc: {  	[tilespmem:v21+s29+$0x0] =	vst.idx.add.f32.msk vm11, v6  }
0x1cd: {  	v7 =	vsel vm10, v24, v7;
	v24 =	vperm.xlane v26, v17;
	v9 =	vadd.f32 v25, v9;
	v21 =	vld [tilespmem:s14+$0xFFFFFED0]  }
0x1ce: {  	v54 =	vor.u32 v4, v22;
	[tilespmem:v53+s29+$0x0] =	vst.idx.add.f32.msk vm11, v7  }
0x1cf: {  	v22 =	vld [tilespmem:s14+$0xFFFFFEE0];
	vm12 =	vne.s32 v24, v23;
	v23 =	vshll.u32 v23, $0x6;
	v9 =	vsel vm10, v25, v9  }
0x1d0: {  	v8 =	vadd.f32 v11, v8;
	[tilespmem:v12+s29+$0x0] =	vst.idx.add.f32.msk vm11, v9;
	v12 =	vor.u32 v0, v23  }
0x1d1: {  	v25 =	vld [tilespmem:s14+$0xFFFFFEF0]  }
0x1d2: {  	v55 =	vor.u32 v2, v23;
	v8 =	vsel vm10, v11, v8;
	v6 =	vadd.f32 v21, v6  }
0x1d3: {  	[tilespmem:v54+s29+$0x0] =	vst.idx.add.f32.msk vm11, v8  }
0x1d4: {  	v7 =	vadd.f32 v22, v7;
	v10 =	vld [tilespmem:s14+$0xFFFFFF00];
	v6 =	vsel vm11, v21, v6;
	v21 =	vor.u32 v3, v23  }
0x1d5: {  	[tilespmem:v12+s29+$0x0] =	vst.idx.add.f32.msk vm12, v6  }
0x1d6: {  	v7 =	vsel vm11, v22, v7;
	v22 =	vperm.xlane v26, v18;
	v9 =	vadd.f32 v25, v9;
	v12 =	vld [tilespmem:s14+$0xFFFFFF10]  }
0x1d7: {  	v56 =	vor.u32 v4, v23;
	[tilespmem:v55+s29+$0x0] =	vst.idx.add.f32.msk vm12, v7  }
0x1d8: {  	v23 =	vld [tilespmem:s14+$0xFFFFFF20];
	vm13 =	vne.s32 v22, v24;
	v24 =	vshll.u32 v24, $0x6;
	v9 =	vsel vm11, v25, v9  }
0x1d9: {  	v8 =	vadd.f32 v10, v8;
	[tilespmem:v21+s29+$0x0] =	vst.idx.add.f32.msk vm12, v9;
	v21 =	vor.u32 v0, v24  }
0x1da: {  	v25 =	vld [tilespmem:s14+$0xFFFFFF30]  }
0x1db: {  	v57 =	vor.u32 v2, v24;
	v8 =	vsel vm11, v10, v8;
	v6 =	vadd.f32 v12, v6  }
0x1dc: {  	[tilespmem:v56+s29+$0x0] =	vst.idx.add.f32.msk vm12, v8  }
0x1dd: {  	v7 =	vadd.f32 v23, v7;
	v11 =	vld [tilespmem:s14+$0xFFFFFF40];
	v6 =	vsel vm12, v12, v6;
	v12 =	vor.u32 v3, v24  }
0x1de: {  	[tilespmem:v21+s29+$0x0] =	vst.idx.add.f32.msk vm13, v6  }
0x1df: {  	v7 =	vsel vm12, v23, v7;
	v9 =	vadd.f32 v25, v9;
	v21 =	vld [tilespmem:s14+$0xFFFFFF50]  }
0x1e0: {  	v58 =	vor.u32 v4, v24;
	v23 =	vperm.xlane v26, v19;
	[tilespmem:v57+s29+$0x0] =	vst.idx.add.f32.msk vm13, v7  }
0x1e1: {  	v24 =	vld [tilespmem:s14+$0xFFFFFF60];
	v9 =	vsel vm12, v25, v9  }
0x1e2: {  	vm14 =	vne.s32 v23, v22;
	v8 =	vadd.f32 v11, v8;
	[tilespmem:v12+s29+$0x0] =	vst.idx.add.f32.msk vm13, v9;
	v12 =	vshll.u32 v22, $0x6  }
0x1e3: {  	v25 =	vor.u32 v0, v12  }
0x1e4: {  	v22 =	vld [tilespmem:s14+$0xFFFFFF70];
	v8 =	vsel vm12, v11, v8  }
0x1e5: {  	v59 =	vor.u32 v2, v12;
	v6 =	vadd.f32 v21, v6;
	[tilespmem:v58+s29+$0x0] =	vst.idx.add.f32.msk vm13, v8  }
0x1e6: {  	v60 =	vld [tilespmem:s14+$0xFFFFFF80]  }
0x1e7: {  	v27 =	vor.u32 v3, v12;
	v7 =	vadd.f32 v24, v7;
	v6 =	vsel vm13, v21, v6  }
0x1e8: {  	v21 =	vperm.xlane v26, v20;
	[tilespmem:v25+s29+$0x0] =	vst.idx.add.f32.msk vm14, v6  }
0x1e9: {  	v12 =	vor.u32 v4, v12;
	v7 =	vsel vm13, v24, v7;
	v9 =	vadd.f32 v22, v9;
	v24 =	vld [tilespmem:s14+$0xFFFFFF90]  }
0x1ea: {  	vm15 =	vne.s32 v21, v23;
	[tilespmem:v59+s29+$0x0] =	vst.idx.add.f32.msk vm14, v7  }
0x1eb: {  	v9 =	vsel vm13, v22, v9;
	v8 =	vadd.f32 v60, v8;
	v10 =	vld [tilespmem:s14+$0xFFFFFFA0];
	v22 =	vshll.u32 v23, $0x6  }
0x1ec: {  	[tilespmem:v27+s29+$0x0] =	vst.idx.add.f32.msk vm14, v9;
	v23 =	vor.u32 v0, v22  }
0x1ed: {  	v8 =	vsel vm13, v60, v8;
	v61 =	vld [tilespmem:s14+$0xFFFFFFB0]  }
0x1ee: {  	[tilespmem:v12+s29+$0x0] =	vst.idx.add.f32.msk vm14, v8;
	v12 =	vor.u32 v2, v22;
	v6 =	vadd.f32 v24, v6  }
0x1ef: {  	v25 =	vld [tilespmem:s14+$0xFFFFFFC0]  }
0x1f0: {  	v7 =	vadd.f32 v10, v7;
	v6 =	vsel vm14, v24, v6;
	v24 =	vor.u32 v3, v22  }
0x1f1: {  	[tilespmem:v23+s29+$0x0] =	vst.idx.add.f32.msk vm15, v6  }
0x1f2: {  	v22 =	vor.u32 v4, v22;
	v7 =	vsel vm14, v10, v7;
	v9 =	vadd.f32 v61, v9;
	v62 =	vld [tilespmem:s14+$0xFFFFFFD0]  }
0x1f3: {  	[tilespmem:v12+s29+$0x0] =	vst.idx.add.f32.msk vm15, v7  }
0x1f4: {  	v9 =	vsel vm14, v61, v9;
	v8 =	vadd.f32 v25, v8;
	v63 =	vld [tilespmem:s14+$0xFFFFFFE0]  }
0x1f5: {  	[tilespmem:v24+s29+$0x0] =	vst.idx.add.f32.msk vm15, v9  }
0x1f6: {  	v8 =	vsel vm14, v25, v8;
	v12 =	vld [tilespmem:s14+$0xFFFFFFF0]  }
0x1f7: {  	[tilespmem:v22+s29+$0x0] =	vst.idx.add.f32.msk vm15, v8  }
0x1f8: {  	v22 =	vld [tilespmem:s14+$0x0];
	_ =	sdelay $0x3  }
0x1f9: {  	v6 =	vadd.f32 v62, v6;
	v7 =	vadd.f32 v63, v7  }
0x1fa: {  	v9 =	vadd.f32 v12, v9;
	v8 =	vadd.f32 v22, v8  }
0x1fb: {  	v25 =	vsel vm15, v62, v6  }
0x1fc: {  	v24 =	vsel vm15, v63, v7;
	v23 =	vsel vm15, v12, v9;
	v22 =	vsel vm15, v22, v8  }
.LBB2_13:
0x1fd: {  	s13 =	sadd.s32 $0x40, s13  }
0x1fe: {  	p4 =	sne.s32 s13, $0x800  }
.Ltmp8:
0x1ff: {  	_ = 	snop;
	(pc) =	sbr.rel @!p4 .LBB2_14-.Ltmp8, $2  }
0x200: {  	_ =	sdelay $0x2  }
0x201: {  	s14 =	sadd.s32 $0x400, s14  }
.LBB2_10:
0x202: {  	s6 =	sshra.s32 s13, $0x2  }
0x203: {  	v26 =	vld [tilespmem:s6+$0x10200];
	_ =	sdelay $0x4  }
0x204: {  	vm0 =	vne.s32 v26, v21  }
0x205: {  	v6 =	vsel vm0, $0x1, v5  }
0x206: {  	(xrf0) =	vadd.scan.msk.s32 $0xffff, v6;
	_ =	sdelay $0x5  }
0x207: {  	v6, _, _ =	vpop (xrf0)  }
0x208: {  	(v2sf) =	vpush v6, $0xF;
	_ =	sdelay $0xe  }
0x209: {  	s15 =	spop (v2sf)  }
0x20a: {  	p4 =	sne.s32 s15, $0x0  }
.Ltmp9:
0x20b: {  	_ = 	snop;
	(pc) =	sbr.rel @p4 .LBB2_12-.Ltmp9, $1  }
0x20c: {  	_ =	sdelay $0x3  }
0x20d: {  	v6 =	vld [tilespmem:s14+$0xFFFFFC10]  }
0x20e: {  	v7 =	vld [tilespmem:s14+$0xFFFFFC50]  }
0x20f: {  	v8 =	vld [tilespmem:s14+$0xFFFFFC90]  }
0x210: {  	v9 =	vld [tilespmem:s14+$0xFFFFFCD0]  }
0x211: {  	v10 =	vld [tilespmem:s14+$0xFFFFFD10]  }
0x212: {  	v11 =	vld [tilespmem:s14+$0xFFFFFD50]  }
0x213: {  	v12 =	vld [tilespmem:s14+$0xFFFFFD90]  }
0x214: {  	v26 =	vld [tilespmem:s14+$0xFFFFFDD0]  }
0x215: {  	v27 =	vld [tilespmem:s14+$0xFFFFFE10]  }
0x216: {  	v28 =	vld [tilespmem:s14+$0xFFFFFE50]  }
0x217: {  	v29 =	vld [tilespmem:s14+$0xFFFFFE90]  }
0x218: {  	v30 =	vld [tilespmem:s14+$0xFFFFFED0]  }
0x219: {  	v31 =	vld [tilespmem:s14+$0xFFFFFF10]  }
0x21a: {  	v32 =	vld [tilespmem:s14+$0xFFFFFF50]  }
0x21b: {  	v33 =	vld [tilespmem:s14+$0xFFFFFF90]  }
0x21c: {  	v34 =	vld [tilespmem:s14+$0xFFFFFFD0]  }
0x21d: {  	v35 =	vld [tilespmem:s14+$0xFFFFFC20]  }
0x21e: {  	v36 =	vld [tilespmem:s14+$0xFFFFFC60]  }
0x21f: {  	v37 =	vld [tilespmem:s14+$0xFFFFFCA0]  }
0x220: {  	v38 =	vld [tilespmem:s14+$0xFFFFFCE0]  }
0x221: {  	v39 =	vld [tilespmem:s14+$0xFFFFFD20]  }
0x222: {  	v40 =	vld [tilespmem:s14+$0xFFFFFD60]  }
0x223: {  	v41 =	vld [tilespmem:s14+$0xFFFFFDA0]  }
0x224: {  	v42 =	vld [tilespmem:s14+$0xFFFFFDE0]  }
0x225: {  	v43 =	vld [tilespmem:s14+$0xFFFFFE20]  }
0x226: {  	v44 =	vld [tilespmem:s14+$0xFFFFFE60]  }
0x227: {  	v45 =	vld [tilespmem:s14+$0xFFFFFEA0]  }
0x228: {  	v46 =	vld [tilespmem:s14+$0xFFFFFEE0]  }
0x229: {  	v47 =	vld [tilespmem:s14+$0xFFFFFF20]  }
0x22a: {  	v48 =	vld [tilespmem:s14+$0xFFFFFF60]  }
0x22b: {  	v49 =	vld [tilespmem:s14+$0xFFFFFFA0]  }
0x22c: {  	v50 =	vld [tilespmem:s14+$0xFFFFFFE0]  }
0x22d: {  	v51 =	vld [tilespmem:s14+$0xFFFFFC30]  }
0x22e: {  	v52 =	vld [tilespmem:s14+$0xFFFFFC70]  }
0x22f: {  	v53 =	vld [tilespmem:s14+$0xFFFFFCB0]  }
0x230: {  	v54 =	vld [tilespmem:s14+$0xFFFFFCF0]  }
0x231: {  	v55 =	vld [tilespmem:s14+$0xFFFFFD30]  }
0x232: {  	v56 =	vld [tilespmem:s14+$0xFFFFFD70]  }
0x233: {  	v57 =	vld [tilespmem:s14+$0xFFFFFDB0]  }
0x234: {  	v58 =	vld [tilespmem:s14+$0xFFFFFDF0]  }
0x235: {  	v59 =	vld [tilespmem:s14+$0xFFFFFE30]  }
0x236: {  	v60 =	vld [tilespmem:s14+$0xFFFFFE70]  }
0x237: {  	v61 =	vld [tilespmem:s14+$0xFFFFFEB0]  }
0x238: {  	v62 =	vld [tilespmem:s14+$0xFFFFFEF0]  }
0x239: {  	v63 =	vld [tilespmem:s14+$0xFFFFFF30]  }
0x23a: {  	v6 =	vadd.f32 v7, v6;
	v7 =	vadd.f32 v9, v8;
	v8 =	vld [tilespmem:s14+$0xFFFFFF70]  }
0x23b: {  	v9 =	vadd.f32 v11, v10;
	v10 =	vadd.f32 v26, v12;
	v11 =	vld [tilespmem:s14+$0xFFFFFFB0]  }
0x23c: {  	v12 =	vadd.f32 v28, v27;
	v26 =	vadd.f32 v30, v29;
	v27 =	vld [tilespmem:s14+$0xFFFFFFF0]  }
0x23d: {  	v28 =	vadd.f32 v32, v31;
	v34 =	vadd.f32 v34, v33;
	v30 =	vld [tilespmem:s14+$0xFFFFFC40]  }
0x23e: {  	v29 =	vadd.f32 v38, v37;
	v31 =	vld [tilespmem:s14+$0xFFFFFD00];
	v32 =	vadd.f32 v40, v39  }
0x23f: {  	v33 =	vadd.f32 v42, v41;
	v46 =	vadd.f32 v46, v45;
	v37 =	vld [tilespmem:s14+$0xFFFFFD80]  }
0x240: {  	v48 =	vadd.f32 v48, v47;
	v40 =	vld [tilespmem:s14+$0xFFFFFDC0];
	v6 =	vadd.f32 v7, v6  }
0x241: {  	v7 =	vadd.f32 v10, v9;
	v9 =	vld [tilespmem:s14+$0xFFFFFC80];
	v10 =	vadd.f32 v26, v12  }
0x242: {  	v12 =	vadd.f32 v34, v28;
	v26 =	vld [tilespmem:s14+$0xFFFFFCC0];
	v28 =	vadd.f32 v36, v35  }
0x243: {  	v34 =	vld [tilespmem:s14+$0xFFFFFD40];
	v35 =	vadd.f32 v44, v43;
	v44 =	vadd.f32 v50, v49  }
0x244: {  	v45 =	vadd.f32 v33, v32;
	v32 =	vld [tilespmem:s14+$0xFFFFFE00];
	v49 =	vadd.f32 v54, v53  }
0x245: {  	v36 =	vld [tilespmem:s14+$0xFFFFFE40];
	v54 =	vadd.f32 v60, v59;
	v28 =	vadd.f32 v29, v28  }
0x246: {  	v50 =	vld [tilespmem:s14+$0xFFFFFF00];
	v46 =	vadd.f32 v46, v35;
	v47 =	vadd.f32 v44, v48  }
0x247: {  	v53 =	vld [tilespmem:s14+$0xFFFFFF40];
	v6 =	vadd.f32 v7, v6;
	v7 =	vadd.f32 v12, v10  }
0x248: {  	v10 =	vld [tilespmem:s14+$0xFFFFFE80];
	v48 =	vadd.f32 v52, v51;
	v51 =	vadd.f32 v56, v55  }
0x249: {  	v29 =	vld [tilespmem:s14+$0xFFFFFEC0];
	v52 =	vadd.f32 v58, v57;
	v55 =	vadd.f32 v62, v61  }
0x24a: {  	v56 =	vld [tilespmem:s14+$0xFFFFFF80];
	v8 =	vadd.f32 v8, v63;
	v11 =	vadd.f32 v27, v11  }
0x24b: {  	v58 =	vld [tilespmem:s14+$0x0];
	v12 =	vadd.f32 v45, v28;
	v28 =	vadd.f32 v47, v46  }
0x24c: {  	v27 =	vld [tilespmem:s14+$0xFFFFFFC0];
	v33 =	vadd.f32 v49, v48;
	v57 =	vadd.f32 v52, v51  }
0x24d: {  	v59 =	vadd.f32 v55, v54;
	v8 =	vadd.f32 v11, v8  }
0x24e: {  	v9 =	vadd.f32 v9, v30;
	v60 =	vadd.f32 v31, v26  }
0x24f: {  	v26 =	vadd.f32 v37, v34;
	v61 =	vadd.f32 v32, v40  }
0x250: {  	v10 =	vadd.f32 v10, v36;
	v29 =	vadd.f32 v50, v29  }
0x251: {  	v62 =	vadd.f32 v56, v53;
	v27 =	vadd.f32 v58, v27  }
0x252: {  	v9 =	vadd.f32 v60, v9;
	v63 =	vadd.f32 v61, v26  }
0x253: {  	v10 =	vadd.f32 v29, v10;
	v26 =	vadd.f32 v27, v62  }
0x254: {  	v8 =	vadd.f32 v8, v59;
	v9 =	vadd.f32 v63, v9  }
.Ltmp10:
0x255: {  	v27 =	vadd.f32 v57, v33;
	v10 =	vadd.f32 v26, v10;
	(pc) =	sbr.rel .LBB2_13-.Ltmp10, $4  }
0x256: {  	v6 =	vadd.f32 v7, v6;
	v7 =	vadd.f32 v28, v12  }
0x257: {  	v8 =	vadd.f32 v8, v27;
	v9 =	vadd.f32 v10, v9  }
0x258: {  	v25 =	vadd.f32 v6, v25;
	v24 =	vadd.f32 v7, v24  }
0x259: {  	v23 =	vadd.f32 v8, v23;
	v22 =	vadd.f32 v9, v22  }
.LBB2_14:
.Ltmp11:
0x25a: {  	(pc) =	sbr.rel @p3 .LBB2_16-.Ltmp11, $4  }
0x25b: {  	_ = 	snop  }
0x25c: {  	_ =	swait.ge [sflag:s26], $0x1000  }
0x25d: {  	[sflag:s26] =	ssyncset.done $0x0  }
0x25e: {  	[sflag:s26] =	ssyncadd.s32 $0xFFFFF000  }
0x25f: {  	s6 =	sadd.s32 s12, s11  }
0x260: {  	s8 =	sshll.u32 s6, $0x7  }
0x261: {  	s8 =	sor.u32 s5, s8  }
0x262: {  	s8 =	sshrl.u32 s8, $0x3  }
0x263: {  	s8 =	sadd.s32 s1, s8  }
0x264: {  	[tilespmem:s22], [sflag:$0x2] =	stream.strided.gather [hbm4b:s8+s18], $0x8000, s19, s18, $0x38;
	[tilespmem:$0x13E60] =	vst v63  }
.Ltmp12:
0x265: {  	s6 =	sshrl.u32 s6, $0x3;
	(pc) =	sbr.rel .LBB2_4-.Ltmp12, $4  }
0x266: {  	s6 =	sadd.s32 s2, s6  }
0x267: {  	[tilespmem:s23], [sflag:$0x2] =	stream.linear.gather [hbm4b:s6+s4], $0x200, $0x38;
	[tilespmem:$0x13E60] =	vst v63  }
0x268: {  	s30 =	sadd.s32 $0x1, s30  }
0x269: {  	[tilespmem:s24], [sflag:$0x2] =	stream.linear.gather [hbm4b:s6+s4], $0x40, $0x38;
	[tilespmem:$0x13E60] =	vst v63  }
.LBB2_16:
0x26a: {  	v6 =	vshll.u32 v21, $0x6  }
0x26b: {  	v7 =	vor.u32 v0, v6  }
0x26c: {  	v8 =	vor.u32 v2, v6  }
0x26d: {  	v9 =	vor.u32 v3, v6  }
0x26e: {  	v6 =	vor.u32 v4, v6  }
.Ltmp13:
0x26f: {  	_ = 	snop;
	(pc) =	sbr.rel @p1 .LBB2_23-.Ltmp13, $4  }
0x270: {  	[tilespmem:v7+s29+$0x0] =	vst.idx.add.f32.msk $0xffff, v25  }
0x271: {  	[tilespmem:v8+s29+$0x0] =	vst.idx.add.f32.msk $0xffff, v24  }
0x272: {  	[tilespmem:v9+s29+$0x0] =	vst.idx.add.f32.msk $0xffff, v23  }
0x273: {  	[tilespmem:v6+s29+$0x0] =	vst.idx.add.f32.msk $0xffff, v22  }
0x274: {  	s6 =	rddreg [dreg:$0x7];
	s8 =	simm.s32 $0x10480  }
0x275: {  	[tilespmem:s8], [sflag:$0x5] =	stream.strided.gather [hbm4b:s6+s18], $0x2000, s19, s18, $0x38;
	[tilespmem:$0x13E60] =	vst v63  }
0x276: {  	_ =	swait.ge [sflag:s31], $0x2000  }
0x277: {  	s12 =	simm.s32 $0x0;
	s15 =	simm.s32 $0x12480;
	[sflag:s31] =	ssyncset.done $0x0  }
.Ltmp14:
0x278: {  	s14 =	rddreg [dreg:$0x8];
	[sflag:s31] =	ssyncadd.s32 $0xFFFFE000;
	(pc) =	sbr.rel .LBB2_18-.Ltmp14, $4  }
0x279: {  	[tilespmem:s15], [sflag:$0x5] =	stream.linear.gather [hbm4b:s14+s12], $0x80, $0x38;
	[tilespmem:$0x13E60] =	vst v63  }
0x27a: {  	_ =	swait.ge [sflag:s31], $0x80  }
0x27b: {  	v23 =	vimm.s32 $0x0;
	v22 =	vimm.f32 $0.0e+00;
	[sflag:s31] =	ssyncset.done $0x0  }
0x27c: {  	s30 =	simm.s32 $0x10680;
	v24 =	vimm.f32 $0.0e+00;
	v25 =	vimm.f32 $0.0e+00;
	v26 =	vimm.f32 $0.0e+00;
	[sflag:s31] =	ssyncadd.s32 $0xFFFFFF80  }
.LBB2_20:
0x27d: {  	v6 =	vperm.xlane v21, v5;
	_ =	sdelay $0x1  }
0x27e: {  	v7 =	vshll.u32 v23, $0x6;
	vm1 =	vne.s32 v6, v23  }
0x27f: {  	v8 =	vor.u32 v0, v7;
	_ =	sdelay $0x1  }
0x280: {  	v9 =	vor.u32 v2, v7;
	_ =	sdelay $0x1  }
0x281: {  	v10 =	vor.u32 v3, v7  }
0x282: {  	[tilespmem:v8+s29+$0x0] =	vst.idx.add.f32.msk vm1, v26  }
0x283: {  	v11 =	vimm.s32 $0x1;
	v8 =	vld [tilespmem:s30+$0xFFFFFE00]  }
0x284: {  	v11 =	vperm.xlane v21, v11;
	[tilespmem:v9+s29+$0x0] =	vst.idx.add.f32.msk vm1, v25  }
0x285: {  	v7 =	vor.u32 v4, v7;
	v9 =	vld [tilespmem:s30+$0xFFFFFE10]  }
0x286: {  	vm2 =	vne.s32 v11, v6;
	v6 =	vshll.u32 v6, $0x6;
	[tilespmem:v10+s29+$0x0] =	vst.idx.add.f32.msk vm1, v24  }
0x287: {  	v32 =	vor.u32 v0, v6;
	v12 =	vld [tilespmem:s30+$0xFFFFFE20];
	_ =	sdelay $0x1  }
0x288: {  	v23 =	vadd.f32 v8, v26;
	v26 =	vor.u32 v2, v6  }
0x289: {  	[tilespmem:v7+s29+$0x0] =	vst.idx.add.f32.msk vm1, v22  }
0x28a: {  	v33 =	vadd.f32 v9, v25;
	v25 =	vor.u32 v3, v6;
	v7 =	vsel vm1, v8, v23;
	v23 =	vld [tilespmem:s30+$0xFFFFFE30]  }
0x28b: {  	v34 =	vadd.f32 v12, v24;
	v24 =	vimm.s32 $0x2;
	[tilespmem:v32+s29+$0x0] =	vst.idx.add.f32.msk vm2, v7  }
0x28c: {  	v8 =	vsel vm1, v9, v33;
	v24 =	vperm.xlane v21, v24;
	v10 =	vld [tilespmem:s30+$0xFFFFFE40]  }
0x28d: {  	v6 =	vor.u32 v4, v6;
	[tilespmem:v26+s29+$0x0] =	vst.idx.add.f32.msk vm2, v8  }
0x28e: {  	v9 =	vsel vm1, v12, v34;
	vm0 =	vne.s32 v24, v11;
	v11 =	vshll.u32 v11, $0x6;
	v12 =	vld [tilespmem:s30+$0xFFFFFE50]  }
0x28f: {  	[tilespmem:v25+s29+$0x0] =	vst.idx.add.f32.msk vm2, v9;
	v25 =	vor.u32 v0, v11;
	v22 =	vadd.f32 v23, v22;
	_ =	sdelay $0x1  }
0x290: {  	v26 =	vld [tilespmem:s30+$0xFFFFFE60];
	v22 =	vsel vm1, v23, v22;
	v7 =	vadd.f32 v10, v7;
	v23 =	vor.u32 v2, v11  }
0x291: {  	[tilespmem:v6+s29+$0x0] =	vst.idx.add.f32.msk vm2, v22  }
0x292: {  	v6 =	vsel vm2, v10, v7;
	v7 =	vadd.f32 v12, v8;
	v35 =	vld [tilespmem:s30+$0xFFFFFE70]  }
0x293: {  	v36 =	vor.u32 v3, v11;
	[tilespmem:v25+s29+$0x0] =	vst.idx.add.f32.msk vm0, v6;
	v25 =	vimm.s32 $0x3  }
0x294: {  	v7 =	vsel vm2, v12, v7;
	v12 =	vld [tilespmem:s30+$0xFFFFFE80];
	v25 =	vperm.xlane v21, v25  }
0x295: {  	v11 =	vor.u32 v4, v11;
	v9 =	vadd.f32 v26, v9;
	[tilespmem:v23+s29+$0x0] =	vst.idx.add.f32.msk vm0, v7  }
0x296: {  	v23 =	vld [tilespmem:s30+$0xFFFFFE90];
	vm15 =	vne.s32 v25, v24;
	v24 =	vshll.u32 v24, $0x6  }
0x297: {  	v9 =	vsel vm2, v26, v9;
	v22 =	vadd.f32 v35, v22;
	v37 =	vor.u32 v0, v24  }
0x298: {  	[tilespmem:v36+s29+$0x0] =	vst.idx.add.f32.msk vm0, v9  }
0x299: {  	v26 =	vld [tilespmem:s30+$0xFFFFFEA0];
	v8 =	vsel vm2, v35, v22;
	v6 =	vadd.f32 v12, v6;
	v22 =	vor.u32 v2, v24  }
0x29a: {  	[tilespmem:v11+s29+$0x0] =	vst.idx.add.f32.msk vm0, v8  }
0x29b: {  	v6 =	vsel vm0, v12, v6;
	v7 =	vadd.f32 v23, v7;
	v11 =	vld [tilespmem:s30+$0xFFFFFEB0]  }
0x29c: {  	v12 =	vor.u32 v3, v24;
	[tilespmem:v37+s29+$0x0] =	vst.idx.add.f32.msk vm15, v6  }
0x29d: {  	v7 =	vsel vm0, v23, v7;
	v10 =	vld [tilespmem:s30+$0xFFFFFEC0];
	v23 =	vimm.s32 $0x4  }
0x29e: {  	v9 =	vadd.f32 v26, v9;
	v23 =	vperm.xlane v21, v23;
	[tilespmem:v22+s29+$0x0] =	vst.idx.add.f32.msk vm15, v7  }
0x29f: {  	v22 =	vor.u32 v4, v24;
	v24 =	vld [tilespmem:s30+$0xFFFFFED0]  }
0x2a0: {  	v9 =	vsel vm0, v26, v9;
	vm4 =	vne.s32 v23, v25;
	v25 =	vshll.u32 v25, $0x6  }
0x2a1: {  	v8 =	vadd.f32 v11, v8;
	[tilespmem:v12+s29+$0x0] =	vst.idx.add.f32.msk vm15, v9;
	v12 =	vor.u32 v0, v25  }
0x2a2: {  	v26 =	vld [tilespmem:s30+$0xFFFFFEE0]  }
0x2a3: {  	v38 =	vor.u32 v2, v25;
	v8 =	vsel vm0, v11, v8;
	v6 =	vadd.f32 v10, v6  }
0x2a4: {  	[tilespmem:v22+s29+$0x0] =	vst.idx.add.f32.msk vm15, v8;
	v7 =	vadd.f32 v24, v7  }
0x2a5: {  	v22 =	vor.u32 v3, v25;
	v6 =	vsel vm15, v10, v6;
	v39 =	vld [tilespmem:s30+$0xFFFFFEF0]  }
0x2a6: {  	[tilespmem:v12+s29+$0x0] =	vst.idx.add.f32.msk vm4, v6;
	v7 =	vsel vm15, v24, v7;
	v24 =	vimm.s32 $0x5  }
0x2a7: {  	v9 =	vadd.f32 v26, v9;
	v12 =	vld [tilespmem:s30+$0xFFFFFF00];
	v24 =	vperm.xlane v21, v24  }
0x2a8: {  	v40 =	vor.u32 v4, v25;
	[tilespmem:v38+s29+$0x0] =	vst.idx.add.f32.msk vm4, v7  }
0x2a9: {  	v9 =	vsel vm15, v26, v9;
	v25 =	vld [tilespmem:s30+$0xFFFFFF10];
	vm5 =	vne.s32 v24, v23;
	v23 =	vshll.u32 v23, $0x6  }
0x2aa: {  	v8 =	vadd.f32 v39, v8;
	[tilespmem:v22+s29+$0x0] =	vst.idx.add.f32.msk vm4, v9;
	v22 =	vor.u32 v0, v23;
	_ =	sdelay $0x1  }
0x2ab: {  	v26 =	vld [tilespmem:s30+$0xFFFFFF20];
	v41 =	vor.u32 v2, v23;
	v8 =	vsel vm15, v39, v8;
	v6 =	vadd.f32 v12, v6  }
0x2ac: {  	[tilespmem:v40+s29+$0x0] =	vst.idx.add.f32.msk vm4, v8  }
0x2ad: {  	v7 =	vadd.f32 v25, v7;
	v11 =	vld [tilespmem:s30+$0xFFFFFF30];
	v6 =	vsel vm4, v12, v6  }
0x2ae: {  	v12 =	vor.u32 v3, v23;
	[tilespmem:v22+s29+$0x0] =	vst.idx.add.f32.msk vm5, v6  }
0x2af: {  	v7 =	vsel vm4, v25, v7;
	v25 =	vimm.s32 $0x6;
	v22 =	vld [tilespmem:s30+$0xFFFFFF40]  }
0x2b0: {  	v9 =	vadd.f32 v26, v9;
	v25 =	vperm.xlane v21, v25;
	[tilespmem:v41+s29+$0x0] =	vst.idx.add.f32.msk vm5, v7  }
0x2b1: {  	v42 =	vor.u32 v4, v23;
	v23 =	vld [tilespmem:s30+$0xFFFFFF50]  }
0x2b2: {  	v9 =	vsel vm4, v26, v9;
	vm6 =	vne.s32 v25, v24;
	v24 =	vshll.u32 v24, $0x6  }
0x2b3: {  	v8 =	vadd.f32 v11, v8;
	[tilespmem:v12+s29+$0x0] =	vst.idx.add.f32.msk vm5, v9;
	v12 =	vor.u32 v0, v24  }
0x2b4: {  	v26 =	vld [tilespmem:s30+$0xFFFFFF60]  }
0x2b5: {  	v43 =	vor.u32 v2, v24;
	v8 =	vsel vm4, v11, v8;
	v6 =	vadd.f32 v22, v6  }
0x2b6: {  	[tilespmem:v42+s29+$0x0] =	vst.idx.add.f32.msk vm5, v8;
	v7 =	vadd.f32 v23, v7  }
0x2b7: {  	v10 =	vld [tilespmem:s30+$0xFFFFFF70];
	v6 =	vsel vm5, v22, v6;
	v22 =	vor.u32 v3, v24  }
0x2b8: {  	[tilespmem:v12+s29+$0x0] =	vst.idx.add.f32.msk vm6, v6;
	v7 =	vsel vm5, v23, v7;
	v23 =	vimm.s32 $0x7  }
0x2b9: {  	v9 =	vadd.f32 v26, v9;
	v12 =	vld [tilespmem:s30+$0xFFFFFF80];
	v23 =	vperm.xlane v21, v23  }
0x2ba: {  	v44 =	vor.u32 v4, v24;
	[tilespmem:v43+s29+$0x0] =	vst.idx.add.f32.msk vm6, v7  }
0x2bb: {  	v24 =	vld [tilespmem:s30+$0xFFFFFF90];
	v9 =	vsel vm5, v26, v9;
	vm7 =	vne.s32 v23, v25;
	v25 =	vshll.u32 v25, $0x6  }
0x2bc: {  	v8 =	vadd.f32 v10, v8;
	[tilespmem:v22+s29+$0x0] =	vst.idx.add.f32.msk vm6, v9;
	v22 =	vor.u32 v0, v25  }
0x2bd: {  	v26 =	vld [tilespmem:s30+$0xFFFFFFA0]  }
0x2be: {  	v45 =	vor.u32 v2, v25;
	v8 =	vsel vm5, v10, v8;
	v6 =	vadd.f32 v12, v6  }
0x2bf: {  	[tilespmem:v44+s29+$0x0] =	vst.idx.add.f32.msk vm6, v8  }
0x2c0: {  	v7 =	vadd.f32 v24, v7;
	v11 =	vld [tilespmem:s30+$0xFFFFFFB0];
	v6 =	vsel vm6, v12, v6;
	v12 =	vor.u32 v3, v25  }
0x2c1: {  	[tilespmem:v22+s29+$0x0] =	vst.idx.add.f32.msk vm7, v6  }
0x2c2: {  	v7 =	vsel vm6, v24, v7;
	v24 =	vperm.xlane v21, v13;
	v9 =	vadd.f32 v26, v9;
	v22 =	vld [tilespmem:s30+$0xFFFFFFC0]  }
0x2c3: {  	v46 =	vor.u32 v4, v25;
	[tilespmem:v45+s29+$0x0] =	vst.idx.add.f32.msk vm7, v7  }
0x2c4: {  	v25 =	vld [tilespmem:s30+$0xFFFFFFD0];
	vm8 =	vne.s32 v24, v23;
	v23 =	vshll.u32 v23, $0x6;
	v9 =	vsel vm6, v26, v9  }
0x2c5: {  	v8 =	vadd.f32 v11, v8;
	[tilespmem:v12+s29+$0x0] =	vst.idx.add.f32.msk vm7, v9;
	v12 =	vor.u32 v0, v23  }
0x2c6: {  	v26 =	vld [tilespmem:s30+$0xFFFFFFE0]  }
0x2c7: {  	v47 =	vor.u32 v2, v23;
	v8 =	vsel vm6, v11, v8;
	v6 =	vadd.f32 v22, v6  }
0x2c8: {  	[tilespmem:v46+s29+$0x0] =	vst.idx.add.f32.msk vm7, v8  }
0x2c9: {  	v7 =	vadd.f32 v25, v7;
	v10 =	vld [tilespmem:s30+$0xFFFFFFF0];
	v6 =	vsel vm7, v22, v6;
	v22 =	vor.u32 v3, v23  }
0x2ca: {  	[tilespmem:v12+s29+$0x0] =	vst.idx.add.f32.msk vm8, v6  }
0x2cb: {  	v7 =	vsel vm7, v25, v7;
	v25 =	vperm.xlane v21, v14;
	v9 =	vadd.f32 v26, v9;
	v12 =	vld [tilespmem:s30+$0x0]  }
0x2cc: {  	v48 =	vor.u32 v4, v23;
	[tilespmem:v47+s29+$0x0] =	vst.idx.add.f32.msk vm8, v7  }
0x2cd: {  	v23 =	vld [tilespmem:s30+$0x10];
	vm9 =	vne.s32 v25, v24;
	v24 =	vshll.u32 v24, $0x6;
	v9 =	vsel vm7, v26, v9  }
0x2ce: {  	v8 =	vadd.f32 v10, v8;
	[tilespmem:v22+s29+$0x0] =	vst.idx.add.f32.msk vm8, v9;
	v22 =	vor.u32 v0, v24  }
0x2cf: {  	v26 =	vld [tilespmem:s30+$0x20]  }
0x2d0: {  	v49 =	vor.u32 v2, v24;
	v8 =	vsel vm7, v10, v8;
	v6 =	vadd.f32 v12, v6  }
0x2d1: {  	[tilespmem:v48+s29+$0x0] =	vst.idx.add.f32.msk vm8, v8  }
0x2d2: {  	v7 =	vadd.f32 v23, v7;
	v11 =	vld [tilespmem:s30+$0x30];
	v6 =	vsel vm8, v12, v6;
	v12 =	vor.u32 v3, v24  }
0x2d3: {  	[tilespmem:v22+s29+$0x0] =	vst.idx.add.f32.msk vm9, v6  }
0x2d4: {  	v7 =	vsel vm8, v23, v7;
	v23 =	vperm.xlane v21, v15;
	v9 =	vadd.f32 v26, v9;
	v22 =	vld [tilespmem:s30+$0x40]  }
0x2d5: {  	v50 =	vor.u32 v4, v24;
	[tilespmem:v49+s29+$0x0] =	vst.idx.add.f32.msk vm9, v7  }
0x2d6: {  	v24 =	vld [tilespmem:s30+$0x50];
	vm10 =	vne.s32 v23, v25;
	v25 =	vshll.u32 v25, $0x6;
	v9 =	vsel vm8, v26, v9  }
0x2d7: {  	v8 =	vadd.f32 v11, v8;
	[tilespmem:v12+s29+$0x0] =	vst.idx.add.f32.msk vm9, v9;
	v12 =	vor.u32 v0, v25  }
0x2d8: {  	v26 =	vld [tilespmem:s30+$0x60]  }
0x2d9: {  	v51 =	vor.u32 v2, v25;
	v8 =	vsel vm8, v11, v8;
	v6 =	vadd.f32 v22, v6  }
0x2da: {  	[tilespmem:v50+s29+$0x0] =	vst.idx.add.f32.msk vm9, v8  }
0x2db: {  	v7 =	vadd.f32 v24, v7;
	v10 =	vld [tilespmem:s30+$0x70];
	v6 =	vsel vm9, v22, v6;
	v22 =	vor.u32 v3, v25  }
0x2dc: {  	[tilespmem:v12+s29+$0x0] =	vst.idx.add.f32.msk vm10, v6  }
0x2dd: {  	v7 =	vsel vm9, v24, v7;
	v24 =	vperm.xlane v21, v16;
	v9 =	vadd.f32 v26, v9;
	v12 =	vld [tilespmem:s30+$0x80]  }
0x2de: {  	v52 =	vor.u32 v4, v25;
	[tilespmem:v51+s29+$0x0] =	vst.idx.add.f32.msk vm10, v7  }
0x2df: {  	v25 =	vld [tilespmem:s30+$0x90];
	vm11 =	vne.s32 v24, v23;
	v23 =	vshll.u32 v23, $0x6;
	v9 =	vsel vm9, v26, v9  }
0x2e0: {  	v8 =	vadd.f32 v10, v8;
	[tilespmem:v22+s29+$0x0] =	vst.idx.add.f32.msk vm10, v9;
	v22 =	vor.u32 v0, v23  }
0x2e1: {  	v26 =	vld [tilespmem:s30+$0xA0]  }
0x2e2: {  	v53 =	vor.u32 v2, v23;
	v8 =	vsel vm9, v10, v8;
	v6 =	vadd.f32 v12, v6  }
0x2e3: {  	[tilespmem:v52+s29+$0x0] =	vst.idx.add.f32.msk vm10, v8  }
0x2e4: {  	v7 =	vadd.f32 v25, v7;
	v11 =	vld [tilespmem:s30+$0xB0];
	v6 =	vsel vm10, v12, v6;
	v12 =	vor.u32 v3, v23  }
0x2e5: {  	[tilespmem:v22+s29+$0x0] =	vst.idx.add.f32.msk vm11, v6  }
0x2e6: {  	v7 =	vsel vm10, v25, v7;
	v25 =	vperm.xlane v21, v17;
	v9 =	vadd.f32 v26, v9;
	v22 =	vld [tilespmem:s30+$0xC0]  }
0x2e7: {  	v54 =	vor.u32 v4, v23;
	[tilespmem:v53+s29+$0x0] =	vst.idx.add.f32.msk vm11, v7  }
0x2e8: {  	v23 =	vld [tilespmem:s30+$0xD0];
	vm12 =	vne.s32 v25, v24;
	v24 =	vshll.u32 v24, $0x6;
	v9 =	vsel vm10, v26, v9  }
0x2e9: {  	v8 =	vadd.f32 v11, v8;
	[tilespmem:v12+s29+$0x0] =	vst.idx.add.f32.msk vm11, v9;
	v12 =	vor.u32 v0, v24  }
0x2ea: {  	v26 =	vld [tilespmem:s30+$0xE0]  }
0x2eb: {  	v55 =	vor.u32 v2, v24;
	v8 =	vsel vm10, v11, v8;
	v6 =	vadd.f32 v22, v6  }
0x2ec: {  	[tilespmem:v54+s29+$0x0] =	vst.idx.add.f32.msk vm11, v8  }
0x2ed: {  	v7 =	vadd.f32 v23, v7;
	v10 =	vld [tilespmem:s30+$0xF0];
	v6 =	vsel vm11, v22, v6;
	v22 =	vor.u32 v3, v24  }
0x2ee: {  	[tilespmem:v12+s29+$0x0] =	vst.idx.add.f32.msk vm12, v6  }
0x2ef: {  	v7 =	vsel vm11, v23, v7;
	v23 =	vperm.xlane v21, v18;
	v9 =	vadd.f32 v26, v9;
	v12 =	vld [tilespmem:s30+$0x100]  }
0x2f0: {  	v56 =	vor.u32 v4, v24;
	[tilespmem:v55+s29+$0x0] =	vst.idx.add.f32.msk vm12, v7  }
0x2f1: {  	v24 =	vld [tilespmem:s30+$0x110];
	vm13 =	vne.s32 v23, v25;
	v25 =	vshll.u32 v25, $0x6;
	v9 =	vsel vm11, v26, v9  }
0x2f2: {  	v8 =	vadd.f32 v10, v8;
	[tilespmem:v22+s29+$0x0] =	vst.idx.add.f32.msk vm12, v9;
	v22 =	vor.u32 v0, v25  }
0x2f3: {  	v26 =	vld [tilespmem:s30+$0x120]  }
0x2f4: {  	v57 =	vor.u32 v2, v25;
	v8 =	vsel vm11, v10, v8;
	v6 =	vadd.f32 v12, v6  }
0x2f5: {  	[tilespmem:v56+s29+$0x0] =	vst.idx.add.f32.msk vm12, v8  }
0x2f6: {  	v7 =	vadd.f32 v24, v7;
	v11 =	vld [tilespmem:s30+$0x130];
	v6 =	vsel vm12, v12, v6;
	v12 =	vor.u32 v3, v25  }
0x2f7: {  	[tilespmem:v22+s29+$0x0] =	vst.idx.add.f32.msk vm13, v6  }
0x2f8: {  	v7 =	vsel vm12, v24, v7;
	v9 =	vadd.f32 v26, v9;
	v22 =	vld [tilespmem:s30+$0x140]  }
0x2f9: {  	v58 =	vor.u32 v4, v25;
	v24 =	vperm.xlane v21, v19;
	[tilespmem:v57+s29+$0x0] =	vst.idx.add.f32.msk vm13, v7  }
0x2fa: {  	v25 =	vld [tilespmem:s30+$0x150];
	v9 =	vsel vm12, v26, v9  }
0x2fb: {  	vm14 =	vne.s32 v24, v23;
	v8 =	vadd.f32 v11, v8;
	[tilespmem:v12+s29+$0x0] =	vst.idx.add.f32.msk vm13, v9;
	v12 =	vshll.u32 v23, $0x6  }
0x2fc: {  	v23 =	vor.u32 v0, v12  }
0x2fd: {  	v26 =	vld [tilespmem:s30+$0x160];
	v8 =	vsel vm12, v11, v8  }
0x2fe: {  	v59 =	vor.u32 v2, v12;
	v6 =	vadd.f32 v22, v6;
	[tilespmem:v58+s29+$0x0] =	vst.idx.add.f32.msk vm13, v8  }
0x2ff: {  	v60 =	vld [tilespmem:s30+$0x170]  }
0x300: {  	v7 =	vadd.f32 v25, v7;
	v6 =	vsel vm13, v22, v6;
	v22 =	vor.u32 v3, v12  }
0x301: {  	v12 =	vor.u32 v4, v12;
	[tilespmem:v23+s29+$0x0] =	vst.idx.add.f32.msk vm14, v6  }
0x302: {  	v7 =	vsel vm13, v25, v7;
	v9 =	vadd.f32 v26, v9;
	v23 =	vperm.xlane v21, v20;
	v25 =	vld [tilespmem:s30+$0x180]  }
0x303: {  	v21 =	vshll.u32 v24, $0x6;
	[tilespmem:v59+s29+$0x0] =	vst.idx.add.f32.msk vm14, v7  }
0x304: {  	v9 =	vsel vm13, v26, v9;
	v8 =	vadd.f32 v60, v8;
	v10 =	vld [tilespmem:s30+$0x190];
	vm15 =	vne.s32 v23, v24  }
0x305: {  	[tilespmem:v22+s29+$0x0] =	vst.idx.add.f32.msk vm14, v9;
	v22 =	vor.u32 v0, v21  }
0x306: {  	v8 =	vsel vm13, v60, v8;
	v61 =	vld [tilespmem:s30+$0x1A0]  }
0x307: {  	[tilespmem:v12+s29+$0x0] =	vst.idx.add.f32.msk vm14, v8;
	v12 =	vor.u32 v2, v21;
	v6 =	vadd.f32 v25, v6  }
0x308: {  	v24 =	vld [tilespmem:s30+$0x1B0]  }
0x309: {  	v7 =	vadd.f32 v10, v7;
	v6 =	vsel vm14, v25, v6;
	v25 =	vor.u32 v3, v21  }
0x30a: {  	[tilespmem:v22+s29+$0x0] =	vst.idx.add.f32.msk vm15, v6  }
0x30b: {  	v21 =	vor.u32 v4, v21;
	v7 =	vsel vm14, v10, v7;
	v9 =	vadd.f32 v61, v9;
	v62 =	vld [tilespmem:s30+$0x1C0]  }
0x30c: {  	[tilespmem:v12+s29+$0x0] =	vst.idx.add.f32.msk vm15, v7  }
0x30d: {  	v9 =	vsel vm14, v61, v9;
	v8 =	vadd.f32 v24, v8;
	v63 =	vld [tilespmem:s30+$0x1D0]  }
0x30e: {  	[tilespmem:v25+s29+$0x0] =	vst.idx.add.f32.msk vm15, v9  }
0x30f: {  	v8 =	vsel vm14, v24, v8;
	v12 =	vld [tilespmem:s30+$0x1E0]  }
0x310: {  	[tilespmem:v21+s29+$0x0] =	vst.idx.add.f32.msk vm15, v8  }
0x311: {  	v21 =	vld [tilespmem:s30+$0x1F0];
	_ =	sdelay $0x3  }
0x312: {  	v6 =	vadd.f32 v62, v6;
	v7 =	vadd.f32 v63, v7  }
0x313: {  	v9 =	vadd.f32 v12, v9;
	v8 =	vadd.f32 v21, v8  }
0x314: {  	v26 =	vsel vm15, v62, v6  }
0x315: {  	v25 =	vsel vm15, v63, v7;
	v24 =	vsel vm15, v12, v9;
	v22 =	vsel vm15, v21, v8  }
.LBB2_21:
0x316: {  	s12 =	sadd.s32 $0x40, s12  }
0x317: {  	p3 =	sne.s32 s12, $0x200  }
.Ltmp15:
0x318: {  	_ = 	snop;
	(pc) =	sbr.rel @!p3 .LBB2_22-.Ltmp15, $2  }
0x319: {  	_ =	sdelay $0x2  }
0x31a: {  	s30 =	sadd.s32 $0x400, s30  }
.LBB2_18:
0x31b: {  	s6 =	sshra.s32 s12, $0x2  }
0x31c: {  	v21 =	vld [tilespmem:s6+$0x12480];
	_ =	sdelay $0x4  }
0x31d: {  	vm0 =	vne.s32 v21, v23  }
0x31e: {  	v6 =	vsel vm0, $0x1, v5  }
0x31f: {  	(xrf0) =	vadd.scan.msk.s32 $0xffff, v6;
	_ =	sdelay $0x5  }
0x320: {  	v6, _, _ =	vpop (xrf0)  }
0x321: {  	(v2sf) =	vpush v6, $0xF;
	_ =	sdelay $0xe  }
0x322: {  	s15 =	spop (v2sf)  }
0x323: {  	p3 =	sne.s32 s15, $0x0  }
.Ltmp16:
0x324: {  	_ = 	snop;
	(pc) =	sbr.rel @p3 .LBB2_20-.Ltmp16, $1  }
0x325: {  	_ =	sdelay $0x3  }
0x326: {  	v6 =	vld [tilespmem:s30+$0xFFFFFE00]  }
0x327: {  	v7 =	vld [tilespmem:s30+$0xFFFFFE40]  }
0x328: {  	v8 =	vld [tilespmem:s30+$0xFFFFFE80]  }
0x329: {  	v9 =	vld [tilespmem:s30+$0xFFFFFEC0]  }
0x32a: {  	v10 =	vld [tilespmem:s30+$0xFFFFFF00]  }
0x32b: {  	v11 =	vld [tilespmem:s30+$0xFFFFFF40]  }
0x32c: {  	v12 =	vld [tilespmem:s30+$0xFFFFFF80]  }
0x32d: {  	v21 =	vld [tilespmem:s30+$0xFFFFFFC0]  }
0x32e: {  	v27 =	vld [tilespmem:s30+$0x0]  }
0x32f: {  	v28 =	vld [tilespmem:s30+$0x40]  }
0x330: {  	v29 =	vld [tilespmem:s30+$0x80]  }
0x331: {  	v30 =	vld [tilespmem:s30+$0xC0]  }
0x332: {  	v31 =	vld [tilespmem:s30+$0x100]  }
0x333: {  	v32 =	vld [tilespmem:s30+$0x140]  }
0x334: {  	v33 =	vld [tilespmem:s30+$0x180]  }
0x335: {  	v34 =	vld [tilespmem:s30+$0x1C0]  }
0x336: {  	v35 =	vld [tilespmem:s30+$0xFFFFFE10]  }
0x337: {  	v36 =	vld [tilespmem:s30+$0xFFFFFE50]  }
0x338: {  	v37 =	vld [tilespmem:s30+$0xFFFFFE90]  }
0x339: {  	v38 =	vld [tilespmem:s30+$0xFFFFFED0]  }
0x33a: {  	v39 =	vld [tilespmem:s30+$0xFFFFFF10]  }
0x33b: {  	v40 =	vld [tilespmem:s30+$0xFFFFFF50]  }
0x33c: {  	v41 =	vld [tilespmem:s30+$0xFFFFFF90]  }
0x33d: {  	v42 =	vld [tilespmem:s30+$0xFFFFFFD0]  }
0x33e: {  	v43 =	vld [tilespmem:s30+$0x10]  }
0x33f: {  	v44 =	vld [tilespmem:s30+$0x50]  }
0x340: {  	v45 =	vld [tilespmem:s30+$0x90]  }
0x341: {  	v46 =	vld [tilespmem:s30+$0xD0]  }
0x342: {  	v47 =	vld [tilespmem:s30+$0x110]  }
0x343: {  	v48 =	vld [tilespmem:s30+$0x150]  }
0x344: {  	v49 =	vld [tilespmem:s30+$0x190]  }
0x345: {  	v50 =	vld [tilespmem:s30+$0x1D0]  }
0x346: {  	v51 =	vld [tilespmem:s30+$0xFFFFFE20]  }
0x347: {  	v52 =	vld [tilespmem:s30+$0xFFFFFE60]  }
0x348: {  	v53 =	vld [tilespmem:s30+$0xFFFFFEA0]  }
0x349: {  	v54 =	vld [tilespmem:s30+$0xFFFFFEE0]  }
0x34a: {  	v55 =	vld [tilespmem:s30+$0xFFFFFF20]  }
0x34b: {  	v56 =	vld [tilespmem:s30+$0xFFFFFF60]  }
0x34c: {  	v57 =	vld [tilespmem:s30+$0xFFFFFFA0]  }
0x34d: {  	v58 =	vld [tilespmem:s30+$0xFFFFFFE0]  }
0x34e: {  	v59 =	vld [tilespmem:s30+$0x20]  }
0x34f: {  	v60 =	vld [tilespmem:s30+$0x60]  }
0x350: {  	v61 =	vld [tilespmem:s30+$0xA0]  }
0x351: {  	v62 =	vld [tilespmem:s30+$0xE0]  }
0x352: {  	v63 =	vld [tilespmem:s30+$0x120]  }
0x353: {  	v6 =	vadd.f32 v7, v6;
	v7 =	vadd.f32 v9, v8;
	v8 =	vld [tilespmem:s30+$0x160]  }
0x354: {  	v9 =	vadd.f32 v11, v10;
	v10 =	vadd.f32 v21, v12;
	v11 =	vld [tilespmem:s30+$0x1A0]  }
0x355: {  	v12 =	vadd.f32 v28, v27;
	v21 =	vadd.f32 v30, v29;
	v27 =	vld [tilespmem:s30+$0x1E0]  }
0x356: {  	v28 =	vadd.f32 v32, v31;
	v34 =	vadd.f32 v34, v33;
	v30 =	vld [tilespmem:s30+$0xFFFFFE30]  }
0x357: {  	v29 =	vadd.f32 v38, v37;
	v31 =	vld [tilespmem:s30+$0xFFFFFEF0];
	v32 =	vadd.f32 v40, v39  }
0x358: {  	v33 =	vadd.f32 v42, v41;
	v46 =	vadd.f32 v46, v45;
	v37 =	vld [tilespmem:s30+$0xFFFFFF70]  }
0x359: {  	v48 =	vadd.f32 v48, v47;
	v40 =	vld [tilespmem:s30+$0xFFFFFFB0];
	v6 =	vadd.f32 v7, v6  }
0x35a: {  	v7 =	vadd.f32 v10, v9;
	v9 =	vld [tilespmem:s30+$0xFFFFFE70];
	v10 =	vadd.f32 v21, v12  }
0x35b: {  	v12 =	vadd.f32 v34, v28;
	v21 =	vld [tilespmem:s30+$0xFFFFFEB0];
	v28 =	vadd.f32 v36, v35  }
0x35c: {  	v34 =	vld [tilespmem:s30+$0xFFFFFF30];
	v35 =	vadd.f32 v44, v43;
	v44 =	vadd.f32 v50, v49  }
0x35d: {  	v45 =	vadd.f32 v33, v32;
	v32 =	vld [tilespmem:s30+$0xFFFFFFF0];
	v49 =	vadd.f32 v54, v53  }
0x35e: {  	v36 =	vld [tilespmem:s30+$0x30];
	v54 =	vadd.f32 v60, v59;
	v28 =	vadd.f32 v29, v28  }
0x35f: {  	v50 =	vld [tilespmem:s30+$0xF0];
	v46 =	vadd.f32 v46, v35;
	v47 =	vadd.f32 v44, v48  }
0x360: {  	v53 =	vld [tilespmem:s30+$0x130];
	v6 =	vadd.f32 v7, v6;
	v7 =	vadd.f32 v12, v10  }
0x361: {  	v10 =	vld [tilespmem:s30+$0x70];
	v48 =	vadd.f32 v52, v51;
	v51 =	vadd.f32 v56, v55  }
0x362: {  	v29 =	vld [tilespmem:s30+$0xB0];
	v52 =	vadd.f32 v58, v57;
	v55 =	vadd.f32 v62, v61  }
0x363: {  	v56 =	vld [tilespmem:s30+$0x170];
	v8 =	vadd.f32 v8, v63;
	v11 =	vadd.f32 v27, v11  }
0x364: {  	v58 =	vld [tilespmem:s30+$0x1F0];
	v12 =	vadd.f32 v45, v28;
	v28 =	vadd.f32 v47, v46  }
0x365: {  	v27 =	vld [tilespmem:s30+$0x1B0];
	v33 =	vadd.f32 v49, v48;
	v57 =	vadd.f32 v52, v51  }
0x366: {  	v59 =	vadd.f32 v55, v54;
	v8 =	vadd.f32 v11, v8  }
0x367: {  	v9 =	vadd.f32 v9, v30;
	v60 =	vadd.f32 v31, v21  }
0x368: {  	v21 =	vadd.f32 v37, v34;
	v61 =	vadd.f32 v32, v40  }
0x369: {  	v10 =	vadd.f32 v10, v36;
	v29 =	vadd.f32 v50, v29  }
0x36a: {  	v62 =	vadd.f32 v56, v53;
	v27 =	vadd.f32 v58, v27  }
0x36b: {  	v9 =	vadd.f32 v60, v9;
	v63 =	vadd.f32 v61, v21  }
0x36c: {  	v10 =	vadd.f32 v29, v10;
	v21 =	vadd.f32 v27, v62  }
0x36d: {  	v8 =	vadd.f32 v8, v59;
	v9 =	vadd.f32 v63, v9  }
.Ltmp17:
0x36e: {  	v27 =	vadd.f32 v57, v33;
	v10 =	vadd.f32 v21, v10;
	(pc) =	sbr.rel .LBB2_21-.Ltmp17, $4  }
0x36f: {  	v6 =	vadd.f32 v7, v6;
	v7 =	vadd.f32 v28, v12  }
0x370: {  	v8 =	vadd.f32 v8, v27;
	v9 =	vadd.f32 v10, v9  }
0x371: {  	v26 =	vadd.f32 v6, v26;
	v25 =	vadd.f32 v7, v25  }
0x372: {  	v24 =	vadd.f32 v8, v24;
	v22 =	vadd.f32 v9, v22  }
.LBB2_22:
0x373: {  	v6 =	vshll.u32 v23, $0x6  }
0x374: {  	v7 =	vor.u32 v0, v6  }
0x375: {  	v8 =	vor.u32 v2, v6  }
0x376: {  	v9 =	vor.u32 v3, v6  }
0x377: {  	v6 =	vor.u32 v4, v6;
	_ =	sdelay $0x1  }
0x378: {  	[tilespmem:v7+s29+$0x0] =	vst.idx.add.f32.msk $0xffff, v26  }
0x379: {  	[tilespmem:v8+s29+$0x0] =	vst.idx.add.f32.msk $0xffff, v25  }
0x37a: {  	[tilespmem:v9+s29+$0x0] =	vst.idx.add.f32.msk $0xffff, v24  }
0x37b: {  	[tilespmem:v6+s29+$0x0] =	vst.idx.add.f32.msk $0xffff, v22  }
.LBB2_23:
.Ltmp18:
0x37c: {  	(pc) =	sbr.rel @p2 .LBB2_30-.Ltmp18, $1  }
0x37d: {  	_ =	sdelay $0x3  }
0x37e: {  	s6 =	rddreg [dreg:$0x9];
	s8 =	simm.s32 $0x12500  }
0x37f: {  	[tilespmem:s8], [sflag:$0x5] =	stream.strided.gather [hbm4b:s6+s18], $0x800, s19, s18, $0x38;
	[tilespmem:$0x13E60] =	vst v63  }
0x380: {  	_ =	swait.ge [sflag:s31], $0x800  }
0x381: {  	s12 =	simm.s32 $0x0;
	s30 =	simm.s32 $0x12D00;
	[sflag:s31] =	ssyncset.done $0x0  }
.Ltmp19:
0x382: {  	s15 =	rddreg [dreg:$0xa];
	[sflag:s31] =	ssyncadd.s32 $0xFFFFF800;
	(pc) =	sbr.rel .LBB2_25-.Ltmp19, $4  }
0x383: {  	[tilespmem:s30], [sflag:$0x5] =	stream.linear.gather [hbm4b:s15+s12], $0x20, $0x38;
	[tilespmem:$0x13E60] =	vst v63  }
0x384: {  	_ =	swait.ge [sflag:s31], $0x20  }
0x385: {  	v23 =	vimm.s32 $0x0;
	v22 =	vimm.f32 $0.0e+00;
	[sflag:s31] =	ssyncset.done $0x0  }
0x386: {  	p4 =	por $0x1, $0x1;
	v24 =	vimm.f32 $0.0e+00;
	v25 =	vimm.f32 $0.0e+00;
	v26 =	vimm.f32 $0.0e+00;
	[sflag:s31] =	ssyncadd.s32 $0xFFFFFFE0  }
.LBB2_27:
0x387: {  	v6 =	vperm.xlane v21, v5;
	_ =	sdelay $0x1  }
0x388: {  	v7 =	vshll.u32 v23, $0x6;
	vm1 =	vne.s32 v6, v23  }
0x389: {  	v8 =	vor.u32 v0, v7;
	_ =	sdelay $0x1  }
0x38a: {  	v9 =	vor.u32 v2, v7;
	_ =	sdelay $0x1  }
0x38b: {  	v10 =	vor.u32 v3, v7  }
0x38c: {  	[tilespmem:v8+s29+$0x0] =	vst.idx.add.f32.msk vm1, v26  }
0x38d: {  	v11 =	vimm.s32 $0x1;
	v8 =	vld [tilespmem:s12+$0x12500]  }
0x38e: {  	v11 =	vperm.xlane v21, v11;
	[tilespmem:v9+s29+$0x0] =	vst.idx.add.f32.msk vm1, v25  }
0x38f: {  	v7 =	vor.u32 v4, v7;
	v9 =	vld [tilespmem:s12+$0x12510]  }
0x390: {  	vm2 =	vne.s32 v11, v6;
	v6 =	vshll.u32 v6, $0x6;
	[tilespmem:v10+s29+$0x0] =	vst.idx.add.f32.msk vm1, v24  }
0x391: {  	v32 =	vor.u32 v0, v6;
	v12 =	vld [tilespmem:s12+$0x12520];
	_ =	sdelay $0x1  }
0x392: {  	v23 =	vadd.f32 v8, v26;
	v26 =	vor.u32 v2, v6  }
0x393: {  	[tilespmem:v7+s29+$0x0] =	vst.idx.add.f32.msk vm1, v22  }
0x394: {  	v33 =	vadd.f32 v9, v25;
	v25 =	vor.u32 v3, v6;
	v7 =	vsel vm1, v8, v23;
	v23 =	vld [tilespmem:s12+$0x12530]  }
0x395: {  	v34 =	vadd.f32 v12, v24;
	v24 =	vimm.s32 $0x2;
	[tilespmem:v32+s29+$0x0] =	vst.idx.add.f32.msk vm2, v7  }
0x396: {  	v8 =	vsel vm1, v9, v33;
	v24 =	vperm.xlane v21, v24;
	v10 =	vld [tilespmem:s12+$0x12540]  }
0x397: {  	v6 =	vor.u32 v4, v6;
	[tilespmem:v26+s29+$0x0] =	vst.idx.add.f32.msk vm2, v8  }
0x398: {  	v9 =	vsel vm1, v12, v34;
	vm0 =	vne.s32 v24, v11;
	v11 =	vshll.u32 v11, $0x6;
	v12 =	vld [tilespmem:s12+$0x12550]  }
0x399: {  	[tilespmem:v25+s29+$0x0] =	vst.idx.add.f32.msk vm2, v9;
	v25 =	vor.u32 v0, v11;
	v22 =	vadd.f32 v23, v22;
	_ =	sdelay $0x1  }
0x39a: {  	v26 =	vld [tilespmem:s12+$0x12560];
	v22 =	vsel vm1, v23, v22;
	v7 =	vadd.f32 v10, v7;
	v23 =	vor.u32 v2, v11  }
0x39b: {  	[tilespmem:v6+s29+$0x0] =	vst.idx.add.f32.msk vm2, v22  }
0x39c: {  	v6 =	vsel vm2, v10, v7;
	v7 =	vadd.f32 v12, v8;
	v35 =	vld [tilespmem:s12+$0x12570]  }
0x39d: {  	v36 =	vor.u32 v3, v11;
	[tilespmem:v25+s29+$0x0] =	vst.idx.add.f32.msk vm0, v6;
	v25 =	vimm.s32 $0x3  }
0x39e: {  	v7 =	vsel vm2, v12, v7;
	v12 =	vld [tilespmem:s12+$0x12580];
	v25 =	vperm.xlane v21, v25  }
0x39f: {  	v11 =	vor.u32 v4, v11;
	v9 =	vadd.f32 v26, v9;
	[tilespmem:v23+s29+$0x0] =	vst.idx.add.f32.msk vm0, v7  }
0x3a0: {  	v23 =	vld [tilespmem:s12+$0x12590];
	vm15 =	vne.s32 v25, v24;
	v24 =	vshll.u32 v24, $0x6  }
0x3a1: {  	v9 =	vsel vm2, v26, v9;
	v22 =	vadd.f32 v35, v22;
	v37 =	vor.u32 v0, v24  }
0x3a2: {  	[tilespmem:v36+s29+$0x0] =	vst.idx.add.f32.msk vm0, v9  }
0x3a3: {  	v26 =	vld [tilespmem:s12+$0x125A0];
	v8 =	vsel vm2, v35, v22;
	v6 =	vadd.f32 v12, v6;
	v22 =	vor.u32 v2, v24  }
0x3a4: {  	[tilespmem:v11+s29+$0x0] =	vst.idx.add.f32.msk vm0, v8  }
0x3a5: {  	v6 =	vsel vm0, v12, v6;
	v7 =	vadd.f32 v23, v7;
	v11 =	vld [tilespmem:s12+$0x125B0]  }
0x3a6: {  	v12 =	vor.u32 v3, v24;
	[tilespmem:v37+s29+$0x0] =	vst.idx.add.f32.msk vm15, v6  }
0x3a7: {  	v7 =	vsel vm0, v23, v7;
	v10 =	vld [tilespmem:s12+$0x125C0];
	v23 =	vimm.s32 $0x4  }
0x3a8: {  	v9 =	vadd.f32 v26, v9;
	v23 =	vperm.xlane v21, v23;
	[tilespmem:v22+s29+$0x0] =	vst.idx.add.f32.msk vm15, v7  }
0x3a9: {  	v22 =	vor.u32 v4, v24;
	v24 =	vld [tilespmem:s12+$0x125D0]  }
0x3aa: {  	v9 =	vsel vm0, v26, v9;
	vm4 =	vne.s32 v23, v25;
	v25 =	vshll.u32 v25, $0x6  }
0x3ab: {  	v8 =	vadd.f32 v11, v8;
	[tilespmem:v12+s29+$0x0] =	vst.idx.add.f32.msk vm15, v9;
	v12 =	vor.u32 v0, v25  }
0x3ac: {  	v26 =	vld [tilespmem:s12+$0x125E0]  }
0x3ad: {  	v38 =	vor.u32 v2, v25;
	v8 =	vsel vm0, v11, v8;
	v6 =	vadd.f32 v10, v6  }
0x3ae: {  	[tilespmem:v22+s29+$0x0] =	vst.idx.add.f32.msk vm15, v8;
	v7 =	vadd.f32 v24, v7  }
0x3af: {  	v22 =	vor.u32 v3, v25;
	v6 =	vsel vm15, v10, v6;
	v39 =	vld [tilespmem:s12+$0x125F0]  }
0x3b0: {  	[tilespmem:v12+s29+$0x0] =	vst.idx.add.f32.msk vm4, v6;
	v7 =	vsel vm15, v24, v7;
	v24 =	vimm.s32 $0x5  }
0x3b1: {  	v9 =	vadd.f32 v26, v9;
	v12 =	vld [tilespmem:s12+$0x12600];
	v24 =	vperm.xlane v21, v24  }
0x3b2: {  	v40 =	vor.u32 v4, v25;
	[tilespmem:v38+s29+$0x0] =	vst.idx.add.f32.msk vm4, v7  }
0x3b3: {  	v9 =	vsel vm15, v26, v9;
	v25 =	vld [tilespmem:s12+$0x12610];
	vm5 =	vne.s32 v24, v23;
	v23 =	vshll.u32 v23, $0x6  }
0x3b4: {  	v8 =	vadd.f32 v39, v8;
	[tilespmem:v22+s29+$0x0] =	vst.idx.add.f32.msk vm4, v9;
	v22 =	vor.u32 v0, v23;
	_ =	sdelay $0x1  }
0x3b5: {  	v26 =	vld [tilespmem:s12+$0x12620];
	v41 =	vor.u32 v2, v23;
	v8 =	vsel vm15, v39, v8;
	v6 =	vadd.f32 v12, v6  }
0x3b6: {  	[tilespmem:v40+s29+$0x0] =	vst.idx.add.f32.msk vm4, v8  }
0x3b7: {  	v7 =	vadd.f32 v25, v7;
	v11 =	vld [tilespmem:s12+$0x12630];
	v6 =	vsel vm4, v12, v6  }
0x3b8: {  	v12 =	vor.u32 v3, v23;
	[tilespmem:v22+s29+$0x0] =	vst.idx.add.f32.msk vm5, v6  }
0x3b9: {  	v7 =	vsel vm4, v25, v7;
	v25 =	vimm.s32 $0x6;
	v22 =	vld [tilespmem:s12+$0x12640]  }
0x3ba: {  	v9 =	vadd.f32 v26, v9;
	v25 =	vperm.xlane v21, v25;
	[tilespmem:v41+s29+$0x0] =	vst.idx.add.f32.msk vm5, v7  }
0x3bb: {  	v42 =	vor.u32 v4, v23;
	v23 =	vld [tilespmem:s12+$0x12650]  }
0x3bc: {  	v9 =	vsel vm4, v26, v9;
	vm6 =	vne.s32 v25, v24;
	v24 =	vshll.u32 v24, $0x6  }
0x3bd: {  	v8 =	vadd.f32 v11, v8;
	[tilespmem:v12+s29+$0x0] =	vst.idx.add.f32.msk vm5, v9;
	v12 =	vor.u32 v0, v24  }
0x3be: {  	v26 =	vld [tilespmem:s12+$0x12660]  }
0x3bf: {  	v43 =	vor.u32 v2, v24;
	v8 =	vsel vm4, v11, v8;
	v6 =	vadd.f32 v22, v6  }
0x3c0: {  	[tilespmem:v42+s29+$0x0] =	vst.idx.add.f32.msk vm5, v8;
	v7 =	vadd.f32 v23, v7  }
0x3c1: {  	v10 =	vld [tilespmem:s12+$0x12670];
	v6 =	vsel vm5, v22, v6;
	v22 =	vor.u32 v3, v24  }
0x3c2: {  	[tilespmem:v12+s29+$0x0] =	vst.idx.add.f32.msk vm6, v6;
	v7 =	vsel vm5, v23, v7;
	v23 =	vimm.s32 $0x7  }
0x3c3: {  	v9 =	vadd.f32 v26, v9;
	v12 =	vld [tilespmem:s12+$0x12680];
	v23 =	vperm.xlane v21, v23  }
0x3c4: {  	v44 =	vor.u32 v4, v24;
	[tilespmem:v43+s29+$0x0] =	vst.idx.add.f32.msk vm6, v7  }
0x3c5: {  	v24 =	vld [tilespmem:s12+$0x12690];
	v9 =	vsel vm5, v26, v9;
	vm7 =	vne.s32 v23, v25;
	v25 =	vshll.u32 v25, $0x6  }
0x3c6: {  	v8 =	vadd.f32 v10, v8;
	[tilespmem:v22+s29+$0x0] =	vst.idx.add.f32.msk vm6, v9;
	v22 =	vor.u32 v0, v25  }
0x3c7: {  	v26 =	vld [tilespmem:s12+$0x126A0]  }
0x3c8: {  	v45 =	vor.u32 v2, v25;
	v8 =	vsel vm5, v10, v8;
	v6 =	vadd.f32 v12, v6  }
0x3c9: {  	[tilespmem:v44+s29+$0x0] =	vst.idx.add.f32.msk vm6, v8  }
0x3ca: {  	v7 =	vadd.f32 v24, v7;
	v11 =	vld [tilespmem:s12+$0x126B0];
	v6 =	vsel vm6, v12, v6;
	v12 =	vor.u32 v3, v25  }
0x3cb: {  	[tilespmem:v22+s29+$0x0] =	vst.idx.add.f32.msk vm7, v6  }
0x3cc: {  	v7 =	vsel vm6, v24, v7;
	v24 =	vperm.xlane v21, v13;
	v9 =	vadd.f32 v26, v9;
	v22 =	vld [tilespmem:s12+$0x126C0]  }
0x3cd: {  	v46 =	vor.u32 v4, v25;
	[tilespmem:v45+s29+$0x0] =	vst.idx.add.f32.msk vm7, v7  }
0x3ce: {  	v25 =	vld [tilespmem:s12+$0x126D0];
	vm8 =	vne.s32 v24, v23;
	v23 =	vshll.u32 v23, $0x6;
	v9 =	vsel vm6, v26, v9  }
0x3cf: {  	v8 =	vadd.f32 v11, v8;
	[tilespmem:v12+s29+$0x0] =	vst.idx.add.f32.msk vm7, v9;
	v12 =	vor.u32 v0, v23  }
0x3d0: {  	v26 =	vld [tilespmem:s12+$0x126E0]  }
0x3d1: {  	v47 =	vor.u32 v2, v23;
	v8 =	vsel vm6, v11, v8;
	v6 =	vadd.f32 v22, v6  }
0x3d2: {  	[tilespmem:v46+s29+$0x0] =	vst.idx.add.f32.msk vm7, v8  }
0x3d3: {  	v7 =	vadd.f32 v25, v7;
	v10 =	vld [tilespmem:s12+$0x126F0];
	v6 =	vsel vm7, v22, v6;
	v22 =	vor.u32 v3, v23  }
0x3d4: {  	[tilespmem:v12+s29+$0x0] =	vst.idx.add.f32.msk vm8, v6  }
0x3d5: {  	v7 =	vsel vm7, v25, v7;
	v25 =	vperm.xlane v21, v14;
	v9 =	vadd.f32 v26, v9;
	v12 =	vld [tilespmem:s12+$0x12700]  }
0x3d6: {  	v48 =	vor.u32 v4, v23;
	[tilespmem:v47+s29+$0x0] =	vst.idx.add.f32.msk vm8, v7  }
0x3d7: {  	v23 =	vld [tilespmem:s12+$0x12710];
	vm9 =	vne.s32 v25, v24;
	v24 =	vshll.u32 v24, $0x6;
	v9 =	vsel vm7, v26, v9  }
0x3d8: {  	v8 =	vadd.f32 v10, v8;
	[tilespmem:v22+s29+$0x0] =	vst.idx.add.f32.msk vm8, v9;
	v22 =	vor.u32 v0, v24  }
0x3d9: {  	v26 =	vld [tilespmem:s12+$0x12720]  }
0x3da: {  	v49 =	vor.u32 v2, v24;
	v8 =	vsel vm7, v10, v8;
	v6 =	vadd.f32 v12, v6  }
0x3db: {  	[tilespmem:v48+s29+$0x0] =	vst.idx.add.f32.msk vm8, v8  }
0x3dc: {  	v7 =	vadd.f32 v23, v7;
	v11 =	vld [tilespmem:s12+$0x12730];
	v6 =	vsel vm8, v12, v6;
	v12 =	vor.u32 v3, v24  }
0x3dd: {  	[tilespmem:v22+s29+$0x0] =	vst.idx.add.f32.msk vm9, v6  }
0x3de: {  	v7 =	vsel vm8, v23, v7;
	v23 =	vperm.xlane v21, v15;
	v9 =	vadd.f32 v26, v9;
	v22 =	vld [tilespmem:s12+$0x12740]  }
0x3df: {  	v50 =	vor.u32 v4, v24;
	[tilespmem:v49+s29+$0x0] =	vst.idx.add.f32.msk vm9, v7  }
0x3e0: {  	v24 =	vld [tilespmem:s12+$0x12750];
	vm10 =	vne.s32 v23, v25;
	v25 =	vshll.u32 v25, $0x6;
	v9 =	vsel vm8, v26, v9  }
0x3e1: {  	v8 =	vadd.f32 v11, v8;
	[tilespmem:v12+s29+$0x0] =	vst.idx.add.f32.msk vm9, v9;
	v12 =	vor.u32 v0, v25  }
0x3e2: {  	v26 =	vld [tilespmem:s12+$0x12760]  }
0x3e3: {  	v51 =	vor.u32 v2, v25;
	v8 =	vsel vm8, v11, v8;
	v6 =	vadd.f32 v22, v6  }
0x3e4: {  	[tilespmem:v50+s29+$0x0] =	vst.idx.add.f32.msk vm9, v8  }
0x3e5: {  	v7 =	vadd.f32 v24, v7;
	v10 =	vld [tilespmem:s12+$0x12770];
	v6 =	vsel vm9, v22, v6;
	v22 =	vor.u32 v3, v25  }
0x3e6: {  	[tilespmem:v12+s29+$0x0] =	vst.idx.add.f32.msk vm10, v6  }
0x3e7: {  	v7 =	vsel vm9, v24, v7;
	v24 =	vperm.xlane v21, v16;
	v9 =	vadd.f32 v26, v9;
	v12 =	vld [tilespmem:s12+$0x12780]  }
0x3e8: {  	v52 =	vor.u32 v4, v25;
	[tilespmem:v51+s29+$0x0] =	vst.idx.add.f32.msk vm10, v7  }
0x3e9: {  	v25 =	vld [tilespmem:s12+$0x12790];
	vm11 =	vne.s32 v24, v23;
	v23 =	vshll.u32 v23, $0x6;
	v9 =	vsel vm9, v26, v9  }
0x3ea: {  	v8 =	vadd.f32 v10, v8;
	[tilespmem:v22+s29+$0x0] =	vst.idx.add.f32.msk vm10, v9;
	v22 =	vor.u32 v0, v23  }
0x3eb: {  	v26 =	vld [tilespmem:s12+$0x127A0]  }
0x3ec: {  	v53 =	vor.u32 v2, v23;
	v8 =	vsel vm9, v10, v8;
	v6 =	vadd.f32 v12, v6  }
0x3ed: {  	[tilespmem:v52+s29+$0x0] =	vst.idx.add.f32.msk vm10, v8  }
0x3ee: {  	v7 =	vadd.f32 v25, v7;
	v11 =	vld [tilespmem:s12+$0x127B0];
	v6 =	vsel vm10, v12, v6;
	v12 =	vor.u32 v3, v23  }
0x3ef: {  	[tilespmem:v22+s29+$0x0] =	vst.idx.add.f32.msk vm11, v6  }
0x3f0: {  	v7 =	vsel vm10, v25, v7;
	v25 =	vperm.xlane v21, v17;
	v9 =	vadd.f32 v26, v9;
	v22 =	vld [tilespmem:s12+$0x127C0]  }
0x3f1: {  	v54 =	vor.u32 v4, v23;
	[tilespmem:v53+s29+$0x0] =	vst.idx.add.f32.msk vm11, v7  }
0x3f2: {  	v23 =	vld [tilespmem:s12+$0x127D0];
	vm12 =	vne.s32 v25, v24;
	v24 =	vshll.u32 v24, $0x6;
	v9 =	vsel vm10, v26, v9  }
0x3f3: {  	v8 =	vadd.f32 v11, v8;
	[tilespmem:v12+s29+$0x0] =	vst.idx.add.f32.msk vm11, v9;
	v12 =	vor.u32 v0, v24  }
0x3f4: {  	v26 =	vld [tilespmem:s12+$0x127E0]  }
0x3f5: {  	v55 =	vor.u32 v2, v24;
	v8 =	vsel vm10, v11, v8;
	v6 =	vadd.f32 v22, v6  }
0x3f6: {  	[tilespmem:v54+s29+$0x0] =	vst.idx.add.f32.msk vm11, v8  }
0x3f7: {  	v7 =	vadd.f32 v23, v7;
	v10 =	vld [tilespmem:s12+$0x127F0];
	v6 =	vsel vm11, v22, v6;
	v22 =	vor.u32 v3, v24  }
0x3f8: {  	[tilespmem:v12+s29+$0x0] =	vst.idx.add.f32.msk vm12, v6  }
0x3f9: {  	v7 =	vsel vm11, v23, v7;
	v23 =	vperm.xlane v21, v18;
	v9 =	vadd.f32 v26, v9;
	v12 =	vld [tilespmem:s12+$0x12800]  }
0x3fa: {  	v56 =	vor.u32 v4, v24;
	[tilespmem:v55+s29+$0x0] =	vst.idx.add.f32.msk vm12, v7  }
0x3fb: {  	v24 =	vld [tilespmem:s12+$0x12810];
	vm13 =	vne.s32 v23, v25;
	v25 =	vshll.u32 v25, $0x6;
	v9 =	vsel vm11, v26, v9  }
0x3fc: {  	v8 =	vadd.f32 v10, v8;
	[tilespmem:v22+s29+$0x0] =	vst.idx.add.f32.msk vm12, v9;
	v22 =	vor.u32 v0, v25  }
0x3fd: {  	v26 =	vld [tilespmem:s12+$0x12820]  }
0x3fe: {  	v57 =	vor.u32 v2, v25;
	v8 =	vsel vm11, v10, v8;
	v6 =	vadd.f32 v12, v6  }
0x3ff: {  	[tilespmem:v56+s29+$0x0] =	vst.idx.add.f32.msk vm12, v8  }
0x400: {  	v7 =	vadd.f32 v24, v7;
	v11 =	vld [tilespmem:s12+$0x12830];
	v6 =	vsel vm12, v12, v6;
	v12 =	vor.u32 v3, v25  }
0x401: {  	[tilespmem:v22+s29+$0x0] =	vst.idx.add.f32.msk vm13, v6  }
0x402: {  	v7 =	vsel vm12, v24, v7;
	v9 =	vadd.f32 v26, v9;
	v22 =	vld [tilespmem:s12+$0x12840]  }
0x403: {  	v58 =	vor.u32 v4, v25;
	v24 =	vperm.xlane v21, v19;
	[tilespmem:v57+s29+$0x0] =	vst.idx.add.f32.msk vm13, v7  }
0x404: {  	v25 =	vld [tilespmem:s12+$0x12850];
	v9 =	vsel vm12, v26, v9  }
0x405: {  	vm14 =	vne.s32 v24, v23;
	v8 =	vadd.f32 v11, v8;
	[tilespmem:v12+s29+$0x0] =	vst.idx.add.f32.msk vm13, v9;
	v12 =	vshll.u32 v23, $0x6  }
0x406: {  	v23 =	vor.u32 v0, v12  }
0x407: {  	v26 =	vld [tilespmem:s12+$0x12860];
	v8 =	vsel vm12, v11, v8  }
0x408: {  	v59 =	vor.u32 v2, v12;
	v6 =	vadd.f32 v22, v6;
	[tilespmem:v58+s29+$0x0] =	vst.idx.add.f32.msk vm13, v8  }
0x409: {  	v60 =	vld [tilespmem:s12+$0x12870]  }
0x40a: {  	v7 =	vadd.f32 v25, v7;
	v6 =	vsel vm13, v22, v6;
	v22 =	vor.u32 v3, v12  }
0x40b: {  	v12 =	vor.u32 v4, v12;
	[tilespmem:v23+s29+$0x0] =	vst.idx.add.f32.msk vm14, v6  }
0x40c: {  	v7 =	vsel vm13, v25, v7;
	v9 =	vadd.f32 v26, v9;
	v23 =	vperm.xlane v21, v20;
	v25 =	vld [tilespmem:s12+$0x12880]  }
0x40d: {  	v21 =	vshll.u32 v24, $0x6;
	[tilespmem:v59+s29+$0x0] =	vst.idx.add.f32.msk vm14, v7  }
0x40e: {  	v9 =	vsel vm13, v26, v9;
	v8 =	vadd.f32 v60, v8;
	v10 =	vld [tilespmem:s12+$0x12890];
	vm15 =	vne.s32 v23, v24  }
0x40f: {  	[tilespmem:v22+s29+$0x0] =	vst.idx.add.f32.msk vm14, v9;
	v22 =	vor.u32 v0, v21  }
0x410: {  	v8 =	vsel vm13, v60, v8;
	v61 =	vld [tilespmem:s12+$0x128A0]  }
0x411: {  	[tilespmem:v12+s29+$0x0] =	vst.idx.add.f32.msk vm14, v8;
	v12 =	vor.u32 v2, v21;
	v6 =	vadd.f32 v25, v6  }
0x412: {  	v24 =	vld [tilespmem:s12+$0x128B0]  }
0x413: {  	v7 =	vadd.f32 v10, v7;
	v6 =	vsel vm14, v25, v6;
	v25 =	vor.u32 v3, v21  }
0x414: {  	[tilespmem:v22+s29+$0x0] =	vst.idx.add.f32.msk vm15, v6  }
0x415: {  	v21 =	vor.u32 v4, v21;
	v7 =	vsel vm14, v10, v7;
	v9 =	vadd.f32 v61, v9;
	v62 =	vld [tilespmem:s12+$0x128C0]  }
0x416: {  	[tilespmem:v12+s29+$0x0] =	vst.idx.add.f32.msk vm15, v7  }
0x417: {  	v9 =	vsel vm14, v61, v9;
	v8 =	vadd.f32 v24, v8;
	v63 =	vld [tilespmem:s12+$0x128D0]  }
0x418: {  	[tilespmem:v25+s29+$0x0] =	vst.idx.add.f32.msk vm15, v9  }
0x419: {  	v8 =	vsel vm14, v24, v8;
	v12 =	vld [tilespmem:s12+$0x128E0]  }
0x41a: {  	[tilespmem:v21+s29+$0x0] =	vst.idx.add.f32.msk vm15, v8  }
0x41b: {  	v21 =	vld [tilespmem:s12+$0x128F0];
	_ =	sdelay $0x3  }
0x41c: {  	v6 =	vadd.f32 v62, v6;
	v7 =	vadd.f32 v63, v7  }
0x41d: {  	v9 =	vadd.f32 v12, v9;
	v8 =	vadd.f32 v21, v8  }
0x41e: {  	v26 =	vsel vm15, v62, v6  }
0x41f: {  	v25 =	vsel vm15, v63, v7;
	v24 =	vsel vm15, v12, v9;
	v22 =	vsel vm15, v21, v8  }
.LBB2_28:
.Ltmp20:
0x420: {  	(pc) =	sbr.rel @!p3 .LBB2_29-.Ltmp20, $2  }
0x421: {  	_ =	sdelay $0x2  }
0x422: {  	s12 =	simm.s32 $0x1;
	p4 =	por $0x0, $0x0  }
.LBB2_25:
0x423: {  	s6 =	sshll.u32 s12, $0x4  }
0x424: {  	s6 =	sand.u32 $0x3FFFFFF0, s6  }
0x425: {  	v21 =	vld [tilespmem:s6+$0x12D00];
	_ =	sdelay $0x4  }
0x426: {  	vm0 =	vne.s32 v21, v23  }
0x427: {  	v6 =	vsel vm0, $0x1, v5  }
0x428: {  	(xrf0) =	vadd.scan.msk.s32 $0xffff, v6;
	_ =	sdelay $0x5  }
0x429: {  	v6, _, _ =	vpop (xrf0)  }
0x42a: {  	(v2sf) =	vpush v6, $0xF;
	_ =	sdelay $0xe  }
0x42b: {  	s15 =	spop (v2sf)  }
0x42c: {  	p5 =	sne.s32 s15, $0x0  }
.Ltmp21:
0x42d: {  	_ = 	snop;
	(pc) =	sbr.rel @p5 .LBB2_27-.Ltmp21, $3  }
0x42e: {  	_ =	sdelay $0x1  }
0x42f: {  	s30 =	sshll.u32 s12, $0xA  }
0x430: {  	p3 =	por p4, p4;
	s12 =	sand.u32 $0x3FFFFC00, s30  }
0x431: {  	v6 =	vld [tilespmem:s12+$0x12500]  }
0x432: {  	v7 =	vld [tilespmem:s12+$0x12540]  }
0x433: {  	v8 =	vld [tilespmem:s12+$0x12580]  }
0x434: {  	v9 =	vld [tilespmem:s12+$0x125C0]  }
0x435: {  	v10 =	vld [tilespmem:s12+$0x12600]  }
0x436: {  	v11 =	vld [tilespmem:s12+$0x12640]  }
0x437: {  	v12 =	vld [tilespmem:s12+$0x12680]  }
0x438: {  	v21 =	vld [tilespmem:s12+$0x126C0]  }
0x439: {  	v27 =	vld [tilespmem:s12+$0x12700]  }
0x43a: {  	v28 =	vld [tilespmem:s12+$0x12740]  }
0x43b: {  	v29 =	vld [tilespmem:s12+$0x12780]  }
0x43c: {  	v30 =	vld [tilespmem:s12+$0x127C0]  }
0x43d: {  	v31 =	vld [tilespmem:s12+$0x12800]  }
0x43e: {  	v32 =	vld [tilespmem:s12+$0x12840]  }
0x43f: {  	v33 =	vld [tilespmem:s12+$0x12880]  }
0x440: {  	v34 =	vld [tilespmem:s12+$0x128C0]  }
0x441: {  	v35 =	vld [tilespmem:s12+$0x12510]  }
0x442: {  	v36 =	vld [tilespmem:s12+$0x12550]  }
0x443: {  	v37 =	vld [tilespmem:s12+$0x12590]  }
0x444: {  	v38 =	vld [tilespmem:s12+$0x125D0]  }
0x445: {  	v39 =	vld [tilespmem:s12+$0x12610]  }
0x446: {  	v40 =	vld [tilespmem:s12+$0x12650]  }
0x447: {  	v41 =	vld [tilespmem:s12+$0x12690]  }
0x448: {  	v42 =	vld [tilespmem:s12+$0x126D0]  }
0x449: {  	v43 =	vld [tilespmem:s12+$0x12710]  }
0x44a: {  	v44 =	vld [tilespmem:s12+$0x12750]  }
0x44b: {  	v45 =	vld [tilespmem:s12+$0x12790]  }
0x44c: {  	v46 =	vld [tilespmem:s12+$0x127D0]  }
0x44d: {  	v47 =	vld [tilespmem:s12+$0x12810]  }
0x44e: {  	v48 =	vld [tilespmem:s12+$0x12850]  }
0x44f: {  	v49 =	vld [tilespmem:s12+$0x12890]  }
0x450: {  	v50 =	vld [tilespmem:s12+$0x128D0]  }
0x451: {  	v51 =	vld [tilespmem:s12+$0x12520]  }
0x452: {  	v52 =	vld [tilespmem:s12+$0x12560]  }
0x453: {  	v53 =	vld [tilespmem:s12+$0x125A0]  }
0x454: {  	v54 =	vld [tilespmem:s12+$0x125E0]  }
0x455: {  	v55 =	vld [tilespmem:s12+$0x12620]  }
0x456: {  	v56 =	vld [tilespmem:s12+$0x12660]  }
0x457: {  	v57 =	vld [tilespmem:s12+$0x126A0]  }
0x458: {  	v58 =	vld [tilespmem:s12+$0x126E0]  }
0x459: {  	v59 =	vld [tilespmem:s12+$0x12720]  }
0x45a: {  	v60 =	vld [tilespmem:s12+$0x12760]  }
0x45b: {  	v61 =	vld [tilespmem:s12+$0x127A0]  }
0x45c: {  	v62 =	vld [tilespmem:s12+$0x127E0]  }
0x45d: {  	v63 =	vld [tilespmem:s12+$0x12820]  }
0x45e: {  	v6 =	vadd.f32 v7, v6;
	v7 =	vadd.f32 v9, v8;
	v8 =	vld [tilespmem:s12+$0x12860]  }
0x45f: {  	v9 =	vadd.f32 v11, v10;
	v10 =	vadd.f32 v21, v12;
	v11 =	vld [tilespmem:s12+$0x128A0]  }
0x460: {  	v12 =	vadd.f32 v28, v27;
	v21 =	vadd.f32 v30, v29;
	v27 =	vld [tilespmem:s12+$0x128E0]  }
0x461: {  	v28 =	vadd.f32 v32, v31;
	v34 =	vadd.f32 v34, v33;
	v30 =	vld [tilespmem:s12+$0x12530]  }
0x462: {  	v29 =	vadd.f32 v38, v37;
	v31 =	vld [tilespmem:s12+$0x125F0];
	v32 =	vadd.f32 v40, v39  }
0x463: {  	v33 =	vadd.f32 v42, v41;
	v46 =	vadd.f32 v46, v45;
	v37 =	vld [tilespmem:s12+$0x12670]  }
0x464: {  	v48 =	vadd.f32 v48, v47;
	v40 =	vld [tilespmem:s12+$0x126B0];
	v6 =	vadd.f32 v7, v6  }
0x465: {  	v7 =	vadd.f32 v10, v9;
	v9 =	vld [tilespmem:s12+$0x12570];
	v10 =	vadd.f32 v21, v12  }
0x466: {  	v12 =	vadd.f32 v34, v28;
	v21 =	vld [tilespmem:s12+$0x125B0];
	v28 =	vadd.f32 v36, v35  }
0x467: {  	v34 =	vld [tilespmem:s12+$0x12630];
	v35 =	vadd.f32 v44, v43;
	v44 =	vadd.f32 v50, v49  }
0x468: {  	v45 =	vadd.f32 v33, v32;
	v32 =	vld [tilespmem:s12+$0x126F0];
	v49 =	vadd.f32 v54, v53  }
0x469: {  	v36 =	vld [tilespmem:s12+$0x12730];
	v54 =	vadd.f32 v60, v59;
	v28 =	vadd.f32 v29, v28  }
0x46a: {  	v50 =	vld [tilespmem:s12+$0x127F0];
	v46 =	vadd.f32 v46, v35;
	v47 =	vadd.f32 v44, v48  }
0x46b: {  	v53 =	vld [tilespmem:s12+$0x12830];
	v6 =	vadd.f32 v7, v6;
	v7 =	vadd.f32 v12, v10  }
0x46c: {  	v10 =	vld [tilespmem:s12+$0x12770];
	v48 =	vadd.f32 v52, v51;
	v51 =	vadd.f32 v56, v55  }
0x46d: {  	v29 =	vld [tilespmem:s12+$0x127B0];
	v52 =	vadd.f32 v58, v57;
	v55 =	vadd.f32 v62, v61  }
0x46e: {  	v56 =	vld [tilespmem:s12+$0x12870];
	v8 =	vadd.f32 v8, v63;
	v11 =	vadd.f32 v27, v11  }
0x46f: {  	v58 =	vld [tilespmem:s12+$0x128F0];
	v12 =	vadd.f32 v45, v28;
	v28 =	vadd.f32 v47, v46  }
0x470: {  	v27 =	vld [tilespmem:s12+$0x128B0];
	v33 =	vadd.f32 v49, v48;
	v57 =	vadd.f32 v52, v51  }
0x471: {  	v59 =	vadd.f32 v55, v54;
	v8 =	vadd.f32 v11, v8  }
0x472: {  	v9 =	vadd.f32 v9, v30;
	v60 =	vadd.f32 v31, v21  }
0x473: {  	v21 =	vadd.f32 v37, v34;
	v61 =	vadd.f32 v32, v40  }
0x474: {  	v10 =	vadd.f32 v10, v36;
	v29 =	vadd.f32 v50, v29  }
0x475: {  	v62 =	vadd.f32 v56, v53;
	v27 =	vadd.f32 v58, v27  }
0x476: {  	v9 =	vadd.f32 v60, v9;
	v63 =	vadd.f32 v61, v21  }
0x477: {  	v10 =	vadd.f32 v29, v10;
	v21 =	vadd.f32 v27, v62  }
0x478: {  	v8 =	vadd.f32 v8, v59;
	v9 =	vadd.f32 v63, v9  }
.Ltmp22:
0x479: {  	v27 =	vadd.f32 v57, v33;
	v10 =	vadd.f32 v21, v10;
	(pc) =	sbr.rel .LBB2_28-.Ltmp22, $4  }
0x47a: {  	v6 =	vadd.f32 v7, v6;
	v7 =	vadd.f32 v28, v12  }
0x47b: {  	v8 =	vadd.f32 v8, v27;
	v9 =	vadd.f32 v10, v9  }
0x47c: {  	v26 =	vadd.f32 v6, v26;
	v25 =	vadd.f32 v7, v25  }
0x47d: {  	v24 =	vadd.f32 v8, v24;
	v22 =	vadd.f32 v9, v22  }
.LBB2_31:
0x47e: {  	_ =	sfence.sel $0x180000  }
0x47f: {  	[bflag:$0x0] =	sbarrier.arrive $0xFFFF  }
0x480: {  	_ =	strace $0x90000047  }
0x481: {  	[bflag:$0x2] =	sbarrier.arrive $0xFFFF  }
0x482: {  	s0 =	rddreg [dreg:$0x4]  }
0x483: {  	s0 =	sadd.s32 @!p0 $0x100000, s0  }
0x484: {  	[sflag:s0] =	ssyncadd.tile.s32 @!p0 $0x1;
	_ =	shalt  }
.Lfunc_end2:
_tile_overlayer_lowered:
.L_overlay_start_2:
0x485: {  	(tag) =	ssettag $0x2  }
0x486: {  	s0 =	rddreg [dreg:$0x0];
	s2 =	stileid.u32  }
0x487: {  	s1 =	rddreg [dreg:$0x1];
	p0 =	sne.s32 s2, $0x0  }
0x488: {  	s3 =	rddreg [dreg:$0x2];
	[bflag:$0x3] =	sbarrier.arrive $0xFFFF;
	s2 =	simm.s32 @!p0 $0x1C05  }
0x489: {  	[timem:s3], [sflag:s2] =	dma.local @!p0 [hbm:s0], s1  }
0x48a: {  	s0 =	simm.s32 @!p0 $0x5  }
0x48b: {  	_ =	swait.ge @!p0 [sflag:s0], s1  }
0x48c: {  	s1 =	ssub.s32 @!p0 $0x0, s1;
	[sflag:s0] =	ssyncset.done @!p0 $0x0  }
0x48d: {  	[sflag:s0] =	ssyncadd.s32 @!p0 s1  }
0x48e: {  	[bflag:$0x3] =	sbarrier.arrive $0xFFFF  }
0x48f: {  	_ =	shalt  }

</sc_bundles>
